<compile_context>
chip_gen: v7x
topology: tpu7x:2x2x1
jax: 0.10.2.dev20260603
libtpu: 0.0.44.dev20260713+nightly
codegen_flags: <defaults>
</compile_context>

<pallas_src>
import functools

import jax
import jax.numpy as jnp
from jax import lax
from jax.experimental import pallas as pl
from jax.experimental.pallas import tpu as pltpu
from jax.experimental.pallas import tpu_sc as plsc

L = 4096
NB = 65
HIST_PAD = 4240
NLANE = 16
NVREG = L // NLANE
NCORES = 2
NSUB = 16
NWORKERS = NCORES * NSUB
RAD0 = 1 << 11
RAD1 = 1 << 10
RAD2 = 1 << 11
NROWS = 4

_I32_MIN = -2147483648
_I32_MAX = 2147483647
_NREFS = 9


def _row_kernel(x_hbm, out_hbm, *scratch):
  total_rows = x_hbm.shape[0]
  rows_per_worker = total_rows // NWORKERS
  ngroups = rows_per_worker // NROWS
  wid = lax.axis_index("s") * NCORES + lax.axis_index("c")
  iota = lax.iota(jnp.int32, NLANE)
  zeros16i = jnp.zeros((NLANE,), jnp.int32)
  zeros16f = jnp.zeros((NLANE,), jnp.float32)
  R = range(NROWS)

  xv = [scratch[i * _NREFS + 0] for i in R]
  keys0 = [scratch[i * _NREFS + 1] for i in R]
  pay0 = [scratch[i * _NREFS + 2] for i in R]
  keys1 = [scratch[i * _NREFS + 3] for i in R]
  pay1 = [scratch[i * _NREFS + 4] for i in R]
  hist0 = [scratch[i * _NREFS + 5] for i in R]
  hist1 = [scratch[i * _NREFS + 6] for i in R]
  bins = [scratch[i * _NREFS + 7] for i in R]
  rowhist = [scratch[i * _NREFS + 8] for i in R]
  isem = [scratch[NROWS * _NREFS + i] for i in R]
  osem = [scratch[NROWS * _NREFS + NROWS + i] for i in R]

  for i in R:
    bins[i][pl.ds(L, NLANE)] = zeros16i

  def ds(j):
    return pl.ds(j * NLANE, NLANE)

  def pair_body(r, _):
    base = wid * rows_per_worker + NROWS * r

    for i in R:
      pltpu.make_async_copy(x_hbm.at[base + i], xv[i], isem[i]).wait()

    def h0clear_body(j, _):
      for i in R:
        hist0[i][ds(j)] = zeros16i
      return 0

    lax.fori_loop(0, RAD0 // NLANE, h0clear_body, 0, unroll=4)

    def keyfast_body(j, zs):
      idxv = j * NLANE + iota
      vs = [xv[i][ds(j)] for i in R]
      ts = [plsc.bitcast(v, jnp.int32) for v in vs]
      us = [t ^ (lax.shift_right_arithmetic(t, 31) | _I32_MIN) for t in ts]
      dd = [u & (RAD0 - 1) for u in us]
      sc = [plsc.scan_count(d) for d in dd]
      for i in R:
        keys0[i][ds(j)] = us[i]
      for i in R:
        plsc.addupdate_scatter(hist0[i], [dd[i]], sc[i][0], mask=sc[i][1])
      return tuple(zs[i] | (ts[i] + ts[i] == 0) for i in R)

    zs = lax.fori_loop(0, NVREG, keyfast_body, tuple(iota < 0 for _ in R),
                       unroll=2)

    def make_slow_path(i):
      def slow_path():
        def valid_body(j, carry):
          fv, lv = carry
          v = xv[i][ds(j)]
          nz = v != 0.0
          idxv = j * NLANE + iota
          fv = jnp.minimum(fv, jnp.where(nz, idxv, jnp.int32(L)))
          lv = jnp.maximum(lv, jnp.where(nz, idxv, jnp.int32(-1)))
          return fv, lv

        fv, lv = lax.fori_loop(0, NVREG, valid_body,
                               (zeros16i + L, zeros16i - 1), unroll=4)
        s_, e_ = jnp.min(fv), jnp.max(lv)

        def hclear(j, _):
          hist0[i][ds(j)] = zeros16i
          return 0

        lax.fori_loop(0, RAD0 // NLANE, hclear, 0, unroll=4)

        def keymask_body(j, _):
          u = keys0[i][ds(j)]
          idxv = j * NLANE + iota
          ok = (idxv >= s_) & (idxv <= e_)
          key = jnp.where(ok, u, jnp.int32(-1))
          keys0[i][ds(j)] = key
          d = key & (RAD0 - 1)
          occ, last = plsc.scan_count(d)
          plsc.addupdate_scatter(hist0[i], [d], occ, mask=last)
          return 0

        lax.fori_loop(0, NVREG, keymask_body, 0, unroll=4)
        return s_, e_

      return slow_path

    full = lambda: (jnp.int32(0), jnp.int32(L - 1))
    anyzero = [jnp.max(z.astype(jnp.int32)) > 0 for z in zs]
    se = [lax.cond(anyzero[i], make_slow_path(i), full) for i in R]
    start = [s for s, _ in se]
    end = [e for _, e in se]
    vlen = [end[i] - start[i] + 1 for i in R]
    lenc = [jnp.maximum(v, 1) for v in vlen]

    @pl.when(r < ngroups - 1)
    def _():
      for i in R:
        pltpu.make_async_copy(x_hbm.at[base + NROWS + i], xv[i],
                              isem[i]).start()

    def exclusive_scan(srcs, clrs, n, clr_vregs):
      fifteen = zeros16i + (NLANE - 1)
      iters = n // NLANE

      def body(j, carry):
        vs = [src[ds(j)] for src in srcs]
        incs = [plsc.cumsum(v) for v in vs]
        for i in R:
          srcs[i][ds(j)] = incs[i] - vs[i] + carry[i]
        if clr_vregs >= iters:
          k = clr_vregs // iters
          for c in range(k):
            for clr in clrs:
              clr[ds(k * j + c)] = zeros16i
        elif clr_vregs:
          @pl.when(j < clr_vregs)
          def _():
            for clr in clrs:
              clr[ds(j)] = zeros16i
        tots = [jnp.take_along_axis(inc, fifteen, axis=0) for inc in incs]
        return tuple(carry[i] + tots[i] for i in R)

      lax.fori_loop(0, iters, body, tuple(zeros16i for _ in R), unroll=2)

    exclusive_scan(hist0, hist1, RAD0, RAD1 // NLANE)

    def permute01_body(j, sh, nbits, shn, nbitsn, kin, pin, kout, pout,
                       hist, histnext):
      ks = [kin[i][ds(j)] for i in R]
      if pin is None:
        idxv = j * NLANE + iota
        ps = [idxv for _ in R]
      else:
        ps = [pin[i][ds(j)] for i in R]
      dd = [lax.shift_right_logical(k, sh) & ((1 << nbits) - 1) for k in ks]
      dn = [lax.shift_right_logical(k, shn) & ((1 << nbitsn) - 1)
            for k in ks]
      sc = [plsc.scan_count(d) for d in dd]
      scn = [plsc.scan_count(d) for d in dn]
      bases = [plsc.load_gather(hist[i], [dd[i]]) for i in R]
      slots = [bases[i] + sc[i][0] - 1 for i in R]
      for i in R:
        plsc.store_scatter(kout[i], [slots[i]], ks[i])
      for i in R:
        plsc.store_scatter(pout[i], [slots[i]], ps[i])
      for i in R:
        plsc.addupdate_scatter(hist[i], [dd[i]], sc[i][0], mask=sc[i][1])
      for i in R:
        plsc.addupdate_scatter(histnext[i], [dn[i]], scn[i][0],
                               mask=scn[i][1])
      return 0

    lax.fori_loop(
        0, NVREG,
        lambda j, _: permute01_body(j, 0, 11, 11, 10, keys0, None, keys1,
                                    pay1, hist0, hist1),
        0, unroll=2)

    exclusive_scan(hist1, hist0, RAD1, RAD0 // NLANE)

    lax.fori_loop(
        0, NVREG,
        lambda j, _: permute01_body(j, 11, 10, 21, 11, keys1, pay1, keys0,
                                    pay0, hist1, hist0),
        0, unroll=2)

    exclusive_scan(hist0, (), RAD2, 0)

    @pl.when(r > 0)
    def _():
      for i in R:
        pltpu.make_async_copy(rowhist[i], out_hbm.at[base - NROWS + i],
                              osem[i]).wait()

    def hclear_body(j, _):
      for i in R:
        rowhist[i][ds(j)] = zeros16f
      return 0

    lax.fori_loop(0, HIST_PAD // NLANE, hclear_body, 0, unroll=4)

    invlen = [(zeros16f + float(NB)) /
              (zeros16i + lenc[i]).astype(jnp.float32) for i in R]

    def permute2_body(j, _):
      ks = [keys0[i][ds(j)] for i in R]
      ps = [pay0[i][ds(j)] for i in R]
      dd = [lax.shift_right_logical(k, 21) & (RAD2 - 1) for k in ks]
      sc = [plsc.scan_count(d) for d in dd]
      bases = [plsc.load_gather(hist0[i], [dd[i]]) for i in R]
      slots = [bases[i] + sc[i][0] - 1 for i in R]
      for i in R:
        plsc.addupdate_scatter(hist0[i], [dd[i]], sc[i][0], mask=sc[i][1])
      bf = [slots[i].astype(jnp.float32) * invlen[i] + 5e-5 for i in R]
      bb = [jnp.minimum(b.astype(jnp.int32), NB - 1) for b in bf]
      for i in R:
        plsc.store_scatter(bins[i], [ps[i]], bb[i])
      return 0

    lax.fori_loop(0, NVREG, permute2_body, 0, unroll=2)

    inv = [(zeros16f + 1.0) /
           (zeros16i + jnp.maximum(vlen[i] - 1, 1)).astype(jnp.float32)
           for i in R]

    def trans_masked_one(j, i):
      a = bins[i][ds(j)]
      b = bins[i][pl.ds(j * NLANE + 1, NLANE)]
      t = j * NLANE + iota
      ok = (t >= start[i]) & (t <= end[i] - 1)
      cell = a * NB + b
      occ, last = plsc.scan_count(cell, mask=ok)
      plsc.addupdate_scatter(rowhist[i], [cell],
                             occ.astype(jnp.float32) * inv[i],
                             mask=last & ok)
      return 0

    def trans_all_masked():
      def body(j, _):
        for i in R:
          trans_masked_one(j, i)
        return 0

      lax.fori_loop(0, NVREG, body, 0, unroll=2)
      return 0

    def trans_all_fast():
      def body(j, _):
        aa = [bins[i][ds(j)] for i in R]
        ab = [bins[i][pl.ds(j * NLANE + 1, NLANE)] for i in R]
        cells = [aa[i] * NB + ab[i] for i in R]
        sc = [plsc.scan_count(c) for c in cells]
        for i in R:
          plsc.addupdate_scatter(rowhist[i], [cells[i]],
                                 sc[i][0].astype(jnp.float32) * inv[i],
                                 mask=sc[i][1])
        return 0

      lax.fori_loop(0, NVREG - 1, body, 0, unroll=2)
      for i in R:
        trans_masked_one(NVREG - 1, i)
      return 0

    anyz = anyzero[0]
    for i in range(1, NROWS):
      anyz = anyz | anyzero[i]
    lax.cond(anyz, trans_all_masked, trans_all_fast)

    for i in R:
      pltpu.make_async_copy(rowhist[i], out_hbm.at[base + i],
                            osem[i]).start()
    return 0

  first_base = wid * rows_per_worker
  for i in R:
    pltpu.make_async_copy(x_hbm.at[first_base + i], xv[i], isem[i]).start()
  lax.fori_loop(0, ngroups, pair_body, 0)
  last_base = wid * rows_per_worker + NROWS * (ngroups - 1)
  for i in R:
    pltpu.make_async_copy(rowhist[i], out_hbm.at[last_base + i],
                          osem[i]).wait()


@jax.jit
def kernel(x):
  N, C, Lx = x.shape
  rows = N * C
  x2 = x.reshape(rows, Lx)
  mesh = plsc.VectorSubcoreMesh(core_axis_name="c", subcore_axis_name="s",
                                num_cores=NCORES, num_subcores=NSUB)
  per_row_scratch = [
      pltpu.VMEM((L,), jnp.float32),
      pltpu.VMEM((L,), jnp.int32),
      pltpu.VMEM((L,), jnp.int32),
      pltpu.VMEM((L,), jnp.int32),
      pltpu.VMEM((L,), jnp.int32),
      pltpu.VMEM((RAD0,), jnp.int32),
      pltpu.VMEM((RAD1,), jnp.int32),
      pltpu.VMEM((L + NLANE,), jnp.int32),
      pltpu.VMEM((HIST_PAD,), jnp.float32),
  ]
  run = functools.partial(
      pl.kernel,
      mesh=mesh,
      compiler_params=pltpu.CompilerParams(needs_layout_passes=False),
      out_type=jax.ShapeDtypeStruct((rows, HIST_PAD), jnp.float32),
      scratch_types=per_row_scratch * NROWS +
      [pltpu.SemaphoreType.DMA] * (2 * NROWS),
  )(_row_kernel)
  out = run(x2)
  return out[:, :NB * NB].reshape(N, C, NB, NB)

# --- scband reference (transcript-rebuilt; emitter-appended) ---
"""Pipeline reference for scband-mtf-68461778698457 (READ-ONLY COPY).

The authoritative reference and input builder live on the scoring server;
editing this copy changes nothing except your own understanding.
"""

import jax, jax.numpy as jnp
import numpy as np

OUTPUT_SIZE = 65
N_BINS = 65


def setup_inputs(seed: int = 0) -> dict:
    key = jax.random.key(seed)
    x = jax.random.normal(key, (256, 16, 4096), dtype=jnp.float32)
    return {"x": x}


def reference(x):
    N, C, L = x.shape
    # get_valid_mask
    non_zero = x != 0
    starts = jnp.argmax(non_zero.astype(jnp.int32), axis=2)
    ends = L - 1 - jnp.argmax(jnp.flip(non_zero, axis=2).astype(jnp.int32), axis=2)
    has_data = jnp.any(non_zero, axis=2)
    rng = jnp.arange(L).reshape(1, 1, -1)
    valid_mask = (rng >= starts[..., None]) & (rng <= ends[..., None]) & has_data[..., None]
    # rank-based binning
    x_for_sort = jnp.where(valid_mask, x, jnp.inf)
    ranks = jnp.argsort(jnp.argsort(x_for_sort, axis=-1), axis=-1)
    valid_lengths = jnp.clip(jnp.sum(valid_mask, axis=-1, keepdims=True), 1, None)
    bins = (ranks.astype(jnp.float32) / valid_lengths.astype(jnp.float32) * N_BINS).astype(jnp.int32)
    bins = jnp.clip(bins, 0, N_BINS - 1)
    bins = bins * valid_mask.astype(bins.dtype)
    current_bins = bins[:, :, :-1]
    next_bins = bins[:, :, 1:]
    valid_trans = valid_mask[:, :, :-1] & valid_mask[:, :, 1:]
    total_matrices = N * C
    matrix_size = N_BINS * N_BINS
    flat_curr = current_bins.reshape(-1)
    flat_next = next_bins.reshape(-1)
    flat_valid = valid_trans.reshape(-1)
    batch_idx = jnp.repeat(jnp.arange(total_matrices, dtype=jnp.int32), L - 1)
    flat_indices = batch_idx * matrix_size + flat_curr * N_BINS + flat_next
    # bincount restricted to valid transitions == scatter-add of valid weights
    counts = jnp.zeros(total_matrices * matrix_size, dtype=jnp.float32).at[flat_indices].add(
        flat_valid.astype(jnp.float32)
    )
    mtf = counts.reshape(N, C, N_BINS, N_BINS)
    normalization = jnp.clip(valid_lengths - 1, 1, None)[..., None].astype(jnp.float32)
    mtf = mtf / normalization
    # resize_matrix (top-left crop)
    return mtf[..., :OUTPUT_SIZE, :OUTPUT_SIZE]

if __name__ == "__main__":
    import jax
    _d = setup_inputs()
    print(jax.jit(kernel)(*tuple(_d.values())))

</pallas_src>

<mosaic_0001>
#map = affine_map<(d0, d1) -> (0, 0)>
module attributes {stable_mosaic.version = 14 : i64} {
  func.func @_row_kernel(%arg0: i32, %arg1: i32, %arg2: memref<4096x4096xf32, #tpu.memory_space<hbm>>, %arg3: memref<4096x4240xf32, #tpu.memory_space<hbm>>, %arg4: memref<4096xf32, #tpu.memory_space<vmem>>, %arg5: memref<4096xi32, #tpu.memory_space<vmem>>, %arg6: memref<4096xi32, #tpu.memory_space<vmem>>, %arg7: memref<4096xi32, #tpu.memory_space<vmem>>, %arg8: memref<4096xi32, #tpu.memory_space<vmem>>, %arg9: memref<2048xi32, #tpu.memory_space<vmem>>, %arg10: memref<1024xi32, #tpu.memory_space<vmem>>, %arg11: memref<4112xi32, #tpu.memory_space<vmem>>, %arg12: memref<4240xf32, #tpu.memory_space<vmem>>, %arg13: memref<4096xf32, #tpu.memory_space<vmem>>, %arg14: memref<4096xi32, #tpu.memory_space<vmem>>, %arg15: memref<4096xi32, #tpu.memory_space<vmem>>, %arg16: memref<4096xi32, #tpu.memory_space<vmem>>, %arg17: memref<4096xi32, #tpu.memory_space<vmem>>, %arg18: memref<2048xi32, #tpu.memory_space<vmem>>, %arg19: memref<1024xi32, #tpu.memory_space<vmem>>, %arg20: memref<4112xi32, #tpu.memory_space<vmem>>, %arg21: memref<4240xf32, #tpu.memory_space<vmem>>, %arg22: memref<4096xf32, #tpu.memory_space<vmem>>, %arg23: memref<4096xi32, #tpu.memory_space<vmem>>, %arg24: memref<4096xi32, #tpu.memory_space<vmem>>, %arg25: memref<4096xi32, #tpu.memory_space<vmem>>, %arg26: memref<4096xi32, #tpu.memory_space<vmem>>, %arg27: memref<2048xi32, #tpu.memory_space<vmem>>, %arg28: memref<1024xi32, #tpu.memory_space<vmem>>, %arg29: memref<4112xi32, #tpu.memory_space<vmem>>, %arg30: memref<4240xf32, #tpu.memory_space<vmem>>, %arg31: memref<4096xf32, #tpu.memory_space<vmem>>, %arg32: memref<4096xi32, #tpu.memory_space<vmem>>, %arg33: memref<4096xi32, #tpu.memory_space<vmem>>, %arg34: memref<4096xi32, #tpu.memory_space<vmem>>, %arg35: memref<4096xi32, #tpu.memory_space<vmem>>, %arg36: memref<2048xi32, #tpu.memory_space<vmem>>, %arg37: memref<1024xi32, #tpu.memory_space<vmem>>, %arg38: memref<4112xi32, #tpu.memory_space<vmem>>, %arg39: memref<4240xf32, #tpu.memory_space<vmem>>, %arg40: memref<!tpu.dma_semaphore, #tpu.memory_space<semaphore_mem>>, %arg41: memref<!tpu.dma_semaphore, #tpu.memory_space<semaphore_mem>>, %arg42: memref<!tpu.dma_semaphore, #tpu.memory_space<semaphore_mem>>, %arg43: memref<!tpu.dma_semaphore, #tpu.memory_space<semaphore_mem>>, %arg44: memref<!tpu.dma_semaphore, #tpu.memory_space<semaphore_mem>>, %arg45: memref<!tpu.dma_semaphore, #tpu.memory_space<semaphore_mem>>, %arg46: memref<!tpu.dma_semaphore, #tpu.memory_space<semaphore_mem>>, %arg47: memref<!tpu.dma_semaphore, #tpu.memory_space<semaphore_mem>>) attributes {dimension_semantics = [#tpu.dimension_semantics<core_parallel>, #tpu.dimension_semantics<subcore_parallel>], iteration_bounds = array<i64: 2, 16>, scalar_prefetch = 0 : i64, scratch_operands = 44 : i64, tpu.core_type = #tpu.core_type<sc_vector_subcore>, window_params = [{transform_indices = #map}, {transform_indices = #map}]} {
    %mul3A = arith.constant 2 : i32
    %mul3A_0 = arith.muli %arg1, %mul3A : i32
    %add3A = arith.addi %mul3A_0, %arg0 : i32
    %iota3A = tpu.iota {dimensions = array<i32: 0>} : vector<16xi32>
    %broadcast_in_dim3A = arith.constant 0 : i32
    %broadcast_in_dim3A_1 = vector.broadcast %broadcast_in_dim3A : i32 to vector<16xi32>
    %broadcast_in_dim3A_2 = arith.constant 0.000000e+00 : f32
    %broadcast_in_dim3A_3 = vector.broadcast %broadcast_in_dim3A_2 : f32 to vector<16xf32>
    %swap3A = arith.constant 4096 : index
    %swap3A_4 = tpu.vector_load %arg11[%swap3A] {strides = array<i32>} : memref<4112xi32, #tpu.memory_space<vmem>>, vector<16xi32>,
    tpu.vector_store %arg11[%swap3A], %broadcast_in_dim3A_1 {strides = array<i32>} : memref<4112xi32, #tpu.memory_space<vmem>>, vector<16xi32>,
    %swap3A_5 = arith.constant 4096 : index
    %swap3A_6 = tpu.vector_load %arg20[%swap3A_5] {strides = array<i32>} : memref<4112xi32, #tpu.memory_space<vmem>>, vector<16xi32>,
    tpu.vector_store %arg20[%swap3A_5], %broadcast_in_dim3A_1 {strides = array<i32>} : memref<4112xi32, #tpu.memory_space<vmem>>, vector<16xi32>,
    %swap3A_7 = arith.constant 4096 : index
    %swap3A_8 = tpu.vector_load %arg29[%swap3A_7] {strides = array<i32>} : memref<4112xi32, #tpu.memory_space<vmem>>, vector<16xi32>,
    tpu.vector_store %arg29[%swap3A_7], %broadcast_in_dim3A_1 {strides = array<i32>} : memref<4112xi32, #tpu.memory_space<vmem>>, vector<16xi32>,
    %swap3A_9 = arith.constant 4096 : index
    %swap3A_10 = tpu.vector_load %arg38[%swap3A_9] {strides = array<i32>} : memref<4112xi32, #tpu.memory_space<vmem>>, vector<16xi32>,
    tpu.vector_store %arg38[%swap3A_9], %broadcast_in_dim3A_1 {strides = array<i32>} : memref<4112xi32, #tpu.memory_space<vmem>>, vector<16xi32>,
    %mul3A_11 = arith.constant 128 : i32
    %mul3A_12 = arith.muli %add3A, %mul3A_11 : i32
    %add3A_13 = arith.constant 0 : i32
    %add3A_14 = arith.addi %mul3A_12, %add3A_13 : i32
    %dma_start3A = arith.constant 0 : i32
    %dma_start3A_15 = tpu.memref_slice %arg2[%add3A_14, %dma_start3A] : memref<4096x4096xf32, #tpu.memory_space<hbm>> -> memref<1x4096xf32, #tpu.memory_space<hbm>>
    %dma_start3A_16 = tpu.memref_squeeze %dma_start3A_15 : memref<1x4096xf32, #tpu.memory_space<hbm>> -> memref<4096xf32, #tpu.memory_space<hbm>>
    %dma_start3A_17 = arith.constant 0 : i32
    %dma_start3A_18 = tpu.memref_slice %arg2[%add3A_14, %dma_start3A_17] : memref<4096x4096xf32, #tpu.memory_space<hbm>> -> memref<1x4096xf32, #tpu.memory_space<hbm>>
    %dma_start3A_19 = tpu.memref_squeeze %dma_start3A_18 : memref<1x4096xf32, #tpu.memory_space<hbm>> -> memref<4096xf32, #tpu.memory_space<hbm>>
    tpu.enqueue_dma source(%dma_start3A_19 : memref<4096xf32, #tpu.memory_space<hbm>>) target(%arg4 : memref<4096xf32, #tpu.memory_space<vmem>>) target_semaphore(%arg40 : memref<!tpu.dma_semaphore, #tpu.memory_space<semaphore_mem>>)
    %add3A_20 = arith.constant 1 : i32
    %add3A_21 = arith.addi %mul3A_12, %add3A_20 : i32
    %dma_start3A_22 = arith.constant 0 : i32
    %dma_start3A_23 = tpu.memref_slice %arg2[%add3A_21, %dma_start3A_22] : memref<4096x4096xf32, #tpu.memory_space<hbm>> -> memref<1x4096xf32, #tpu.memory_space<hbm>>
    %dma_start3A_24 = tpu.memref_squeeze %dma_start3A_23 : memref<1x4096xf32, #tpu.memory_space<hbm>> -> memref<4096xf32, #tpu.memory_space<hbm>>
    %dma_start3A_25 = arith.constant 0 : i32
    %dma_start3A_26 = tpu.memref_slice %arg2[%add3A_21, %dma_start3A_25] : memref<4096x4096xf32, #tpu.memory_space<hbm>> -> memref<1x4096xf32, #tpu.memory_space<hbm>>
    %dma_start3A_27 = tpu.memref_squeeze %dma_start3A_26 : memref<1x4096xf32, #tpu.memory_space<hbm>> -> memref<4096xf32, #tpu.memory_space<hbm>>
    tpu.enqueue_dma source(%dma_start3A_27 : memref<4096xf32, #tpu.memory_space<hbm>>) target(%arg13 : memref<4096xf32, #tpu.memory_space<vmem>>) target_semaphore(%arg41 : memref<!tpu.dma_semaphore, #tpu.memory_space<semaphore_mem>>)
    %add3A_28 = arith.constant 2 : i32
    %add3A_29 = arith.addi %mul3A_12, %add3A_28 : i32
    %dma_start3A_30 = arith.constant 0 : i32
    %dma_start3A_31 = tpu.memref_slice %arg2[%add3A_29, %dma_start3A_30] : memref<4096x4096xf32, #tpu.memory_space<hbm>> -> memref<1x4096xf32, #tpu.memory_space<hbm>>
    %dma_start3A_32 = tpu.memref_squeeze %dma_start3A_31 : memref<1x4096xf32, #tpu.memory_space<hbm>> -> memref<4096xf32, #tpu.memory_space<hbm>>
    %dma_start3A_33 = arith.constant 0 : i32
    %dma_start3A_34 = tpu.memref_slice %arg2[%add3A_29, %dma_start3A_33] : memref<4096x4096xf32, #tpu.memory_space<hbm>> -> memref<1x4096xf32, #tpu.memory_space<hbm>>
    %dma_start3A_35 = tpu.memref_squeeze %dma_start3A_34 : memref<1x4096xf32, #tpu.memory_space<hbm>> -> memref<4096xf32, #tpu.memory_space<hbm>>
    tpu.enqueue_dma source(%dma_start3A_35 : memref<4096xf32, #tpu.memory_space<hbm>>) target(%arg22 : memref<4096xf32, #tpu.memory_space<vmem>>) target_semaphore(%arg42 : memref<!tpu.dma_semaphore, #tpu.memory_space<semaphore_mem>>)
    %add3A_36 = arith.constant 3 : i32
    %add3A_37 = arith.addi %mul3A_12, %add3A_36 : i32
    %dma_start3A_38 = arith.constant 0 : i32
    %dma_start3A_39 = tpu.memref_slice %arg2[%add3A_37, %dma_start3A_38] : memref<4096x4096xf32, #tpu.memory_space<hbm>> -> memref<1x4096xf32, #tpu.memory_space<hbm>>
    %dma_start3A_40 = tpu.memref_squeeze %dma_start3A_39 : memref<1x4096xf32, #tpu.memory_space<hbm>> -> memref<4096xf32, #tpu.memory_space<hbm>>
    %dma_start3A_41 = arith.constant 0 : i32
    %dma_start3A_42 = tpu.memref_slice %arg2[%add3A_37, %dma_start3A_41] : memref<4096x4096xf32, #tpu.memory_space<hbm>> -> memref<1x4096xf32, #tpu.memory_space<hbm>>
    %dma_start3A_43 = tpu.memref_squeeze %dma_start3A_42 : memref<1x4096xf32, #tpu.memory_space<hbm>> -> memref<4096xf32, #tpu.memory_space<hbm>>
    tpu.enqueue_dma source(%dma_start3A_43 : memref<4096xf32, #tpu.memory_space<hbm>>) target(%arg31 : memref<4096xf32, #tpu.memory_space<vmem>>) target_semaphore(%arg43 : memref<!tpu.dma_semaphore, #tpu.memory_space<semaphore_mem>>)
    %scan3A = arith.constant 0 : i32
    %scan3A_44 = arith.constant 0 : i32
    %scan3A_45 = arith.constant 32 : i32
    %scan3A_46 = arith.addi %scan3A_44, %scan3A_45 : i32
    %scan3A_47 = arith.constant 1 : i32
    %scan3A_48 = scf.for %scan3A_85 = %scan3A_44 to %scan3A_46 step %scan3A_47 iter_args(%scan3A_86 = %scan3A) -> (i32)  : i32 {
      %mul3A_87 = arith.constant 128 : i32
      %mul3A_88 = arith.muli %add3A, %mul3A_87 : i32
      %mul3A_89 = arith.constant 4 : i32
      %mul3A_90 = arith.muli %mul3A_89, %scan3A_85 : i32
      %add3A_91 = arith.addi %mul3A_88, %mul3A_90 : i32
      %add3A_92 = arith.constant 0 : i32
      %add3A_93 = arith.addi %add3A_91, %add3A_92 : i32
      %dma_wait3A_94 = arith.constant 0 : i32
      %dma_wait3A_95 = tpu.memref_slice %arg2[%add3A_93, %dma_wait3A_94] : memref<4096x4096xf32, #tpu.memory_space<hbm>> -> memref<1x4096xf32, #tpu.memory_space<hbm>>
      %dma_wait3A_96 = tpu.memref_squeeze %dma_wait3A_95 : memref<1x4096xf32, #tpu.memory_space<hbm>> -> memref<4096xf32, #tpu.memory_space<hbm>>
      %dma_wait3A_97 = arith.constant 0 : i32
      %dma_wait3A_98 = tpu.memref_slice %arg2[%add3A_93, %dma_wait3A_97] : memref<4096x4096xf32, #tpu.memory_space<hbm>> -> memref<1x4096xf32, #tpu.memory_space<hbm>>
      %dma_wait3A_99 = tpu.memref_squeeze %dma_wait3A_98 : memref<1x4096xf32, #tpu.memory_space<hbm>> -> memref<4096xf32, #tpu.memory_space<hbm>>
      tpu.wait_dma2 semaphore(%arg40 : memref<!tpu.dma_semaphore, #tpu.memory_space<semaphore_mem>>) src(%dma_wait3A_99 : memref<4096xf32, #tpu.memory_space<hbm>>) dst(%arg4 : memref<4096xf32, #tpu.memory_space<vmem>>)
      %add3A_100 = arith.constant 1 : i32
      %add3A_101 = arith.addi %add3A_91, %add3A_100 : i32
      %dma_wait3A_102 = arith.constant 0 : i32
      %dma_wait3A_103 = tpu.memref_slice %arg2[%add3A_101, %dma_wait3A_102] : memref<4096x4096xf32, #tpu.memory_space<hbm>> -> memref<1x4096xf32, #tpu.memory_space<hbm>>
      %dma_wait3A_104 = tpu.memref_squeeze %dma_wait3A_103 : memref<1x4096xf32, #tpu.memory_space<hbm>> -> memref<4096xf32, #tpu.memory_space<hbm>>
      %dma_wait3A_105 = arith.constant 0 : i32
      %dma_wait3A_106 = tpu.memref_slice %arg2[%add3A_101, %dma_wait3A_105] : memref<4096x4096xf32, #tpu.memory_space<hbm>> -> memref<1x4096xf32, #tpu.memory_space<hbm>>
      %dma_wait3A_107 = tpu.memref_squeeze %dma_wait3A_106 : memref<1x4096xf32, #tpu.memory_space<hbm>> -> memref<4096xf32, #tpu.memory_space<hbm>>
      tpu.wait_dma2 semaphore(%arg41 : memref<!tpu.dma_semaphore, #tpu.memory_space<semaphore_mem>>) src(%dma_wait3A_107 : memref<4096xf32, #tpu.memory_space<hbm>>) dst(%arg13 : memref<4096xf32, #tpu.memory_space<vmem>>)
      %add3A_108 = arith.constant 2 : i32
      %add3A_109 = arith.addi %add3A_91, %add3A_108 : i32
      %dma_wait3A_110 = arith.constant 0 : i32
      %dma_wait3A_111 = tpu.memref_slice %arg2[%add3A_109, %dma_wait3A_110] : memref<4096x4096xf32, #tpu.memory_space<hbm>> -> memref<1x4096xf32, #tpu.memory_space<hbm>>
      %dma_wait3A_112 = tpu.memref_squeeze %dma_wait3A_111 : memref<1x4096xf32, #tpu.memory_space<hbm>> -> memref<4096xf32, #tpu.memory_space<hbm>>
      %dma_wait3A_113 = arith.constant 0 : i32
      %dma_wait3A_114 = tpu.memref_slice %arg2[%add3A_109, %dma_wait3A_113] : memref<4096x4096xf32, #tpu.memory_space<hbm>> -> memref<1x4096xf32, #tpu.memory_space<hbm>>
      %dma_wait3A_115 = tpu.memref_squeeze %dma_wait3A_114 : memref<1x4096xf32, #tpu.memory_space<hbm>> -> memref<4096xf32, #tpu.memory_space<hbm>>
      tpu.wait_dma2 semaphore(%arg42 : memref<!tpu.dma_semaphore, #tpu.memory_space<semaphore_mem>>) src(%dma_wait3A_115 : memref<4096xf32, #tpu.memory_space<hbm>>) dst(%arg22 : memref<4096xf32, #tpu.memory_space<vmem>>)
      %add3A_116 = arith.constant 3 : i32
      %add3A_117 = arith.addi %add3A_91, %add3A_116 : i32
      %dma_wait3A_118 = arith.constant 0 : i32
      %dma_wait3A_119 = tpu.memref_slice %arg2[%add3A_117, %dma_wait3A_118] : memref<4096x4096xf32, #tpu.memory_space<hbm>> -> memref<1x4096xf32, #tpu.memory_space<hbm>>
      %dma_wait3A_120 = tpu.memref_squeeze %dma_wait3A_119 : memref<1x4096xf32, #tpu.memory_space<hbm>> -> memref<4096xf32, #tpu.memory_space<hbm>>
      %dma_wait3A_121 = arith.constant 0 : i32
      %dma_wait3A_122 = tpu.memref_slice %arg2[%add3A_117, %dma_wait3A_121] : memref<4096x4096xf32, #tpu.memory_space<hbm>> -> memref<1x4096xf32, #tpu.memory_space<hbm>>
      %dma_wait3A_123 = tpu.memref_squeeze %dma_wait3A_122 : memref<1x4096xf32, #tpu.memory_space<hbm>> -> memref<4096xf32, #tpu.memory_space<hbm>>
      tpu.wait_dma2 semaphore(%arg43 : memref<!tpu.dma_semaphore, #tpu.memory_space<semaphore_mem>>) src(%dma_wait3A_123 : memref<4096xf32, #tpu.memory_space<hbm>>) dst(%arg31 : memref<4096xf32, #tpu.memory_space<vmem>>)
      %scan3A_124 = arith.constant 0 : i32
      %scan3A_125 = arith.constant 0 : i32
      %scan3A_126 = arith.constant 128 : i32
      %scan3A_127 = arith.addi %scan3A_125, %scan3A_126 : i32
      %scan3A_128 = arith.constant 4 : i32
      %scan3A_129 = scf.for %scan3A_416 = %scan3A_125 to %scan3A_127 step %scan3A_128 iter_args(%scan3A_417 = %scan3A_124) -> (i32)  : i32 {
        %mul3A_418 = arith.constant 16 : i32
        %mul3A_419 = arith.muli %scan3A_416, %mul3A_418 : i32
        %swap3A_420 = arith.index_cast %mul3A_419 : i32 to index
        %swap3A_421 = tpu.vector_load %arg9[%swap3A_420] {strides = array<i32>} : memref<2048xi32, #tpu.memory_space<vmem>>, vector<16xi32>,
        tpu.vector_store %arg9[%swap3A_420], %broadcast_in_dim3A_1 {strides = array<i32>} : memref<2048xi32, #tpu.memory_space<vmem>>, vector<16xi32>,
        %mul3A_422 = arith.constant 16 : i32
        %mul3A_423 = arith.muli %scan3A_416, %mul3A_422 : i32
        %swap3A_424 = arith.index_cast %mul3A_423 : i32 to index
        %swap3A_425 = tpu.vector_load %arg18[%swap3A_424] {strides = array<i32>} : memref<2048xi32, #tpu.memory_space<vmem>>, vector<16xi32>,
        tpu.vector_store %arg18[%swap3A_424], %broadcast_in_dim3A_1 {strides = array<i32>} : memref<2048xi32, #tpu.memory_space<vmem>>, vector<16xi32>,
        %mul3A_426 = arith.constant 16 : i32
        %mul3A_427 = arith.muli %scan3A_416, %mul3A_426 : i32
        %swap3A_428 = arith.index_cast %mul3A_427 : i32 to index
        %swap3A_429 = tpu.vector_load %arg27[%swap3A_428] {strides = array<i32>} : memref<2048xi32, #tpu.memory_space<vmem>>, vector<16xi32>,
        tpu.vector_store %arg27[%swap3A_428], %broadcast_in_dim3A_1 {strides = array<i32>} : memref<2048xi32, #tpu.memory_space<vmem>>, vector<16xi32>,
        %mul3A_430 = arith.constant 16 : i32
        %mul3A_431 = arith.muli %scan3A_416, %mul3A_430 : i32
        %swap3A_432 = arith.index_cast %mul3A_431 : i32 to index
        %swap3A_433 = tpu.vector_load %arg36[%swap3A_432] {strides = array<i32>} : memref<2048xi32, #tpu.memory_space<vmem>>, vector<16xi32>,
        tpu.vector_store %arg36[%swap3A_432], %broadcast_in_dim3A_1 {strides = array<i32>} : memref<2048xi32, #tpu.memory_space<vmem>>, vector<16xi32>,
        %scan3A_434 = arith.constant 0 : i32
        %scan3A_435 = arith.constant 1 : i32
        %scan3A_436 = arith.addi %scan3A_416, %scan3A_435 : i32
        %mul3A_437 = arith.constant 16 : i32
        %mul3A_438 = arith.muli %scan3A_436, %mul3A_437 : i32
        %swap3A_439 = arith.index_cast %mul3A_438 : i32 to index
        %swap3A_440 = tpu.vector_load %arg9[%swap3A_439] {strides = array<i32>} : memref<2048xi32, #tpu.memory_space<vmem>>, vector<16xi32>,
        tpu.vector_store %arg9[%swap3A_439], %broadcast_in_dim3A_1 {strides = array<i32>} : memref<2048xi32, #tpu.memory_space<vmem>>, vector<16xi32>,
        %mul3A_441 = arith.constant 16 : i32
        %mul3A_442 = arith.muli %scan3A_436, %mul3A_441 : i32
        %swap3A_443 = arith.index_cast %mul3A_442 : i32 to index
        %swap3A_444 = tpu.vector_load %arg18[%swap3A_443] {strides = array<i32>} : memref<2048xi32, #tpu.memory_space<vmem>>, vector<16xi32>,
        tpu.vector_store %arg18[%swap3A_443], %broadcast_in_dim3A_1 {strides = array<i32>} : memref<2048xi32, #tpu.memory_space<vmem>>, vector<16xi32>,
        %mul3A_445 = arith.constant 16 : i32
        %mul3A_446 = arith.muli %scan3A_436, %mul3A_445 : i32
        %swap3A_447 = arith.index_cast %mul3A_446 : i32 to index
        %swap3A_448 = tpu.vector_load %arg27[%swap3A_447] {strides = array<i32>} : memref<2048xi32, #tpu.memory_space<vmem>>, vector<16xi32>,
        tpu.vector_store %arg27[%swap3A_447], %broadcast_in_dim3A_1 {strides = array<i32>} : memref<2048xi32, #tpu.memory_space<vmem>>, vector<16xi32>,
        %mul3A_449 = arith.constant 16 : i32
        %mul3A_450 = arith.muli %scan3A_436, %mul3A_449 : i32
        %swap3A_451 = arith.index_cast %mul3A_450 : i32 to index
        %swap3A_452 = tpu.vector_load %arg36[%swap3A_451] {strides = array<i32>} : memref<2048xi32, #tpu.memory_space<vmem>>, vector<16xi32>,
        tpu.vector_store %arg36[%swap3A_451], %broadcast_in_dim3A_1 {strides = array<i32>} : memref<2048xi32, #tpu.memory_space<vmem>>, vector<16xi32>,
        %scan3A_453 = arith.constant 0 : i32
        %scan3A_454 = arith.constant 2 : i32
        %scan3A_455 = arith.addi %scan3A_416, %scan3A_454 : i32
        %mul3A_456 = arith.constant 16 : i32
        %mul3A_457 = arith.muli %scan3A_455, %mul3A_456 : i32
        %swap3A_458 = arith.index_cast %mul3A_457 : i32 to index
        %swap3A_459 = tpu.vector_load %arg9[%swap3A_458] {strides = array<i32>} : memref<2048xi32, #tpu.memory_space<vmem>>, vector<16xi32>,
        tpu.vector_store %arg9[%swap3A_458], %broadcast_in_dim3A_1 {strides = array<i32>} : memref<2048xi32, #tpu.memory_space<vmem>>, vector<16xi32>,
        %mul3A_460 = arith.constant 16 : i32
        %mul3A_461 = arith.muli %scan3A_455, %mul3A_460 : i32
        %swap3A_462 = arith.index_cast %mul3A_461 : i32 to index
        %swap3A_463 = tpu.vector_load %arg18[%swap3A_462] {strides = array<i32>} : memref<2048xi32, #tpu.memory_space<vmem>>, vector<16xi32>,
        tpu.vector_store %arg18[%swap3A_462], %broadcast_in_dim3A_1 {strides = array<i32>} : memref<2048xi32, #tpu.memory_space<vmem>>, vector<16xi32>,
        %mul3A_464 = arith.constant 16 : i32
        %mul3A_465 = arith.muli %scan3A_455, %mul3A_464 : i32
        %swap3A_466 = arith.index_cast %mul3A_465 : i32 to index
        %swap3A_467 = tpu.vector_load %arg27[%swap3A_466] {strides = array<i32>} : memref<2048xi32, #tpu.memory_space<vmem>>, vector<16xi32>,
        tpu.vector_store %arg27[%swap3A_466], %broadcast_in_dim3A_1 {strides = array<i32>} : memref<2048xi32, #tpu.memory_space<vmem>>, vector<16xi32>,
        %mul3A_468 = arith.constant 16 : i32
        %mul3A_469 = arith.muli %scan3A_455, %mul3A_468 : i32
        %swap3A_470 = arith.index_cast %mul3A_469 : i32 to index
        %swap3A_471 = tpu.vector_load %arg36[%swap3A_470] {strides = array<i32>} : memref<2048xi32, #tpu.memory_space<vmem>>, vector<16xi32>,
        tpu.vector_store %arg36[%swap3A_470], %broadcast_in_dim3A_1 {strides = array<i32>} : memref<2048xi32, #tpu.memory_space<vmem>>, vector<16xi32>,
        %scan3A_472 = arith.constant 0 : i32
        %scan3A_473 = arith.constant 3 : i32
        %scan3A_474 = arith.addi %scan3A_416, %scan3A_473 : i32
        %mul3A_475 = arith.constant 16 : i32
        %mul3A_476 = arith.muli %scan3A_474, %mul3A_475 : i32
        %swap3A_477 = arith.index_cast %mul3A_476 : i32 to index
        %swap3A_478 = tpu.vector_load %arg9[%swap3A_477] {strides = array<i32>} : memref<2048xi32, #tpu.memory_space<vmem>>, vector<16xi32>,
        tpu.vector_store %arg9[%swap3A_477], %broadcast_in_dim3A_1 {strides = array<i32>} : memref<2048xi32, #tpu.memory_space<vmem>>, vector<16xi32>,
        %mul3A_479 = arith.constant 16 : i32
        %mul3A_480 = arith.muli %scan3A_474, %mul3A_479 : i32
        %swap3A_481 = arith.index_cast %mul3A_480 : i32 to index
        %swap3A_482 = tpu.vector_load %arg18[%swap3A_481] {strides = array<i32>} : memref<2048xi32, #tpu.memory_space<vmem>>, vector<16xi32>,
        tpu.vector_store %arg18[%swap3A_481], %broadcast_in_dim3A_1 {strides = array<i32>} : memref<2048xi32, #tpu.memory_space<vmem>>, vector<16xi32>,
        %mul3A_483 = arith.constant 16 : i32
        %mul3A_484 = arith.muli %scan3A_474, %mul3A_483 : i32
        %swap3A_485 = arith.index_cast %mul3A_484 : i32 to index
        %swap3A_486 = tpu.vector_load %arg27[%swap3A_485] {strides = array<i32>} : memref<2048xi32, #tpu.memory_space<vmem>>, vector<16xi32>,
        tpu.vector_store %arg27[%swap3A_485], %broadcast_in_dim3A_1 {strides = array<i32>} : memref<2048xi32, #tpu.memory_space<vmem>>, vector<16xi32>,
        %mul3A_487 = arith.constant 16 : i32
        %mul3A_488 = arith.muli %scan3A_474, %mul3A_487 : i32
        %swap3A_489 = arith.index_cast %mul3A_488 : i32 to index
        %swap3A_490 = tpu.vector_load %arg36[%swap3A_489] {strides = array<i32>} : memref<2048xi32, #tpu.memory_space<vmem>>, vector<16xi32>,
        tpu.vector_store %arg36[%swap3A_489], %broadcast_in_dim3A_1 {strides = array<i32>} : memref<2048xi32, #tpu.memory_space<vmem>>, vector<16xi32>,
        %scan3A_491 = arith.constant 0 : i32
        scf.yield %scan3A_491 : i32
      }
      %scan3A_130 = arith.constant 128 : i32
      %lt3A = arith.constant 0 : i32
      %lt3A_131 = vector.broadcast %lt3A : i32 to vector<16xi32>
      %lt3A_132 = arith.cmpi slt, %iota3A, %lt3A_131 : vector<16xi32>
      %lt3A_133 = arith.constant 0 : i32
      %lt3A_134 = vector.broadcast %lt3A_133 : i32 to vector<16xi32>
      %lt3A_135 = arith.cmpi slt, %iota3A, %lt3A_134 : vector<16xi32>
      %lt3A_136 = arith.constant 0 : i32
      %lt3A_137 = vector.broadcast %lt3A_136 : i32 to vector<16xi32>
      %lt3A_138 = arith.cmpi slt, %iota3A, %lt3A_137 : vector<16xi32>
      %lt3A_139 = arith.constant 0 : i32
      %lt3A_140 = vector.broadcast %lt3A_139 : i32 to vector<16xi32>
      %lt3A_141 = arith.cmpi slt, %iota3A, %lt3A_140 : vector<16xi32>
      %scan3A_142 = arith.constant 0 : i32
      %scan3A_143 = arith.constant 256 : i32
      %scan3A_144 = arith.addi %scan3A_142, %scan3A_143 : i32
      %scan3A_145 = arith.constant 2 : i32
      %scan3A_146:4 = scf.for %scan3A_416 = %scan3A_142 to %scan3A_144 step %scan3A_145 iter_args(%scan3A_417 = %lt3A_132, %scan3A_418 = %lt3A_135, %scan3A_419 = %lt3A_138, %scan3A_420 = %lt3A_141) -> (vector<16xi1>, vector<16xi1>, vector<16xi1>, vector<16xi1>)  : i32 {
        %mul3A_421 = arith.constant 16 : i32
        %mul3A_422 = arith.muli %scan3A_416, %mul3A_421 : i32
        %add3A_423 = vector.broadcast %mul3A_422 : i32 to vector<16xi32>
        %add3A_424 = arith.addi %add3A_423, %iota3A : vector<16xi32>
        %mul3A_425 = arith.constant 16 : i32
        %mul3A_426 = arith.muli %scan3A_416, %mul3A_425 : i32
        %get3A = arith.index_cast %mul3A_426 : i32 to index
        %get3A_427 = tpu.vector_load %arg4[%get3A] {strides = array<i32>} : memref<4096xf32, #tpu.memory_space<vmem>>, vector<16xf32>,
        %mul3A_428 = arith.constant 16 : i32
        %mul3A_429 = arith.muli %scan3A_416, %mul3A_428 : i32
        %get3A_430 = arith.index_cast %mul3A_429 : i32 to index
        %get3A_431 = tpu.vector_load %arg13[%get3A_430] {strides = array<i32>} : memref<4096xf32, #tpu.memory_space<vmem>>, vector<16xf32>,
        %mul3A_432 = arith.constant 16 : i32
        %mul3A_433 = arith.muli %scan3A_416, %mul3A_432 : i32
        %get3A_434 = arith.index_cast %mul3A_433 : i32 to index
        %get3A_435 = tpu.vector_load %arg22[%get3A_434] {strides = array<i32>} : memref<4096xf32, #tpu.memory_space<vmem>>, vector<16xf32>,
        %mul3A_436 = arith.constant 16 : i32
        %mul3A_437 = arith.muli %scan3A_416, %mul3A_436 : i32
        %get3A_438 = arith.index_cast %mul3A_437 : i32 to index
        %get3A_439 = tpu.vector_load %arg31[%get3A_438] {strides = array<i32>} : memref<4096xf32, #tpu.memory_space<vmem>>, vector<16xf32>,
        %bitcast3A = vector.bitcast %get3A_427 : vector<16xf32> to vector<16xi32>
        %bitcast3A_440 = vector.bitcast %get3A_431 : vector<16xf32> to vector<16xi32>
        %bitcast3A_441 = vector.bitcast %get3A_435 : vector<16xf32> to vector<16xi32>
        %bitcast3A_442 = vector.bitcast %get3A_439 : vector<16xf32> to vector<16xi32>
        %shift_right_arithmetic3A = arith.constant 31 : i32
        %shift_right_arithmetic3A_443 = vector.broadcast %shift_right_arithmetic3A : i32 to vector<16xi32>
        %shift_right_arithmetic3A_444 = arith.shrsi %bitcast3A, %shift_right_arithmetic3A_443 : vector<16xi32>
        %or3A_445 = arith.constant -2147483648 : i32
        %or3A_446 = vector.broadcast %or3A_445 : i32 to vector<16xi32>
        %or3A_447 = arith.ori %shift_right_arithmetic3A_444, %or3A_446 : vector<16xi32>
        %xor3A = arith.xori %bitcast3A, %or3A_447 : vector<16xi32>
        %shift_right_arithmetic3A_448 = arith.constant 31 : i32
        %shift_right_arithmetic3A_449 = vector.broadcast %shift_right_arithmetic3A_448 : i32 to vector<16xi32>
        %shift_right_arithmetic3A_450 = arith.shrsi %bitcast3A_440, %shift_right_arithmetic3A_449 : vector<16xi32>
        %or3A_451 = arith.constant -2147483648 : i32
        %or3A_452 = vector.broadcast %or3A_451 : i32 to vector<16xi32>
        %or3A_453 = arith.ori %shift_right_arithmetic3A_450, %or3A_452 : vector<16xi32>
        %xor3A_454 = arith.xori %bitcast3A_440, %or3A_453 : vector<16xi32>
        %shift_right_arithmetic3A_455 = arith.constant 31 : i32
        %shift_right_arithmetic3A_456 = vector.broadcast %shift_right_arithmetic3A_455 : i32 to vector<16xi32>
        %shift_right_arithmetic3A_457 = arith.shrsi %bitcast3A_441, %shift_right_arithmetic3A_456 : vector<16xi32>
        %or3A_458 = arith.constant -2147483648 : i32
        %or3A_459 = vector.broadcast %or3A_458 : i32 to vector<16xi32>
        %or3A_460 = arith.ori %shift_right_arithmetic3A_457, %or3A_459 : vector<16xi32>
        %xor3A_461 = arith.xori %bitcast3A_441, %or3A_460 : vector<16xi32>
        %shift_right_arithmetic3A_462 = arith.constant 31 : i32
        %shift_right_arithmetic3A_463 = vector.broadcast %shift_right_arithmetic3A_462 : i32 to vector<16xi32>
        %shift_right_arithmetic3A_464 = arith.shrsi %bitcast3A_442, %shift_right_arithmetic3A_463 : vector<16xi32>
        %or3A_465 = arith.constant -2147483648 : i32
        %or3A_466 = vector.broadcast %or3A_465 : i32 to vector<16xi32>
        %or3A_467 = arith.ori %shift_right_arithmetic3A_464, %or3A_466 : vector<16xi32>
        %xor3A_468 = arith.xori %bitcast3A_442, %or3A_467 : vector<16xi32>
        %and3A = arith.constant 2047 : i32
        %and3A_469 = vector.broadcast %and3A : i32 to vector<16xi32>
        %and3A_470 = arith.andi %xor3A, %and3A_469 : vector<16xi32>
        %and3A_471 = arith.constant 2047 : i32
        %and3A_472 = vector.broadcast %and3A_471 : i32 to vector<16xi32>
        %and3A_473 = arith.andi %xor3A_454, %and3A_472 : vector<16xi32>
        %and3A_474 = arith.constant 2047 : i32
        %and3A_475 = vector.broadcast %and3A_474 : i32 to vector<16xi32>
        %and3A_476 = arith.andi %xor3A_461, %and3A_475 : vector<16xi32>
        %and3A_477 = arith.constant 2047 : i32
        %and3A_478 = vector.broadcast %and3A_477 : i32 to vector<16xi32>
        %and3A_479 = arith.andi %xor3A_468, %and3A_478 : vector<16xi32>
        %broadcast_in_dim3A_480 = arith.constant true
        %broadcast_in_dim3A_481 = vector.broadcast %broadcast_in_dim3A_480 : i1 to vector<16xi1>
        %unique3A, %unique3A_482 = tpu.scan_count mask(%broadcast_in_dim3A_481 : vector<16xi1>) value(%and3A_470 : vector<16xi32>) : vector<16xi1>, vector<16xi32>
        %broadcast_in_dim3A_483 = arith.constant true
        %broadcast_in_dim3A_484 = vector.broadcast %broadcast_in_dim3A_483 : i1 to vector<16xi1>
        %unique3A_485, %unique3A_486 = tpu.scan_count mask(%broadcast_in_dim3A_484 : vector<16xi1>) value(%and3A_473 : vector<16xi32>) : vector<16xi1>, vector<16xi32>
        %broadcast_in_dim3A_487 = arith.constant true
        %broadcast_in_dim3A_488 = vector.broadcast %broadcast_in_dim3A_487 : i1 to vector<16xi1>
        %unique3A_489, %unique3A_490 = tpu.scan_count mask(%broadcast_in_dim3A_488 : vector<16xi1>) value(%and3A_476 : vector<16xi32>) : vector<16xi1>, vector<16xi32>
        %broadcast_in_dim3A_491 = arith.constant true
        %broadcast_in_dim3A_492 = vector.broadcast %broadcast_in_dim3A_491 : i1 to vector<16xi1>
        %unique3A_493, %unique3A_494 = tpu.scan_count mask(%broadcast_in_dim3A_492 : vector<16xi1>) value(%and3A_479 : vector<16xi32>) : vector<16xi1>, vector<16xi32>
        %mul3A_495 = arith.constant 16 : i32
        %mul3A_496 = arith.muli %scan3A_416, %mul3A_495 : i32
        %swap3A_497 = arith.index_cast %mul3A_496 : i32 to index
        %swap3A_498 = tpu.vector_load %arg5[%swap3A_497] {strides = array<i32>} : memref<4096xi32, #tpu.memory_space<vmem>>, vector<16xi32>,
        tpu.vector_store %arg5[%swap3A_497], %xor3A {strides = array<i32>} : memref<4096xi32, #tpu.memory_space<vmem>>, vector<16xi32>,
        %mul3A_499 = arith.constant 16 : i32
        %mul3A_500 = arith.muli %scan3A_416, %mul3A_499 : i32
        %swap3A_501 = arith.index_cast %mul3A_500 : i32 to index
        %swap3A_502 = tpu.vector_load %arg14[%swap3A_501] {strides = array<i32>} : memref<4096xi32, #tpu.memory_space<vmem>>, vector<16xi32>,
        tpu.vector_store %arg14[%swap3A_501], %xor3A_454 {strides = array<i32>} : memref<4096xi32, #tpu.memory_space<vmem>>, vector<16xi32>,
        %mul3A_503 = arith.constant 16 : i32
        %mul3A_504 = arith.muli %scan3A_416, %mul3A_503 : i32
        %swap3A_505 = arith.index_cast %mul3A_504 : i32 to index
        %swap3A_506 = tpu.vector_load %arg23[%swap3A_505] {strides = array<i32>} : memref<4096xi32, #tpu.memory_space<vmem>>, vector<16xi32>,
        tpu.vector_store %arg23[%swap3A_505], %xor3A_461 {strides = array<i32>} : memref<4096xi32, #tpu.memory_space<vmem>>, vector<16xi32>,
        %mul3A_507 = arith.constant 16 : i32
        %mul3A_508 = arith.muli %scan3A_416, %mul3A_507 : i32
        %swap3A_509 = arith.index_cast %mul3A_508 : i32 to index
        %swap3A_510 = tpu.vector_load %arg32[%swap3A_509] {strides = array<i32>} : memref<4096xi32, #tpu.memory_space<vmem>>, vector<16xi32>,
        tpu.vector_store %arg32[%swap3A_509], %xor3A_468 {strides = array<i32>} : memref<4096xi32, #tpu.memory_space<vmem>>, vector<16xi32>,
        tpu.vector_store_idx %arg9[%and3A_470], %unique3A_482 masked %unique3A {add = true} : memref<2048xi32, #tpu.memory_space<vmem>>[vector<16xi32>], vector<16xi32>, vector<16xi1>
        tpu.vector_store_idx %arg18[%and3A_473], %unique3A_486 masked %unique3A_485 {add = true} : memref<2048xi32, #tpu.memory_space<vmem>>[vector<16xi32>], vector<16xi32>, vector<16xi1>
        tpu.vector_store_idx %arg27[%and3A_476], %unique3A_490 masked %unique3A_489 {add = true} : memref<2048xi32, #tpu.memory_space<vmem>>[vector<16xi32>], vector<16xi32>, vector<16xi1>
        tpu.vector_store_idx %arg36[%and3A_479], %unique3A_494 masked %unique3A_493 {add = true} : memref<2048xi32, #tpu.memory_space<vmem>>[vector<16xi32>], vector<16xi32>, vector<16xi1>
        %add3A_511 = arith.addi %bitcast3A, %bitcast3A : vector<16xi32>
        %eq3A = arith.constant 0 : i32
        %eq3A_512 = vector.broadcast %eq3A : i32 to vector<16xi32>
        %eq3A_513 = arith.cmpi eq, %add3A_511, %eq3A_512 : vector<16xi32>
        %or3A_514 = arith.ori %scan3A_417, %eq3A_513 : vector<16xi1>
        %add3A_515 = arith.addi %bitcast3A_440, %bitcast3A_440 : vector<16xi32>
        %eq3A_516 = arith.constant 0 : i32
        %eq3A_517 = vector.broadcast %eq3A_516 : i32 to vector<16xi32>
        %eq3A_518 = arith.cmpi eq, %add3A_515, %eq3A_517 : vector<16xi32>
        %or3A_519 = arith.ori %scan3A_418, %eq3A_518 : vector<16xi1>
        %add3A_520 = arith.addi %bitcast3A_441, %bitcast3A_441 : vector<16xi32>
        %eq3A_521 = arith.constant 0 : i32
        %eq3A_522 = vector.broadcast %eq3A_521 : i32 to vector<16xi32>
        %eq3A_523 = arith.cmpi eq, %add3A_520, %eq3A_522 : vector<16xi32>
        %or3A_524 = arith.ori %scan3A_419, %eq3A_523 : vector<16xi1>
        %add3A_525 = arith.addi %bitcast3A_442, %bitcast3A_442 : vector<16xi32>
        %eq3A_526 = arith.constant 0 : i32
        %eq3A_527 = vector.broadcast %eq3A_526 : i32 to vector<16xi32>
        %eq3A_528 = arith.cmpi eq, %add3A_525, %eq3A_527 : vector<16xi32>
        %or3A_529 = arith.ori %scan3A_420, %eq3A_528 : vector<16xi1>
        %scan3A_530 = arith.constant 1 : i32
        %scan3A_531 = arith.addi %scan3A_416, %scan3A_530 : i32
        %mul3A_532 = arith.constant 16 : i32
        %mul3A_533 = arith.muli %scan3A_531, %mul3A_532 : i32
        %add3A_534 = vector.broadcast %mul3A_533 : i32 to vector<16xi32>
        %add3A_535 = arith.addi %add3A_534, %iota3A : vector<16xi32>
        %mul3A_536 = arith.constant 16 : i32
        %mul3A_537 = arith.muli %scan3A_531, %mul3A_536 : i32
        %get3A_538 = arith.index_cast %mul3A_537 : i32 to index
        %get3A_539 = tpu.vector_load %arg4[%get3A_538] {strides = array<i32>} : memref<4096xf32, #tpu.memory_space<vmem>>, vector<16xf32>,
        %mul3A_540 = arith.constant 16 : i32
        %mul3A_541 = arith.muli %scan3A_531, %mul3A_540 : i32
        %get3A_542 = arith.index_cast %mul3A_541 : i32 to index
        %get3A_543 = tpu.vector_load %arg13[%get3A_542] {strides = array<i32>} : memref<4096xf32, #tpu.memory_space<vmem>>, vector<16xf32>,
        %mul3A_544 = arith.constant 16 : i32
        %mul3A_545 = arith.muli %scan3A_531, %mul3A_544 : i32
        %get3A_546 = arith.index_cast %mul3A_545 : i32 to index
        %get3A_547 = tpu.vector_load %arg22[%get3A_546] {strides = array<i32>} : memref<4096xf32, #tpu.memory_space<vmem>>, vector<16xf32>,
        %mul3A_548 = arith.constant 16 : i32
        %mul3A_549 = arith.muli %scan3A_531, %mul3A_548 : i32
        %get3A_550 = arith.index_cast %mul3A_549 : i32 to index
        %get3A_551 = tpu.vector_load %arg31[%get3A_550] {strides = array<i32>} : memref<4096xf32, #tpu.memory_space<vmem>>, vector<16xf32>,
        %bitcast3A_552 = vector.bitcast %get3A_539 : vector<16xf32> to vector<16xi32>
        %bitcast3A_553 = vector.bitcast %get3A_543 : vector<16xf32> to vector<16xi32>
        %bitcast3A_554 = vector.bitcast %get3A_547 : vector<16xf32> to vector<16xi32>
        %bitcast3A_555 = vector.bitcast %get3A_551 : vector<16xf32> to vector<16xi32>
        %shift_right_arithmetic3A_556 = arith.constant 31 : i32
        %shift_right_arithmetic3A_557 = vector.broadcast %shift_right_arithmetic3A_556 : i32 to vector<16xi32>
        %shift_right_arithmetic3A_558 = arith.shrsi %bitcast3A_552, %shift_right_arithmetic3A_557 : vector<16xi32>
        %or3A_559 = arith.constant -2147483648 : i32
        %or3A_560 = vector.broadcast %or3A_559 : i32 to vector<16xi32>
        %or3A_561 = arith.ori %shift_right_arithmetic3A_558, %or3A_560 : vector<16xi32>
        %xor3A_562 = arith.xori %bitcast3A_552, %or3A_561 : vector<16xi32>
        %shift_right_arithmetic3A_563 = arith.constant 31 : i32
        %shift_right_arithmetic3A_564 = vector.broadcast %shift_right_arithmetic3A_563 : i32 to vector<16xi32>
        %shift_right_arithmetic3A_565 = arith.shrsi %bitcast3A_553, %shift_right_arithmetic3A_564 : vector<16xi32>
        %or3A_566 = arith.constant -2147483648 : i32
        %or3A_567 = vector.broadcast %or3A_566 : i32 to vector<16xi32>
        %or3A_568 = arith.ori %shift_right_arithmetic3A_565, %or3A_567 : vector<16xi32>
        %xor3A_569 = arith.xori %bitcast3A_553, %or3A_568 : vector<16xi32>
        %shift_right_arithmetic3A_570 = arith.constant 31 : i32
        %shift_right_arithmetic3A_571 = vector.broadcast %shift_right_arithmetic3A_570 : i32 to vector<16xi32>
        %shift_right_arithmetic3A_572 = arith.shrsi %bitcast3A_554, %shift_right_arithmetic3A_571 : vector<16xi32>
        %or3A_573 = arith.constant -2147483648 : i32
        %or3A_574 = vector.broadcast %or3A_573 : i32 to vector<16xi32>
        %or3A_575 = arith.ori %shift_right_arithmetic3A_572, %or3A_574 : vector<16xi32>
        %xor3A_576 = arith.xori %bitcast3A_554, %or3A_575 : vector<16xi32>
        %shift_right_arithmetic3A_577 = arith.constant 31 : i32
        %shift_right_arithmetic3A_578 = vector.broadcast %shift_right_arithmetic3A_577 : i32 to vector<16xi32>
        %shift_right_arithmetic3A_579 = arith.shrsi %bitcast3A_555, %shift_right_arithmetic3A_578 : vector<16xi32>
        %or3A_580 = arith.constant -2147483648 : i32
        %or3A_581 = vector.broadcast %or3A_580 : i32 to vector<16xi32>
        %or3A_582 = arith.ori %shift_right_arithmetic3A_579, %or3A_581 : vector<16xi32>
        %xor3A_583 = arith.xori %bitcast3A_555, %or3A_582 : vector<16xi32>
        %and3A_584 = arith.constant 2047 : i32
        %and3A_585 = vector.broadcast %and3A_584 : i32 to vector<16xi32>
        %and3A_586 = arith.andi %xor3A_562, %and3A_585 : vector<16xi32>
        %and3A_587 = arith.constant 2047 : i32
        %and3A_588 = vector.broadcast %and3A_587 : i32 to vector<16xi32>
        %and3A_589 = arith.andi %xor3A_569, %and3A_588 : vector<16xi32>
        %and3A_590 = arith.constant 2047 : i32
        %and3A_591 = vector.broadcast %and3A_590 : i32 to vector<16xi32>
        %and3A_592 = arith.andi %xor3A_576, %and3A_591 : vector<16xi32>
        %and3A_593 = arith.constant 2047 : i32
        %and3A_594 = vector.broadcast %and3A_593 : i32 to vector<16xi32>
        %and3A_595 = arith.andi %xor3A_583, %and3A_594 : vector<16xi32>
        %broadcast_in_dim3A_596 = arith.constant true
        %broadcast_in_dim3A_597 = vector.broadcast %broadcast_in_dim3A_596 : i1 to vector<16xi1>
        %unique3A_598, %unique3A_599 = tpu.scan_count mask(%broadcast_in_dim3A_597 : vector<16xi1>) value(%and3A_586 : vector<16xi32>) : vector<16xi1>, vector<16xi32>
        %broadcast_in_dim3A_600 = arith.constant true
        %broadcast_in_dim3A_601 = vector.broadcast %broadcast_in_dim3A_600 : i1 to vector<16xi1>
        %unique3A_602, %unique3A_603 = tpu.scan_count mask(%broadcast_in_dim3A_601 : vector<16xi1>) value(%and3A_589 : vector<16xi32>) : vector<16xi1>, vector<16xi32>
        %broadcast_in_dim3A_604 = arith.constant true
        %broadcast_in_dim3A_605 = vector.broadcast %broadcast_in_dim3A_604 : i1 to vector<16xi1>
        %unique3A_606, %unique3A_607 = tpu.scan_count mask(%broadcast_in_dim3A_605 : vector<16xi1>) value(%and3A_592 : vector<16xi32>) : vector<16xi1>, vector<16xi32>
        %broadcast_in_dim3A_608 = arith.constant true
        %broadcast_in_dim3A_609 = vector.broadcast %broadcast_in_dim3A_608 : i1 to vector<16xi1>
        %unique3A_610, %unique3A_611 = tpu.scan_count mask(%broadcast_in_dim3A_609 : vector<16xi1>) value(%and3A_595 : vector<16xi32>) : vector<16xi1>, vector<16xi32>
        %mul3A_612 = arith.constant 16 : i32
        %mul3A_613 = arith.muli %scan3A_531, %mul3A_612 : i32
        %swap3A_614 = arith.index_cast %mul3A_613 : i32 to index
        %swap3A_615 = tpu.vector_load %arg5[%swap3A_614] {strides = array<i32>} : memref<4096xi32, #tpu.memory_space<vmem>>, vector<16xi32>,
        tpu.vector_store %arg5[%swap3A_614], %xor3A_562 {strides = array<i32>} : memref<4096xi32, #tpu.memory_space<vmem>>, vector<16xi32>,
        %mul3A_616 = arith.constant 16 : i32
        %mul3A_617 = arith.muli %scan3A_531, %mul3A_616 : i32
        %swap3A_618 = arith.index_cast %mul3A_617 : i32 to index
        %swap3A_619 = tpu.vector_load %arg14[%swap3A_618] {strides = array<i32>} : memref<4096xi32, #tpu.memory_space<vmem>>, vector<16xi32>,
        tpu.vector_store %arg14[%swap3A_618], %xor3A_569 {strides = array<i32>} : memref<4096xi32, #tpu.memory_space<vmem>>, vector<16xi32>,
        %mul3A_620 = arith.constant 16 : i32
        %mul3A_621 = arith.muli %scan3A_531, %mul3A_620 : i32
        %swap3A_622 = arith.index_cast %mul3A_621 : i32 to index
        %swap3A_623 = tpu.vector_load %arg23[%swap3A_622] {strides = array<i32>} : memref<4096xi32, #tpu.memory_space<vmem>>, vector<16xi32>,
        tpu.vector_store %arg23[%swap3A_622], %xor3A_576 {strides = array<i32>} : memref<4096xi32, #tpu.memory_space<vmem>>, vector<16xi32>,
        %mul3A_624 = arith.constant 16 : i32
        %mul3A_625 = arith.muli %scan3A_531, %mul3A_624 : i32
        %swap3A_626 = arith.index_cast %mul3A_625 : i32 to index
        %swap3A_627 = tpu.vector_load %arg32[%swap3A_626] {strides = array<i32>} : memref<4096xi32, #tpu.memory_space<vmem>>, vector<16xi32>,
        tpu.vector_store %arg32[%swap3A_626], %xor3A_583 {strides = array<i32>} : memref<4096xi32, #tpu.memory_space<vmem>>, vector<16xi32>,
        tpu.vector_store_idx %arg9[%and3A_586], %unique3A_599 masked %unique3A_598 {add = true} : memref<2048xi32, #tpu.memory_space<vmem>>[vector<16xi32>], vector<16xi32>, vector<16xi1>
        tpu.vector_store_idx %arg18[%and3A_589], %unique3A_603 masked %unique3A_602 {add = true} : memref<2048xi32, #tpu.memory_space<vmem>>[vector<16xi32>], vector<16xi32>, vector<16xi1>
        tpu.vector_store_idx %arg27[%and3A_592], %unique3A_607 masked %unique3A_606 {add = true} : memref<2048xi32, #tpu.memory_space<vmem>>[vector<16xi32>], vector<16xi32>, vector<16xi1>
        tpu.vector_store_idx %arg36[%and3A_595], %unique3A_611 masked %unique3A_610 {add = true} : memref<2048xi32, #tpu.memory_space<vmem>>[vector<16xi32>], vector<16xi32>, vector<16xi1>
        %add3A_628 = arith.addi %bitcast3A_552, %bitcast3A_552 : vector<16xi32>
        %eq3A_629 = arith.constant 0 : i32
        %eq3A_630 = vector.broadcast %eq3A_629 : i32 to vector<16xi32>
        %eq3A_631 = arith.cmpi eq, %add3A_628, %eq3A_630 : vector<16xi32>
        %or3A_632 = arith.ori %or3A_514, %eq3A_631 : vector<16xi1>
        %add3A_633 = arith.addi %bitcast3A_553, %bitcast3A_553 : vector<16xi32>
        %eq3A_634 = arith.constant 0 : i32
        %eq3A_635 = vector.broadcast %eq3A_634 : i32 to vector<16xi32>
        %eq3A_636 = arith.cmpi eq, %add3A_633, %eq3A_635 : vector<16xi32>
        %or3A_637 = arith.ori %or3A_519, %eq3A_636 : vector<16xi1>
        %add3A_638 = arith.addi %bitcast3A_554, %bitcast3A_554 : vector<16xi32>
        %eq3A_639 = arith.constant 0 : i32
        %eq3A_640 = vector.broadcast %eq3A_639 : i32 to vector<16xi32>
        %eq3A_641 = arith.cmpi eq, %add3A_638, %eq3A_640 : vector<16xi32>
        %or3A_642 = arith.ori %or3A_524, %eq3A_641 : vector<16xi1>
        %add3A_643 = arith.addi %bitcast3A_555, %bitcast3A_555 : vector<16xi32>
        %eq3A_644 = arith.constant 0 : i32
        %eq3A_645 = vector.broadcast %eq3A_644 : i32 to vector<16xi32>
        %eq3A_646 = arith.cmpi eq, %add3A_643, %eq3A_645 : vector<16xi32>
        %or3A_647 = arith.ori %or3A_529, %eq3A_646 : vector<16xi1>
        scf.yield %or3A_632, %or3A_637, %or3A_642, %or3A_647 : vector<16xi1>, vector<16xi1>, vector<16xi1>, vector<16xi1>
      }
      %scan3A_147 = arith.constant 256 : i32
      %convert_element_type3A = arith.extui %scan3A_146#0 : vector<16xi1> to vector<16xi32>
      %reduce_max3A = arith.constant true
      %reduce_max3A_148 = vector.broadcast %reduce_max3A : i1 to vector<16xi1>
      %reduce_max3A_149 = arith.constant -2147483648 : i32
      %reduce_max3A_150 = vector.broadcast %reduce_max3A_149 : i32 to vector<16xi32>
      %reduce_max3A_151 = arith.xori %convert_element_type3A, %reduce_max3A_150 : vector<16xi32>
      %reduce_max3A_152 = tpu.scan <max>, %reduce_max3A_151 masked %reduce_max3A_148 : vector<16xi32>, vector<16xi1> -> vector<16xi32>
      %reduce_max3A_153 = arith.xori %reduce_max3A_152, %reduce_max3A_150 : vector<16xi32>
      %reduce_max3A_154 = vector.extract %reduce_max3A_153[15] : i32 from vector<16xi32>
      %gt3A = arith.constant 0 : i32
      %gt3A_155 = arith.cmpi sgt, %reduce_max3A_154, %gt3A : i32
      %convert_element_type3A_156 = arith.extui %scan3A_146#1 : vector<16xi1> to vector<16xi32>
      %reduce_max3A_157 = arith.constant true
      %reduce_max3A_158 = vector.broadcast %reduce_max3A_157 : i1 to vector<16xi1>
      %reduce_max3A_159 = arith.constant -2147483648 : i32
      %reduce_max3A_160 = vector.broadcast %reduce_max3A_159 : i32 to vector<16xi32>
      %reduce_max3A_161 = arith.xori %convert_element_type3A_156, %reduce_max3A_160 : vector<16xi32>
      %reduce_max3A_162 = tpu.scan <max>, %reduce_max3A_161 masked %reduce_max3A_158 : vector<16xi32>, vector<16xi1> -> vector<16xi32>
      %reduce_max3A_163 = arith.xori %reduce_max3A_162, %reduce_max3A_160 : vector<16xi32>
      %reduce_max3A_164 = vector.extract %reduce_max3A_163[15] : i32 from vector<16xi32>
      %gt3A_165 = arith.constant 0 : i32
      %gt3A_166 = arith.cmpi sgt, %reduce_max3A_164, %gt3A_165 : i32
      %convert_element_type3A_167 = arith.extui %scan3A_146#2 : vector<16xi1> to vector<16xi32>
      %reduce_max3A_168 = arith.constant true
      %reduce_max3A_169 = vector.broadcast %reduce_max3A_168 : i1 to vector<16xi1>
      %reduce_max3A_170 = arith.constant -2147483648 : i32
      %reduce_max3A_171 = vector.broadcast %reduce_max3A_170 : i32 to vector<16xi32>
      %reduce_max3A_172 = arith.xori %convert_element_type3A_167, %reduce_max3A_171 : vector<16xi32>
      %reduce_max3A_173 = tpu.scan <max>, %reduce_max3A_172 masked %reduce_max3A_169 : vector<16xi32>, vector<16xi1> -> vector<16xi32>
      %reduce_max3A_174 = arith.xori %reduce_max3A_173, %reduce_max3A_171 : vector<16xi32>
      %reduce_max3A_175 = vector.extract %reduce_max3A_174[15] : i32 from vector<16xi32>
      %gt3A_176 = arith.constant 0 : i32
      %gt3A_177 = arith.cmpi sgt, %reduce_max3A_175, %gt3A_176 : i32
      %convert_element_type3A_178 = arith.extui %scan3A_146#3 : vector<16xi1> to vector<16xi32>
      %reduce_max3A_179 = arith.constant true
      %reduce_max3A_180 = vector.broadcast %reduce_max3A_179 : i1 to vector<16xi1>
      %reduce_max3A_181 = arith.constant -2147483648 : i32
      %reduce_max3A_182 = vector.broadcast %reduce_max3A_181 : i32 to vector<16xi32>
      %reduce_max3A_183 = arith.xori %convert_element_type3A_178, %reduce_max3A_182 : vector<16xi32>
      %reduce_max3A_184 = tpu.scan <max>, %reduce_max3A_183 masked %reduce_max3A_180 : vector<16xi32>, vector<16xi1> -> vector<16xi32>
      %reduce_max3A_185 = arith.xori %reduce_max3A_184, %reduce_max3A_182 : vector<16xi32>
      %reduce_max3A_186 = vector.extract %reduce_max3A_185[15] : i32 from vector<16xi32>
      %gt3A_187 = arith.constant 0 : i32
      %gt3A_188 = arith.cmpi sgt, %reduce_max3A_186, %gt3A_187 : i32
      %convert_element_type3A_189 = arith.extui %gt3A_155 : i1 to i32
      %cond3A = arith.constant 0 : i32
      %cond3A_190 = arith.cmpi ne, %convert_element_type3A_189, %cond3A : i32
      %cond3A_191:2 = scf.if %cond3A_190 -> (i32, i32) {
        %add3A_416 = arith.constant 4096 : i32
        %add3A_417 = vector.broadcast %add3A_416 : i32 to vector<16xi32>
        %add3A_418 = arith.addi %broadcast_in_dim3A_1, %add3A_417 : vector<16xi32>
        %sub3A_419 = arith.constant 1 : i32
        %sub3A_420 = vector.broadcast %sub3A_419 : i32 to vector<16xi32>
        %sub3A_421 = arith.subi %broadcast_in_dim3A_1, %sub3A_420 : vector<16xi32>
        %scan3A_422 = arith.constant 0 : i32
        %scan3A_423 = arith.constant 256 : i32
        %scan3A_424 = arith.addi %scan3A_422, %scan3A_423 : i32
        %scan3A_425 = arith.constant 4 : i32
        %scan3A_426:2 = scf.for %scan3A_457 = %scan3A_422 to %scan3A_424 step %scan3A_425 iter_args(%scan3A_458 = %add3A_418, %scan3A_459 = %sub3A_421) -> (vector<16xi32>, vector<16xi32>)  : i32 {
          %mul3A_460 = arith.constant 16 : i32
          %mul3A_461 = arith.muli %scan3A_457, %mul3A_460 : i32
          %get3A = arith.index_cast %mul3A_461 : i32 to index
          %get3A_462 = tpu.vector_load %arg4[%get3A] {strides = array<i32>} : memref<4096xf32, #tpu.memory_space<vmem>>, vector<16xf32>,
          %ne3A = arith.constant 0.000000e+00 : f32
          %ne3A_463 = vector.broadcast %ne3A : f32 to vector<16xf32>
          %ne3A_464 = arith.cmpf one, %get3A_462, %ne3A_463 : vector<16xf32>
          %mul3A_465 = arith.constant 16 : i32
          %mul3A_466 = arith.muli %scan3A_457, %mul3A_465 : i32
          %add3A_467 = vector.broadcast %mul3A_466 : i32 to vector<16xi32>
          %add3A_468 = arith.addi %add3A_467, %iota3A : vector<16xi32>
          %jit3A = arith.constant 4096 : i32
          %broadcast_in_dim3A_469 = vector.broadcast %jit3A : i32 to vector<16xi32>
          %select_n3A = arith.select %ne3A_464, %add3A_468, %broadcast_in_dim3A_469 : vector<16xi1>, vector<16xi32>
          %min3A = arith.minsi %scan3A_458, %select_n3A : vector<16xi32>
          %jit3A_470 = arith.constant -1 : i32
          %broadcast_in_dim3A_471 = vector.broadcast %jit3A_470 : i32 to vector<16xi32>
          %select_n3A_472 = arith.select %ne3A_464, %add3A_468, %broadcast_in_dim3A_471 : vector<16xi1>, vector<16xi32>
          %max3A_473 = arith.maxsi %scan3A_459, %select_n3A_472 : vector<16xi32>
          %scan3A_474 = arith.constant 1 : i32
          %scan3A_475 = arith.addi %scan3A_457, %scan3A_474 : i32
          %mul3A_476 = arith.constant 16 : i32
          %mul3A_477 = arith.muli %scan3A_475, %mul3A_476 : i32
          %get3A_478 = arith.index_cast %mul3A_477 : i32 to index
          %get3A_479 = tpu.vector_load %arg4[%get3A_478] {strides = array<i32>} : memref<4096xf32, #tpu.memory_space<vmem>>, vector<16xf32>,
          %ne3A_480 = arith.constant 0.000000e+00 : f32
          %ne3A_481 = vector.broadcast %ne3A_480 : f32 to vector<16xf32>
          %ne3A_482 = arith.cmpf one, %get3A_479, %ne3A_481 : vector<16xf32>
          %mul3A_483 = arith.constant 16 : i32
          %mul3A_484 = arith.muli %scan3A_475, %mul3A_483 : i32
          %add3A_485 = vector.broadcast %mul3A_484 : i32 to vector<16xi32>
          %add3A_486 = arith.addi %add3A_485, %iota3A : vector<16xi32>
          %jit3A_487 = arith.constant 4096 : i32
          %broadcast_in_dim3A_488 = vector.broadcast %jit3A_487 : i32 to vector<16xi32>
          %select_n3A_489 = arith.select %ne3A_482, %add3A_486, %broadcast_in_dim3A_488 : vector<16xi1>, vector<16xi32>
          %min3A_490 = arith.minsi %min3A, %select_n3A_489 : vector<16xi32>
          %jit3A_491 = arith.constant -1 : i32
          %broadcast_in_dim3A_492 = vector.broadcast %jit3A_491 : i32 to vector<16xi32>
          %select_n3A_493 = arith.select %ne3A_482, %add3A_486, %broadcast_in_dim3A_492 : vector<16xi1>, vector<16xi32>
          %max3A_494 = arith.maxsi %max3A_473, %select_n3A_493 : vector<16xi32>
          %scan3A_495 = arith.constant 2 : i32
          %scan3A_496 = arith.addi %scan3A_457, %scan3A_495 : i32
          %mul3A_497 = arith.constant 16 : i32
          %mul3A_498 = arith.muli %scan3A_496, %mul3A_497 : i32
          %get3A_499 = arith.index_cast %mul3A_498 : i32 to index
          %get3A_500 = tpu.vector_load %arg4[%get3A_499] {strides = array<i32>} : memref<4096xf32, #tpu.memory_space<vmem>>, vector<16xf32>,
          %ne3A_501 = arith.constant 0.000000e+00 : f32
          %ne3A_502 = vector.broadcast %ne3A_501 : f32 to vector<16xf32>
          %ne3A_503 = arith.cmpf one, %get3A_500, %ne3A_502 : vector<16xf32>
          %mul3A_504 = arith.constant 16 : i32
          %mul3A_505 = arith.muli %scan3A_496, %mul3A_504 : i32
          %add3A_506 = vector.broadcast %mul3A_505 : i32 to vector<16xi32>
          %add3A_507 = arith.addi %add3A_506, %iota3A : vector<16xi32>
          %jit3A_508 = arith.constant 4096 : i32
          %broadcast_in_dim3A_509 = vector.broadcast %jit3A_508 : i32 to vector<16xi32>
          %select_n3A_510 = arith.select %ne3A_503, %add3A_507, %broadcast_in_dim3A_509 : vector<16xi1>, vector<16xi32>
          %min3A_511 = arith.minsi %min3A_490, %select_n3A_510 : vector<16xi32>
          %jit3A_512 = arith.constant -1 : i32
          %broadcast_in_dim3A_513 = vector.broadcast %jit3A_512 : i32 to vector<16xi32>
          %select_n3A_514 = arith.select %ne3A_503, %add3A_507, %broadcast_in_dim3A_513 : vector<16xi1>, vector<16xi32>
          %max3A_515 = arith.maxsi %max3A_494, %select_n3A_514 : vector<16xi32>
          %scan3A_516 = arith.constant 3 : i32
          %scan3A_517 = arith.addi %scan3A_457, %scan3A_516 : i32
          %mul3A_518 = arith.constant 16 : i32
          %mul3A_519 = arith.muli %scan3A_517, %mul3A_518 : i32
          %get3A_520 = arith.index_cast %mul3A_519 : i32 to index
          %get3A_521 = tpu.vector_load %arg4[%get3A_520] {strides = array<i32>} : memref<4096xf32, #tpu.memory_space<vmem>>, vector<16xf32>,
          %ne3A_522 = arith.constant 0.000000e+00 : f32
          %ne3A_523 = vector.broadcast %ne3A_522 : f32 to vector<16xf32>
          %ne3A_524 = arith.cmpf one, %get3A_521, %ne3A_523 : vector<16xf32>
          %mul3A_525 = arith.constant 16 : i32
          %mul3A_526 = arith.muli %scan3A_517, %mul3A_525 : i32
          %add3A_527 = vector.broadcast %mul3A_526 : i32 to vector<16xi32>
          %add3A_528 = arith.addi %add3A_527, %iota3A : vector<16xi32>
          %jit3A_529 = arith.constant 4096 : i32
          %broadcast_in_dim3A_530 = vector.broadcast %jit3A_529 : i32 to vector<16xi32>
          %select_n3A_531 = arith.select %ne3A_524, %add3A_528, %broadcast_in_dim3A_530 : vector<16xi1>, vector<16xi32>
          %min3A_532 = arith.minsi %min3A_511, %select_n3A_531 : vector<16xi32>
          %jit3A_533 = arith.constant -1 : i32
          %broadcast_in_dim3A_534 = vector.broadcast %jit3A_533 : i32 to vector<16xi32>
          %select_n3A_535 = arith.select %ne3A_524, %add3A_528, %broadcast_in_dim3A_534 : vector<16xi1>, vector<16xi32>
          %max3A_536 = arith.maxsi %max3A_515, %select_n3A_535 : vector<16xi32>
          scf.yield %min3A_532, %max3A_536 : vector<16xi32>, vector<16xi32>
        }
        %scan3A_427 = arith.constant 256 : i32
        %reduce_min3A = arith.constant true
        %reduce_min3A_428 = vector.broadcast %reduce_min3A : i1 to vector<16xi1>
        %reduce_min3A_429 = arith.constant -2147483648 : i32
        %reduce_min3A_430 = vector.broadcast %reduce_min3A_429 : i32 to vector<16xi32>
        %reduce_min3A_431 = arith.xori %scan3A_426#0, %reduce_min3A_430 : vector<16xi32>
        %reduce_min3A_432 = tpu.scan <min>, %reduce_min3A_431 masked %reduce_min3A_428 : vector<16xi32>, vector<16xi1> -> vector<16xi32>
        %reduce_min3A_433 = arith.xori %reduce_min3A_432, %reduce_min3A_430 : vector<16xi32>
        %reduce_min3A_434 = vector.extract %reduce_min3A_433[15] : i32 from vector<16xi32>
        %reduce_max3A_435 = arith.constant true
        %reduce_max3A_436 = vector.broadcast %reduce_max3A_435 : i1 to vector<16xi1>
        %reduce_max3A_437 = arith.constant -2147483648 : i32
        %reduce_max3A_438 = vector.broadcast %reduce_max3A_437 : i32 to vector<16xi32>
        %reduce_max3A_439 = arith.xori %scan3A_426#1, %reduce_max3A_438 : vector<16xi32>
        %reduce_max3A_440 = tpu.scan <max>, %reduce_max3A_439 masked %reduce_max3A_436 : vector<16xi32>, vector<16xi1> -> vector<16xi32>
        %reduce_max3A_441 = arith.xori %reduce_max3A_440, %reduce_max3A_438 : vector<16xi32>
        %reduce_max3A_442 = vector.extract %reduce_max3A_441[15] : i32 from vector<16xi32>
        %scan3A_443 = arith.constant 0 : i32
        %scan3A_444 = arith.constant 0 : i32
        %scan3A_445 = arith.constant 128 : i32
        %scan3A_446 = arith.addi %scan3A_444, %scan3A_445 : i32
        %scan3A_447 = arith.constant 4 : i32
        %scan3A_448 = scf.for %scan3A_457 = %scan3A_444 to %scan3A_446 step %scan3A_447 iter_args(%scan3A_458 = %scan3A_443) -> (i32)  : i32 {
          %mul3A_459 = arith.constant 16 : i32
          %mul3A_460 = arith.muli %scan3A_457, %mul3A_459 : i32
          %swap3A_461 = arith.index_cast %mul3A_460 : i32 to index
          %swap3A_462 = tpu.vector_load %arg9[%swap3A_461] {strides = array<i32>} : memref<2048xi32, #tpu.memory_space<vmem>>, vector<16xi32>,
          tpu.vector_store %arg9[%swap3A_461], %broadcast_in_dim3A_1 {strides = array<i32>} : memref<2048xi32, #tpu.memory_space<vmem>>, vector<16xi32>,
          %scan3A_463 = arith.constant 0 : i32
          %scan3A_464 = arith.constant 1 : i32
          %scan3A_465 = arith.addi %scan3A_457, %scan3A_464 : i32
          %mul3A_466 = arith.constant 16 : i32
          %mul3A_467 = arith.muli %scan3A_465, %mul3A_466 : i32
          %swap3A_468 = arith.index_cast %mul3A_467 : i32 to index
          %swap3A_469 = tpu.vector_load %arg9[%swap3A_468] {strides = array<i32>} : memref<2048xi32, #tpu.memory_space<vmem>>, vector<16xi32>,
          tpu.vector_store %arg9[%swap3A_468], %broadcast_in_dim3A_1 {strides = array<i32>} : memref<2048xi32, #tpu.memory_space<vmem>>, vector<16xi32>,
          %scan3A_470 = arith.constant 0 : i32
          %scan3A_471 = arith.constant 2 : i32
          %scan3A_472 = arith.addi %scan3A_457, %scan3A_471 : i32
          %mul3A_473 = arith.constant 16 : i32
          %mul3A_474 = arith.muli %scan3A_472, %mul3A_473 : i32
          %swap3A_475 = arith.index_cast %mul3A_474 : i32 to index
          %swap3A_476 = tpu.vector_load %arg9[%swap3A_475] {strides = array<i32>} : memref<2048xi32, #tpu.memory_space<vmem>>, vector<16xi32>,
          tpu.vector_store %arg9[%swap3A_475], %broadcast_in_dim3A_1 {strides = array<i32>} : memref<2048xi32, #tpu.memory_space<vmem>>, vector<16xi32>,
          %scan3A_477 = arith.constant 0 : i32
          %scan3A_478 = arith.constant 3 : i32
          %scan3A_479 = arith.addi %scan3A_457, %scan3A_478 : i32
          %mul3A_480 = arith.constant 16 : i32
          %mul3A_481 = arith.muli %scan3A_479, %mul3A_480 : i32
          %swap3A_482 = arith.index_cast %mul3A_481 : i32 to index
          %swap3A_483 = tpu.vector_load %arg9[%swap3A_482] {strides = array<i32>} : memref<2048xi32, #tpu.memory_space<vmem>>, vector<16xi32>,
          tpu.vector_store %arg9[%swap3A_482], %broadcast_in_dim3A_1 {strides = array<i32>} : memref<2048xi32, #tpu.memory_space<vmem>>, vector<16xi32>,
          %scan3A_484 = arith.constant 0 : i32
          scf.yield %scan3A_484 : i32
        }
        %scan3A_449 = arith.constant 128 : i32
        %scan3A_450 = arith.constant 0 : i32
        %scan3A_451 = arith.constant 0 : i32
        %scan3A_452 = arith.constant 256 : i32
        %scan3A_453 = arith.addi %scan3A_451, %scan3A_452 : i32
        %scan3A_454 = arith.constant 4 : i32
        %scan3A_455 = scf.for %scan3A_457 = %scan3A_451 to %scan3A_453 step %scan3A_454 iter_args(%scan3A_458 = %scan3A_450) -> (i32)  : i32 {
          %mul3A_459 = arith.constant 16 : i32
          %mul3A_460 = arith.muli %scan3A_457, %mul3A_459 : i32
          %get3A = arith.index_cast %mul3A_460 : i32 to index
          %get3A_461 = tpu.vector_load %arg5[%get3A] {strides = array<i32>} : memref<4096xi32, #tpu.memory_space<vmem>>, vector<16xi32>,
          %mul3A_462 = arith.constant 16 : i32
          %mul3A_463 = arith.muli %scan3A_457, %mul3A_462 : i32
          %add3A_464 = vector.broadcast %mul3A_463 : i32 to vector<16xi32>
          %add3A_465 = arith.addi %add3A_464, %iota3A : vector<16xi32>
          %ge3A = vector.broadcast %reduce_min3A_434 : i32 to vector<16xi32>
          %ge3A_466 = arith.cmpi sge, %add3A_465, %ge3A : vector<16xi32>
          %le3A = vector.broadcast %reduce_max3A_442 : i32 to vector<16xi32>
          %le3A_467 = arith.cmpi sle, %add3A_465, %le3A : vector<16xi32>
          %and3A = arith.andi %ge3A_466, %le3A_467 : vector<16xi1>
          %jit3A = arith.constant -1 : i32
          %broadcast_in_dim3A_468 = vector.broadcast %jit3A : i32 to vector<16xi32>
          %select_n3A = arith.select %and3A, %get3A_461, %broadcast_in_dim3A_468 : vector<16xi1>, vector<16xi32>
          %mul3A_469 = arith.constant 16 : i32
          %mul3A_470 = arith.muli %scan3A_457, %mul3A_469 : i32
          %swap3A_471 = arith.index_cast %mul3A_470 : i32 to index
          %swap3A_472 = tpu.vector_load %arg5[%swap3A_471] {strides = array<i32>} : memref<4096xi32, #tpu.memory_space<vmem>>, vector<16xi32>,
          tpu.vector_store %arg5[%swap3A_471], %select_n3A {strides = array<i32>} : memref<4096xi32, #tpu.memory_space<vmem>>, vector<16xi32>,
          %and3A_473 = arith.constant 2047 : i32
          %and3A_474 = vector.broadcast %and3A_473 : i32 to vector<16xi32>
          %and3A_475 = arith.andi %select_n3A, %and3A_474 : vector<16xi32>
          %broadcast_in_dim3A_476 = arith.constant true
          %broadcast_in_dim3A_477 = vector.broadcast %broadcast_in_dim3A_476 : i1 to vector<16xi1>
          %unique3A, %unique3A_478 = tpu.scan_count mask(%broadcast_in_dim3A_477 : vector<16xi1>) value(%and3A_475 : vector<16xi32>) : vector<16xi1>, vector<16xi32>
          tpu.vector_store_idx %arg9[%and3A_475], %unique3A_478 masked %unique3A {add = true} : memref<2048xi32, #tpu.memory_space<vmem>>[vector<16xi32>], vector<16xi32>, vector<16xi1>
          %scan3A_479 = arith.constant 0 : i32
          %scan3A_480 = arith.constant 1 : i32
          %scan3A_481 = arith.addi %scan3A_457, %scan3A_480 : i32
          %mul3A_482 = arith.constant 16 : i32
          %mul3A_483 = arith.muli %scan3A_481, %mul3A_482 : i32
          %get3A_484 = arith.index_cast %mul3A_483 : i32 to index
          %get3A_485 = tpu.vector_load %arg5[%get3A_484] {strides = array<i32>} : memref<4096xi32, #tpu.memory_space<vmem>>, vector<16xi32>,
          %mul3A_486 = arith.constant 16 : i32
          %mul3A_487 = arith.muli %scan3A_481, %mul3A_486 : i32
          %add3A_488 = vector.broadcast %mul3A_487 : i32 to vector<16xi32>
          %add3A_489 = arith.addi %add3A_488, %iota3A : vector<16xi32>
          %ge3A_490 = vector.broadcast %reduce_min3A_434 : i32 to vector<16xi32>
          %ge3A_491 = arith.cmpi sge, %add3A_489, %ge3A_490 : vector<16xi32>
          %le3A_492 = vector.broadcast %reduce_max3A_442 : i32 to vector<16xi32>
          %le3A_493 = arith.cmpi sle, %add3A_489, %le3A_492 : vector<16xi32>
          %and3A_494 = arith.andi %ge3A_491, %le3A_493 : vector<16xi1>
          %jit3A_495 = arith.constant -1 : i32
          %broadcast_in_dim3A_496 = vector.broadcast %jit3A_495 : i32 to vector<16xi32>
          %select_n3A_497 = arith.select %and3A_494, %get3A_485, %broadcast_in_dim3A_496 : vector<16xi1>, vector<16xi32>
          %mul3A_498 = arith.constant 16 : i32
          %mul3A_499 = arith.muli %scan3A_481, %mul3A_498 : i32
          %swap3A_500 = arith.index_cast %mul3A_499 : i32 to index
          %swap3A_501 = tpu.vector_load %arg5[%swap3A_500] {strides = array<i32>} : memref<4096xi32, #tpu.memory_space<vmem>>, vector<16xi32>,
          tpu.vector_store %arg5[%swap3A_500], %select_n3A_497 {strides = array<i32>} : memref<4096xi32, #tpu.memory_space<vmem>>, vector<16xi32>,
          %and3A_502 = arith.constant 2047 : i32
          %and3A_503 = vector.broadcast %and3A_502 : i32 to vector<16xi32>
          %and3A_504 = arith.andi %select_n3A_497, %and3A_503 : vector<16xi32>
          %broadcast_in_dim3A_505 = arith.constant true
          %broadcast_in_dim3A_506 = vector.broadcast %broadcast_in_dim3A_505 : i1 to vector<16xi1>
          %unique3A_507, %unique3A_508 = tpu.scan_count mask(%broadcast_in_dim3A_506 : vector<16xi1>) value(%and3A_504 : vector<16xi32>) : vector<16xi1>, vector<16xi32>
          tpu.vector_store_idx %arg9[%and3A_504], %unique3A_508 masked %unique3A_507 {add = true} : memref<2048xi32, #tpu.memory_space<vmem>>[vector<16xi32>], vector<16xi32>, vector<16xi1>
          %scan3A_509 = arith.constant 0 : i32
          %scan3A_510 = arith.constant 2 : i32
          %scan3A_511 = arith.addi %scan3A_457, %scan3A_510 : i32
          %mul3A_512 = arith.constant 16 : i32
          %mul3A_513 = arith.muli %scan3A_511, %mul3A_512 : i32
          %get3A_514 = arith.index_cast %mul3A_513 : i32 to index
          %get3A_515 = tpu.vector_load %arg5[%get3A_514] {strides = array<i32>} : memref<4096xi32, #tpu.memory_space<vmem>>, vector<16xi32>,
          %mul3A_516 = arith.constant 16 : i32
          %mul3A_517 = arith.muli %scan3A_511, %mul3A_516 : i32
          %add3A_518 = vector.broadcast %mul3A_517 : i32 to vector<16xi32>
          %add3A_519 = arith.addi %add3A_518, %iota3A : vector<16xi32>
          %ge3A_520 = vector.broadcast %reduce_min3A_434 : i32 to vector<16xi32>
          %ge3A_521 = arith.cmpi sge, %add3A_519, %ge3A_520 : vector<16xi32>
          %le3A_522 = vector.broadcast %reduce_max3A_442 : i32 to vector<16xi32>
          %le3A_523 = arith.cmpi sle, %add3A_519, %le3A_522 : vector<16xi32>
          %and3A_524 = arith.andi %ge3A_521, %le3A_523 : vector<16xi1>
          %jit3A_525 = arith.constant -1 : i32
          %broadcast_in_dim3A_526 = vector.broadcast %jit3A_525 : i32 to vector<16xi32>
          %select_n3A_527 = arith.select %and3A_524, %get3A_515, %broadcast_in_dim3A_526 : vector<16xi1>, vector<16xi32>
          %mul3A_528 = arith.constant 16 : i32
          %mul3A_529 = arith.muli %scan3A_511, %mul3A_528 : i32
          %swap3A_530 = arith.index_cast %mul3A_529 : i32 to index
          %swap3A_531 = tpu.vector_load %arg5[%swap3A_530] {strides = array<i32>} : memref<4096xi32, #tpu.memory_space<vmem>>, vector<16xi32>,
          tpu.vector_store %arg5[%swap3A_530], %select_n3A_527 {strides = array<i32>} : memref<4096xi32, #tpu.memory_space<vmem>>, vector<16xi32>,
          %and3A_532 = arith.constant 2047 : i32
          %and3A_533 = vector.broadcast %and3A_532 : i32 to vector<16xi32>
          %and3A_534 = arith.andi %select_n3A_527, %and3A_533 : vector<16xi32>
          %broadcast_in_dim3A_535 = arith.constant true
          %broadcast_in_dim3A_536 = vector.broadcast %broadcast_in_dim3A_535 : i1 to vector<16xi1>
          %unique3A_537, %unique3A_538 = tpu.scan_count mask(%broadcast_in_dim3A_536 : vector<16xi1>) value(%and3A_534 : vector<16xi32>) : vector<16xi1>, vector<16xi32>
          tpu.vector_store_idx %arg9[%and3A_534], %unique3A_538 masked %unique3A_537 {add = true} : memref<2048xi32, #tpu.memory_space<vmem>>[vector<16xi32>], vector<16xi32>, vector<16xi1>
          %scan3A_539 = arith.constant 0 : i32
          %scan3A_540 = arith.constant 3 : i32
          %scan3A_541 = arith.addi %scan3A_457, %scan3A_540 : i32
          %mul3A_542 = arith.constant 16 : i32
          %mul3A_543 = arith.muli %scan3A_541, %mul3A_542 : i32
          %get3A_544 = arith.index_cast %mul3A_543 : i32 to index
          %get3A_545 = tpu.vector_load %arg5[%get3A_544] {strides = array<i32>} : memref<4096xi32, #tpu.memory_space<vmem>>, vector<16xi32>,
          %mul3A_546 = arith.constant 16 : i32
          %mul3A_547 = arith.muli %scan3A_541, %mul3A_546 : i32
          %add3A_548 = vector.broadcast %mul3A_547 : i32 to vector<16xi32>
          %add3A_549 = arith.addi %add3A_548, %iota3A : vector<16xi32>
          %ge3A_550 = vector.broadcast %reduce_min3A_434 : i32 to vector<16xi32>
          %ge3A_551 = arith.cmpi sge, %add3A_549, %ge3A_550 : vector<16xi32>
          %le3A_552 = vector.broadcast %reduce_max3A_442 : i32 to vector<16xi32>
          %le3A_553 = arith.cmpi sle, %add3A_549, %le3A_552 : vector<16xi32>
          %and3A_554 = arith.andi %ge3A_551, %le3A_553 : vector<16xi1>
          %jit3A_555 = arith.constant -1 : i32
          %broadcast_in_dim3A_556 = vector.broadcast %jit3A_555 : i32 to vector<16xi32>
          %select_n3A_557 = arith.select %and3A_554, %get3A_545, %broadcast_in_dim3A_556 : vector<16xi1>, vector<16xi32>
          %mul3A_558 = arith.constant 16 : i32
          %mul3A_559 = arith.muli %scan3A_541, %mul3A_558 : i32
          %swap3A_560 = arith.index_cast %mul3A_559 : i32 to index
          %swap3A_561 = tpu.vector_load %arg5[%swap3A_560] {strides = array<i32>} : memref<4096xi32, #tpu.memory_space<vmem>>, vector<16xi32>,
          tpu.vector_store %arg5[%swap3A_560], %select_n3A_557 {strides = array<i32>} : memref<4096xi32, #tpu.memory_space<vmem>>, vector<16xi32>,
          %and3A_562 = arith.constant 2047 : i32
          %and3A_563 = vector.broadcast %and3A_562 : i32 to vector<16xi32>
          %and3A_564 = arith.andi %select_n3A_557, %and3A_563 : vector<16xi32>
          %broadcast_in_dim3A_565 = arith.constant true
          %broadcast_in_dim3A_566 = vector.broadcast %broadcast_in_dim3A_565 : i1 to vector<16xi1>
          %unique3A_567, %unique3A_568 = tpu.scan_count mask(%broadcast_in_dim3A_566 : vector<16xi1>) value(%and3A_564 : vector<16xi32>) : vector<16xi1>, vector<16xi32>
          tpu.vector_store_idx %arg9[%and3A_564], %unique3A_568 masked %unique3A_567 {add = true} : memref<2048xi32, #tpu.memory_space<vmem>>[vector<16xi32>], vector<16xi32>, vector<16xi1>
          %scan3A_569 = arith.constant 0 : i32
          scf.yield %scan3A_569 : i32
        }
        %scan3A_456 = arith.constant 256 : i32
        scf.yield %reduce_min3A_434, %reduce_max3A_442 : i32, i32
      } else {
        %cond3A_416 = arith.constant 0 : i32
        %cond3A_417 = arith.constant 4095 : i32
        scf.yield %cond3A_416, %cond3A_417 : i32, i32
      }
      %convert_element_type3A_192 = arith.extui %gt3A_166 : i1 to i32
      %cond3A_193 = arith.constant 0 : i32
      %cond3A_194 = arith.cmpi ne, %convert_element_type3A_192, %cond3A_193 : i32
      %cond3A_195:2 = scf.if %cond3A_194 -> (i32, i32) {
        %add3A_416 = arith.constant 4096 : i32
        %add3A_417 = vector.broadcast %add3A_416 : i32 to vector<16xi32>
        %add3A_418 = arith.addi %broadcast_in_dim3A_1, %add3A_417 : vector<16xi32>
        %sub3A_419 = arith.constant 1 : i32
        %sub3A_420 = vector.broadcast %sub3A_419 : i32 to vector<16xi32>
        %sub3A_421 = arith.subi %broadcast_in_dim3A_1, %sub3A_420 : vector<16xi32>
        %scan3A_422 = arith.constant 0 : i32
        %scan3A_423 = arith.constant 256 : i32
        %scan3A_424 = arith.addi %scan3A_422, %scan3A_423 : i32
        %scan3A_425 = arith.constant 4 : i32
        %scan3A_426:2 = scf.for %scan3A_457 = %scan3A_422 to %scan3A_424 step %scan3A_425 iter_args(%scan3A_458 = %add3A_418, %scan3A_459 = %sub3A_421) -> (vector<16xi32>, vector<16xi32>)  : i32 {
          %mul3A_460 = arith.constant 16 : i32
          %mul3A_461 = arith.muli %scan3A_457, %mul3A_460 : i32
          %get3A = arith.index_cast %mul3A_461 : i32 to index
          %get3A_462 = tpu.vector_load %arg13[%get3A] {strides = array<i32>} : memref<4096xf32, #tpu.memory_space<vmem>>, vector<16xf32>,
          %ne3A = arith.constant 0.000000e+00 : f32
          %ne3A_463 = vector.broadcast %ne3A : f32 to vector<16xf32>
          %ne3A_464 = arith.cmpf one, %get3A_462, %ne3A_463 : vector<16xf32>
          %mul3A_465 = arith.constant 16 : i32
          %mul3A_466 = arith.muli %scan3A_457, %mul3A_465 : i32
          %add3A_467 = vector.broadcast %mul3A_466 : i32 to vector<16xi32>
          %add3A_468 = arith.addi %add3A_467, %iota3A : vector<16xi32>
          %jit3A = arith.constant 4096 : i32
          %broadcast_in_dim3A_469 = vector.broadcast %jit3A : i32 to vector<16xi32>
          %select_n3A = arith.select %ne3A_464, %add3A_468, %broadcast_in_dim3A_469 : vector<16xi1>, vector<16xi32>
          %min3A = arith.minsi %scan3A_458, %select_n3A : vector<16xi32>
          %jit3A_470 = arith.constant -1 : i32
          %broadcast_in_dim3A_471 = vector.broadcast %jit3A_470 : i32 to vector<16xi32>
          %select_n3A_472 = arith.select %ne3A_464, %add3A_468, %broadcast_in_dim3A_471 : vector<16xi1>, vector<16xi32>
          %max3A_473 = arith.maxsi %scan3A_459, %select_n3A_472 : vector<16xi32>
          %scan3A_474 = arith.constant 1 : i32
          %scan3A_475 = arith.addi %scan3A_457, %scan3A_474 : i32
          %mul3A_476 = arith.constant 16 : i32
          %mul3A_477 = arith.muli %scan3A_475, %mul3A_476 : i32
          %get3A_478 = arith.index_cast %mul3A_477 : i32 to index
          %get3A_479 = tpu.vector_load %arg13[%get3A_478] {strides = array<i32>} : memref<4096xf32, #tpu.memory_space<vmem>>, vector<16xf32>,
          %ne3A_480 = arith.constant 0.000000e+00 : f32
          %ne3A_481 = vector.broadcast %ne3A_480 : f32 to vector<16xf32>
          %ne3A_482 = arith.cmpf one, %get3A_479, %ne3A_481 : vector<16xf32>
          %mul3A_483 = arith.constant 16 : i32
          %mul3A_484 = arith.muli %scan3A_475, %mul3A_483 : i32
          %add3A_485 = vector.broadcast %mul3A_484 : i32 to vector<16xi32>
          %add3A_486 = arith.addi %add3A_485, %iota3A : vector<16xi32>
          %jit3A_487 = arith.constant 4096 : i32
          %broadcast_in_dim3A_488 = vector.broadcast %jit3A_487 : i32 to vector<16xi32>
          %select_n3A_489 = arith.select %ne3A_482, %add3A_486, %broadcast_in_dim3A_488 : vector<16xi1>, vector<16xi32>
          %min3A_490 = arith.minsi %min3A, %select_n3A_489 : vector<16xi32>
          %jit3A_491 = arith.constant -1 : i32
          %broadcast_in_dim3A_492 = vector.broadcast %jit3A_491 : i32 to vector<16xi32>
          %select_n3A_493 = arith.select %ne3A_482, %add3A_486, %broadcast_in_dim3A_492 : vector<16xi1>, vector<16xi32>
          %max3A_494 = arith.maxsi %max3A_473, %select_n3A_493 : vector<16xi32>
          %scan3A_495 = arith.constant 2 : i32
          %scan3A_496 = arith.addi %scan3A_457, %scan3A_495 : i32
          %mul3A_497 = arith.constant 16 : i32
          %mul3A_498 = arith.muli %scan3A_496, %mul3A_497 : i32
          %get3A_499 = arith.index_cast %mul3A_498 : i32 to index
          %get3A_500 = tpu.vector_load %arg13[%get3A_499] {strides = array<i32>} : memref<4096xf32, #tpu.memory_space<vmem>>, vector<16xf32>,
          %ne3A_501 = arith.constant 0.000000e+00 : f32
          %ne3A_502 = vector.broadcast %ne3A_501 : f32 to vector<16xf32>
          %ne3A_503 = arith.cmpf one, %get3A_500, %ne3A_502 : vector<16xf32>
          %mul3A_504 = arith.constant 16 : i32
          %mul3A_505 = arith.muli %scan3A_496, %mul3A_504 : i32
          %add3A_506 = vector.broadcast %mul3A_505 : i32 to vector<16xi32>
          %add3A_507 = arith.addi %add3A_506, %iota3A : vector<16xi32>
          %jit3A_508 = arith.constant 4096 : i32
          %broadcast_in_dim3A_509 = vector.broadcast %jit3A_508 : i32 to vector<16xi32>
          %select_n3A_510 = arith.select %ne3A_503, %add3A_507, %broadcast_in_dim3A_509 : vector<16xi1>, vector<16xi32>
          %min3A_511 = arith.minsi %min3A_490, %select_n3A_510 : vector<16xi32>
          %jit3A_512 = arith.constant -1 : i32
          %broadcast_in_dim3A_513 = vector.broadcast %jit3A_512 : i32 to vector<16xi32>
          %select_n3A_514 = arith.select %ne3A_503, %add3A_507, %broadcast_in_dim3A_513 : vector<16xi1>, vector<16xi32>
          %max3A_515 = arith.maxsi %max3A_494, %select_n3A_514 : vector<16xi32>
          %scan3A_516 = arith.constant 3 : i32
          %scan3A_517 = arith.addi %scan3A_457, %scan3A_516 : i32
          %mul3A_518 = arith.constant 16 : i32
          %mul3A_519 = arith.muli %scan3A_517, %mul3A_518 : i32
          %get3A_520 = arith.index_cast %mul3A_519 : i32 to index
          %get3A_521 = tpu.vector_load %arg13[%get3A_520] {strides = array<i32>} : memref<4096xf32, #tpu.memory_space<vmem>>, vector<16xf32>,
          %ne3A_522 = arith.constant 0.000000e+00 : f32
          %ne3A_523 = vector.broadcast %ne3A_522 : f32 to vector<16xf32>
          %ne3A_524 = arith.cmpf one, %get3A_521, %ne3A_523 : vector<16xf32>
          %mul3A_525 = arith.constant 16 : i32
          %mul3A_526 = arith.muli %scan3A_517, %mul3A_525 : i32
          %add3A_527 = vector.broadcast %mul3A_526 : i32 to vector<16xi32>
          %add3A_528 = arith.addi %add3A_527, %iota3A : vector<16xi32>
          %jit3A_529 = arith.constant 4096 : i32
          %broadcast_in_dim3A_530 = vector.broadcast %jit3A_529 : i32 to vector<16xi32>
          %select_n3A_531 = arith.select %ne3A_524, %add3A_528, %broadcast_in_dim3A_530 : vector<16xi1>, vector<16xi32>
          %min3A_532 = arith.minsi %min3A_511, %select_n3A_531 : vector<16xi32>
          %jit3A_533 = arith.constant -1 : i32
          %broadcast_in_dim3A_534 = vector.broadcast %jit3A_533 : i32 to vector<16xi32>
          %select_n3A_535 = arith.select %ne3A_524, %add3A_528, %broadcast_in_dim3A_534 : vector<16xi1>, vector<16xi32>
          %max3A_536 = arith.maxsi %max3A_515, %select_n3A_535 : vector<16xi32>
          scf.yield %min3A_532, %max3A_536 : vector<16xi32>, vector<16xi32>
        }
        %scan3A_427 = arith.constant 256 : i32
        %reduce_min3A = arith.constant true
        %reduce_min3A_428 = vector.broadcast %reduce_min3A : i1 to vector<16xi1>
        %reduce_min3A_429 = arith.constant -2147483648 : i32
        %reduce_min3A_430 = vector.broadcast %reduce_min3A_429 : i32 to vector<16xi32>
        %reduce_min3A_431 = arith.xori %scan3A_426#0, %reduce_min3A_430 : vector<16xi32>
        %reduce_min3A_432 = tpu.scan <min>, %reduce_min3A_431 masked %reduce_min3A_428 : vector<16xi32>, vector<16xi1> -> vector<16xi32>
        %reduce_min3A_433 = arith.xori %reduce_min3A_432, %reduce_min3A_430 : vector<16xi32>
        %reduce_min3A_434 = vector.extract %reduce_min3A_433[15] : i32 from vector<16xi32>
        %reduce_max3A_435 = arith.constant true
        %reduce_max3A_436 = vector.broadcast %reduce_max3A_435 : i1 to vector<16xi1>
        %reduce_max3A_437 = arith.constant -2147483648 : i32
        %reduce_max3A_438 = vector.broadcast %reduce_max3A_437 : i32 to vector<16xi32>
        %reduce_max3A_439 = arith.xori %scan3A_426#1, %reduce_max3A_438 : vector<16xi32>
        %reduce_max3A_440 = tpu.scan <max>, %reduce_max3A_439 masked %reduce_max3A_436 : vector<16xi32>, vector<16xi1> -> vector<16xi32>
        %reduce_max3A_441 = arith.xori %reduce_max3A_440, %reduce_max3A_438 : vector<16xi32>
        %reduce_max3A_442 = vector.extract %reduce_max3A_441[15] : i32 from vector<16xi32>
        %scan3A_443 = arith.constant 0 : i32
        %scan3A_444 = arith.constant 0 : i32
        %scan3A_445 = arith.constant 128 : i32
        %scan3A_446 = arith.addi %scan3A_444, %scan3A_445 : i32
        %scan3A_447 = arith.constant 4 : i32
        %scan3A_448 = scf.for %scan3A_457 = %scan3A_444 to %scan3A_446 step %scan3A_447 iter_args(%scan3A_458 = %scan3A_443) -> (i32)  : i32 {
          %mul3A_459 = arith.constant 16 : i32
          %mul3A_460 = arith.muli %scan3A_457, %mul3A_459 : i32
          %swap3A_461 = arith.index_cast %mul3A_460 : i32 to index
          %swap3A_462 = tpu.vector_load %arg18[%swap3A_461] {strides = array<i32>} : memref<2048xi32, #tpu.memory_space<vmem>>, vector<16xi32>,
          tpu.vector_store %arg18[%swap3A_461], %broadcast_in_dim3A_1 {strides = array<i32>} : memref<2048xi32, #tpu.memory_space<vmem>>, vector<16xi32>,
          %scan3A_463 = arith.constant 0 : i32
          %scan3A_464 = arith.constant 1 : i32
          %scan3A_465 = arith.addi %scan3A_457, %scan3A_464 : i32
          %mul3A_466 = arith.constant 16 : i32
          %mul3A_467 = arith.muli %scan3A_465, %mul3A_466 : i32
          %swap3A_468 = arith.index_cast %mul3A_467 : i32 to index
          %swap3A_469 = tpu.vector_load %arg18[%swap3A_468] {strides = array<i32>} : memref<2048xi32, #tpu.memory_space<vmem>>, vector<16xi32>,
          tpu.vector_store %arg18[%swap3A_468], %broadcast_in_dim3A_1 {strides = array<i32>} : memref<2048xi32, #tpu.memory_space<vmem>>, vector<16xi32>,
          %scan3A_470 = arith.constant 0 : i32
          %scan3A_471 = arith.constant 2 : i32
          %scan3A_472 = arith.addi %scan3A_457, %scan3A_471 : i32
          %mul3A_473 = arith.constant 16 : i32
          %mul3A_474 = arith.muli %scan3A_472, %mul3A_473 : i32
          %swap3A_475 = arith.index_cast %mul3A_474 : i32 to index
          %swap3A_476 = tpu.vector_load %arg18[%swap3A_475] {strides = array<i32>} : memref<2048xi32, #tpu.memory_space<vmem>>, vector<16xi32>,
          tpu.vector_store %arg18[%swap3A_475], %broadcast_in_dim3A_1 {strides = array<i32>} : memref<2048xi32, #tpu.memory_space<vmem>>, vector<16xi32>,
          %scan3A_477 = arith.constant 0 : i32
          %scan3A_478 = arith.constant 3 : i32
          %scan3A_479 = arith.addi %scan3A_457, %scan3A_478 : i32
          %mul3A_480 = arith.constant 16 : i32
          %mul3A_481 = arith.muli %scan3A_479, %mul3A_480 : i32
          %swap3A_482 = arith.index_cast %mul3A_481 : i32 to index
          %swap3A_483 = tpu.vector_load %arg18[%swap3A_482] {strides = array<i32>} : memref<2048xi32, #tpu.memory_space<vmem>>, vector<16xi32>,
          tpu.vector_store %arg18[%swap3A_482], %broadcast_in_dim3A_1 {strides = array<i32>} : memref<2048xi32, #tpu.memory_space<vmem>>, vector<16xi32>,
          %scan3A_484 = arith.constant 0 : i32
          scf.yield %scan3A_484 : i32
        }
        %scan3A_449 = arith.constant 128 : i32
        %scan3A_450 = arith.constant 0 : i32
        %scan3A_451 = arith.constant 0 : i32
        %scan3A_452 = arith.constant 256 : i32
        %scan3A_453 = arith.addi %scan3A_451, %scan3A_452 : i32
        %scan3A_454 = arith.constant 4 : i32
        %scan3A_455 = scf.for %scan3A_457 = %scan3A_451 to %scan3A_453 step %scan3A_454 iter_args(%scan3A_458 = %scan3A_450) -> (i32)  : i32 {
          %mul3A_459 = arith.constant 16 : i32
          %mul3A_460 = arith.muli %scan3A_457, %mul3A_459 : i32
          %get3A = arith.index_cast %mul3A_460 : i32 to index
          %get3A_461 = tpu.vector_load %arg14[%get3A] {strides = array<i32>} : memref<4096xi32, #tpu.memory_space<vmem>>, vector<16xi32>,
          %mul3A_462 = arith.constant 16 : i32
          %mul3A_463 = arith.muli %scan3A_457, %mul3A_462 : i32
          %add3A_464 = vector.broadcast %mul3A_463 : i32 to vector<16xi32>
          %add3A_465 = arith.addi %add3A_464, %iota3A : vector<16xi32>
          %ge3A = vector.broadcast %reduce_min3A_434 : i32 to vector<16xi32>
          %ge3A_466 = arith.cmpi sge, %add3A_465, %ge3A : vector<16xi32>
          %le3A = vector.broadcast %reduce_max3A_442 : i32 to vector<16xi32>
          %le3A_467 = arith.cmpi sle, %add3A_465, %le3A : vector<16xi32>
          %and3A = arith.andi %ge3A_466, %le3A_467 : vector<16xi1>
          %jit3A = arith.constant -1 : i32
          %broadcast_in_dim3A_468 = vector.broadcast %jit3A : i32 to vector<16xi32>
          %select_n3A = arith.select %and3A, %get3A_461, %broadcast_in_dim3A_468 : vector<16xi1>, vector<16xi32>
          %mul3A_469 = arith.constant 16 : i32
          %mul3A_470 = arith.muli %scan3A_457, %mul3A_469 : i32
          %swap3A_471 = arith.index_cast %mul3A_470 : i32 to index
          %swap3A_472 = tpu.vector_load %arg14[%swap3A_471] {strides = array<i32>} : memref<4096xi32, #tpu.memory_space<vmem>>, vector<16xi32>,
          tpu.vector_store %arg14[%swap3A_471], %select_n3A {strides = array<i32>} : memref<4096xi32, #tpu.memory_space<vmem>>, vector<16xi32>,
          %and3A_473 = arith.constant 2047 : i32
          %and3A_474 = vector.broadcast %and3A_473 : i32 to vector<16xi32>
          %and3A_475 = arith.andi %select_n3A, %and3A_474 : vector<16xi32>
          %broadcast_in_dim3A_476 = arith.constant true
          %broadcast_in_dim3A_477 = vector.broadcast %broadcast_in_dim3A_476 : i1 to vector<16xi1>
          %unique3A, %unique3A_478 = tpu.scan_count mask(%broadcast_in_dim3A_477 : vector<16xi1>) value(%and3A_475 : vector<16xi32>) : vector<16xi1>, vector<16xi32>
          tpu.vector_store_idx %arg18[%and3A_475], %unique3A_478 masked %unique3A {add = true} : memref<2048xi32, #tpu.memory_space<vmem>>[vector<16xi32>], vector<16xi32>, vector<16xi1>
          %scan3A_479 = arith.constant 0 : i32
          %scan3A_480 = arith.constant 1 : i32
          %scan3A_481 = arith.addi %scan3A_457, %scan3A_480 : i32
          %mul3A_482 = arith.constant 16 : i32
          %mul3A_483 = arith.muli %scan3A_481, %mul3A_482 : i32
          %get3A_484 = arith.index_cast %mul3A_483 : i32 to index
          %get3A_485 = tpu.vector_load %arg14[%get3A_484] {strides = array<i32>} : memref<4096xi32, #tpu.memory_space<vmem>>, vector<16xi32>,
          %mul3A_486 = arith.constant 16 : i32
          %mul3A_487 = arith.muli %scan3A_481, %mul3A_486 : i32
          %add3A_488 = vector.broadcast %mul3A_487 : i32 to vector<16xi32>
          %add3A_489 = arith.addi %add3A_488, %iota3A : vector<16xi32>
          %ge3A_490 = vector.broadcast %reduce_min3A_434 : i32 to vector<16xi32>
          %ge3A_491 = arith.cmpi sge, %add3A_489, %ge3A_490 : vector<16xi32>
          %le3A_492 = vector.broadcast %reduce_max3A_442 : i32 to vector<16xi32>
          %le3A_493 = arith.cmpi sle, %add3A_489, %le3A_492 : vector<16xi32>
          %and3A_494 = arith.andi %ge3A_491, %le3A_493 : vector<16xi1>
          %jit3A_495 = arith.constant -1 : i32
          %broadcast_in_dim3A_496 = vector.broadcast %jit3A_495 : i32 to vector<16xi32>
          %select_n3A_497 = arith.select %and3A_494, %get3A_485, %broadcast_in_dim3A_496 : vector<16xi1>, vector<16xi32>
          %mul3A_498 = arith.constant 16 : i32
          %mul3A_499 = arith.muli %scan3A_481, %mul3A_498 : i32
          %swap3A_500 = arith.index_cast %mul3A_499 : i32 to index
          %swap3A_501 = tpu.vector_load %arg14[%swap3A_500] {strides = array<i32>} : memref<4096xi32, #tpu.memory_space<vmem>>, vector<16xi32>,
          tpu.vector_store %arg14[%swap3A_500], %select_n3A_497 {strides = array<i32>} : memref<4096xi32, #tpu.memory_space<vmem>>, vector<16xi32>,
          %and3A_502 = arith.constant 2047 : i32
          %and3A_503 = vector.broadcast %and3A_502 : i32 to vector<16xi32>
          %and3A_504 = arith.andi %select_n3A_497, %and3A_503 : vector<16xi32>
          %broadcast_in_dim3A_505 = arith.constant true
          %broadcast_in_dim3A_506 = vector.broadcast %broadcast_in_dim3A_505 : i1 to vector<16xi1>
          %unique3A_507, %unique3A_508 = tpu.scan_count mask(%broadcast_in_dim3A_506 : vector<16xi1>) value(%and3A_504 : vector<16xi32>) : vector<16xi1>, vector<16xi32>
          tpu.vector_store_idx %arg18[%and3A_504], %unique3A_508 masked %unique3A_507 {add = true} : memref<2048xi32, #tpu.memory_space<vmem>>[vector<16xi32>], vector<16xi32>, vector<16xi1>
          %scan3A_509 = arith.constant 0 : i32
          %scan3A_510 = arith.constant 2 : i32
          %scan3A_511 = arith.addi %scan3A_457, %scan3A_510 : i32
          %mul3A_512 = arith.constant 16 : i32
          %mul3A_513 = arith.muli %scan3A_511, %mul3A_512 : i32
          %get3A_514 = arith.index_cast %mul3A_513 : i32 to index
          %get3A_515 = tpu.vector_load %arg14[%get3A_514] {strides = array<i32>} : memref<4096xi32, #tpu.memory_space<vmem>>, vector<16xi32>,
          %mul3A_516 = arith.constant 16 : i32
          %mul3A_517 = arith.muli %scan3A_511, %mul3A_516 : i32
          %add3A_518 = vector.broadcast %mul3A_517 : i32 to vector<16xi32>
          %add3A_519 = arith.addi %add3A_518, %iota3A : vector<16xi32>
          %ge3A_520 = vector.broadcast %reduce_min3A_434 : i32 to vector<16xi32>
          %ge3A_521 = arith.cmpi sge, %add3A_519, %ge3A_520 : vector<16xi32>
          %le3A_522 = vector.broadcast %reduce_max3A_442 : i32 to vector<16xi32>
          %le3A_523 = arith.cmpi sle, %add3A_519, %le3A_522 : vector<16xi32>
          %and3A_524 = arith.andi %ge3A_521, %le3A_523 : vector<16xi1>
          %jit3A_525 = arith.constant -1 : i32
          %broadcast_in_dim3A_526 = vector.broadcast %jit3A_525 : i32 to vector<16xi32>
          %select_n3A_527 = arith.select %and3A_524, %get3A_515, %broadcast_in_dim3A_526 : vector<16xi1>, vector<16xi32>
          %mul3A_528 = arith.constant 16 : i32
          %mul3A_529 = arith.muli %scan3A_511, %mul3A_528 : i32
          %swap3A_530 = arith.index_cast %mul3A_529 : i32 to index
          %swap3A_531 = tpu.vector_load %arg14[%swap3A_530] {strides = array<i32>} : memref<4096xi32, #tpu.memory_space<vmem>>, vector<16xi32>,
          tpu.vector_store %arg14[%swap3A_530], %select_n3A_527 {strides = array<i32>} : memref<4096xi32, #tpu.memory_space<vmem>>, vector<16xi32>,
          %and3A_532 = arith.constant 2047 : i32
          %and3A_533 = vector.broadcast %and3A_532 : i32 to vector<16xi32>
          %and3A_534 = arith.andi %select_n3A_527, %and3A_533 : vector<16xi32>
          %broadcast_in_dim3A_535 = arith.constant true
          %broadcast_in_dim3A_536 = vector.broadcast %broadcast_in_dim3A_535 : i1 to vector<16xi1>
          %unique3A_537, %unique3A_538 = tpu.scan_count mask(%broadcast_in_dim3A_536 : vector<16xi1>) value(%and3A_534 : vector<16xi32>) : vector<16xi1>, vector<16xi32>
          tpu.vector_store_idx %arg18[%and3A_534], %unique3A_538 masked %unique3A_537 {add = true} : memref<2048xi32, #tpu.memory_space<vmem>>[vector<16xi32>], vector<16xi32>, vector<16xi1>
          %scan3A_539 = arith.constant 0 : i32
          %scan3A_540 = arith.constant 3 : i32
          %scan3A_541 = arith.addi %scan3A_457, %scan3A_540 : i32
          %mul3A_542 = arith.constant 16 : i32
          %mul3A_543 = arith.muli %scan3A_541, %mul3A_542 : i32
          %get3A_544 = arith.index_cast %mul3A_543 : i32 to index
          %get3A_545 = tpu.vector_load %arg14[%get3A_544] {strides = array<i32>} : memref<4096xi32, #tpu.memory_space<vmem>>, vector<16xi32>,
          %mul3A_546 = arith.constant 16 : i32
          %mul3A_547 = arith.muli %scan3A_541, %mul3A_546 : i32
          %add3A_548 = vector.broadcast %mul3A_547 : i32 to vector<16xi32>
          %add3A_549 = arith.addi %add3A_548, %iota3A : vector<16xi32>
          %ge3A_550 = vector.broadcast %reduce_min3A_434 : i32 to vector<16xi32>
          %ge3A_551 = arith.cmpi sge, %add3A_549, %ge3A_550 : vector<16xi32>
          %le3A_552 = vector.broadcast %reduce_max3A_442 : i32 to vector<16xi32>
          %le3A_553 = arith.cmpi sle, %add3A_549, %le3A_552 : vector<16xi32>
          %and3A_554 = arith.andi %ge3A_551, %le3A_553 : vector<16xi1>
          %jit3A_555 = arith.constant -1 : i32
          %broadcast_in_dim3A_556 = vector.broadcast %jit3A_555 : i32 to vector<16xi32>
          %select_n3A_557 = arith.select %and3A_554, %get3A_545, %broadcast_in_dim3A_556 : vector<16xi1>, vector<16xi32>
          %mul3A_558 = arith.constant 16 : i32
          %mul3A_559 = arith.muli %scan3A_541, %mul3A_558 : i32
          %swap3A_560 = arith.index_cast %mul3A_559 : i32 to index
          %swap3A_561 = tpu.vector_load %arg14[%swap3A_560] {strides = array<i32>} : memref<4096xi32, #tpu.memory_space<vmem>>, vector<16xi32>,
          tpu.vector_store %arg14[%swap3A_560], %select_n3A_557 {strides = array<i32>} : memref<4096xi32, #tpu.memory_space<vmem>>, vector<16xi32>,
          %and3A_562 = arith.constant 2047 : i32
          %and3A_563 = vector.broadcast %and3A_562 : i32 to vector<16xi32>
          %and3A_564 = arith.andi %select_n3A_557, %and3A_563 : vector<16xi32>
          %broadcast_in_dim3A_565 = arith.constant true
          %broadcast_in_dim3A_566 = vector.broadcast %broadcast_in_dim3A_565 : i1 to vector<16xi1>
          %unique3A_567, %unique3A_568 = tpu.scan_count mask(%broadcast_in_dim3A_566 : vector<16xi1>) value(%and3A_564 : vector<16xi32>) : vector<16xi1>, vector<16xi32>
          tpu.vector_store_idx %arg18[%and3A_564], %unique3A_568 masked %unique3A_567 {add = true} : memref<2048xi32, #tpu.memory_space<vmem>>[vector<16xi32>], vector<16xi32>, vector<16xi1>
          %scan3A_569 = arith.constant 0 : i32
          scf.yield %scan3A_569 : i32
        }
        %scan3A_456 = arith.constant 256 : i32
        scf.yield %reduce_min3A_434, %reduce_max3A_442 : i32, i32
      } else {
        %cond3A_416 = arith.constant 0 : i32
        %cond3A_417 = arith.constant 4095 : i32
        scf.yield %cond3A_416, %cond3A_417 : i32, i32
      }
      %convert_element_type3A_196 = arith.extui %gt3A_177 : i1 to i32
      %cond3A_197 = arith.constant 0 : i32
      %cond3A_198 = arith.cmpi ne, %convert_element_type3A_196, %cond3A_197 : i32
      %cond3A_199:2 = scf.if %cond3A_198 -> (i32, i32) {
        %add3A_416 = arith.constant 4096 : i32
        %add3A_417 = vector.broadcast %add3A_416 : i32 to vector<16xi32>
        %add3A_418 = arith.addi %broadcast_in_dim3A_1, %add3A_417 : vector<16xi32>
        %sub3A_419 = arith.constant 1 : i32
        %sub3A_420 = vector.broadcast %sub3A_419 : i32 to vector<16xi32>
        %sub3A_421 = arith.subi %broadcast_in_dim3A_1, %sub3A_420 : vector<16xi32>
        %scan3A_422 = arith.constant 0 : i32
        %scan3A_423 = arith.constant 256 : i32
        %scan3A_424 = arith.addi %scan3A_422, %scan3A_423 : i32
        %scan3A_425 = arith.constant 4 : i32
        %scan3A_426:2 = scf.for %scan3A_457 = %scan3A_422 to %scan3A_424 step %scan3A_425 iter_args(%scan3A_458 = %add3A_418, %scan3A_459 = %sub3A_421) -> (vector<16xi32>, vector<16xi32>)  : i32 {
          %mul3A_460 = arith.constant 16 : i32
          %mul3A_461 = arith.muli %scan3A_457, %mul3A_460 : i32
          %get3A = arith.index_cast %mul3A_461 : i32 to index
          %get3A_462 = tpu.vector_load %arg22[%get3A] {strides = array<i32>} : memref<4096xf32, #tpu.memory_space<vmem>>, vector<16xf32>,
          %ne3A = arith.constant 0.000000e+00 : f32
          %ne3A_463 = vector.broadcast %ne3A : f32 to vector<16xf32>
          %ne3A_464 = arith.cmpf one, %get3A_462, %ne3A_463 : vector<16xf32>
          %mul3A_465 = arith.constant 16 : i32
          %mul3A_466 = arith.muli %scan3A_457, %mul3A_465 : i32
          %add3A_467 = vector.broadcast %mul3A_466 : i32 to vector<16xi32>
          %add3A_468 = arith.addi %add3A_467, %iota3A : vector<16xi32>
          %jit3A = arith.constant 4096 : i32
          %broadcast_in_dim3A_469 = vector.broadcast %jit3A : i32 to vector<16xi32>
          %select_n3A = arith.select %ne3A_464, %add3A_468, %broadcast_in_dim3A_469 : vector<16xi1>, vector<16xi32>
          %min3A = arith.minsi %scan3A_458, %select_n3A : vector<16xi32>
          %jit3A_470 = arith.constant -1 : i32
          %broadcast_in_dim3A_471 = vector.broadcast %jit3A_470 : i32 to vector<16xi32>
          %select_n3A_472 = arith.select %ne3A_464, %add3A_468, %broadcast_in_dim3A_471 : vector<16xi1>, vector<16xi32>
          %max3A_473 = arith.maxsi %scan3A_459, %select_n3A_472 : vector<16xi32>
          %scan3A_474 = arith.constant 1 : i32
          %scan3A_475 = arith.addi %scan3A_457, %scan3A_474 : i32
          %mul3A_476 = arith.constant 16 : i32
          %mul3A_477 = arith.muli %scan3A_475, %mul3A_476 : i32
          %get3A_478 = arith.index_cast %mul3A_477 : i32 to index
          %get3A_479 = tpu.vector_load %arg22[%get3A_478] {strides = array<i32>} : memref<4096xf32, #tpu.memory_space<vmem>>, vector<16xf32>,
          %ne3A_480 = arith.constant 0.000000e+00 : f32
          %ne3A_481 = vector.broadcast %ne3A_480 : f32 to vector<16xf32>
          %ne3A_482 = arith.cmpf one, %get3A_479, %ne3A_481 : vector<16xf32>
          %mul3A_483 = arith.constant 16 : i32
          %mul3A_484 = arith.muli %scan3A_475, %mul3A_483 : i32
          %add3A_485 = vector.broadcast %mul3A_484 : i32 to vector<16xi32>
          %add3A_486 = arith.addi %add3A_485, %iota3A : vector<16xi32>
          %jit3A_487 = arith.constant 4096 : i32
          %broadcast_in_dim3A_488 = vector.broadcast %jit3A_487 : i32 to vector<16xi32>
          %select_n3A_489 = arith.select %ne3A_482, %add3A_486, %broadcast_in_dim3A_488 : vector<16xi1>, vector<16xi32>
          %min3A_490 = arith.minsi %min3A, %select_n3A_489 : vector<16xi32>
          %jit3A_491 = arith.constant -1 : i32
          %broadcast_in_dim3A_492 = vector.broadcast %jit3A_491 : i32 to vector<16xi32>
          %select_n3A_493 = arith.select %ne3A_482, %add3A_486, %broadcast_in_dim3A_492 : vector<16xi1>, vector<16xi32>
          %max3A_494 = arith.maxsi %max3A_473, %select_n3A_493 : vector<16xi32>
          %scan3A_495 = arith.constant 2 : i32
          %scan3A_496 = arith.addi %scan3A_457, %scan3A_495 : i32
          %mul3A_497 = arith.constant 16 : i32
          %mul3A_498 = arith.muli %scan3A_496, %mul3A_497 : i32
          %get3A_499 = arith.index_cast %mul3A_498 : i32 to index
          %get3A_500 = tpu.vector_load %arg22[%get3A_499] {strides = array<i32>} : memref<4096xf32, #tpu.memory_space<vmem>>, vector<16xf32>,
          %ne3A_501 = arith.constant 0.000000e+00 : f32
          %ne3A_502 = vector.broadcast %ne3A_501 : f32 to vector<16xf32>
          %ne3A_503 = arith.cmpf one, %get3A_500, %ne3A_502 : vector<16xf32>
          %mul3A_504 = arith.constant 16 : i32
          %mul3A_505 = arith.muli %scan3A_496, %mul3A_504 : i32
          %add3A_506 = vector.broadcast %mul3A_505 : i32 to vector<16xi32>
          %add3A_507 = arith.addi %add3A_506, %iota3A : vector<16xi32>
          %jit3A_508 = arith.constant 4096 : i32
          %broadcast_in_dim3A_509 = vector.broadcast %jit3A_508 : i32 to vector<16xi32>
          %select_n3A_510 = arith.select %ne3A_503, %add3A_507, %broadcast_in_dim3A_509 : vector<16xi1>, vector<16xi32>
          %min3A_511 = arith.minsi %min3A_490, %select_n3A_510 : vector<16xi32>
          %jit3A_512 = arith.constant -1 : i32
          %broadcast_in_dim3A_513 = vector.broadcast %jit3A_512 : i32 to vector<16xi32>
          %select_n3A_514 = arith.select %ne3A_503, %add3A_507, %broadcast_in_dim3A_513 : vector<16xi1>, vector<16xi32>
          %max3A_515 = arith.maxsi %max3A_494, %select_n3A_514 : vector<16xi32>
          %scan3A_516 = arith.constant 3 : i32
          %scan3A_517 = arith.addi %scan3A_457, %scan3A_516 : i32
          %mul3A_518 = arith.constant 16 : i32
          %mul3A_519 = arith.muli %scan3A_517, %mul3A_518 : i32
          %get3A_520 = arith.index_cast %mul3A_519 : i32 to index
          %get3A_521 = tpu.vector_load %arg22[%get3A_520] {strides = array<i32>} : memref<4096xf32, #tpu.memory_space<vmem>>, vector<16xf32>,
          %ne3A_522 = arith.constant 0.000000e+00 : f32
          %ne3A_523 = vector.broadcast %ne3A_522 : f32 to vector<16xf32>
          %ne3A_524 = arith.cmpf one, %get3A_521, %ne3A_523 : vector<16xf32>
          %mul3A_525 = arith.constant 16 : i32
          %mul3A_526 = arith.muli %scan3A_517, %mul3A_525 : i32
          %add3A_527 = vector.broadcast %mul3A_526 : i32 to vector<16xi32>
          %add3A_528 = arith.addi %add3A_527, %iota3A : vector<16xi32>
          %jit3A_529 = arith.constant 4096 : i32
          %broadcast_in_dim3A_530 = vector.broadcast %jit3A_529 : i32 to vector<16xi32>
          %select_n3A_531 = arith.select %ne3A_524, %add3A_528, %broadcast_in_dim3A_530 : vector<16xi1>, vector<16xi32>
          %min3A_532 = arith.minsi %min3A_511, %select_n3A_531 : vector<16xi32>
          %jit3A_533 = arith.constant -1 : i32
          %broadcast_in_dim3A_534 = vector.broadcast %jit3A_533 : i32 to vector<16xi32>
          %select_n3A_535 = arith.select %ne3A_524, %add3A_528, %broadcast_in_dim3A_534 : vector<16xi1>, vector<16xi32>
          %max3A_536 = arith.maxsi %max3A_515, %select_n3A_535 : vector<16xi32>
          scf.yield %min3A_532, %max3A_536 : vector<16xi32>, vector<16xi32>
        }
        %scan3A_427 = arith.constant 256 : i32
        %reduce_min3A = arith.constant true
        %reduce_min3A_428 = vector.broadcast %reduce_min3A : i1 to vector<16xi1>
        %reduce_min3A_429 = arith.constant -2147483648 : i32
        %reduce_min3A_430 = vector.broadcast %reduce_min3A_429 : i32 to vector<16xi32>
        %reduce_min3A_431 = arith.xori %scan3A_426#0, %reduce_min3A_430 : vector<16xi32>
        %reduce_min3A_432 = tpu.scan <min>, %reduce_min3A_431 masked %reduce_min3A_428 : vector<16xi32>, vector<16xi1> -> vector<16xi32>
        %reduce_min3A_433 = arith.xori %reduce_min3A_432, %reduce_min3A_430 : vector<16xi32>
        %reduce_min3A_434 = vector.extract %reduce_min3A_433[15] : i32 from vector<16xi32>
        %reduce_max3A_435 = arith.constant true
        %reduce_max3A_436 = vector.broadcast %reduce_max3A_435 : i1 to vector<16xi1>
        %reduce_max3A_437 = arith.constant -2147483648 : i32
        %reduce_max3A_438 = vector.broadcast %reduce_max3A_437 : i32 to vector<16xi32>
        %reduce_max3A_439 = arith.xori %scan3A_426#1, %reduce_max3A_438 : vector<16xi32>
        %reduce_max3A_440 = tpu.scan <max>, %reduce_max3A_439 masked %reduce_max3A_436 : vector<16xi32>, vector<16xi1> -> vector<16xi32>
        %reduce_max3A_441 = arith.xori %reduce_max3A_440, %reduce_max3A_438 : vector<16xi32>
        %reduce_max3A_442 = vector.extract %reduce_max3A_441[15] : i32 from vector<16xi32>
        %scan3A_443 = arith.constant 0 : i32
        %scan3A_444 = arith.constant 0 : i32
        %scan3A_445 = arith.constant 128 : i32
        %scan3A_446 = arith.addi %scan3A_444, %scan3A_445 : i32
        %scan3A_447 = arith.constant 4 : i32
        %scan3A_448 = scf.for %scan3A_457 = %scan3A_444 to %scan3A_446 step %scan3A_447 iter_args(%scan3A_458 = %scan3A_443) -> (i32)  : i32 {
          %mul3A_459 = arith.constant 16 : i32
          %mul3A_460 = arith.muli %scan3A_457, %mul3A_459 : i32
          %swap3A_461 = arith.index_cast %mul3A_460 : i32 to index
          %swap3A_462 = tpu.vector_load %arg27[%swap3A_461] {strides = array<i32>} : memref<2048xi32, #tpu.memory_space<vmem>>, vector<16xi32>,
          tpu.vector_store %arg27[%swap3A_461], %broadcast_in_dim3A_1 {strides = array<i32>} : memref<2048xi32, #tpu.memory_space<vmem>>, vector<16xi32>,
          %scan3A_463 = arith.constant 0 : i32
          %scan3A_464 = arith.constant 1 : i32
          %scan3A_465 = arith.addi %scan3A_457, %scan3A_464 : i32
          %mul3A_466 = arith.constant 16 : i32
          %mul3A_467 = arith.muli %scan3A_465, %mul3A_466 : i32
          %swap3A_468 = arith.index_cast %mul3A_467 : i32 to index
          %swap3A_469 = tpu.vector_load %arg27[%swap3A_468] {strides = array<i32>} : memref<2048xi32, #tpu.memory_space<vmem>>, vector<16xi32>,
          tpu.vector_store %arg27[%swap3A_468], %broadcast_in_dim3A_1 {strides = array<i32>} : memref<2048xi32, #tpu.memory_space<vmem>>, vector<16xi32>,
          %scan3A_470 = arith.constant 0 : i32
          %scan3A_471 = arith.constant 2 : i32
          %scan3A_472 = arith.addi %scan3A_457, %scan3A_471 : i32
          %mul3A_473 = arith.constant 16 : i32
          %mul3A_474 = arith.muli %scan3A_472, %mul3A_473 : i32
          %swap3A_475 = arith.index_cast %mul3A_474 : i32 to index
          %swap3A_476 = tpu.vector_load %arg27[%swap3A_475] {strides = array<i32>} : memref<2048xi32, #tpu.memory_space<vmem>>, vector<16xi32>,
          tpu.vector_store %arg27[%swap3A_475], %broadcast_in_dim3A_1 {strides = array<i32>} : memref<2048xi32, #tpu.memory_space<vmem>>, vector<16xi32>,
          %scan3A_477 = arith.constant 0 : i32
          %scan3A_478 = arith.constant 3 : i32
          %scan3A_479 = arith.addi %scan3A_457, %scan3A_478 : i32
          %mul3A_480 = arith.constant 16 : i32
          %mul3A_481 = arith.muli %scan3A_479, %mul3A_480 : i32
          %swap3A_482 = arith.index_cast %mul3A_481 : i32 to index
          %swap3A_483 = tpu.vector_load %arg27[%swap3A_482] {strides = array<i32>} : memref<2048xi32, #tpu.memory_space<vmem>>, vector<16xi32>,
          tpu.vector_store %arg27[%swap3A_482], %broadcast_in_dim3A_1 {strides = array<i32>} : memref<2048xi32, #tpu.memory_space<vmem>>, vector<16xi32>,
          %scan3A_484 = arith.constant 0 : i32
          scf.yield %scan3A_484 : i32
        }
        %scan3A_449 = arith.constant 128 : i32
        %scan3A_450 = arith.constant 0 : i32
        %scan3A_451 = arith.constant 0 : i32
        %scan3A_452 = arith.constant 256 : i32
        %scan3A_453 = arith.addi %scan3A_451, %scan3A_452 : i32
        %scan3A_454 = arith.constant 4 : i32
        %scan3A_455 = scf.for %scan3A_457 = %scan3A_451 to %scan3A_453 step %scan3A_454 iter_args(%scan3A_458 = %scan3A_450) -> (i32)  : i32 {
          %mul3A_459 = arith.constant 16 : i32
          %mul3A_460 = arith.muli %scan3A_457, %mul3A_459 : i32
          %get3A = arith.index_cast %mul3A_460 : i32 to index
          %get3A_461 = tpu.vector_load %arg23[%get3A] {strides = array<i32>} : memref<4096xi32, #tpu.memory_space<vmem>>, vector<16xi32>,
          %mul3A_462 = arith.constant 16 : i32
          %mul3A_463 = arith.muli %scan3A_457, %mul3A_462 : i32
          %add3A_464 = vector.broadcast %mul3A_463 : i32 to vector<16xi32>
          %add3A_465 = arith.addi %add3A_464, %iota3A : vector<16xi32>
          %ge3A = vector.broadcast %reduce_min3A_434 : i32 to vector<16xi32>
          %ge3A_466 = arith.cmpi sge, %add3A_465, %ge3A : vector<16xi32>
          %le3A = vector.broadcast %reduce_max3A_442 : i32 to vector<16xi32>
          %le3A_467 = arith.cmpi sle, %add3A_465, %le3A : vector<16xi32>
          %and3A = arith.andi %ge3A_466, %le3A_467 : vector<16xi1>
          %jit3A = arith.constant -1 : i32
          %broadcast_in_dim3A_468 = vector.broadcast %jit3A : i32 to vector<16xi32>
          %select_n3A = arith.select %and3A, %get3A_461, %broadcast_in_dim3A_468 : vector<16xi1>, vector<16xi32>
          %mul3A_469 = arith.constant 16 : i32
          %mul3A_470 = arith.muli %scan3A_457, %mul3A_469 : i32
          %swap3A_471 = arith.index_cast %mul3A_470 : i32 to index
          %swap3A_472 = tpu.vector_load %arg23[%swap3A_471] {strides = array<i32>} : memref<4096xi32, #tpu.memory_space<vmem>>, vector<16xi32>,
          tpu.vector_store %arg23[%swap3A_471], %select_n3A {strides = array<i32>} : memref<4096xi32, #tpu.memory_space<vmem>>, vector<16xi32>,
          %and3A_473 = arith.constant 2047 : i32
          %and3A_474 = vector.broadcast %and3A_473 : i32 to vector<16xi32>
          %and3A_475 = arith.andi %select_n3A, %and3A_474 : vector<16xi32>
          %broadcast_in_dim3A_476 = arith.constant true
          %broadcast_in_dim3A_477 = vector.broadcast %broadcast_in_dim3A_476 : i1 to vector<16xi1>
          %unique3A, %unique3A_478 = tpu.scan_count mask(%broadcast_in_dim3A_477 : vector<16xi1>) value(%and3A_475 : vector<16xi32>) : vector<16xi1>, vector<16xi32>
          tpu.vector_store_idx %arg27[%and3A_475], %unique3A_478 masked %unique3A {add = true} : memref<2048xi32, #tpu.memory_space<vmem>>[vector<16xi32>], vector<16xi32>, vector<16xi1>
          %scan3A_479 = arith.constant 0 : i32
          %scan3A_480 = arith.constant 1 : i32
          %scan3A_481 = arith.addi %scan3A_457, %scan3A_480 : i32
          %mul3A_482 = arith.constant 16 : i32
          %mul3A_483 = arith.muli %scan3A_481, %mul3A_482 : i32
          %get3A_484 = arith.index_cast %mul3A_483 : i32 to index
          %get3A_485 = tpu.vector_load %arg23[%get3A_484] {strides = array<i32>} : memref<4096xi32, #tpu.memory_space<vmem>>, vector<16xi32>,
          %mul3A_486 = arith.constant 16 : i32
          %mul3A_487 = arith.muli %scan3A_481, %mul3A_486 : i32
          %add3A_488 = vector.broadcast %mul3A_487 : i32 to vector<16xi32>
          %add3A_489 = arith.addi %add3A_488, %iota3A : vector<16xi32>
          %ge3A_490 = vector.broadcast %reduce_min3A_434 : i32 to vector<16xi32>
          %ge3A_491 = arith.cmpi sge, %add3A_489, %ge3A_490 : vector<16xi32>
          %le3A_492 = vector.broadcast %reduce_max3A_442 : i32 to vector<16xi32>
          %le3A_493 = arith.cmpi sle, %add3A_489, %le3A_492 : vector<16xi32>
          %and3A_494 = arith.andi %ge3A_491, %le3A_493 : vector<16xi1>
          %jit3A_495 = arith.constant -1 : i32
          %broadcast_in_dim3A_496 = vector.broadcast %jit3A_495 : i32 to vector<16xi32>
          %select_n3A_497 = arith.select %and3A_494, %get3A_485, %broadcast_in_dim3A_496 : vector<16xi1>, vector<16xi32>
          %mul3A_498 = arith.constant 16 : i32
          %mul3A_499 = arith.muli %scan3A_481, %mul3A_498 : i32
          %swap3A_500 = arith.index_cast %mul3A_499 : i32 to index
          %swap3A_501 = tpu.vector_load %arg23[%swap3A_500] {strides = array<i32>} : memref<4096xi32, #tpu.memory_space<vmem>>, vector<16xi32>,
          tpu.vector_store %arg23[%swap3A_500], %select_n3A_497 {strides = array<i32>} : memref<4096xi32, #tpu.memory_space<vmem>>, vector<16xi32>,
          %and3A_502 = arith.constant 2047 : i32
          %and3A_503 = vector.broadcast %and3A_502 : i32 to vector<16xi32>
          %and3A_504 = arith.andi %select_n3A_497, %and3A_503 : vector<16xi32>
          %broadcast_in_dim3A_505 = arith.constant true
          %broadcast_in_dim3A_506 = vector.broadcast %broadcast_in_dim3A_505 : i1 to vector<16xi1>
          %unique3A_507, %unique3A_508 = tpu.scan_count mask(%broadcast_in_dim3A_506 : vector<16xi1>) value(%and3A_504 : vector<16xi32>) : vector<16xi1>, vector<16xi32>
          tpu.vector_store_idx %arg27[%and3A_504], %unique3A_508 masked %unique3A_507 {add = true} : memref<2048xi32, #tpu.memory_space<vmem>>[vector<16xi32>], vector<16xi32>, vector<16xi1>
          %scan3A_509 = arith.constant 0 : i32
          %scan3A_510 = arith.constant 2 : i32
          %scan3A_511 = arith.addi %scan3A_457, %scan3A_510 : i32
          %mul3A_512 = arith.constant 16 : i32
          %mul3A_513 = arith.muli %scan3A_511, %mul3A_512 : i32
          %get3A_514 = arith.index_cast %mul3A_513 : i32 to index
          %get3A_515 = tpu.vector_load %arg23[%get3A_514] {strides = array<i32>} : memref<4096xi32, #tpu.memory_space<vmem>>, vector<16xi32>,
          %mul3A_516 = arith.constant 16 : i32
          %mul3A_517 = arith.muli %scan3A_511, %mul3A_516 : i32
          %add3A_518 = vector.broadcast %mul3A_517 : i32 to vector<16xi32>
          %add3A_519 = arith.addi %add3A_518, %iota3A : vector<16xi32>
          %ge3A_520 = vector.broadcast %reduce_min3A_434 : i32 to vector<16xi32>
          %ge3A_521 = arith.cmpi sge, %add3A_519, %ge3A_520 : vector<16xi32>
          %le3A_522 = vector.broadcast %reduce_max3A_442 : i32 to vector<16xi32>
          %le3A_523 = arith.cmpi sle, %add3A_519, %le3A_522 : vector<16xi32>
          %and3A_524 = arith.andi %ge3A_521, %le3A_523 : vector<16xi1>
          %jit3A_525 = arith.constant -1 : i32
          %broadcast_in_dim3A_526 = vector.broadcast %jit3A_525 : i32 to vector<16xi32>
          %select_n3A_527 = arith.select %and3A_524, %get3A_515, %broadcast_in_dim3A_526 : vector<16xi1>, vector<16xi32>
          %mul3A_528 = arith.constant 16 : i32
          %mul3A_529 = arith.muli %scan3A_511, %mul3A_528 : i32
          %swap3A_530 = arith.index_cast %mul3A_529 : i32 to index
          %swap3A_531 = tpu.vector_load %arg23[%swap3A_530] {strides = array<i32>} : memref<4096xi32, #tpu.memory_space<vmem>>, vector<16xi32>,
          tpu.vector_store %arg23[%swap3A_530], %select_n3A_527 {strides = array<i32>} : memref<4096xi32, #tpu.memory_space<vmem>>, vector<16xi32>,
          %and3A_532 = arith.constant 2047 : i32
          %and3A_533 = vector.broadcast %and3A_532 : i32 to vector<16xi32>
          %and3A_534 = arith.andi %select_n3A_527, %and3A_533 : vector<16xi32>
          %broadcast_in_dim3A_535 = arith.constant true
          %broadcast_in_dim3A_536 = vector.broadcast %broadcast_in_dim3A_535 : i1 to vector<16xi1>
          %unique3A_537, %unique3A_538 = tpu.scan_count mask(%broadcast_in_dim3A_536 : vector<16xi1>) value(%and3A_534 : vector<16xi32>) : vector<16xi1>, vector<16xi32>
          tpu.vector_store_idx %arg27[%and3A_534], %unique3A_538 masked %unique3A_537 {add = true} : memref<2048xi32, #tpu.memory_space<vmem>>[vector<16xi32>], vector<16xi32>, vector<16xi1>
          %scan3A_539 = arith.constant 0 : i32
          %scan3A_540 = arith.constant 3 : i32
          %scan3A_541 = arith.addi %scan3A_457, %scan3A_540 : i32
          %mul3A_542 = arith.constant 16 : i32
          %mul3A_543 = arith.muli %scan3A_541, %mul3A_542 : i32
          %get3A_544 = arith.index_cast %mul3A_543 : i32 to index
          %get3A_545 = tpu.vector_load %arg23[%get3A_544] {strides = array<i32>} : memref<4096xi32, #tpu.memory_space<vmem>>, vector<16xi32>,
          %mul3A_546 = arith.constant 16 : i32
          %mul3A_547 = arith.muli %scan3A_541, %mul3A_546 : i32
          %add3A_548 = vector.broadcast %mul3A_547 : i32 to vector<16xi32>
          %add3A_549 = arith.addi %add3A_548, %iota3A : vector<16xi32>
          %ge3A_550 = vector.broadcast %reduce_min3A_434 : i32 to vector<16xi32>
          %ge3A_551 = arith.cmpi sge, %add3A_549, %ge3A_550 : vector<16xi32>
          %le3A_552 = vector.broadcast %reduce_max3A_442 : i32 to vector<16xi32>
          %le3A_553 = arith.cmpi sle, %add3A_549, %le3A_552 : vector<16xi32>
          %and3A_554 = arith.andi %ge3A_551, %le3A_553 : vector<16xi1>
          %jit3A_555 = arith.constant -1 : i32
          %broadcast_in_dim3A_556 = vector.broadcast %jit3A_555 : i32 to vector<16xi32>
          %select_n3A_557 = arith.select %and3A_554, %get3A_545, %broadcast_in_dim3A_556 : vector<16xi1>, vector<16xi32>
          %mul3A_558 = arith.constant 16 : i32
          %mul3A_559 = arith.muli %scan3A_541, %mul3A_558 : i32
          %swap3A_560 = arith.index_cast %mul3A_559 : i32 to index
          %swap3A_561 = tpu.vector_load %arg23[%swap3A_560] {strides = array<i32>} : memref<4096xi32, #tpu.memory_space<vmem>>, vector<16xi32>,
          tpu.vector_store %arg23[%swap3A_560], %select_n3A_557 {strides = array<i32>} : memref<4096xi32, #tpu.memory_space<vmem>>, vector<16xi32>,
          %and3A_562 = arith.constant 2047 : i32
          %and3A_563 = vector.broadcast %and3A_562 : i32 to vector<16xi32>
          %and3A_564 = arith.andi %select_n3A_557, %and3A_563 : vector<16xi32>
          %broadcast_in_dim3A_565 = arith.constant true
          %broadcast_in_dim3A_566 = vector.broadcast %broadcast_in_dim3A_565 : i1 to vector<16xi1>
          %unique3A_567, %unique3A_568 = tpu.scan_count mask(%broadcast_in_dim3A_566 : vector<16xi1>) value(%and3A_564 : vector<16xi32>) : vector<16xi1>, vector<16xi32>
          tpu.vector_store_idx %arg27[%and3A_564], %unique3A_568 masked %unique3A_567 {add = true} : memref<2048xi32, #tpu.memory_space<vmem>>[vector<16xi32>], vector<16xi32>, vector<16xi1>
          %scan3A_569 = arith.constant 0 : i32
          scf.yield %scan3A_569 : i32
        }
        %scan3A_456 = arith.constant 256 : i32
        scf.yield %reduce_min3A_434, %reduce_max3A_442 : i32, i32
      } else {
        %cond3A_416 = arith.constant 0 : i32
        %cond3A_417 = arith.constant 4095 : i32
        scf.yield %cond3A_416, %cond3A_417 : i32, i32
      }
      %convert_element_type3A_200 = arith.extui %gt3A_188 : i1 to i32
      %cond3A_201 = arith.constant 0 : i32
      %cond3A_202 = arith.cmpi ne, %convert_element_type3A_200, %cond3A_201 : i32
      %cond3A_203:2 = scf.if %cond3A_202 -> (i32, i32) {
        %add3A_416 = arith.constant 4096 : i32
        %add3A_417 = vector.broadcast %add3A_416 : i32 to vector<16xi32>
        %add3A_418 = arith.addi %broadcast_in_dim3A_1, %add3A_417 : vector<16xi32>
        %sub3A_419 = arith.constant 1 : i32
        %sub3A_420 = vector.broadcast %sub3A_419 : i32 to vector<16xi32>
        %sub3A_421 = arith.subi %broadcast_in_dim3A_1, %sub3A_420 : vector<16xi32>
        %scan3A_422 = arith.constant 0 : i32
        %scan3A_423 = arith.constant 256 : i32
        %scan3A_424 = arith.addi %scan3A_422, %scan3A_423 : i32
        %scan3A_425 = arith.constant 4 : i32
        %scan3A_426:2 = scf.for %scan3A_457 = %scan3A_422 to %scan3A_424 step %scan3A_425 iter_args(%scan3A_458 = %add3A_418, %scan3A_459 = %sub3A_421) -> (vector<16xi32>, vector<16xi32>)  : i32 {
          %mul3A_460 = arith.constant 16 : i32
          %mul3A_461 = arith.muli %scan3A_457, %mul3A_460 : i32
          %get3A = arith.index_cast %mul3A_461 : i32 to index
          %get3A_462 = tpu.vector_load %arg31[%get3A] {strides = array<i32>} : memref<4096xf32, #tpu.memory_space<vmem>>, vector<16xf32>,
          %ne3A = arith.constant 0.000000e+00 : f32
          %ne3A_463 = vector.broadcast %ne3A : f32 to vector<16xf32>
          %ne3A_464 = arith.cmpf one, %get3A_462, %ne3A_463 : vector<16xf32>
          %mul3A_465 = arith.constant 16 : i32
          %mul3A_466 = arith.muli %scan3A_457, %mul3A_465 : i32
          %add3A_467 = vector.broadcast %mul3A_466 : i32 to vector<16xi32>
          %add3A_468 = arith.addi %add3A_467, %iota3A : vector<16xi32>
          %jit3A = arith.constant 4096 : i32
          %broadcast_in_dim3A_469 = vector.broadcast %jit3A : i32 to vector<16xi32>
          %select_n3A = arith.select %ne3A_464, %add3A_468, %broadcast_in_dim3A_469 : vector<16xi1>, vector<16xi32>
          %min3A = arith.minsi %scan3A_458, %select_n3A : vector<16xi32>
          %jit3A_470 = arith.constant -1 : i32
          %broadcast_in_dim3A_471 = vector.broadcast %jit3A_470 : i32 to vector<16xi32>
          %select_n3A_472 = arith.select %ne3A_464, %add3A_468, %broadcast_in_dim3A_471 : vector<16xi1>, vector<16xi32>
          %max3A_473 = arith.maxsi %scan3A_459, %select_n3A_472 : vector<16xi32>
          %scan3A_474 = arith.constant 1 : i32
          %scan3A_475 = arith.addi %scan3A_457, %scan3A_474 : i32
          %mul3A_476 = arith.constant 16 : i32
          %mul3A_477 = arith.muli %scan3A_475, %mul3A_476 : i32
          %get3A_478 = arith.index_cast %mul3A_477 : i32 to index
          %get3A_479 = tpu.vector_load %arg31[%get3A_478] {strides = array<i32>} : memref<4096xf32, #tpu.memory_space<vmem>>, vector<16xf32>,
          %ne3A_480 = arith.constant 0.000000e+00 : f32
          %ne3A_481 = vector.broadcast %ne3A_480 : f32 to vector<16xf32>
          %ne3A_482 = arith.cmpf one, %get3A_479, %ne3A_481 : vector<16xf32>
          %mul3A_483 = arith.constant 16 : i32
          %mul3A_484 = arith.muli %scan3A_475, %mul3A_483 : i32
          %add3A_485 = vector.broadcast %mul3A_484 : i32 to vector<16xi32>
          %add3A_486 = arith.addi %add3A_485, %iota3A : vector<16xi32>
          %jit3A_487 = arith.constant 4096 : i32
          %broadcast_in_dim3A_488 = vector.broadcast %jit3A_487 : i32 to vector<16xi32>
          %select_n3A_489 = arith.select %ne3A_482, %add3A_486, %broadcast_in_dim3A_488 : vector<16xi1>, vector<16xi32>
          %min3A_490 = arith.minsi %min3A, %select_n3A_489 : vector<16xi32>
          %jit3A_491 = arith.constant -1 : i32
          %broadcast_in_dim3A_492 = vector.broadcast %jit3A_491 : i32 to vector<16xi32>
          %select_n3A_493 = arith.select %ne3A_482, %add3A_486, %broadcast_in_dim3A_492 : vector<16xi1>, vector<16xi32>
          %max3A_494 = arith.maxsi %max3A_473, %select_n3A_493 : vector<16xi32>
          %scan3A_495 = arith.constant 2 : i32
          %scan3A_496 = arith.addi %scan3A_457, %scan3A_495 : i32
          %mul3A_497 = arith.constant 16 : i32
          %mul3A_498 = arith.muli %scan3A_496, %mul3A_497 : i32
          %get3A_499 = arith.index_cast %mul3A_498 : i32 to index
          %get3A_500 = tpu.vector_load %arg31[%get3A_499] {strides = array<i32>} : memref<4096xf32, #tpu.memory_space<vmem>>, vector<16xf32>,
          %ne3A_501 = arith.constant 0.000000e+00 : f32
          %ne3A_502 = vector.broadcast %ne3A_501 : f32 to vector<16xf32>
          %ne3A_503 = arith.cmpf one, %get3A_500, %ne3A_502 : vector<16xf32>
          %mul3A_504 = arith.constant 16 : i32
          %mul3A_505 = arith.muli %scan3A_496, %mul3A_504 : i32
          %add3A_506 = vector.broadcast %mul3A_505 : i32 to vector<16xi32>
          %add3A_507 = arith.addi %add3A_506, %iota3A : vector<16xi32>
          %jit3A_508 = arith.constant 4096 : i32
          %broadcast_in_dim3A_509 = vector.broadcast %jit3A_508 : i32 to vector<16xi32>
          %select_n3A_510 = arith.select %ne3A_503, %add3A_507, %broadcast_in_dim3A_509 : vector<16xi1>, vector<16xi32>
          %min3A_511 = arith.minsi %min3A_490, %select_n3A_510 : vector<16xi32>
          %jit3A_512 = arith.constant -1 : i32
          %broadcast_in_dim3A_513 = vector.broadcast %jit3A_512 : i32 to vector<16xi32>
          %select_n3A_514 = arith.select %ne3A_503, %add3A_507, %broadcast_in_dim3A_513 : vector<16xi1>, vector<16xi32>
          %max3A_515 = arith.maxsi %max3A_494, %select_n3A_514 : vector<16xi32>
          %scan3A_516 = arith.constant 3 : i32
          %scan3A_517 = arith.addi %scan3A_457, %scan3A_516 : i32
          %mul3A_518 = arith.constant 16 : i32
          %mul3A_519 = arith.muli %scan3A_517, %mul3A_518 : i32
          %get3A_520 = arith.index_cast %mul3A_519 : i32 to index
          %get3A_521 = tpu.vector_load %arg31[%get3A_520] {strides = array<i32>} : memref<4096xf32, #tpu.memory_space<vmem>>, vector<16xf32>,
          %ne3A_522 = arith.constant 0.000000e+00 : f32
          %ne3A_523 = vector.broadcast %ne3A_522 : f32 to vector<16xf32>
          %ne3A_524 = arith.cmpf one, %get3A_521, %ne3A_523 : vector<16xf32>
          %mul3A_525 = arith.constant 16 : i32
          %mul3A_526 = arith.muli %scan3A_517, %mul3A_525 : i32
          %add3A_527 = vector.broadcast %mul3A_526 : i32 to vector<16xi32>
          %add3A_528 = arith.addi %add3A_527, %iota3A : vector<16xi32>
          %jit3A_529 = arith.constant 4096 : i32
          %broadcast_in_dim3A_530 = vector.broadcast %jit3A_529 : i32 to vector<16xi32>
          %select_n3A_531 = arith.select %ne3A_524, %add3A_528, %broadcast_in_dim3A_530 : vector<16xi1>, vector<16xi32>
          %min3A_532 = arith.minsi %min3A_511, %select_n3A_531 : vector<16xi32>
          %jit3A_533 = arith.constant -1 : i32
          %broadcast_in_dim3A_534 = vector.broadcast %jit3A_533 : i32 to vector<16xi32>
          %select_n3A_535 = arith.select %ne3A_524, %add3A_528, %broadcast_in_dim3A_534 : vector<16xi1>, vector<16xi32>
          %max3A_536 = arith.maxsi %max3A_515, %select_n3A_535 : vector<16xi32>
          scf.yield %min3A_532, %max3A_536 : vector<16xi32>, vector<16xi32>
        }
        %scan3A_427 = arith.constant 256 : i32
        %reduce_min3A = arith.constant true
        %reduce_min3A_428 = vector.broadcast %reduce_min3A : i1 to vector<16xi1>
        %reduce_min3A_429 = arith.constant -2147483648 : i32
        %reduce_min3A_430 = vector.broadcast %reduce_min3A_429 : i32 to vector<16xi32>
        %reduce_min3A_431 = arith.xori %scan3A_426#0, %reduce_min3A_430 : vector<16xi32>
        %reduce_min3A_432 = tpu.scan <min>, %reduce_min3A_431 masked %reduce_min3A_428 : vector<16xi32>, vector<16xi1> -> vector<16xi32>
        %reduce_min3A_433 = arith.xori %reduce_min3A_432, %reduce_min3A_430 : vector<16xi32>
        %reduce_min3A_434 = vector.extract %reduce_min3A_433[15] : i32 from vector<16xi32>
        %reduce_max3A_435 = arith.constant true
        %reduce_max3A_436 = vector.broadcast %reduce_max3A_435 : i1 to vector<16xi1>
        %reduce_max3A_437 = arith.constant -2147483648 : i32
        %reduce_max3A_438 = vector.broadcast %reduce_max3A_437 : i32 to vector<16xi32>
        %reduce_max3A_439 = arith.xori %scan3A_426#1, %reduce_max3A_438 : vector<16xi32>
        %reduce_max3A_440 = tpu.scan <max>, %reduce_max3A_439 masked %reduce_max3A_436 : vector<16xi32>, vector<16xi1> -> vector<16xi32>
        %reduce_max3A_441 = arith.xori %reduce_max3A_440, %reduce_max3A_438 : vector<16xi32>
        %reduce_max3A_442 = vector.extract %reduce_max3A_441[15] : i32 from vector<16xi32>
        %scan3A_443 = arith.constant 0 : i32
        %scan3A_444 = arith.constant 0 : i32
        %scan3A_445 = arith.constant 128 : i32
        %scan3A_446 = arith.addi %scan3A_444, %scan3A_445 : i32
        %scan3A_447 = arith.constant 4 : i32
        %scan3A_448 = scf.for %scan3A_457 = %scan3A_444 to %scan3A_446 step %scan3A_447 iter_args(%scan3A_458 = %scan3A_443) -> (i32)  : i32 {
          %mul3A_459 = arith.constant 16 : i32
          %mul3A_460 = arith.muli %scan3A_457, %mul3A_459 : i32
          %swap3A_461 = arith.index_cast %mul3A_460 : i32 to index
          %swap3A_462 = tpu.vector_load %arg36[%swap3A_461] {strides = array<i32>} : memref<2048xi32, #tpu.memory_space<vmem>>, vector<16xi32>,
          tpu.vector_store %arg36[%swap3A_461], %broadcast_in_dim3A_1 {strides = array<i32>} : memref<2048xi32, #tpu.memory_space<vmem>>, vector<16xi32>,
          %scan3A_463 = arith.constant 0 : i32
          %scan3A_464 = arith.constant 1 : i32
          %scan3A_465 = arith.addi %scan3A_457, %scan3A_464 : i32
          %mul3A_466 = arith.constant 16 : i32
          %mul3A_467 = arith.muli %scan3A_465, %mul3A_466 : i32
          %swap3A_468 = arith.index_cast %mul3A_467 : i32 to index
          %swap3A_469 = tpu.vector_load %arg36[%swap3A_468] {strides = array<i32>} : memref<2048xi32, #tpu.memory_space<vmem>>, vector<16xi32>,
          tpu.vector_store %arg36[%swap3A_468], %broadcast_in_dim3A_1 {strides = array<i32>} : memref<2048xi32, #tpu.memory_space<vmem>>, vector<16xi32>,
          %scan3A_470 = arith.constant 0 : i32
          %scan3A_471 = arith.constant 2 : i32
          %scan3A_472 = arith.addi %scan3A_457, %scan3A_471 : i32
          %mul3A_473 = arith.constant 16 : i32
          %mul3A_474 = arith.muli %scan3A_472, %mul3A_473 : i32
          %swap3A_475 = arith.index_cast %mul3A_474 : i32 to index
          %swap3A_476 = tpu.vector_load %arg36[%swap3A_475] {strides = array<i32>} : memref<2048xi32, #tpu.memory_space<vmem>>, vector<16xi32>,
          tpu.vector_store %arg36[%swap3A_475], %broadcast_in_dim3A_1 {strides = array<i32>} : memref<2048xi32, #tpu.memory_space<vmem>>, vector<16xi32>,
          %scan3A_477 = arith.constant 0 : i32
          %scan3A_478 = arith.constant 3 : i32
          %scan3A_479 = arith.addi %scan3A_457, %scan3A_478 : i32
          %mul3A_480 = arith.constant 16 : i32
          %mul3A_481 = arith.muli %scan3A_479, %mul3A_480 : i32
          %swap3A_482 = arith.index_cast %mul3A_481 : i32 to index
          %swap3A_483 = tpu.vector_load %arg36[%swap3A_482] {strides = array<i32>} : memref<2048xi32, #tpu.memory_space<vmem>>, vector<16xi32>,
          tpu.vector_store %arg36[%swap3A_482], %broadcast_in_dim3A_1 {strides = array<i32>} : memref<2048xi32, #tpu.memory_space<vmem>>, vector<16xi32>,
          %scan3A_484 = arith.constant 0 : i32
          scf.yield %scan3A_484 : i32
        }
        %scan3A_449 = arith.constant 128 : i32
        %scan3A_450 = arith.constant 0 : i32
        %scan3A_451 = arith.constant 0 : i32
        %scan3A_452 = arith.constant 256 : i32
        %scan3A_453 = arith.addi %scan3A_451, %scan3A_452 : i32
        %scan3A_454 = arith.constant 4 : i32
        %scan3A_455 = scf.for %scan3A_457 = %scan3A_451 to %scan3A_453 step %scan3A_454 iter_args(%scan3A_458 = %scan3A_450) -> (i32)  : i32 {
          %mul3A_459 = arith.constant 16 : i32
          %mul3A_460 = arith.muli %scan3A_457, %mul3A_459 : i32
          %get3A = arith.index_cast %mul3A_460 : i32 to index
          %get3A_461 = tpu.vector_load %arg32[%get3A] {strides = array<i32>} : memref<4096xi32, #tpu.memory_space<vmem>>, vector<16xi32>,
          %mul3A_462 = arith.constant 16 : i32
          %mul3A_463 = arith.muli %scan3A_457, %mul3A_462 : i32
          %add3A_464 = vector.broadcast %mul3A_463 : i32 to vector<16xi32>
          %add3A_465 = arith.addi %add3A_464, %iota3A : vector<16xi32>
          %ge3A = vector.broadcast %reduce_min3A_434 : i32 to vector<16xi32>
          %ge3A_466 = arith.cmpi sge, %add3A_465, %ge3A : vector<16xi32>
          %le3A = vector.broadcast %reduce_max3A_442 : i32 to vector<16xi32>
          %le3A_467 = arith.cmpi sle, %add3A_465, %le3A : vector<16xi32>
          %and3A = arith.andi %ge3A_466, %le3A_467 : vector<16xi1>
          %jit3A = arith.constant -1 : i32
          %broadcast_in_dim3A_468 = vector.broadcast %jit3A : i32 to vector<16xi32>
          %select_n3A = arith.select %and3A, %get3A_461, %broadcast_in_dim3A_468 : vector<16xi1>, vector<16xi32>
          %mul3A_469 = arith.constant 16 : i32
          %mul3A_470 = arith.muli %scan3A_457, %mul3A_469 : i32
          %swap3A_471 = arith.index_cast %mul3A_470 : i32 to index
          %swap3A_472 = tpu.vector_load %arg32[%swap3A_471] {strides = array<i32>} : memref<4096xi32, #tpu.memory_space<vmem>>, vector<16xi32>,
          tpu.vector_store %arg32[%swap3A_471], %select_n3A {strides = array<i32>} : memref<4096xi32, #tpu.memory_space<vmem>>, vector<16xi32>,
          %and3A_473 = arith.constant 2047 : i32
          %and3A_474 = vector.broadcast %and3A_473 : i32 to vector<16xi32>
          %and3A_475 = arith.andi %select_n3A, %and3A_474 : vector<16xi32>
          %broadcast_in_dim3A_476 = arith.constant true
          %broadcast_in_dim3A_477 = vector.broadcast %broadcast_in_dim3A_476 : i1 to vector<16xi1>
          %unique3A, %unique3A_478 = tpu.scan_count mask(%broadcast_in_dim3A_477 : vector<16xi1>) value(%and3A_475 : vector<16xi32>) : vector<16xi1>, vector<16xi32>
          tpu.vector_store_idx %arg36[%and3A_475], %unique3A_478 masked %unique3A {add = true} : memref<2048xi32, #tpu.memory_space<vmem>>[vector<16xi32>], vector<16xi32>, vector<16xi1>
          %scan3A_479 = arith.constant 0 : i32
          %scan3A_480 = arith.constant 1 : i32
          %scan3A_481 = arith.addi %scan3A_457, %scan3A_480 : i32
          %mul3A_482 = arith.constant 16 : i32
          %mul3A_483 = arith.muli %scan3A_481, %mul3A_482 : i32
          %get3A_484 = arith.index_cast %mul3A_483 : i32 to index
          %get3A_485 = tpu.vector_load %arg32[%get3A_484] {strides = array<i32>} : memref<4096xi32, #tpu.memory_space<vmem>>, vector<16xi32>,
          %mul3A_486 = arith.constant 16 : i32
          %mul3A_487 = arith.muli %scan3A_481, %mul3A_486 : i32
          %add3A_488 = vector.broadcast %mul3A_487 : i32 to vector<16xi32>
          %add3A_489 = arith.addi %add3A_488, %iota3A : vector<16xi32>
          %ge3A_490 = vector.broadcast %reduce_min3A_434 : i32 to vector<16xi32>
          %ge3A_491 = arith.cmpi sge, %add3A_489, %ge3A_490 : vector<16xi32>
          %le3A_492 = vector.broadcast %reduce_max3A_442 : i32 to vector<16xi32>
          %le3A_493 = arith.cmpi sle, %add3A_489, %le3A_492 : vector<16xi32>
          %and3A_494 = arith.andi %ge3A_491, %le3A_493 : vector<16xi1>
          %jit3A_495 = arith.constant -1 : i32
          %broadcast_in_dim3A_496 = vector.broadcast %jit3A_495 : i32 to vector<16xi32>
          %select_n3A_497 = arith.select %and3A_494, %get3A_485, %broadcast_in_dim3A_496 : vector<16xi1>, vector<16xi32>
          %mul3A_498 = arith.constant 16 : i32
          %mul3A_499 = arith.muli %scan3A_481, %mul3A_498 : i32
          %swap3A_500 = arith.index_cast %mul3A_499 : i32 to index
          %swap3A_501 = tpu.vector_load %arg32[%swap3A_500] {strides = array<i32>} : memref<4096xi32, #tpu.memory_space<vmem>>, vector<16xi32>,
          tpu.vector_store %arg32[%swap3A_500], %select_n3A_497 {strides = array<i32>} : memref<4096xi32, #tpu.memory_space<vmem>>, vector<16xi32>,
          %and3A_502 = arith.constant 2047 : i32
          %and3A_503 = vector.broadcast %and3A_502 : i32 to vector<16xi32>
          %and3A_504 = arith.andi %select_n3A_497, %and3A_503 : vector<16xi32>
          %broadcast_in_dim3A_505 = arith.constant true
          %broadcast_in_dim3A_506 = vector.broadcast %broadcast_in_dim3A_505 : i1 to vector<16xi1>
          %unique3A_507, %unique3A_508 = tpu.scan_count mask(%broadcast_in_dim3A_506 : vector<16xi1>) value(%and3A_504 : vector<16xi32>) : vector<16xi1>, vector<16xi32>
          tpu.vector_store_idx %arg36[%and3A_504], %unique3A_508 masked %unique3A_507 {add = true} : memref<2048xi32, #tpu.memory_space<vmem>>[vector<16xi32>], vector<16xi32>, vector<16xi1>
          %scan3A_509 = arith.constant 0 : i32
          %scan3A_510 = arith.constant 2 : i32
          %scan3A_511 = arith.addi %scan3A_457, %scan3A_510 : i32
          %mul3A_512 = arith.constant 16 : i32
          %mul3A_513 = arith.muli %scan3A_511, %mul3A_512 : i32
          %get3A_514 = arith.index_cast %mul3A_513 : i32 to index
          %get3A_515 = tpu.vector_load %arg32[%get3A_514] {strides = array<i32>} : memref<4096xi32, #tpu.memory_space<vmem>>, vector<16xi32>,
          %mul3A_516 = arith.constant 16 : i32
          %mul3A_517 = arith.muli %scan3A_511, %mul3A_516 : i32
          %add3A_518 = vector.broadcast %mul3A_517 : i32 to vector<16xi32>
          %add3A_519 = arith.addi %add3A_518, %iota3A : vector<16xi32>
          %ge3A_520 = vector.broadcast %reduce_min3A_434 : i32 to vector<16xi32>
          %ge3A_521 = arith.cmpi sge, %add3A_519, %ge3A_520 : vector<16xi32>
          %le3A_522 = vector.broadcast %reduce_max3A_442 : i32 to vector<16xi32>
          %le3A_523 = arith.cmpi sle, %add3A_519, %le3A_522 : vector<16xi32>
          %and3A_524 = arith.andi %ge3A_521, %le3A_523 : vector<16xi1>
          %jit3A_525 = arith.constant -1 : i32
          %broadcast_in_dim3A_526 = vector.broadcast %jit3A_525 : i32 to vector<16xi32>
          %select_n3A_527 = arith.select %and3A_524, %get3A_515, %broadcast_in_dim3A_526 : vector<16xi1>, vector<16xi32>
          %mul3A_528 = arith.constant 16 : i32
          %mul3A_529 = arith.muli %scan3A_511, %mul3A_528 : i32
          %swap3A_530 = arith.index_cast %mul3A_529 : i32 to index
          %swap3A_531 = tpu.vector_load %arg32[%swap3A_530] {strides = array<i32>} : memref<4096xi32, #tpu.memory_space<vmem>>, vector<16xi32>,
          tpu.vector_store %arg32[%swap3A_530], %select_n3A_527 {strides = array<i32>} : memref<4096xi32, #tpu.memory_space<vmem>>, vector<16xi32>,
          %and3A_532 = arith.constant 2047 : i32
          %and3A_533 = vector.broadcast %and3A_532 : i32 to vector<16xi32>
          %and3A_534 = arith.andi %select_n3A_527, %and3A_533 : vector<16xi32>
          %broadcast_in_dim3A_535 = arith.constant true
          %broadcast_in_dim3A_536 = vector.broadcast %broadcast_in_dim3A_535 : i1 to vector<16xi1>
          %unique3A_537, %unique3A_538 = tpu.scan_count mask(%broadcast_in_dim3A_536 : vector<16xi1>) value(%and3A_534 : vector<16xi32>) : vector<16xi1>, vector<16xi32>
          tpu.vector_store_idx %arg36[%and3A_534], %unique3A_538 masked %unique3A_537 {add = true} : memref<2048xi32, #tpu.memory_space<vmem>>[vector<16xi32>], vector<16xi32>, vector<16xi1>
          %scan3A_539 = arith.constant 0 : i32
          %scan3A_540 = arith.constant 3 : i32
          %scan3A_541 = arith.addi %scan3A_457, %scan3A_540 : i32
          %mul3A_542 = arith.constant 16 : i32
          %mul3A_543 = arith.muli %scan3A_541, %mul3A_542 : i32
          %get3A_544 = arith.index_cast %mul3A_543 : i32 to index
          %get3A_545 = tpu.vector_load %arg32[%get3A_544] {strides = array<i32>} : memref<4096xi32, #tpu.memory_space<vmem>>, vector<16xi32>,
          %mul3A_546 = arith.constant 16 : i32
          %mul3A_547 = arith.muli %scan3A_541, %mul3A_546 : i32
          %add3A_548 = vector.broadcast %mul3A_547 : i32 to vector<16xi32>
          %add3A_549 = arith.addi %add3A_548, %iota3A : vector<16xi32>
          %ge3A_550 = vector.broadcast %reduce_min3A_434 : i32 to vector<16xi32>
          %ge3A_551 = arith.cmpi sge, %add3A_549, %ge3A_550 : vector<16xi32>
          %le3A_552 = vector.broadcast %reduce_max3A_442 : i32 to vector<16xi32>
          %le3A_553 = arith.cmpi sle, %add3A_549, %le3A_552 : vector<16xi32>
          %and3A_554 = arith.andi %ge3A_551, %le3A_553 : vector<16xi1>
          %jit3A_555 = arith.constant -1 : i32
          %broadcast_in_dim3A_556 = vector.broadcast %jit3A_555 : i32 to vector<16xi32>
          %select_n3A_557 = arith.select %and3A_554, %get3A_545, %broadcast_in_dim3A_556 : vector<16xi1>, vector<16xi32>
          %mul3A_558 = arith.constant 16 : i32
          %mul3A_559 = arith.muli %scan3A_541, %mul3A_558 : i32
          %swap3A_560 = arith.index_cast %mul3A_559 : i32 to index
          %swap3A_561 = tpu.vector_load %arg32[%swap3A_560] {strides = array<i32>} : memref<4096xi32, #tpu.memory_space<vmem>>, vector<16xi32>,
          tpu.vector_store %arg32[%swap3A_560], %select_n3A_557 {strides = array<i32>} : memref<4096xi32, #tpu.memory_space<vmem>>, vector<16xi32>,
          %and3A_562 = arith.constant 2047 : i32
          %and3A_563 = vector.broadcast %and3A_562 : i32 to vector<16xi32>
          %and3A_564 = arith.andi %select_n3A_557, %and3A_563 : vector<16xi32>
          %broadcast_in_dim3A_565 = arith.constant true
          %broadcast_in_dim3A_566 = vector.broadcast %broadcast_in_dim3A_565 : i1 to vector<16xi1>
          %unique3A_567, %unique3A_568 = tpu.scan_count mask(%broadcast_in_dim3A_566 : vector<16xi1>) value(%and3A_564 : vector<16xi32>) : vector<16xi1>, vector<16xi32>
          tpu.vector_store_idx %arg36[%and3A_564], %unique3A_568 masked %unique3A_567 {add = true} : memref<2048xi32, #tpu.memory_space<vmem>>[vector<16xi32>], vector<16xi32>, vector<16xi1>
          %scan3A_569 = arith.constant 0 : i32
          scf.yield %scan3A_569 : i32
        }
        %scan3A_456 = arith.constant 256 : i32
        scf.yield %reduce_min3A_434, %reduce_max3A_442 : i32, i32
      } else {
        %cond3A_416 = arith.constant 0 : i32
        %cond3A_417 = arith.constant 4095 : i32
        scf.yield %cond3A_416, %cond3A_417 : i32, i32
      }
      %sub3A = arith.subi %cond3A_191#1, %cond3A_191#0 : i32
      %add3A_204 = arith.constant 1 : i32
      %add3A_205 = arith.addi %sub3A, %add3A_204 : i32
      %sub3A_206 = arith.subi %cond3A_195#1, %cond3A_195#0 : i32
      %add3A_207 = arith.constant 1 : i32
      %add3A_208 = arith.addi %sub3A_206, %add3A_207 : i32
      %sub3A_209 = arith.subi %cond3A_199#1, %cond3A_199#0 : i32
      %add3A_210 = arith.constant 1 : i32
      %add3A_211 = arith.addi %sub3A_209, %add3A_210 : i32
      %sub3A_212 = arith.subi %cond3A_203#1, %cond3A_203#0 : i32
      %add3A_213 = arith.constant 1 : i32
      %add3A_214 = arith.addi %sub3A_212, %add3A_213 : i32
      %max3A = arith.constant 1 : i32
      %max3A_215 = arith.maxsi %add3A_205, %max3A : i32
      %max3A_216 = arith.constant 1 : i32
      %max3A_217 = arith.maxsi %add3A_208, %max3A_216 : i32
      %max3A_218 = arith.constant 1 : i32
      %max3A_219 = arith.maxsi %add3A_211, %max3A_218 : i32
      %max3A_220 = arith.constant 1 : i32
      %max3A_221 = arith.maxsi %add3A_214, %max3A_220 : i32
      %lt3A_222 = arith.constant 31 : i32
      %lt3A_223 = arith.cmpi slt, %scan3A_85, %lt3A_222 : i32
      %convert_element_type3A_224 = arith.extui %lt3A_223 : i1 to i32
      %cond3A_225 = arith.constant 0 : i32
      %cond3A_226 = arith.cmpi ne, %convert_element_type3A_224, %cond3A_225 : i32
      scf.if %cond3A_226 {
        %add3A_416 = arith.constant 4 : i32
        %add3A_417 = arith.addi %add3A_91, %add3A_416 : i32
        %add3A_418 = arith.constant 0 : i32
        %add3A_419 = arith.addi %add3A_417, %add3A_418 : i32
        %dma_start3A_420 = arith.constant 0 : i32
        %dma_start3A_421 = tpu.memref_slice %arg2[%add3A_419, %dma_start3A_420] : memref<4096x4096xf32, #tpu.memory_space<hbm>> -> memref<1x4096xf32, #tpu.memory_space<hbm>>
        %dma_start3A_422 = tpu.memref_squeeze %dma_start3A_421 : memref<1x4096xf32, #tpu.memory_space<hbm>> -> memref<4096xf32, #tpu.memory_space<hbm>>
        %dma_start3A_423 = arith.constant 0 : i32
        %dma_start3A_424 = tpu.memref_slice %arg2[%add3A_419, %dma_start3A_423] : memref<4096x4096xf32, #tpu.memory_space<hbm>> -> memref<1x4096xf32, #tpu.memory_space<hbm>>
        %dma_start3A_425 = tpu.memref_squeeze %dma_start3A_424 : memref<1x4096xf32, #tpu.memory_space<hbm>> -> memref<4096xf32, #tpu.memory_space<hbm>>
        tpu.enqueue_dma source(%dma_start3A_425 : memref<4096xf32, #tpu.memory_space<hbm>>) target(%arg4 : memref<4096xf32, #tpu.memory_space<vmem>>) target_semaphore(%arg40 : memref<!tpu.dma_semaphore, #tpu.memory_space<semaphore_mem>>)
        %add3A_426 = arith.constant 4 : i32
        %add3A_427 = arith.addi %add3A_91, %add3A_426 : i32
        %add3A_428 = arith.constant 1 : i32
        %add3A_429 = arith.addi %add3A_427, %add3A_428 : i32
        %dma_start3A_430 = arith.constant 0 : i32
        %dma_start3A_431 = tpu.memref_slice %arg2[%add3A_429, %dma_start3A_430] : memref<4096x4096xf32, #tpu.memory_space<hbm>> -> memref<1x4096xf32, #tpu.memory_space<hbm>>
        %dma_start3A_432 = tpu.memref_squeeze %dma_start3A_431 : memref<1x4096xf32, #tpu.memory_space<hbm>> -> memref<4096xf32, #tpu.memory_space<hbm>>
        %dma_start3A_433 = arith.constant 0 : i32
        %dma_start3A_434 = tpu.memref_slice %arg2[%add3A_429, %dma_start3A_433] : memref<4096x4096xf32, #tpu.memory_space<hbm>> -> memref<1x4096xf32, #tpu.memory_space<hbm>>
        %dma_start3A_435 = tpu.memref_squeeze %dma_start3A_434 : memref<1x4096xf32, #tpu.memory_space<hbm>> -> memref<4096xf32, #tpu.memory_space<hbm>>
        tpu.enqueue_dma source(%dma_start3A_435 : memref<4096xf32, #tpu.memory_space<hbm>>) target(%arg13 : memref<4096xf32, #tpu.memory_space<vmem>>) target_semaphore(%arg41 : memref<!tpu.dma_semaphore, #tpu.memory_space<semaphore_mem>>)
        %add3A_436 = arith.constant 4 : i32
        %add3A_437 = arith.addi %add3A_91, %add3A_436 : i32
        %add3A_438 = arith.constant 2 : i32
        %add3A_439 = arith.addi %add3A_437, %add3A_438 : i32
        %dma_start3A_440 = arith.constant 0 : i32
        %dma_start3A_441 = tpu.memref_slice %arg2[%add3A_439, %dma_start3A_440] : memref<4096x4096xf32, #tpu.memory_space<hbm>> -> memref<1x4096xf32, #tpu.memory_space<hbm>>
        %dma_start3A_442 = tpu.memref_squeeze %dma_start3A_441 : memref<1x4096xf32, #tpu.memory_space<hbm>> -> memref<4096xf32, #tpu.memory_space<hbm>>
        %dma_start3A_443 = arith.constant 0 : i32
        %dma_start3A_444 = tpu.memref_slice %arg2[%add3A_439, %dma_start3A_443] : memref<4096x4096xf32, #tpu.memory_space<hbm>> -> memref<1x4096xf32, #tpu.memory_space<hbm>>
        %dma_start3A_445 = tpu.memref_squeeze %dma_start3A_444 : memref<1x4096xf32, #tpu.memory_space<hbm>> -> memref<4096xf32, #tpu.memory_space<hbm>>
        tpu.enqueue_dma source(%dma_start3A_445 : memref<4096xf32, #tpu.memory_space<hbm>>) target(%arg22 : memref<4096xf32, #tpu.memory_space<vmem>>) target_semaphore(%arg42 : memref<!tpu.dma_semaphore, #tpu.memory_space<semaphore_mem>>)
        %add3A_446 = arith.constant 4 : i32
        %add3A_447 = arith.addi %add3A_91, %add3A_446 : i32
        %add3A_448 = arith.constant 3 : i32
        %add3A_449 = arith.addi %add3A_447, %add3A_448 : i32
        %dma_start3A_450 = arith.constant 0 : i32
        %dma_start3A_451 = tpu.memref_slice %arg2[%add3A_449, %dma_start3A_450] : memref<4096x4096xf32, #tpu.memory_space<hbm>> -> memref<1x4096xf32, #tpu.memory_space<hbm>>
        %dma_start3A_452 = tpu.memref_squeeze %dma_start3A_451 : memref<1x4096xf32, #tpu.memory_space<hbm>> -> memref<4096xf32, #tpu.memory_space<hbm>>
        %dma_start3A_453 = arith.constant 0 : i32
        %dma_start3A_454 = tpu.memref_slice %arg2[%add3A_449, %dma_start3A_453] : memref<4096x4096xf32, #tpu.memory_space<hbm>> -> memref<1x4096xf32, #tpu.memory_space<hbm>>
        %dma_start3A_455 = tpu.memref_squeeze %dma_start3A_454 : memref<1x4096xf32, #tpu.memory_space<hbm>> -> memref<4096xf32, #tpu.memory_space<hbm>>
        tpu.enqueue_dma source(%dma_start3A_455 : memref<4096xf32, #tpu.memory_space<hbm>>) target(%arg31 : memref<4096xf32, #tpu.memory_space<vmem>>) target_semaphore(%arg43 : memref<!tpu.dma_semaphore, #tpu.memory_space<semaphore_mem>>)
      } else {
      }
      %add3A_227 = arith.constant 15 : i32
      %add3A_228 = vector.broadcast %add3A_227 : i32 to vector<16xi32>
      %add3A_229 = arith.addi %broadcast_in_dim3A_1, %add3A_228 : vector<16xi32>
      %scan3A_230 = arith.constant 0 : i32
      %scan3A_231 = arith.constant 128 : i32
      %scan3A_232 = arith.addi %scan3A_230, %scan3A_231 : i32
      %scan3A_233 = arith.constant 2 : i32
      %scan3A_234:4 = scf.for %scan3A_416 = %scan3A_230 to %scan3A_232 step %scan3A_233 iter_args(%scan3A_417 = %broadcast_in_dim3A_1, %scan3A_418 = %broadcast_in_dim3A_1, %scan3A_419 = %broadcast_in_dim3A_1, %scan3A_420 = %broadcast_in_dim3A_1) -> (vector<16xi32>, vector<16xi32>, vector<16xi32>, vector<16xi32>)  : i32 {
        %mul3A_421 = arith.constant 16 : i32
        %mul3A_422 = arith.muli %scan3A_416, %mul3A_421 : i32
        %get3A = arith.index_cast %mul3A_422 : i32 to index
        %get3A_423 = tpu.vector_load %arg9[%get3A] {strides = array<i32>} : memref<2048xi32, #tpu.memory_space<vmem>>, vector<16xi32>,
        %mul3A_424 = arith.constant 16 : i32
        %mul3A_425 = arith.muli %scan3A_416, %mul3A_424 : i32
        %get3A_426 = arith.index_cast %mul3A_425 : i32 to index
        %get3A_427 = tpu.vector_load %arg18[%get3A_426] {strides = array<i32>} : memref<2048xi32, #tpu.memory_space<vmem>>, vector<16xi32>,
        %mul3A_428 = arith.constant 16 : i32
        %mul3A_429 = arith.muli %scan3A_416, %mul3A_428 : i32
        %get3A_430 = arith.index_cast %mul3A_429 : i32 to index
        %get3A_431 = tpu.vector_load %arg27[%get3A_430] {strides = array<i32>} : memref<2048xi32, #tpu.memory_space<vmem>>, vector<16xi32>,
        %mul3A_432 = arith.constant 16 : i32
        %mul3A_433 = arith.muli %scan3A_416, %mul3A_432 : i32
        %get3A_434 = arith.index_cast %mul3A_433 : i32 to index
        %get3A_435 = tpu.vector_load %arg36[%get3A_434] {strides = array<i32>} : memref<2048xi32, #tpu.memory_space<vmem>>, vector<16xi32>,
        %broadcast_in_dim3A_436 = arith.constant true
        %broadcast_in_dim3A_437 = vector.broadcast %broadcast_in_dim3A_436 : i1 to vector<16xi1>
        %masked_cumsum3A = tpu.scan <sum>, %get3A_423 masked %broadcast_in_dim3A_437 : vector<16xi32>, vector<16xi1> -> vector<16xi32>
        %broadcast_in_dim3A_438 = arith.constant true
        %broadcast_in_dim3A_439 = vector.broadcast %broadcast_in_dim3A_438 : i1 to vector<16xi1>
        %masked_cumsum3A_440 = tpu.scan <sum>, %get3A_427 masked %broadcast_in_dim3A_439 : vector<16xi32>, vector<16xi1> -> vector<16xi32>
        %broadcast_in_dim3A_441 = arith.constant true
        %broadcast_in_dim3A_442 = vector.broadcast %broadcast_in_dim3A_441 : i1 to vector<16xi1>
        %masked_cumsum3A_443 = tpu.scan <sum>, %get3A_431 masked %broadcast_in_dim3A_442 : vector<16xi32>, vector<16xi1> -> vector<16xi32>
        %broadcast_in_dim3A_444 = arith.constant true
        %broadcast_in_dim3A_445 = vector.broadcast %broadcast_in_dim3A_444 : i1 to vector<16xi1>
        %masked_cumsum3A_446 = tpu.scan <sum>, %get3A_435 masked %broadcast_in_dim3A_445 : vector<16xi32>, vector<16xi1> -> vector<16xi32>
        %sub3A_447 = arith.subi %masked_cumsum3A, %get3A_423 : vector<16xi32>
        %add3A_448 = arith.addi %sub3A_447, %scan3A_417 : vector<16xi32>
        %mul3A_449 = arith.constant 16 : i32
        %mul3A_450 = arith.muli %scan3A_416, %mul3A_449 : i32
        %swap3A_451 = arith.index_cast %mul3A_450 : i32 to index
        %swap3A_452 = tpu.vector_load %arg9[%swap3A_451] {strides = array<i32>} : memref<2048xi32, #tpu.memory_space<vmem>>, vector<16xi32>,
        tpu.vector_store %arg9[%swap3A_451], %add3A_448 {strides = array<i32>} : memref<2048xi32, #tpu.memory_space<vmem>>, vector<16xi32>,
        %sub3A_453 = arith.subi %masked_cumsum3A_440, %get3A_427 : vector<16xi32>
        %add3A_454 = arith.addi %sub3A_453, %scan3A_418 : vector<16xi32>
        %mul3A_455 = arith.constant 16 : i32
        %mul3A_456 = arith.muli %scan3A_416, %mul3A_455 : i32
        %swap3A_457 = arith.index_cast %mul3A_456 : i32 to index
        %swap3A_458 = tpu.vector_load %arg18[%swap3A_457] {strides = array<i32>} : memref<2048xi32, #tpu.memory_space<vmem>>, vector<16xi32>,
        tpu.vector_store %arg18[%swap3A_457], %add3A_454 {strides = array<i32>} : memref<2048xi32, #tpu.memory_space<vmem>>, vector<16xi32>,
        %sub3A_459 = arith.subi %masked_cumsum3A_443, %get3A_431 : vector<16xi32>
        %add3A_460 = arith.addi %sub3A_459, %scan3A_419 : vector<16xi32>
        %mul3A_461 = arith.constant 16 : i32
        %mul3A_462 = arith.muli %scan3A_416, %mul3A_461 : i32
        %swap3A_463 = arith.index_cast %mul3A_462 : i32 to index
        %swap3A_464 = tpu.vector_load %arg27[%swap3A_463] {strides = array<i32>} : memref<2048xi32, #tpu.memory_space<vmem>>, vector<16xi32>,
        tpu.vector_store %arg27[%swap3A_463], %add3A_460 {strides = array<i32>} : memref<2048xi32, #tpu.memory_space<vmem>>, vector<16xi32>,
        %sub3A_465 = arith.subi %masked_cumsum3A_446, %get3A_435 : vector<16xi32>
        %add3A_466 = arith.addi %sub3A_465, %scan3A_420 : vector<16xi32>
        %mul3A_467 = arith.constant 16 : i32
        %mul3A_468 = arith.muli %scan3A_416, %mul3A_467 : i32
        %swap3A_469 = arith.index_cast %mul3A_468 : i32 to index
        %swap3A_470 = tpu.vector_load %arg36[%swap3A_469] {strides = array<i32>} : memref<2048xi32, #tpu.memory_space<vmem>>, vector<16xi32>,
        tpu.vector_store %arg36[%swap3A_469], %add3A_466 {strides = array<i32>} : memref<2048xi32, #tpu.memory_space<vmem>>, vector<16xi32>,
        %lt3A_471 = arith.constant 64 : i32
        %lt3A_472 = arith.cmpi slt, %scan3A_416, %lt3A_471 : i32
        %convert_element_type3A_473 = arith.extui %lt3A_472 : i1 to i32
        %cond3A_474 = arith.constant 0 : i32
        %cond3A_475 = arith.cmpi ne, %convert_element_type3A_473, %cond3A_474 : i32
        scf.if %cond3A_475 {
          %mul3A_620 = arith.constant 16 : i32
          %mul3A_621 = arith.muli %scan3A_416, %mul3A_620 : i32
          %swap3A_622 = arith.index_cast %mul3A_621 : i32 to index
          %swap3A_623 = tpu.vector_load %arg10[%swap3A_622] {strides = array<i32>} : memref<1024xi32, #tpu.memory_space<vmem>>, vector<16xi32>,
          tpu.vector_store %arg10[%swap3A_622], %broadcast_in_dim3A_1 {strides = array<i32>} : memref<1024xi32, #tpu.memory_space<vmem>>, vector<16xi32>,
          %mul3A_624 = arith.constant 16 : i32
          %mul3A_625 = arith.muli %scan3A_416, %mul3A_624 : i32
          %swap3A_626 = arith.index_cast %mul3A_625 : i32 to index
          %swap3A_627 = tpu.vector_load %arg19[%swap3A_626] {strides = array<i32>} : memref<1024xi32, #tpu.memory_space<vmem>>, vector<16xi32>,
          tpu.vector_store %arg19[%swap3A_626], %broadcast_in_dim3A_1 {strides = array<i32>} : memref<1024xi32, #tpu.memory_space<vmem>>, vector<16xi32>,
          %mul3A_628 = arith.constant 16 : i32
          %mul3A_629 = arith.muli %scan3A_416, %mul3A_628 : i32
          %swap3A_630 = arith.index_cast %mul3A_629 : i32 to index
          %swap3A_631 = tpu.vector_load %arg28[%swap3A_630] {strides = array<i32>} : memref<1024xi32, #tpu.memory_space<vmem>>, vector<16xi32>,
          tpu.vector_store %arg28[%swap3A_630], %broadcast_in_dim3A_1 {strides = array<i32>} : memref<1024xi32, #tpu.memory_space<vmem>>, vector<16xi32>,
          %mul3A_632 = arith.constant 16 : i32
          %mul3A_633 = arith.muli %scan3A_416, %mul3A_632 : i32
          %swap3A_634 = arith.index_cast %mul3A_633 : i32 to index
          %swap3A_635 = tpu.vector_load %arg37[%swap3A_634] {strides = array<i32>} : memref<1024xi32, #tpu.memory_space<vmem>>, vector<16xi32>,
          tpu.vector_store %arg37[%swap3A_634], %broadcast_in_dim3A_1 {strides = array<i32>} : memref<1024xi32, #tpu.memory_space<vmem>>, vector<16xi32>,
        } else {
        }
        %lt3A_476 = arith.constant 0 : i32
        %lt3A_477 = vector.broadcast %lt3A_476 : i32 to vector<16xi32>
        %lt3A_478 = arith.cmpi slt, %add3A_229, %lt3A_477 : vector<16xi32>
        %add3A_479 = arith.constant 16 : i32
        %add3A_480 = vector.broadcast %add3A_479 : i32 to vector<16xi32>
        %add3A_481 = arith.addi %add3A_229, %add3A_480 : vector<16xi32>
        %select_n3A = arith.select %lt3A_478, %add3A_481, %add3A_229 : vector<16xi1>, vector<16xi32>
        %reshape3A = vector.shape_cast %select_n3A : vector<16xi32> to vector<16x1xi32>
        %gather3A = vector.shape_cast %reshape3A : vector<16x1xi32> to vector<16xi32>
        %gather3A_482 = tpu.dynamic_gather %masked_cumsum3A[%gather3A] in [0] : vector<16xi32>, vector<16xi32> -> vector<16xi32>
        %lt3A_483 = arith.constant 0 : i32
        %lt3A_484 = vector.broadcast %lt3A_483 : i32 to vector<16xi32>
        %lt3A_485 = arith.cmpi slt, %add3A_229, %lt3A_484 : vector<16xi32>
        %add3A_486 = arith.constant 16 : i32
        %add3A_487 = vector.broadcast %add3A_486 : i32 to vector<16xi32>
        %add3A_488 = arith.addi %add3A_229, %add3A_487 : vector<16xi32>
        %select_n3A_489 = arith.select %lt3A_485, %add3A_488, %add3A_229 : vector<16xi1>, vector<16xi32>
        %reshape3A_490 = vector.shape_cast %select_n3A_489 : vector<16xi32> to vector<16x1xi32>
        %gather3A_491 = vector.shape_cast %reshape3A_490 : vector<16x1xi32> to vector<16xi32>
        %gather3A_492 = tpu.dynamic_gather %masked_cumsum3A_440[%gather3A_491] in [0] : vector<16xi32>, vector<16xi32> -> vector<16xi32>
        %lt3A_493 = arith.constant 0 : i32
        %lt3A_494 = vector.broadcast %lt3A_493 : i32 to vector<16xi32>
        %lt3A_495 = arith.cmpi slt, %add3A_229, %lt3A_494 : vector<16xi32>
        %add3A_496 = arith.constant 16 : i32
        %add3A_497 = vector.broadcast %add3A_496 : i32 to vector<16xi32>
        %add3A_498 = arith.addi %add3A_229, %add3A_497 : vector<16xi32>
        %select_n3A_499 = arith.select %lt3A_495, %add3A_498, %add3A_229 : vector<16xi1>, vector<16xi32>
        %reshape3A_500 = vector.shape_cast %select_n3A_499 : vector<16xi32> to vector<16x1xi32>
        %gather3A_501 = vector.shape_cast %reshape3A_500 : vector<16x1xi32> to vector<16xi32>
        %gather3A_502 = tpu.dynamic_gather %masked_cumsum3A_443[%gather3A_501] in [0] : vector<16xi32>, vector<16xi32> -> vector<16xi32>
        %lt3A_503 = arith.constant 0 : i32
        %lt3A_504 = vector.broadcast %lt3A_503 : i32 to vector<16xi32>
        %lt3A_505 = arith.cmpi slt, %add3A_229, %lt3A_504 : vector<16xi32>
        %add3A_506 = arith.constant 16 : i32
        %add3A_507 = vector.broadcast %add3A_506 : i32 to vector<16xi32>
        %add3A_508 = arith.addi %add3A_229, %add3A_507 : vector<16xi32>
        %select_n3A_509 = arith.select %lt3A_505, %add3A_508, %add3A_229 : vector<16xi1>, vector<16xi32>
        %reshape3A_510 = vector.shape_cast %select_n3A_509 : vector<16xi32> to vector<16x1xi32>
        %gather3A_511 = vector.shape_cast %reshape3A_510 : vector<16x1xi32> to vector<16xi32>
        %gather3A_512 = tpu.dynamic_gather %masked_cumsum3A_446[%gather3A_511] in [0] : vector<16xi32>, vector<16xi32> -> vector<16xi32>
        %add3A_513 = arith.addi %scan3A_417, %gather3A_482 : vector<16xi32>
        %add3A_514 = arith.addi %scan3A_418, %gather3A_492 : vector<16xi32>
        %add3A_515 = arith.addi %scan3A_419, %gather3A_502 : vector<16xi32>
        %add3A_516 = arith.addi %scan3A_420, %gather3A_512 : vector<16xi32>
        %scan3A_517 = arith.constant 1 : i32
        %scan3A_518 = arith.addi %scan3A_416, %scan3A_517 : i32
        %mul3A_519 = arith.constant 16 : i32
        %mul3A_520 = arith.muli %scan3A_518, %mul3A_519 : i32
        %get3A_521 = arith.index_cast %mul3A_520 : i32 to index
        %get3A_522 = tpu.vector_load %arg9[%get3A_521] {strides = array<i32>} : memref<2048xi32, #tpu.memory_space<vmem>>, vector<16xi32>,
        %mul3A_523 = arith.constant 16 : i32
        %mul3A_524 = arith.muli %scan3A_518, %mul3A_523 : i32
        %get3A_525 = arith.index_cast %mul3A_524 : i32 to index
        %get3A_526 = tpu.vector_load %arg18[%get3A_525] {strides = array<i32>} : memref<2048xi32, #tpu.memory_space<vmem>>, vector<16xi32>,
        %mul3A_527 = arith.constant 16 : i32
        %mul3A_528 = arith.muli %scan3A_518, %mul3A_527 : i32
        %get3A_529 = arith.index_cast %mul3A_528 : i32 to index
        %get3A_530 = tpu.vector_load %arg27[%get3A_529] {strides = array<i32>} : memref<2048xi32, #tpu.memory_space<vmem>>, vector<16xi32>,
        %mul3A_531 = arith.constant 16 : i32
        %mul3A_532 = arith.muli %scan3A_518, %mul3A_531 : i32
        %get3A_533 = arith.index_cast %mul3A_532 : i32 to index
        %get3A_534 = tpu.vector_load %arg36[%get3A_533] {strides = array<i32>} : memref<2048xi32, #tpu.memory_space<vmem>>, vector<16xi32>,
        %broadcast_in_dim3A_535 = arith.constant true
        %broadcast_in_dim3A_536 = vector.broadcast %broadcast_in_dim3A_535 : i1 to vector<16xi1>
        %masked_cumsum3A_537 = tpu.scan <sum>, %get3A_522 masked %broadcast_in_dim3A_536 : vector<16xi32>, vector<16xi1> -> vector<16xi32>
        %broadcast_in_dim3A_538 = arith.constant true
        %broadcast_in_dim3A_539 = vector.broadcast %broadcast_in_dim3A_538 : i1 to vector<16xi1>
        %masked_cumsum3A_540 = tpu.scan <sum>, %get3A_526 masked %broadcast_in_dim3A_539 : vector<16xi32>, vector<16xi1> -> vector<16xi32>
        %broadcast_in_dim3A_541 = arith.constant true
        %broadcast_in_dim3A_542 = vector.broadcast %broadcast_in_dim3A_541 : i1 to vector<16xi1>
        %masked_cumsum3A_543 = tpu.scan <sum>, %get3A_530 masked %broadcast_in_dim3A_542 : vector<16xi32>, vector<16xi1> -> vector<16xi32>
        %broadcast_in_dim3A_544 = arith.constant true
        %broadcast_in_dim3A_545 = vector.broadcast %broadcast_in_dim3A_544 : i1 to vector<16xi1>
        %masked_cumsum3A_546 = tpu.scan <sum>, %get3A_534 masked %broadcast_in_dim3A_545 : vector<16xi32>, vector<16xi1> -> vector<16xi32>
        %sub3A_547 = arith.subi %masked_cumsum3A_537, %get3A_522 : vector<16xi32>
        %add3A_548 = arith.addi %sub3A_547, %add3A_513 : vector<16xi32>
        %mul3A_549 = arith.constant 16 : i32
        %mul3A_550 = arith.muli %scan3A_518, %mul3A_549 : i32
        %swap3A_551 = arith.index_cast %mul3A_550 : i32 to index
        %swap3A_552 = tpu.vector_load %arg9[%swap3A_551] {strides = array<i32>} : memref<2048xi32, #tpu.memory_space<vmem>>, vector<16xi32>,
        tpu.vector_store %arg9[%swap3A_551], %add3A_548 {strides = array<i32>} : memref<2048xi32, #tpu.memory_space<vmem>>, vector<16xi32>,
        %sub3A_553 = arith.subi %masked_cumsum3A_540, %get3A_526 : vector<16xi32>
        %add3A_554 = arith.addi %sub3A_553, %add3A_514 : vector<16xi32>
        %mul3A_555 = arith.constant 16 : i32
        %mul3A_556 = arith.muli %scan3A_518, %mul3A_555 : i32
        %swap3A_557 = arith.index_cast %mul3A_556 : i32 to index
        %swap3A_558 = tpu.vector_load %arg18[%swap3A_557] {strides = array<i32>} : memref<2048xi32, #tpu.memory_space<vmem>>, vector<16xi32>,
        tpu.vector_store %arg18[%swap3A_557], %add3A_554 {strides = array<i32>} : memref<2048xi32, #tpu.memory_space<vmem>>, vector<16xi32>,
        %sub3A_559 = arith.subi %masked_cumsum3A_543, %get3A_530 : vector<16xi32>
        %add3A_560 = arith.addi %sub3A_559, %add3A_515 : vector<16xi32>
        %mul3A_561 = arith.constant 16 : i32
        %mul3A_562 = arith.muli %scan3A_518, %mul3A_561 : i32
        %swap3A_563 = arith.index_cast %mul3A_562 : i32 to index
        %swap3A_564 = tpu.vector_load %arg27[%swap3A_563] {strides = array<i32>} : memref<2048xi32, #tpu.memory_space<vmem>>, vector<16xi32>,
        tpu.vector_store %arg27[%swap3A_563], %add3A_560 {strides = array<i32>} : memref<2048xi32, #tpu.memory_space<vmem>>, vector<16xi32>,
        %sub3A_565 = arith.subi %masked_cumsum3A_546, %get3A_534 : vector<16xi32>
        %add3A_566 = arith.addi %sub3A_565, %add3A_516 : vector<16xi32>
        %mul3A_567 = arith.constant 16 : i32
        %mul3A_568 = arith.muli %scan3A_518, %mul3A_567 : i32
        %swap3A_569 = arith.index_cast %mul3A_568 : i32 to index
        %swap3A_570 = tpu.vector_load %arg36[%swap3A_569] {strides = array<i32>} : memref<2048xi32, #tpu.memory_space<vmem>>, vector<16xi32>,
        tpu.vector_store %arg36[%swap3A_569], %add3A_566 {strides = array<i32>} : memref<2048xi32, #tpu.memory_space<vmem>>, vector<16xi32>,
        %lt3A_571 = arith.constant 64 : i32
        %lt3A_572 = arith.cmpi slt, %scan3A_518, %lt3A_571 : i32
        %convert_element_type3A_573 = arith.extui %lt3A_572 : i1 to i32
        %cond3A_574 = arith.constant 0 : i32
        %cond3A_575 = arith.cmpi ne, %convert_element_type3A_573, %cond3A_574 : i32
        scf.if %cond3A_575 {
          %mul3A_620 = arith.constant 16 : i32
          %mul3A_621 = arith.muli %scan3A_518, %mul3A_620 : i32
          %swap3A_622 = arith.index_cast %mul3A_621 : i32 to index
          %swap3A_623 = tpu.vector_load %arg10[%swap3A_622] {strides = array<i32>} : memref<1024xi32, #tpu.memory_space<vmem>>, vector<16xi32>,
          tpu.vector_store %arg10[%swap3A_622], %broadcast_in_dim3A_1 {strides = array<i32>} : memref<1024xi32, #tpu.memory_space<vmem>>, vector<16xi32>,
          %mul3A_624 = arith.constant 16 : i32
          %mul3A_625 = arith.muli %scan3A_518, %mul3A_624 : i32
          %swap3A_626 = arith.index_cast %mul3A_625 : i32 to index
          %swap3A_627 = tpu.vector_load %arg19[%swap3A_626] {strides = array<i32>} : memref<1024xi32, #tpu.memory_space<vmem>>, vector<16xi32>,
          tpu.vector_store %arg19[%swap3A_626], %broadcast_in_dim3A_1 {strides = array<i32>} : memref<1024xi32, #tpu.memory_space<vmem>>, vector<16xi32>,
          %mul3A_628 = arith.constant 16 : i32
          %mul3A_629 = arith.muli %scan3A_518, %mul3A_628 : i32
          %swap3A_630 = arith.index_cast %mul3A_629 : i32 to index
          %swap3A_631 = tpu.vector_load %arg28[%swap3A_630] {strides = array<i32>} : memref<1024xi32, #tpu.memory_space<vmem>>, vector<16xi32>,
          tpu.vector_store %arg28[%swap3A_630], %broadcast_in_dim3A_1 {strides = array<i32>} : memref<1024xi32, #tpu.memory_space<vmem>>, vector<16xi32>,
          %mul3A_632 = arith.constant 16 : i32
          %mul3A_633 = arith.muli %scan3A_518, %mul3A_632 : i32
          %swap3A_634 = arith.index_cast %mul3A_633 : i32 to index
          %swap3A_635 = tpu.vector_load %arg37[%swap3A_634] {strides = array<i32>} : memref<1024xi32, #tpu.memory_space<vmem>>, vector<16xi32>,
          tpu.vector_store %arg37[%swap3A_634], %broadcast_in_dim3A_1 {strides = array<i32>} : memref<1024xi32, #tpu.memory_space<vmem>>, vector<16xi32>,
        } else {
        }
        %lt3A_576 = arith.constant 0 : i32
        %lt3A_577 = vector.broadcast %lt3A_576 : i32 to vector<16xi32>
        %lt3A_578 = arith.cmpi slt, %add3A_229, %lt3A_577 : vector<16xi32>
        %add3A_579 = arith.constant 16 : i32
        %add3A_580 = vector.broadcast %add3A_579 : i32 to vector<16xi32>
        %add3A_581 = arith.addi %add3A_229, %add3A_580 : vector<16xi32>
        %select_n3A_582 = arith.select %lt3A_578, %add3A_581, %add3A_229 : vector<16xi1>, vector<16xi32>
        %reshape3A_583 = vector.shape_cast %select_n3A_582 : vector<16xi32> to vector<16x1xi32>
        %gather3A_584 = vector.shape_cast %reshape3A_583 : vector<16x1xi32> to vector<16xi32>
        %gather3A_585 = tpu.dynamic_gather %masked_cumsum3A_537[%gather3A_584] in [0] : vector<16xi32>, vector<16xi32> -> vector<16xi32>
        %lt3A_586 = arith.constant 0 : i32
        %lt3A_587 = vector.broadcast %lt3A_586 : i32 to vector<16xi32>
        %lt3A_588 = arith.cmpi slt, %add3A_229, %lt3A_587 : vector<16xi32>
        %add3A_589 = arith.constant 16 : i32
        %add3A_590 = vector.broadcast %add3A_589 : i32 to vector<16xi32>
        %add3A_591 = arith.addi %add3A_229, %add3A_590 : vector<16xi32>
        %select_n3A_592 = arith.select %lt3A_588, %add3A_591, %add3A_229 : vector<16xi1>, vector<16xi32>
        %reshape3A_593 = vector.shape_cast %select_n3A_592 : vector<16xi32> to vector<16x1xi32>
        %gather3A_594 = vector.shape_cast %reshape3A_593 : vector<16x1xi32> to vector<16xi32>
        %gather3A_595 = tpu.dynamic_gather %masked_cumsum3A_540[%gather3A_594] in [0] : vector<16xi32>, vector<16xi32> -> vector<16xi32>
        %lt3A_596 = arith.constant 0 : i32
        %lt3A_597 = vector.broadcast %lt3A_596 : i32 to vector<16xi32>
        %lt3A_598 = arith.cmpi slt, %add3A_229, %lt3A_597 : vector<16xi32>
        %add3A_599 = arith.constant 16 : i32
        %add3A_600 = vector.broadcast %add3A_599 : i32 to vector<16xi32>
        %add3A_601 = arith.addi %add3A_229, %add3A_600 : vector<16xi32>
        %select_n3A_602 = arith.select %lt3A_598, %add3A_601, %add3A_229 : vector<16xi1>, vector<16xi32>
        %reshape3A_603 = vector.shape_cast %select_n3A_602 : vector<16xi32> to vector<16x1xi32>
        %gather3A_604 = vector.shape_cast %reshape3A_603 : vector<16x1xi32> to vector<16xi32>
        %gather3A_605 = tpu.dynamic_gather %masked_cumsum3A_543[%gather3A_604] in [0] : vector<16xi32>, vector<16xi32> -> vector<16xi32>
        %lt3A_606 = arith.constant 0 : i32
        %lt3A_607 = vector.broadcast %lt3A_606 : i32 to vector<16xi32>
        %lt3A_608 = arith.cmpi slt, %add3A_229, %lt3A_607 : vector<16xi32>
        %add3A_609 = arith.constant 16 : i32
        %add3A_610 = vector.broadcast %add3A_609 : i32 to vector<16xi32>
        %add3A_611 = arith.addi %add3A_229, %add3A_610 : vector<16xi32>
        %select_n3A_612 = arith.select %lt3A_608, %add3A_611, %add3A_229 : vector<16xi1>, vector<16xi32>
        %reshape3A_613 = vector.shape_cast %select_n3A_612 : vector<16xi32> to vector<16x1xi32>
        %gather3A_614 = vector.shape_cast %reshape3A_613 : vector<16x1xi32> to vector<16xi32>
        %gather3A_615 = tpu.dynamic_gather %masked_cumsum3A_546[%gather3A_614] in [0] : vector<16xi32>, vector<16xi32> -> vector<16xi32>
        %add3A_616 = arith.addi %add3A_513, %gather3A_585 : vector<16xi32>
        %add3A_617 = arith.addi %add3A_514, %gather3A_595 : vector<16xi32>
        %add3A_618 = arith.addi %add3A_515, %gather3A_605 : vector<16xi32>
        %add3A_619 = arith.addi %add3A_516, %gather3A_615 : vector<16xi32>
        scf.yield %add3A_616, %add3A_617, %add3A_618, %add3A_619 : vector<16xi32>, vector<16xi32>, vector<16xi32>, vector<16xi32>
      }
      %scan3A_235 = arith.constant 128 : i32
      %scan3A_236 = arith.constant 0 : i32
      %scan3A_237 = arith.constant 0 : i32
      %scan3A_238 = arith.constant 256 : i32
      %scan3A_239 = arith.addi %scan3A_237, %scan3A_238 : i32
      %scan3A_240 = arith.constant 2 : i32
      %scan3A_241 = scf.for %scan3A_416 = %scan3A_237 to %scan3A_239 step %scan3A_240 iter_args(%scan3A_417 = %scan3A_236) -> (i32)  : i32 {
        %mul3A_418 = arith.constant 16 : i32
        %mul3A_419 = arith.muli %scan3A_416, %mul3A_418 : i32
        %get3A = arith.index_cast %mul3A_419 : i32 to index
        %get3A_420 = tpu.vector_load %arg5[%get3A] {strides = array<i32>} : memref<4096xi32, #tpu.memory_space<vmem>>, vector<16xi32>,
        %mul3A_421 = arith.constant 16 : i32
        %mul3A_422 = arith.muli %scan3A_416, %mul3A_421 : i32
        %get3A_423 = arith.index_cast %mul3A_422 : i32 to index
        %get3A_424 = tpu.vector_load %arg14[%get3A_423] {strides = array<i32>} : memref<4096xi32, #tpu.memory_space<vmem>>, vector<16xi32>,
        %mul3A_425 = arith.constant 16 : i32
        %mul3A_426 = arith.muli %scan3A_416, %mul3A_425 : i32
        %get3A_427 = arith.index_cast %mul3A_426 : i32 to index
        %get3A_428 = tpu.vector_load %arg23[%get3A_427] {strides = array<i32>} : memref<4096xi32, #tpu.memory_space<vmem>>, vector<16xi32>,
        %mul3A_429 = arith.constant 16 : i32
        %mul3A_430 = arith.muli %scan3A_416, %mul3A_429 : i32
        %get3A_431 = arith.index_cast %mul3A_430 : i32 to index
        %get3A_432 = tpu.vector_load %arg32[%get3A_431] {strides = array<i32>} : memref<4096xi32, #tpu.memory_space<vmem>>, vector<16xi32>,
        %mul3A_433 = arith.constant 16 : i32
        %mul3A_434 = arith.muli %scan3A_416, %mul3A_433 : i32
        %add3A_435 = vector.broadcast %mul3A_434 : i32 to vector<16xi32>
        %add3A_436 = arith.addi %add3A_435, %iota3A : vector<16xi32>
        %shift_right_logical3A = arith.constant 0 : i32
        %shift_right_logical3A_437 = vector.broadcast %shift_right_logical3A : i32 to vector<16xi32>
        %shift_right_logical3A_438 = arith.shrui %get3A_420, %shift_right_logical3A_437 : vector<16xi32>
        %and3A = arith.constant 2047 : i32
        %and3A_439 = vector.broadcast %and3A : i32 to vector<16xi32>
        %and3A_440 = arith.andi %shift_right_logical3A_438, %and3A_439 : vector<16xi32>
        %shift_right_logical3A_441 = arith.constant 0 : i32
        %shift_right_logical3A_442 = vector.broadcast %shift_right_logical3A_441 : i32 to vector<16xi32>
        %shift_right_logical3A_443 = arith.shrui %get3A_424, %shift_right_logical3A_442 : vector<16xi32>
        %and3A_444 = arith.constant 2047 : i32
        %and3A_445 = vector.broadcast %and3A_444 : i32 to vector<16xi32>
        %and3A_446 = arith.andi %shift_right_logical3A_443, %and3A_445 : vector<16xi32>
        %shift_right_logical3A_447 = arith.constant 0 : i32
        %shift_right_logical3A_448 = vector.broadcast %shift_right_logical3A_447 : i32 to vector<16xi32>
        %shift_right_logical3A_449 = arith.shrui %get3A_428, %shift_right_logical3A_448 : vector<16xi32>
        %and3A_450 = arith.constant 2047 : i32
        %and3A_451 = vector.broadcast %and3A_450 : i32 to vector<16xi32>
        %and3A_452 = arith.andi %shift_right_logical3A_449, %and3A_451 : vector<16xi32>
        %shift_right_logical3A_453 = arith.constant 0 : i32
        %shift_right_logical3A_454 = vector.broadcast %shift_right_logical3A_453 : i32 to vector<16xi32>
        %shift_right_logical3A_455 = arith.shrui %get3A_432, %shift_right_logical3A_454 : vector<16xi32>
        %and3A_456 = arith.constant 2047 : i32
        %and3A_457 = vector.broadcast %and3A_456 : i32 to vector<16xi32>
        %and3A_458 = arith.andi %shift_right_logical3A_455, %and3A_457 : vector<16xi32>
        %shift_right_logical3A_459 = arith.constant 11 : i32
        %shift_right_logical3A_460 = vector.broadcast %shift_right_logical3A_459 : i32 to vector<16xi32>
        %shift_right_logical3A_461 = arith.shrui %get3A_420, %shift_right_logical3A_460 : vector<16xi32>
        %and3A_462 = arith.constant 1023 : i32
        %and3A_463 = vector.broadcast %and3A_462 : i32 to vector<16xi32>
        %and3A_464 = arith.andi %shift_right_logical3A_461, %and3A_463 : vector<16xi32>
        %shift_right_logical3A_465 = arith.constant 11 : i32
        %shift_right_logical3A_466 = vector.broadcast %shift_right_logical3A_465 : i32 to vector<16xi32>
        %shift_right_logical3A_467 = arith.shrui %get3A_424, %shift_right_logical3A_466 : vector<16xi32>
        %and3A_468 = arith.constant 1023 : i32
        %and3A_469 = vector.broadcast %and3A_468 : i32 to vector<16xi32>
        %and3A_470 = arith.andi %shift_right_logical3A_467, %and3A_469 : vector<16xi32>
        %shift_right_logical3A_471 = arith.constant 11 : i32
        %shift_right_logical3A_472 = vector.broadcast %shift_right_logical3A_471 : i32 to vector<16xi32>
        %shift_right_logical3A_473 = arith.shrui %get3A_428, %shift_right_logical3A_472 : vector<16xi32>
        %and3A_474 = arith.constant 1023 : i32
        %and3A_475 = vector.broadcast %and3A_474 : i32 to vector<16xi32>
        %and3A_476 = arith.andi %shift_right_logical3A_473, %and3A_475 : vector<16xi32>
        %shift_right_logical3A_477 = arith.constant 11 : i32
        %shift_right_logical3A_478 = vector.broadcast %shift_right_logical3A_477 : i32 to vector<16xi32>
        %shift_right_logical3A_479 = arith.shrui %get3A_432, %shift_right_logical3A_478 : vector<16xi32>
        %and3A_480 = arith.constant 1023 : i32
        %and3A_481 = vector.broadcast %and3A_480 : i32 to vector<16xi32>
        %and3A_482 = arith.andi %shift_right_logical3A_479, %and3A_481 : vector<16xi32>
        %broadcast_in_dim3A_483 = arith.constant true
        %broadcast_in_dim3A_484 = vector.broadcast %broadcast_in_dim3A_483 : i1 to vector<16xi1>
        %unique3A, %unique3A_485 = tpu.scan_count mask(%broadcast_in_dim3A_484 : vector<16xi1>) value(%and3A_440 : vector<16xi32>) : vector<16xi1>, vector<16xi32>
        %broadcast_in_dim3A_486 = arith.constant true
        %broadcast_in_dim3A_487 = vector.broadcast %broadcast_in_dim3A_486 : i1 to vector<16xi1>
        %unique3A_488, %unique3A_489 = tpu.scan_count mask(%broadcast_in_dim3A_487 : vector<16xi1>) value(%and3A_446 : vector<16xi32>) : vector<16xi1>, vector<16xi32>
        %broadcast_in_dim3A_490 = arith.constant true
        %broadcast_in_dim3A_491 = vector.broadcast %broadcast_in_dim3A_490 : i1 to vector<16xi1>
        %unique3A_492, %unique3A_493 = tpu.scan_count mask(%broadcast_in_dim3A_491 : vector<16xi1>) value(%and3A_452 : vector<16xi32>) : vector<16xi1>, vector<16xi32>
        %broadcast_in_dim3A_494 = arith.constant true
        %broadcast_in_dim3A_495 = vector.broadcast %broadcast_in_dim3A_494 : i1 to vector<16xi1>
        %unique3A_496, %unique3A_497 = tpu.scan_count mask(%broadcast_in_dim3A_495 : vector<16xi1>) value(%and3A_458 : vector<16xi32>) : vector<16xi1>, vector<16xi32>
        %broadcast_in_dim3A_498 = arith.constant true
        %broadcast_in_dim3A_499 = vector.broadcast %broadcast_in_dim3A_498 : i1 to vector<16xi1>
        %unique3A_500, %unique3A_501 = tpu.scan_count mask(%broadcast_in_dim3A_499 : vector<16xi1>) value(%and3A_464 : vector<16xi32>) : vector<16xi1>, vector<16xi32>
        %broadcast_in_dim3A_502 = arith.constant true
        %broadcast_in_dim3A_503 = vector.broadcast %broadcast_in_dim3A_502 : i1 to vector<16xi1>
        %unique3A_504, %unique3A_505 = tpu.scan_count mask(%broadcast_in_dim3A_503 : vector<16xi1>) value(%and3A_470 : vector<16xi32>) : vector<16xi1>, vector<16xi32>
        %broadcast_in_dim3A_506 = arith.constant true
        %broadcast_in_dim3A_507 = vector.broadcast %broadcast_in_dim3A_506 : i1 to vector<16xi1>
        %unique3A_508, %unique3A_509 = tpu.scan_count mask(%broadcast_in_dim3A_507 : vector<16xi1>) value(%and3A_476 : vector<16xi32>) : vector<16xi1>, vector<16xi32>
        %broadcast_in_dim3A_510 = arith.constant true
        %broadcast_in_dim3A_511 = vector.broadcast %broadcast_in_dim3A_510 : i1 to vector<16xi1>
        %unique3A_512, %unique3A_513 = tpu.scan_count mask(%broadcast_in_dim3A_511 : vector<16xi1>) value(%and3A_482 : vector<16xi32>) : vector<16xi1>, vector<16xi32>
        %gather3A = tpu.vector_load_idx %arg9[%and3A_440] : memref<2048xi32, #tpu.memory_space<vmem>>[vector<16xi32>], vector<16xi32>,
        %gather3A_514 = tpu.vector_load_idx %arg18[%and3A_446] : memref<2048xi32, #tpu.memory_space<vmem>>[vector<16xi32>], vector<16xi32>,
        %gather3A_515 = tpu.vector_load_idx %arg27[%and3A_452] : memref<2048xi32, #tpu.memory_space<vmem>>[vector<16xi32>], vector<16xi32>,
        %gather3A_516 = tpu.vector_load_idx %arg36[%and3A_458] : memref<2048xi32, #tpu.memory_space<vmem>>[vector<16xi32>], vector<16xi32>,
        %add3A_517 = arith.addi %gather3A, %unique3A_485 : vector<16xi32>
        %sub3A_518 = arith.constant 1 : i32
        %sub3A_519 = vector.broadcast %sub3A_518 : i32 to vector<16xi32>
        %sub3A_520 = arith.subi %add3A_517, %sub3A_519 : vector<16xi32>
        %add3A_521 = arith.addi %gather3A_514, %unique3A_489 : vector<16xi32>
        %sub3A_522 = arith.constant 1 : i32
        %sub3A_523 = vector.broadcast %sub3A_522 : i32 to vector<16xi32>
        %sub3A_524 = arith.subi %add3A_521, %sub3A_523 : vector<16xi32>
        %add3A_525 = arith.addi %gather3A_515, %unique3A_493 : vector<16xi32>
        %sub3A_526 = arith.constant 1 : i32
        %sub3A_527 = vector.broadcast %sub3A_526 : i32 to vector<16xi32>
        %sub3A_528 = arith.subi %add3A_525, %sub3A_527 : vector<16xi32>
        %add3A_529 = arith.addi %gather3A_516, %unique3A_497 : vector<16xi32>
        %sub3A_530 = arith.constant 1 : i32
        %sub3A_531 = vector.broadcast %sub3A_530 : i32 to vector<16xi32>
        %sub3A_532 = arith.subi %add3A_529, %sub3A_531 : vector<16xi32>
        tpu.vector_store_idx %arg7[%sub3A_520], %get3A_420 : memref<4096xi32, #tpu.memory_space<vmem>>[vector<16xi32>], vector<16xi32>,
        tpu.vector_store_idx %arg16[%sub3A_524], %get3A_424 : memref<4096xi32, #tpu.memory_space<vmem>>[vector<16xi32>], vector<16xi32>,
        tpu.vector_store_idx %arg25[%sub3A_528], %get3A_428 : memref<4096xi32, #tpu.memory_space<vmem>>[vector<16xi32>], vector<16xi32>,
        tpu.vector_store_idx %arg34[%sub3A_532], %get3A_432 : memref<4096xi32, #tpu.memory_space<vmem>>[vector<16xi32>], vector<16xi32>,
        tpu.vector_store_idx %arg8[%sub3A_520], %add3A_436 : memref<4096xi32, #tpu.memory_space<vmem>>[vector<16xi32>], vector<16xi32>,
        tpu.vector_store_idx %arg17[%sub3A_524], %add3A_436 : memref<4096xi32, #tpu.memory_space<vmem>>[vector<16xi32>], vector<16xi32>,
        tpu.vector_store_idx %arg26[%sub3A_528], %add3A_436 : memref<4096xi32, #tpu.memory_space<vmem>>[vector<16xi32>], vector<16xi32>,
        tpu.vector_store_idx %arg35[%sub3A_532], %add3A_436 : memref<4096xi32, #tpu.memory_space<vmem>>[vector<16xi32>], vector<16xi32>,
        tpu.vector_store_idx %arg9[%and3A_440], %unique3A_485 masked %unique3A {add = true} : memref<2048xi32, #tpu.memory_space<vmem>>[vector<16xi32>], vector<16xi32>, vector<16xi1>
        tpu.vector_store_idx %arg18[%and3A_446], %unique3A_489 masked %unique3A_488 {add = true} : memref<2048xi32, #tpu.memory_space<vmem>>[vector<16xi32>], vector<16xi32>, vector<16xi1>
        tpu.vector_store_idx %arg27[%and3A_452], %unique3A_493 masked %unique3A_492 {add = true} : memref<2048xi32, #tpu.memory_space<vmem>>[vector<16xi32>], vector<16xi32>, vector<16xi1>
        tpu.vector_store_idx %arg36[%and3A_458], %unique3A_497 masked %unique3A_496 {add = true} : memref<2048xi32, #tpu.memory_space<vmem>>[vector<16xi32>], vector<16xi32>, vector<16xi1>
        tpu.vector_store_idx %arg10[%and3A_464], %unique3A_501 masked %unique3A_500 {add = true} : memref<1024xi32, #tpu.memory_space<vmem>>[vector<16xi32>], vector<16xi32>, vector<16xi1>
        tpu.vector_store_idx %arg19[%and3A_470], %unique3A_505 masked %unique3A_504 {add = true} : memref<1024xi32, #tpu.memory_space<vmem>>[vector<16xi32>], vector<16xi32>, vector<16xi1>
        tpu.vector_store_idx %arg28[%and3A_476], %unique3A_509 masked %unique3A_508 {add = true} : memref<1024xi32, #tpu.memory_space<vmem>>[vector<16xi32>], vector<16xi32>, vector<16xi1>
        tpu.vector_store_idx %arg37[%and3A_482], %unique3A_513 masked %unique3A_512 {add = true} : memref<1024xi32, #tpu.memory_space<vmem>>[vector<16xi32>], vector<16xi32>, vector<16xi1>
        %scan3A_533 = arith.constant 0 : i32
        %scan3A_534 = arith.constant 1 : i32
        %scan3A_535 = arith.addi %scan3A_416, %scan3A_534 : i32
        %mul3A_536 = arith.constant 16 : i32
        %mul3A_537 = arith.muli %scan3A_535, %mul3A_536 : i32
        %get3A_538 = arith.index_cast %mul3A_537 : i32 to index
        %get3A_539 = tpu.vector_load %arg5[%get3A_538] {strides = array<i32>} : memref<4096xi32, #tpu.memory_space<vmem>>, vector<16xi32>,
        %mul3A_540 = arith.constant 16 : i32
        %mul3A_541 = arith.muli %scan3A_535, %mul3A_540 : i32
        %get3A_542 = arith.index_cast %mul3A_541 : i32 to index
        %get3A_543 = tpu.vector_load %arg14[%get3A_542] {strides = array<i32>} : memref<4096xi32, #tpu.memory_space<vmem>>, vector<16xi32>,
        %mul3A_544 = arith.constant 16 : i32
        %mul3A_545 = arith.muli %scan3A_535, %mul3A_544 : i32
        %get3A_546 = arith.index_cast %mul3A_545 : i32 to index
        %get3A_547 = tpu.vector_load %arg23[%get3A_546] {strides = array<i32>} : memref<4096xi32, #tpu.memory_space<vmem>>, vector<16xi32>,
        %mul3A_548 = arith.constant 16 : i32
        %mul3A_549 = arith.muli %scan3A_535, %mul3A_548 : i32
        %get3A_550 = arith.index_cast %mul3A_549 : i32 to index
        %get3A_551 = tpu.vector_load %arg32[%get3A_550] {strides = array<i32>} : memref<4096xi32, #tpu.memory_space<vmem>>, vector<16xi32>,
        %mul3A_552 = arith.constant 16 : i32
        %mul3A_553 = arith.muli %scan3A_535, %mul3A_552 : i32
        %add3A_554 = vector.broadcast %mul3A_553 : i32 to vector<16xi32>
        %add3A_555 = arith.addi %add3A_554, %iota3A : vector<16xi32>
        %shift_right_logical3A_556 = arith.constant 0 : i32
        %shift_right_logical3A_557 = vector.broadcast %shift_right_logical3A_556 : i32 to vector<16xi32>
        %shift_right_logical3A_558 = arith.shrui %get3A_539, %shift_right_logical3A_557 : vector<16xi32>
        %and3A_559 = arith.constant 2047 : i32
        %and3A_560 = vector.broadcast %and3A_559 : i32 to vector<16xi32>
        %and3A_561 = arith.andi %shift_right_logical3A_558, %and3A_560 : vector<16xi32>
        %shift_right_logical3A_562 = arith.constant 0 : i32
        %shift_right_logical3A_563 = vector.broadcast %shift_right_logical3A_562 : i32 to vector<16xi32>
        %shift_right_logical3A_564 = arith.shrui %get3A_543, %shift_right_logical3A_563 : vector<16xi32>
        %and3A_565 = arith.constant 2047 : i32
        %and3A_566 = vector.broadcast %and3A_565 : i32 to vector<16xi32>
        %and3A_567 = arith.andi %shift_right_logical3A_564, %and3A_566 : vector<16xi32>
        %shift_right_logical3A_568 = arith.constant 0 : i32
        %shift_right_logical3A_569 = vector.broadcast %shift_right_logical3A_568 : i32 to vector<16xi32>
        %shift_right_logical3A_570 = arith.shrui %get3A_547, %shift_right_logical3A_569 : vector<16xi32>
        %and3A_571 = arith.constant 2047 : i32
        %and3A_572 = vector.broadcast %and3A_571 : i32 to vector<16xi32>
        %and3A_573 = arith.andi %shift_right_logical3A_570, %and3A_572 : vector<16xi32>
        %shift_right_logical3A_574 = arith.constant 0 : i32
        %shift_right_logical3A_575 = vector.broadcast %shift_right_logical3A_574 : i32 to vector<16xi32>
        %shift_right_logical3A_576 = arith.shrui %get3A_551, %shift_right_logical3A_575 : vector<16xi32>
        %and3A_577 = arith.constant 2047 : i32
        %and3A_578 = vector.broadcast %and3A_577 : i32 to vector<16xi32>
        %and3A_579 = arith.andi %shift_right_logical3A_576, %and3A_578 : vector<16xi32>
        %shift_right_logical3A_580 = arith.constant 11 : i32
        %shift_right_logical3A_581 = vector.broadcast %shift_right_logical3A_580 : i32 to vector<16xi32>
        %shift_right_logical3A_582 = arith.shrui %get3A_539, %shift_right_logical3A_581 : vector<16xi32>
        %and3A_583 = arith.constant 1023 : i32
        %and3A_584 = vector.broadcast %and3A_583 : i32 to vector<16xi32>
        %and3A_585 = arith.andi %shift_right_logical3A_582, %and3A_584 : vector<16xi32>
        %shift_right_logical3A_586 = arith.constant 11 : i32
        %shift_right_logical3A_587 = vector.broadcast %shift_right_logical3A_586 : i32 to vector<16xi32>
        %shift_right_logical3A_588 = arith.shrui %get3A_543, %shift_right_logical3A_587 : vector<16xi32>
        %and3A_589 = arith.constant 1023 : i32
        %and3A_590 = vector.broadcast %and3A_589 : i32 to vector<16xi32>
        %and3A_591 = arith.andi %shift_right_logical3A_588, %and3A_590 : vector<16xi32>
        %shift_right_logical3A_592 = arith.constant 11 : i32
        %shift_right_logical3A_593 = vector.broadcast %shift_right_logical3A_592 : i32 to vector<16xi32>
        %shift_right_logical3A_594 = arith.shrui %get3A_547, %shift_right_logical3A_593 : vector<16xi32>
        %and3A_595 = arith.constant 1023 : i32
        %and3A_596 = vector.broadcast %and3A_595 : i32 to vector<16xi32>
        %and3A_597 = arith.andi %shift_right_logical3A_594, %and3A_596 : vector<16xi32>
        %shift_right_logical3A_598 = arith.constant 11 : i32
        %shift_right_logical3A_599 = vector.broadcast %shift_right_logical3A_598 : i32 to vector<16xi32>
        %shift_right_logical3A_600 = arith.shrui %get3A_551, %shift_right_logical3A_599 : vector<16xi32>
        %and3A_601 = arith.constant 1023 : i32
        %and3A_602 = vector.broadcast %and3A_601 : i32 to vector<16xi32>
        %and3A_603 = arith.andi %shift_right_logical3A_600, %and3A_602 : vector<16xi32>
        %broadcast_in_dim3A_604 = arith.constant true
        %broadcast_in_dim3A_605 = vector.broadcast %broadcast_in_dim3A_604 : i1 to vector<16xi1>
        %unique3A_606, %unique3A_607 = tpu.scan_count mask(%broadcast_in_dim3A_605 : vector<16xi1>) value(%and3A_561 : vector<16xi32>) : vector<16xi1>, vector<16xi32>
        %broadcast_in_dim3A_608 = arith.constant true
        %broadcast_in_dim3A_609 = vector.broadcast %broadcast_in_dim3A_608 : i1 to vector<16xi1>
        %unique3A_610, %unique3A_611 = tpu.scan_count mask(%broadcast_in_dim3A_609 : vector<16xi1>) value(%and3A_567 : vector<16xi32>) : vector<16xi1>, vector<16xi32>
        %broadcast_in_dim3A_612 = arith.constant true
        %broadcast_in_dim3A_613 = vector.broadcast %broadcast_in_dim3A_612 : i1 to vector<16xi1>
        %unique3A_614, %unique3A_615 = tpu.scan_count mask(%broadcast_in_dim3A_613 : vector<16xi1>) value(%and3A_573 : vector<16xi32>) : vector<16xi1>, vector<16xi32>
        %broadcast_in_dim3A_616 = arith.constant true
        %broadcast_in_dim3A_617 = vector.broadcast %broadcast_in_dim3A_616 : i1 to vector<16xi1>
        %unique3A_618, %unique3A_619 = tpu.scan_count mask(%broadcast_in_dim3A_617 : vector<16xi1>) value(%and3A_579 : vector<16xi32>) : vector<16xi1>, vector<16xi32>
        %broadcast_in_dim3A_620 = arith.constant true
        %broadcast_in_dim3A_621 = vector.broadcast %broadcast_in_dim3A_620 : i1 to vector<16xi1>
        %unique3A_622, %unique3A_623 = tpu.scan_count mask(%broadcast_in_dim3A_621 : vector<16xi1>) value(%and3A_585 : vector<16xi32>) : vector<16xi1>, vector<16xi32>
        %broadcast_in_dim3A_624 = arith.constant true
        %broadcast_in_dim3A_625 = vector.broadcast %broadcast_in_dim3A_624 : i1 to vector<16xi1>
        %unique3A_626, %unique3A_627 = tpu.scan_count mask(%broadcast_in_dim3A_625 : vector<16xi1>) value(%and3A_591 : vector<16xi32>) : vector<16xi1>, vector<16xi32>
        %broadcast_in_dim3A_628 = arith.constant true
        %broadcast_in_dim3A_629 = vector.broadcast %broadcast_in_dim3A_628 : i1 to vector<16xi1>
        %unique3A_630, %unique3A_631 = tpu.scan_count mask(%broadcast_in_dim3A_629 : vector<16xi1>) value(%and3A_597 : vector<16xi32>) : vector<16xi1>, vector<16xi32>
        %broadcast_in_dim3A_632 = arith.constant true
        %broadcast_in_dim3A_633 = vector.broadcast %broadcast_in_dim3A_632 : i1 to vector<16xi1>
        %unique3A_634, %unique3A_635 = tpu.scan_count mask(%broadcast_in_dim3A_633 : vector<16xi1>) value(%and3A_603 : vector<16xi32>) : vector<16xi1>, vector<16xi32>
        %gather3A_636 = tpu.vector_load_idx %arg9[%and3A_561] : memref<2048xi32, #tpu.memory_space<vmem>>[vector<16xi32>], vector<16xi32>,
        %gather3A_637 = tpu.vector_load_idx %arg18[%and3A_567] : memref<2048xi32, #tpu.memory_space<vmem>>[vector<16xi32>], vector<16xi32>,
        %gather3A_638 = tpu.vector_load_idx %arg27[%and3A_573] : memref<2048xi32, #tpu.memory_space<vmem>>[vector<16xi32>], vector<16xi32>,
        %gather3A_639 = tpu.vector_load_idx %arg36[%and3A_579] : memref<2048xi32, #tpu.memory_space<vmem>>[vector<16xi32>], vector<16xi32>,
        %add3A_640 = arith.addi %gather3A_636, %unique3A_607 : vector<16xi32>
        %sub3A_641 = arith.constant 1 : i32
        %sub3A_642 = vector.broadcast %sub3A_641 : i32 to vector<16xi32>
        %sub3A_643 = arith.subi %add3A_640, %sub3A_642 : vector<16xi32>
        %add3A_644 = arith.addi %gather3A_637, %unique3A_611 : vector<16xi32>
        %sub3A_645 = arith.constant 1 : i32
        %sub3A_646 = vector.broadcast %sub3A_645 : i32 to vector<16xi32>
        %sub3A_647 = arith.subi %add3A_644, %sub3A_646 : vector<16xi32>
        %add3A_648 = arith.addi %gather3A_638, %unique3A_615 : vector<16xi32>
        %sub3A_649 = arith.constant 1 : i32
        %sub3A_650 = vector.broadcast %sub3A_649 : i32 to vector<16xi32>
        %sub3A_651 = arith.subi %add3A_648, %sub3A_650 : vector<16xi32>
        %add3A_652 = arith.addi %gather3A_639, %unique3A_619 : vector<16xi32>
        %sub3A_653 = arith.constant 1 : i32
        %sub3A_654 = vector.broadcast %sub3A_653 : i32 to vector<16xi32>
        %sub3A_655 = arith.subi %add3A_652, %sub3A_654 : vector<16xi32>
        tpu.vector_store_idx %arg7[%sub3A_643], %get3A_539 : memref<4096xi32, #tpu.memory_space<vmem>>[vector<16xi32>], vector<16xi32>,
        tpu.vector_store_idx %arg16[%sub3A_647], %get3A_543 : memref<4096xi32, #tpu.memory_space<vmem>>[vector<16xi32>], vector<16xi32>,
        tpu.vector_store_idx %arg25[%sub3A_651], %get3A_547 : memref<4096xi32, #tpu.memory_space<vmem>>[vector<16xi32>], vector<16xi32>,
        tpu.vector_store_idx %arg34[%sub3A_655], %get3A_551 : memref<4096xi32, #tpu.memory_space<vmem>>[vector<16xi32>], vector<16xi32>,
        tpu.vector_store_idx %arg8[%sub3A_643], %add3A_555 : memref<4096xi32, #tpu.memory_space<vmem>>[vector<16xi32>], vector<16xi32>,
        tpu.vector_store_idx %arg17[%sub3A_647], %add3A_555 : memref<4096xi32, #tpu.memory_space<vmem>>[vector<16xi32>], vector<16xi32>,
        tpu.vector_store_idx %arg26[%sub3A_651], %add3A_555 : memref<4096xi32, #tpu.memory_space<vmem>>[vector<16xi32>], vector<16xi32>,
        tpu.vector_store_idx %arg35[%sub3A_655], %add3A_555 : memref<4096xi32, #tpu.memory_space<vmem>>[vector<16xi32>], vector<16xi32>,
        tpu.vector_store_idx %arg9[%and3A_561], %unique3A_607 masked %unique3A_606 {add = true} : memref<2048xi32, #tpu.memory_space<vmem>>[vector<16xi32>], vector<16xi32>, vector<16xi1>
        tpu.vector_store_idx %arg18[%and3A_567], %unique3A_611 masked %unique3A_610 {add = true} : memref<2048xi32, #tpu.memory_space<vmem>>[vector<16xi32>], vector<16xi32>, vector<16xi1>
        tpu.vector_store_idx %arg27[%and3A_573], %unique3A_615 masked %unique3A_614 {add = true} : memref<2048xi32, #tpu.memory_space<vmem>>[vector<16xi32>], vector<16xi32>, vector<16xi1>
        tpu.vector_store_idx %arg36[%and3A_579], %unique3A_619 masked %unique3A_618 {add = true} : memref<2048xi32, #tpu.memory_space<vmem>>[vector<16xi32>], vector<16xi32>, vector<16xi1>
        tpu.vector_store_idx %arg10[%and3A_585], %unique3A_623 masked %unique3A_622 {add = true} : memref<1024xi32, #tpu.memory_space<vmem>>[vector<16xi32>], vector<16xi32>, vector<16xi1>
        tpu.vector_store_idx %arg19[%and3A_591], %unique3A_627 masked %unique3A_626 {add = true} : memref<1024xi32, #tpu.memory_space<vmem>>[vector<16xi32>], vector<16xi32>, vector<16xi1>
        tpu.vector_store_idx %arg28[%and3A_597], %unique3A_631 masked %unique3A_630 {add = true} : memref<1024xi32, #tpu.memory_space<vmem>>[vector<16xi32>], vector<16xi32>, vector<16xi1>
        tpu.vector_store_idx %arg37[%and3A_603], %unique3A_635 masked %unique3A_634 {add = true} : memref<1024xi32, #tpu.memory_space<vmem>>[vector<16xi32>], vector<16xi32>, vector<16xi1>
        %scan3A_656 = arith.constant 0 : i32
        scf.yield %scan3A_656 : i32
      }
      %scan3A_242 = arith.constant 256 : i32
      %add3A_243 = arith.constant 15 : i32
      %add3A_244 = vector.broadcast %add3A_243 : i32 to vector<16xi32>
      %add3A_245 = arith.addi %broadcast_in_dim3A_1, %add3A_244 : vector<16xi32>
      %scan3A_246 = arith.constant 0 : i32
      %scan3A_247 = arith.constant 64 : i32
      %scan3A_248 = arith.addi %scan3A_246, %scan3A_247 : i32
      %scan3A_249 = arith.constant 2 : i32
      %scan3A_250:4 = scf.for %scan3A_416 = %scan3A_246 to %scan3A_248 step %scan3A_249 iter_args(%scan3A_417 = %broadcast_in_dim3A_1, %scan3A_418 = %broadcast_in_dim3A_1, %scan3A_419 = %broadcast_in_dim3A_1, %scan3A_420 = %broadcast_in_dim3A_1) -> (vector<16xi32>, vector<16xi32>, vector<16xi32>, vector<16xi32>)  : i32 {
        %mul3A_421 = arith.constant 16 : i32
        %mul3A_422 = arith.muli %scan3A_416, %mul3A_421 : i32
        %get3A = arith.index_cast %mul3A_422 : i32 to index
        %get3A_423 = tpu.vector_load %arg10[%get3A] {strides = array<i32>} : memref<1024xi32, #tpu.memory_space<vmem>>, vector<16xi32>,
        %mul3A_424 = arith.constant 16 : i32
        %mul3A_425 = arith.muli %scan3A_416, %mul3A_424 : i32
        %get3A_426 = arith.index_cast %mul3A_425 : i32 to index
        %get3A_427 = tpu.vector_load %arg19[%get3A_426] {strides = array<i32>} : memref<1024xi32, #tpu.memory_space<vmem>>, vector<16xi32>,
        %mul3A_428 = arith.constant 16 : i32
        %mul3A_429 = arith.muli %scan3A_416, %mul3A_428 : i32
        %get3A_430 = arith.index_cast %mul3A_429 : i32 to index
        %get3A_431 = tpu.vector_load %arg28[%get3A_430] {strides = array<i32>} : memref<1024xi32, #tpu.memory_space<vmem>>, vector<16xi32>,
        %mul3A_432 = arith.constant 16 : i32
        %mul3A_433 = arith.muli %scan3A_416, %mul3A_432 : i32
        %get3A_434 = arith.index_cast %mul3A_433 : i32 to index
        %get3A_435 = tpu.vector_load %arg37[%get3A_434] {strides = array<i32>} : memref<1024xi32, #tpu.memory_space<vmem>>, vector<16xi32>,
        %broadcast_in_dim3A_436 = arith.constant true
        %broadcast_in_dim3A_437 = vector.broadcast %broadcast_in_dim3A_436 : i1 to vector<16xi1>
        %masked_cumsum3A = tpu.scan <sum>, %get3A_423 masked %broadcast_in_dim3A_437 : vector<16xi32>, vector<16xi1> -> vector<16xi32>
        %broadcast_in_dim3A_438 = arith.constant true
        %broadcast_in_dim3A_439 = vector.broadcast %broadcast_in_dim3A_438 : i1 to vector<16xi1>
        %masked_cumsum3A_440 = tpu.scan <sum>, %get3A_427 masked %broadcast_in_dim3A_439 : vector<16xi32>, vector<16xi1> -> vector<16xi32>
        %broadcast_in_dim3A_441 = arith.constant true
        %broadcast_in_dim3A_442 = vector.broadcast %broadcast_in_dim3A_441 : i1 to vector<16xi1>
        %masked_cumsum3A_443 = tpu.scan <sum>, %get3A_431 masked %broadcast_in_dim3A_442 : vector<16xi32>, vector<16xi1> -> vector<16xi32>
        %broadcast_in_dim3A_444 = arith.constant true
        %broadcast_in_dim3A_445 = vector.broadcast %broadcast_in_dim3A_444 : i1 to vector<16xi1>
        %masked_cumsum3A_446 = tpu.scan <sum>, %get3A_435 masked %broadcast_in_dim3A_445 : vector<16xi32>, vector<16xi1> -> vector<16xi32>
        %sub3A_447 = arith.subi %masked_cumsum3A, %get3A_423 : vector<16xi32>
        %add3A_448 = arith.addi %sub3A_447, %scan3A_417 : vector<16xi32>
        %mul3A_449 = arith.constant 16 : i32
        %mul3A_450 = arith.muli %scan3A_416, %mul3A_449 : i32
        %swap3A_451 = arith.index_cast %mul3A_450 : i32 to index
        %swap3A_452 = tpu.vector_load %arg10[%swap3A_451] {strides = array<i32>} : memref<1024xi32, #tpu.memory_space<vmem>>, vector<16xi32>,
        tpu.vector_store %arg10[%swap3A_451], %add3A_448 {strides = array<i32>} : memref<1024xi32, #tpu.memory_space<vmem>>, vector<16xi32>,
        %sub3A_453 = arith.subi %masked_cumsum3A_440, %get3A_427 : vector<16xi32>
        %add3A_454 = arith.addi %sub3A_453, %scan3A_418 : vector<16xi32>
        %mul3A_455 = arith.constant 16 : i32
        %mul3A_456 = arith.muli %scan3A_416, %mul3A_455 : i32
        %swap3A_457 = arith.index_cast %mul3A_456 : i32 to index
        %swap3A_458 = tpu.vector_load %arg19[%swap3A_457] {strides = array<i32>} : memref<1024xi32, #tpu.memory_space<vmem>>, vector<16xi32>,
        tpu.vector_store %arg19[%swap3A_457], %add3A_454 {strides = array<i32>} : memref<1024xi32, #tpu.memory_space<vmem>>, vector<16xi32>,
        %sub3A_459 = arith.subi %masked_cumsum3A_443, %get3A_431 : vector<16xi32>
        %add3A_460 = arith.addi %sub3A_459, %scan3A_419 : vector<16xi32>
        %mul3A_461 = arith.constant 16 : i32
        %mul3A_462 = arith.muli %scan3A_416, %mul3A_461 : i32
        %swap3A_463 = arith.index_cast %mul3A_462 : i32 to index
        %swap3A_464 = tpu.vector_load %arg28[%swap3A_463] {strides = array<i32>} : memref<1024xi32, #tpu.memory_space<vmem>>, vector<16xi32>,
        tpu.vector_store %arg28[%swap3A_463], %add3A_460 {strides = array<i32>} : memref<1024xi32, #tpu.memory_space<vmem>>, vector<16xi32>,
        %sub3A_465 = arith.subi %masked_cumsum3A_446, %get3A_435 : vector<16xi32>
        %add3A_466 = arith.addi %sub3A_465, %scan3A_420 : vector<16xi32>
        %mul3A_467 = arith.constant 16 : i32
        %mul3A_468 = arith.muli %scan3A_416, %mul3A_467 : i32
        %swap3A_469 = arith.index_cast %mul3A_468 : i32 to index
        %swap3A_470 = tpu.vector_load %arg37[%swap3A_469] {strides = array<i32>} : memref<1024xi32, #tpu.memory_space<vmem>>, vector<16xi32>,
        tpu.vector_store %arg37[%swap3A_469], %add3A_466 {strides = array<i32>} : memref<1024xi32, #tpu.memory_space<vmem>>, vector<16xi32>,
        %mul3A_471 = arith.constant 2 : i32
        %mul3A_472 = arith.muli %mul3A_471, %scan3A_416 : i32
        %add3A_473 = arith.constant 0 : i32
        %add3A_474 = arith.addi %mul3A_472, %add3A_473 : i32
        %mul3A_475 = arith.constant 16 : i32
        %mul3A_476 = arith.muli %add3A_474, %mul3A_475 : i32
        %swap3A_477 = arith.index_cast %mul3A_476 : i32 to index
        %swap3A_478 = tpu.vector_load %arg9[%swap3A_477] {strides = array<i32>} : memref<2048xi32, #tpu.memory_space<vmem>>, vector<16xi32>,
        tpu.vector_store %arg9[%swap3A_477], %broadcast_in_dim3A_1 {strides = array<i32>} : memref<2048xi32, #tpu.memory_space<vmem>>, vector<16xi32>,
        %mul3A_479 = arith.constant 2 : i32
        %mul3A_480 = arith.muli %mul3A_479, %scan3A_416 : i32
        %add3A_481 = arith.constant 0 : i32
        %add3A_482 = arith.addi %mul3A_480, %add3A_481 : i32
        %mul3A_483 = arith.constant 16 : i32
        %mul3A_484 = arith.muli %add3A_482, %mul3A_483 : i32
        %swap3A_485 = arith.index_cast %mul3A_484 : i32 to index
        %swap3A_486 = tpu.vector_load %arg18[%swap3A_485] {strides = array<i32>} : memref<2048xi32, #tpu.memory_space<vmem>>, vector<16xi32>,
        tpu.vector_store %arg18[%swap3A_485], %broadcast_in_dim3A_1 {strides = array<i32>} : memref<2048xi32, #tpu.memory_space<vmem>>, vector<16xi32>,
        %mul3A_487 = arith.constant 2 : i32
        %mul3A_488 = arith.muli %mul3A_487, %scan3A_416 : i32
        %add3A_489 = arith.constant 0 : i32
        %add3A_490 = arith.addi %mul3A_488, %add3A_489 : i32
        %mul3A_491 = arith.constant 16 : i32
        %mul3A_492 = arith.muli %add3A_490, %mul3A_491 : i32
        %swap3A_493 = arith.index_cast %mul3A_492 : i32 to index
        %swap3A_494 = tpu.vector_load %arg27[%swap3A_493] {strides = array<i32>} : memref<2048xi32, #tpu.memory_space<vmem>>, vector<16xi32>,
        tpu.vector_store %arg27[%swap3A_493], %broadcast_in_dim3A_1 {strides = array<i32>} : memref<2048xi32, #tpu.memory_space<vmem>>, vector<16xi32>,
        %mul3A_495 = arith.constant 2 : i32
        %mul3A_496 = arith.muli %mul3A_495, %scan3A_416 : i32
        %add3A_497 = arith.constant 0 : i32
        %add3A_498 = arith.addi %mul3A_496, %add3A_497 : i32
        %mul3A_499 = arith.constant 16 : i32
        %mul3A_500 = arith.muli %add3A_498, %mul3A_499 : i32
        %swap3A_501 = arith.index_cast %mul3A_500 : i32 to index
        %swap3A_502 = tpu.vector_load %arg36[%swap3A_501] {strides = array<i32>} : memref<2048xi32, #tpu.memory_space<vmem>>, vector<16xi32>,
        tpu.vector_store %arg36[%swap3A_501], %broadcast_in_dim3A_1 {strides = array<i32>} : memref<2048xi32, #tpu.memory_space<vmem>>, vector<16xi32>,
        %mul3A_503 = arith.constant 2 : i32
        %mul3A_504 = arith.muli %mul3A_503, %scan3A_416 : i32
        %add3A_505 = arith.constant 1 : i32
        %add3A_506 = arith.addi %mul3A_504, %add3A_505 : i32
        %mul3A_507 = arith.constant 16 : i32
        %mul3A_508 = arith.muli %add3A_506, %mul3A_507 : i32
        %swap3A_509 = arith.index_cast %mul3A_508 : i32 to index
        %swap3A_510 = tpu.vector_load %arg9[%swap3A_509] {strides = array<i32>} : memref<2048xi32, #tpu.memory_space<vmem>>, vector<16xi32>,
        tpu.vector_store %arg9[%swap3A_509], %broadcast_in_dim3A_1 {strides = array<i32>} : memref<2048xi32, #tpu.memory_space<vmem>>, vector<16xi32>,
        %mul3A_511 = arith.constant 2 : i32
        %mul3A_512 = arith.muli %mul3A_511, %scan3A_416 : i32
        %add3A_513 = arith.constant 1 : i32
        %add3A_514 = arith.addi %mul3A_512, %add3A_513 : i32
        %mul3A_515 = arith.constant 16 : i32
        %mul3A_516 = arith.muli %add3A_514, %mul3A_515 : i32
        %swap3A_517 = arith.index_cast %mul3A_516 : i32 to index
        %swap3A_518 = tpu.vector_load %arg18[%swap3A_517] {strides = array<i32>} : memref<2048xi32, #tpu.memory_space<vmem>>, vector<16xi32>,
        tpu.vector_store %arg18[%swap3A_517], %broadcast_in_dim3A_1 {strides = array<i32>} : memref<2048xi32, #tpu.memory_space<vmem>>, vector<16xi32>,
        %mul3A_519 = arith.constant 2 : i32
        %mul3A_520 = arith.muli %mul3A_519, %scan3A_416 : i32
        %add3A_521 = arith.constant 1 : i32
        %add3A_522 = arith.addi %mul3A_520, %add3A_521 : i32
        %mul3A_523 = arith.constant 16 : i32
        %mul3A_524 = arith.muli %add3A_522, %mul3A_523 : i32
        %swap3A_525 = arith.index_cast %mul3A_524 : i32 to index
        %swap3A_526 = tpu.vector_load %arg27[%swap3A_525] {strides = array<i32>} : memref<2048xi32, #tpu.memory_space<vmem>>, vector<16xi32>,
        tpu.vector_store %arg27[%swap3A_525], %broadcast_in_dim3A_1 {strides = array<i32>} : memref<2048xi32, #tpu.memory_space<vmem>>, vector<16xi32>,
        %mul3A_527 = arith.constant 2 : i32
        %mul3A_528 = arith.muli %mul3A_527, %scan3A_416 : i32
        %add3A_529 = arith.constant 1 : i32
        %add3A_530 = arith.addi %mul3A_528, %add3A_529 : i32
        %mul3A_531 = arith.constant 16 : i32
        %mul3A_532 = arith.muli %add3A_530, %mul3A_531 : i32
        %swap3A_533 = arith.index_cast %mul3A_532 : i32 to index
        %swap3A_534 = tpu.vector_load %arg36[%swap3A_533] {strides = array<i32>} : memref<2048xi32, #tpu.memory_space<vmem>>, vector<16xi32>,
        tpu.vector_store %arg36[%swap3A_533], %broadcast_in_dim3A_1 {strides = array<i32>} : memref<2048xi32, #tpu.memory_space<vmem>>, vector<16xi32>,
        %lt3A_535 = arith.constant 0 : i32
        %lt3A_536 = vector.broadcast %lt3A_535 : i32 to vector<16xi32>
        %lt3A_537 = arith.cmpi slt, %add3A_245, %lt3A_536 : vector<16xi32>
        %add3A_538 = arith.constant 16 : i32
        %add3A_539 = vector.broadcast %add3A_538 : i32 to vector<16xi32>
        %add3A_540 = arith.addi %add3A_245, %add3A_539 : vector<16xi32>
        %select_n3A = arith.select %lt3A_537, %add3A_540, %add3A_245 : vector<16xi1>, vector<16xi32>
        %reshape3A = vector.shape_cast %select_n3A : vector<16xi32> to vector<16x1xi32>
        %gather3A = vector.shape_cast %reshape3A : vector<16x1xi32> to vector<16xi32>
        %gather3A_541 = tpu.dynamic_gather %masked_cumsum3A[%gather3A] in [0] : vector<16xi32>, vector<16xi32> -> vector<16xi32>
        %lt3A_542 = arith.constant 0 : i32
        %lt3A_543 = vector.broadcast %lt3A_542 : i32 to vector<16xi32>
        %lt3A_544 = arith.cmpi slt, %add3A_245, %lt3A_543 : vector<16xi32>
        %add3A_545 = arith.constant 16 : i32
        %add3A_546 = vector.broadcast %add3A_545 : i32 to vector<16xi32>
        %add3A_547 = arith.addi %add3A_245, %add3A_546 : vector<16xi32>
        %select_n3A_548 = arith.select %lt3A_544, %add3A_547, %add3A_245 : vector<16xi1>, vector<16xi32>
        %reshape3A_549 = vector.shape_cast %select_n3A_548 : vector<16xi32> to vector<16x1xi32>
        %gather3A_550 = vector.shape_cast %reshape3A_549 : vector<16x1xi32> to vector<16xi32>
        %gather3A_551 = tpu.dynamic_gather %masked_cumsum3A_440[%gather3A_550] in [0] : vector<16xi32>, vector<16xi32> -> vector<16xi32>
        %lt3A_552 = arith.constant 0 : i32
        %lt3A_553 = vector.broadcast %lt3A_552 : i32 to vector<16xi32>
        %lt3A_554 = arith.cmpi slt, %add3A_245, %lt3A_553 : vector<16xi32>
        %add3A_555 = arith.constant 16 : i32
        %add3A_556 = vector.broadcast %add3A_555 : i32 to vector<16xi32>
        %add3A_557 = arith.addi %add3A_245, %add3A_556 : vector<16xi32>
        %select_n3A_558 = arith.select %lt3A_554, %add3A_557, %add3A_245 : vector<16xi1>, vector<16xi32>
        %reshape3A_559 = vector.shape_cast %select_n3A_558 : vector<16xi32> to vector<16x1xi32>
        %gather3A_560 = vector.shape_cast %reshape3A_559 : vector<16x1xi32> to vector<16xi32>
        %gather3A_561 = tpu.dynamic_gather %masked_cumsum3A_443[%gather3A_560] in [0] : vector<16xi32>, vector<16xi32> -> vector<16xi32>
        %lt3A_562 = arith.constant 0 : i32
        %lt3A_563 = vector.broadcast %lt3A_562 : i32 to vector<16xi32>
        %lt3A_564 = arith.cmpi slt, %add3A_245, %lt3A_563 : vector<16xi32>
        %add3A_565 = arith.constant 16 : i32
        %add3A_566 = vector.broadcast %add3A_565 : i32 to vector<16xi32>
        %add3A_567 = arith.addi %add3A_245, %add3A_566 : vector<16xi32>
        %select_n3A_568 = arith.select %lt3A_564, %add3A_567, %add3A_245 : vector<16xi1>, vector<16xi32>
        %reshape3A_569 = vector.shape_cast %select_n3A_568 : vector<16xi32> to vector<16x1xi32>
        %gather3A_570 = vector.shape_cast %reshape3A_569 : vector<16x1xi32> to vector<16xi32>
        %gather3A_571 = tpu.dynamic_gather %masked_cumsum3A_446[%gather3A_570] in [0] : vector<16xi32>, vector<16xi32> -> vector<16xi32>
        %add3A_572 = arith.addi %scan3A_417, %gather3A_541 : vector<16xi32>
        %add3A_573 = arith.addi %scan3A_418, %gather3A_551 : vector<16xi32>
        %add3A_574 = arith.addi %scan3A_419, %gather3A_561 : vector<16xi32>
        %add3A_575 = arith.addi %scan3A_420, %gather3A_571 : vector<16xi32>
        %scan3A_576 = arith.constant 1 : i32
        %scan3A_577 = arith.addi %scan3A_416, %scan3A_576 : i32
        %mul3A_578 = arith.constant 16 : i32
        %mul3A_579 = arith.muli %scan3A_577, %mul3A_578 : i32
        %get3A_580 = arith.index_cast %mul3A_579 : i32 to index
        %get3A_581 = tpu.vector_load %arg10[%get3A_580] {strides = array<i32>} : memref<1024xi32, #tpu.memory_space<vmem>>, vector<16xi32>,
        %mul3A_582 = arith.constant 16 : i32
        %mul3A_583 = arith.muli %scan3A_577, %mul3A_582 : i32
        %get3A_584 = arith.index_cast %mul3A_583 : i32 to index
        %get3A_585 = tpu.vector_load %arg19[%get3A_584] {strides = array<i32>} : memref<1024xi32, #tpu.memory_space<vmem>>, vector<16xi32>,
        %mul3A_586 = arith.constant 16 : i32
        %mul3A_587 = arith.muli %scan3A_577, %mul3A_586 : i32
        %get3A_588 = arith.index_cast %mul3A_587 : i32 to index
        %get3A_589 = tpu.vector_load %arg28[%get3A_588] {strides = array<i32>} : memref<1024xi32, #tpu.memory_space<vmem>>, vector<16xi32>,
        %mul3A_590 = arith.constant 16 : i32
        %mul3A_591 = arith.muli %scan3A_577, %mul3A_590 : i32
        %get3A_592 = arith.index_cast %mul3A_591 : i32 to index
        %get3A_593 = tpu.vector_load %arg37[%get3A_592] {strides = array<i32>} : memref<1024xi32, #tpu.memory_space<vmem>>, vector<16xi32>,
        %broadcast_in_dim3A_594 = arith.constant true
        %broadcast_in_dim3A_595 = vector.broadcast %broadcast_in_dim3A_594 : i1 to vector<16xi1>
        %masked_cumsum3A_596 = tpu.scan <sum>, %get3A_581 masked %broadcast_in_dim3A_595 : vector<16xi32>, vector<16xi1> -> vector<16xi32>
        %broadcast_in_dim3A_597 = arith.constant true
        %broadcast_in_dim3A_598 = vector.broadcast %broadcast_in_dim3A_597 : i1 to vector<16xi1>
        %masked_cumsum3A_599 = tpu.scan <sum>, %get3A_585 masked %broadcast_in_dim3A_598 : vector<16xi32>, vector<16xi1> -> vector<16xi32>
        %broadcast_in_dim3A_600 = arith.constant true
        %broadcast_in_dim3A_601 = vector.broadcast %broadcast_in_dim3A_600 : i1 to vector<16xi1>
        %masked_cumsum3A_602 = tpu.scan <sum>, %get3A_589 masked %broadcast_in_dim3A_601 : vector<16xi32>, vector<16xi1> -> vector<16xi32>
        %broadcast_in_dim3A_603 = arith.constant true
        %broadcast_in_dim3A_604 = vector.broadcast %broadcast_in_dim3A_603 : i1 to vector<16xi1>
        %masked_cumsum3A_605 = tpu.scan <sum>, %get3A_593 masked %broadcast_in_dim3A_604 : vector<16xi32>, vector<16xi1> -> vector<16xi32>
        %sub3A_606 = arith.subi %masked_cumsum3A_596, %get3A_581 : vector<16xi32>
        %add3A_607 = arith.addi %sub3A_606, %add3A_572 : vector<16xi32>
        %mul3A_608 = arith.constant 16 : i32
        %mul3A_609 = arith.muli %scan3A_577, %mul3A_608 : i32
        %swap3A_610 = arith.index_cast %mul3A_609 : i32 to index
        %swap3A_611 = tpu.vector_load %arg10[%swap3A_610] {strides = array<i32>} : memref<1024xi32, #tpu.memory_space<vmem>>, vector<16xi32>,
        tpu.vector_store %arg10[%swap3A_610], %add3A_607 {strides = array<i32>} : memref<1024xi32, #tpu.memory_space<vmem>>, vector<16xi32>,
        %sub3A_612 = arith.subi %masked_cumsum3A_599, %get3A_585 : vector<16xi32>
        %add3A_613 = arith.addi %sub3A_612, %add3A_573 : vector<16xi32>
        %mul3A_614 = arith.constant 16 : i32
        %mul3A_615 = arith.muli %scan3A_577, %mul3A_614 : i32
        %swap3A_616 = arith.index_cast %mul3A_615 : i32 to index
        %swap3A_617 = tpu.vector_load %arg19[%swap3A_616] {strides = array<i32>} : memref<1024xi32, #tpu.memory_space<vmem>>, vector<16xi32>,
        tpu.vector_store %arg19[%swap3A_616], %add3A_613 {strides = array<i32>} : memref<1024xi32, #tpu.memory_space<vmem>>, vector<16xi32>,
        %sub3A_618 = arith.subi %masked_cumsum3A_602, %get3A_589 : vector<16xi32>
        %add3A_619 = arith.addi %sub3A_618, %add3A_574 : vector<16xi32>
        %mul3A_620 = arith.constant 16 : i32
        %mul3A_621 = arith.muli %scan3A_577, %mul3A_620 : i32
        %swap3A_622 = arith.index_cast %mul3A_621 : i32 to index
        %swap3A_623 = tpu.vector_load %arg28[%swap3A_622] {strides = array<i32>} : memref<1024xi32, #tpu.memory_space<vmem>>, vector<16xi32>,
        tpu.vector_store %arg28[%swap3A_622], %add3A_619 {strides = array<i32>} : memref<1024xi32, #tpu.memory_space<vmem>>, vector<16xi32>,
        %sub3A_624 = arith.subi %masked_cumsum3A_605, %get3A_593 : vector<16xi32>
        %add3A_625 = arith.addi %sub3A_624, %add3A_575 : vector<16xi32>
        %mul3A_626 = arith.constant 16 : i32
        %mul3A_627 = arith.muli %scan3A_577, %mul3A_626 : i32
        %swap3A_628 = arith.index_cast %mul3A_627 : i32 to index
        %swap3A_629 = tpu.vector_load %arg37[%swap3A_628] {strides = array<i32>} : memref<1024xi32, #tpu.memory_space<vmem>>, vector<16xi32>,
        tpu.vector_store %arg37[%swap3A_628], %add3A_625 {strides = array<i32>} : memref<1024xi32, #tpu.memory_space<vmem>>, vector<16xi32>,
        %mul3A_630 = arith.constant 2 : i32
        %mul3A_631 = arith.muli %mul3A_630, %scan3A_577 : i32
        %add3A_632 = arith.constant 0 : i32
        %add3A_633 = arith.addi %mul3A_631, %add3A_632 : i32
        %mul3A_634 = arith.constant 16 : i32
        %mul3A_635 = arith.muli %add3A_633, %mul3A_634 : i32
        %swap3A_636 = arith.index_cast %mul3A_635 : i32 to index
        %swap3A_637 = tpu.vector_load %arg9[%swap3A_636] {strides = array<i32>} : memref<2048xi32, #tpu.memory_space<vmem>>, vector<16xi32>,
        tpu.vector_store %arg9[%swap3A_636], %broadcast_in_dim3A_1 {strides = array<i32>} : memref<2048xi32, #tpu.memory_space<vmem>>, vector<16xi32>,
        %mul3A_638 = arith.constant 2 : i32
        %mul3A_639 = arith.muli %mul3A_638, %scan3A_577 : i32
        %add3A_640 = arith.constant 0 : i32
        %add3A_641 = arith.addi %mul3A_639, %add3A_640 : i32
        %mul3A_642 = arith.constant 16 : i32
        %mul3A_643 = arith.muli %add3A_641, %mul3A_642 : i32
        %swap3A_644 = arith.index_cast %mul3A_643 : i32 to index
        %swap3A_645 = tpu.vector_load %arg18[%swap3A_644] {strides = array<i32>} : memref<2048xi32, #tpu.memory_space<vmem>>, vector<16xi32>,
        tpu.vector_store %arg18[%swap3A_644], %broadcast_in_dim3A_1 {strides = array<i32>} : memref<2048xi32, #tpu.memory_space<vmem>>, vector<16xi32>,
        %mul3A_646 = arith.constant 2 : i32
        %mul3A_647 = arith.muli %mul3A_646, %scan3A_577 : i32
        %add3A_648 = arith.constant 0 : i32
        %add3A_649 = arith.addi %mul3A_647, %add3A_648 : i32
        %mul3A_650 = arith.constant 16 : i32
        %mul3A_651 = arith.muli %add3A_649, %mul3A_650 : i32
        %swap3A_652 = arith.index_cast %mul3A_651 : i32 to index
        %swap3A_653 = tpu.vector_load %arg27[%swap3A_652] {strides = array<i32>} : memref<2048xi32, #tpu.memory_space<vmem>>, vector<16xi32>,
        tpu.vector_store %arg27[%swap3A_652], %broadcast_in_dim3A_1 {strides = array<i32>} : memref<2048xi32, #tpu.memory_space<vmem>>, vector<16xi32>,
        %mul3A_654 = arith.constant 2 : i32
        %mul3A_655 = arith.muli %mul3A_654, %scan3A_577 : i32
        %add3A_656 = arith.constant 0 : i32
        %add3A_657 = arith.addi %mul3A_655, %add3A_656 : i32
        %mul3A_658 = arith.constant 16 : i32
        %mul3A_659 = arith.muli %add3A_657, %mul3A_658 : i32
        %swap3A_660 = arith.index_cast %mul3A_659 : i32 to index
        %swap3A_661 = tpu.vector_load %arg36[%swap3A_660] {strides = array<i32>} : memref<2048xi32, #tpu.memory_space<vmem>>, vector<16xi32>,
        tpu.vector_store %arg36[%swap3A_660], %broadcast_in_dim3A_1 {strides = array<i32>} : memref<2048xi32, #tpu.memory_space<vmem>>, vector<16xi32>,
        %mul3A_662 = arith.constant 2 : i32
        %mul3A_663 = arith.muli %mul3A_662, %scan3A_577 : i32
        %add3A_664 = arith.constant 1 : i32
        %add3A_665 = arith.addi %mul3A_663, %add3A_664 : i32
        %mul3A_666 = arith.constant 16 : i32
        %mul3A_667 = arith.muli %add3A_665, %mul3A_666 : i32
        %swap3A_668 = arith.index_cast %mul3A_667 : i32 to index
        %swap3A_669 = tpu.vector_load %arg9[%swap3A_668] {strides = array<i32>} : memref<2048xi32, #tpu.memory_space<vmem>>, vector<16xi32>,
        tpu.vector_store %arg9[%swap3A_668], %broadcast_in_dim3A_1 {strides = array<i32>} : memref<2048xi32, #tpu.memory_space<vmem>>, vector<16xi32>,
        %mul3A_670 = arith.constant 2 : i32
        %mul3A_671 = arith.muli %mul3A_670, %scan3A_577 : i32
        %add3A_672 = arith.constant 1 : i32
        %add3A_673 = arith.addi %mul3A_671, %add3A_672 : i32
        %mul3A_674 = arith.constant 16 : i32
        %mul3A_675 = arith.muli %add3A_673, %mul3A_674 : i32
        %swap3A_676 = arith.index_cast %mul3A_675 : i32 to index
        %swap3A_677 = tpu.vector_load %arg18[%swap3A_676] {strides = array<i32>} : memref<2048xi32, #tpu.memory_space<vmem>>, vector<16xi32>,
        tpu.vector_store %arg18[%swap3A_676], %broadcast_in_dim3A_1 {strides = array<i32>} : memref<2048xi32, #tpu.memory_space<vmem>>, vector<16xi32>,
        %mul3A_678 = arith.constant 2 : i32
        %mul3A_679 = arith.muli %mul3A_678, %scan3A_577 : i32
        %add3A_680 = arith.constant 1 : i32
        %add3A_681 = arith.addi %mul3A_679, %add3A_680 : i32
        %mul3A_682 = arith.constant 16 : i32
        %mul3A_683 = arith.muli %add3A_681, %mul3A_682 : i32
        %swap3A_684 = arith.index_cast %mul3A_683 : i32 to index
        %swap3A_685 = tpu.vector_load %arg27[%swap3A_684] {strides = array<i32>} : memref<2048xi32, #tpu.memory_space<vmem>>, vector<16xi32>,
        tpu.vector_store %arg27[%swap3A_684], %broadcast_in_dim3A_1 {strides = array<i32>} : memref<2048xi32, #tpu.memory_space<vmem>>, vector<16xi32>,
        %mul3A_686 = arith.constant 2 : i32
        %mul3A_687 = arith.muli %mul3A_686, %scan3A_577 : i32
        %add3A_688 = arith.constant 1 : i32
        %add3A_689 = arith.addi %mul3A_687, %add3A_688 : i32
        %mul3A_690 = arith.constant 16 : i32
        %mul3A_691 = arith.muli %add3A_689, %mul3A_690 : i32
        %swap3A_692 = arith.index_cast %mul3A_691 : i32 to index
        %swap3A_693 = tpu.vector_load %arg36[%swap3A_692] {strides = array<i32>} : memref<2048xi32, #tpu.memory_space<vmem>>, vector<16xi32>,
        tpu.vector_store %arg36[%swap3A_692], %broadcast_in_dim3A_1 {strides = array<i32>} : memref<2048xi32, #tpu.memory_space<vmem>>, vector<16xi32>,
        %lt3A_694 = arith.constant 0 : i32
        %lt3A_695 = vector.broadcast %lt3A_694 : i32 to vector<16xi32>
        %lt3A_696 = arith.cmpi slt, %add3A_245, %lt3A_695 : vector<16xi32>
        %add3A_697 = arith.constant 16 : i32
        %add3A_698 = vector.broadcast %add3A_697 : i32 to vector<16xi32>
        %add3A_699 = arith.addi %add3A_245, %add3A_698 : vector<16xi32>
        %select_n3A_700 = arith.select %lt3A_696, %add3A_699, %add3A_245 : vector<16xi1>, vector<16xi32>
        %reshape3A_701 = vector.shape_cast %select_n3A_700 : vector<16xi32> to vector<16x1xi32>
        %gather3A_702 = vector.shape_cast %reshape3A_701 : vector<16x1xi32> to vector<16xi32>
        %gather3A_703 = tpu.dynamic_gather %masked_cumsum3A_596[%gather3A_702] in [0] : vector<16xi32>, vector<16xi32> -> vector<16xi32>
        %lt3A_704 = arith.constant 0 : i32
        %lt3A_705 = vector.broadcast %lt3A_704 : i32 to vector<16xi32>
        %lt3A_706 = arith.cmpi slt, %add3A_245, %lt3A_705 : vector<16xi32>
        %add3A_707 = arith.constant 16 : i32
        %add3A_708 = vector.broadcast %add3A_707 : i32 to vector<16xi32>
        %add3A_709 = arith.addi %add3A_245, %add3A_708 : vector<16xi32>
        %select_n3A_710 = arith.select %lt3A_706, %add3A_709, %add3A_245 : vector<16xi1>, vector<16xi32>
        %reshape3A_711 = vector.shape_cast %select_n3A_710 : vector<16xi32> to vector<16x1xi32>
        %gather3A_712 = vector.shape_cast %reshape3A_711 : vector<16x1xi32> to vector<16xi32>
        %gather3A_713 = tpu.dynamic_gather %masked_cumsum3A_599[%gather3A_712] in [0] : vector<16xi32>, vector<16xi32> -> vector<16xi32>
        %lt3A_714 = arith.constant 0 : i32
        %lt3A_715 = vector.broadcast %lt3A_714 : i32 to vector<16xi32>
        %lt3A_716 = arith.cmpi slt, %add3A_245, %lt3A_715 : vector<16xi32>
        %add3A_717 = arith.constant 16 : i32
        %add3A_718 = vector.broadcast %add3A_717 : i32 to vector<16xi32>
        %add3A_719 = arith.addi %add3A_245, %add3A_718 : vector<16xi32>
        %select_n3A_720 = arith.select %lt3A_716, %add3A_719, %add3A_245 : vector<16xi1>, vector<16xi32>
        %reshape3A_721 = vector.shape_cast %select_n3A_720 : vector<16xi32> to vector<16x1xi32>
        %gather3A_722 = vector.shape_cast %reshape3A_721 : vector<16x1xi32> to vector<16xi32>
        %gather3A_723 = tpu.dynamic_gather %masked_cumsum3A_602[%gather3A_722] in [0] : vector<16xi32>, vector<16xi32> -> vector<16xi32>
        %lt3A_724 = arith.constant 0 : i32
        %lt3A_725 = vector.broadcast %lt3A_724 : i32 to vector<16xi32>
        %lt3A_726 = arith.cmpi slt, %add3A_245, %lt3A_725 : vector<16xi32>
        %add3A_727 = arith.constant 16 : i32
        %add3A_728 = vector.broadcast %add3A_727 : i32 to vector<16xi32>
        %add3A_729 = arith.addi %add3A_245, %add3A_728 : vector<16xi32>
        %select_n3A_730 = arith.select %lt3A_726, %add3A_729, %add3A_245 : vector<16xi1>, vector<16xi32>
        %reshape3A_731 = vector.shape_cast %select_n3A_730 : vector<16xi32> to vector<16x1xi32>
        %gather3A_732 = vector.shape_cast %reshape3A_731 : vector<16x1xi32> to vector<16xi32>
        %gather3A_733 = tpu.dynamic_gather %masked_cumsum3A_605[%gather3A_732] in [0] : vector<16xi32>, vector<16xi32> -> vector<16xi32>
        %add3A_734 = arith.addi %add3A_572, %gather3A_703 : vector<16xi32>
        %add3A_735 = arith.addi %add3A_573, %gather3A_713 : vector<16xi32>
        %add3A_736 = arith.addi %add3A_574, %gather3A_723 : vector<16xi32>
        %add3A_737 = arith.addi %add3A_575, %gather3A_733 : vector<16xi32>
        scf.yield %add3A_734, %add3A_735, %add3A_736, %add3A_737 : vector<16xi32>, vector<16xi32>, vector<16xi32>, vector<16xi32>
      }
      %scan3A_251 = arith.constant 64 : i32
      %scan3A_252 = arith.constant 0 : i32
      %scan3A_253 = arith.constant 0 : i32
      %scan3A_254 = arith.constant 256 : i32
      %scan3A_255 = arith.addi %scan3A_253, %scan3A_254 : i32
      %scan3A_256 = arith.constant 2 : i32
      %scan3A_257 = scf.for %scan3A_416 = %scan3A_253 to %scan3A_255 step %scan3A_256 iter_args(%scan3A_417 = %scan3A_252) -> (i32)  : i32 {
        %mul3A_418 = arith.constant 16 : i32
        %mul3A_419 = arith.muli %scan3A_416, %mul3A_418 : i32
        %get3A = arith.index_cast %mul3A_419 : i32 to index
        %get3A_420 = tpu.vector_load %arg7[%get3A] {strides = array<i32>} : memref<4096xi32, #tpu.memory_space<vmem>>, vector<16xi32>,
        %mul3A_421 = arith.constant 16 : i32
        %mul3A_422 = arith.muli %scan3A_416, %mul3A_421 : i32
        %get3A_423 = arith.index_cast %mul3A_422 : i32 to index
        %get3A_424 = tpu.vector_load %arg16[%get3A_423] {strides = array<i32>} : memref<4096xi32, #tpu.memory_space<vmem>>, vector<16xi32>,
        %mul3A_425 = arith.constant 16 : i32
        %mul3A_426 = arith.muli %scan3A_416, %mul3A_425 : i32
        %get3A_427 = arith.index_cast %mul3A_426 : i32 to index
        %get3A_428 = tpu.vector_load %arg25[%get3A_427] {strides = array<i32>} : memref<4096xi32, #tpu.memory_space<vmem>>, vector<16xi32>,
        %mul3A_429 = arith.constant 16 : i32
        %mul3A_430 = arith.muli %scan3A_416, %mul3A_429 : i32
        %get3A_431 = arith.index_cast %mul3A_430 : i32 to index
        %get3A_432 = tpu.vector_load %arg34[%get3A_431] {strides = array<i32>} : memref<4096xi32, #tpu.memory_space<vmem>>, vector<16xi32>,
        %mul3A_433 = arith.constant 16 : i32
        %mul3A_434 = arith.muli %scan3A_416, %mul3A_433 : i32
        %get3A_435 = arith.index_cast %mul3A_434 : i32 to index
        %get3A_436 = tpu.vector_load %arg8[%get3A_435] {strides = array<i32>} : memref<4096xi32, #tpu.memory_space<vmem>>, vector<16xi32>,
        %mul3A_437 = arith.constant 16 : i32
        %mul3A_438 = arith.muli %scan3A_416, %mul3A_437 : i32
        %get3A_439 = arith.index_cast %mul3A_438 : i32 to index
        %get3A_440 = tpu.vector_load %arg17[%get3A_439] {strides = array<i32>} : memref<4096xi32, #tpu.memory_space<vmem>>, vector<16xi32>,
        %mul3A_441 = arith.constant 16 : i32
        %mul3A_442 = arith.muli %scan3A_416, %mul3A_441 : i32
        %get3A_443 = arith.index_cast %mul3A_442 : i32 to index
        %get3A_444 = tpu.vector_load %arg26[%get3A_443] {strides = array<i32>} : memref<4096xi32, #tpu.memory_space<vmem>>, vector<16xi32>,
        %mul3A_445 = arith.constant 16 : i32
        %mul3A_446 = arith.muli %scan3A_416, %mul3A_445 : i32
        %get3A_447 = arith.index_cast %mul3A_446 : i32 to index
        %get3A_448 = tpu.vector_load %arg35[%get3A_447] {strides = array<i32>} : memref<4096xi32, #tpu.memory_space<vmem>>, vector<16xi32>,
        %shift_right_logical3A = arith.constant 11 : i32
        %shift_right_logical3A_449 = vector.broadcast %shift_right_logical3A : i32 to vector<16xi32>
        %shift_right_logical3A_450 = arith.shrui %get3A_420, %shift_right_logical3A_449 : vector<16xi32>
        %and3A = arith.constant 1023 : i32
        %and3A_451 = vector.broadcast %and3A : i32 to vector<16xi32>
        %and3A_452 = arith.andi %shift_right_logical3A_450, %and3A_451 : vector<16xi32>
        %shift_right_logical3A_453 = arith.constant 11 : i32
        %shift_right_logical3A_454 = vector.broadcast %shift_right_logical3A_453 : i32 to vector<16xi32>
        %shift_right_logical3A_455 = arith.shrui %get3A_424, %shift_right_logical3A_454 : vector<16xi32>
        %and3A_456 = arith.constant 1023 : i32
        %and3A_457 = vector.broadcast %and3A_456 : i32 to vector<16xi32>
        %and3A_458 = arith.andi %shift_right_logical3A_455, %and3A_457 : vector<16xi32>
        %shift_right_logical3A_459 = arith.constant 11 : i32
        %shift_right_logical3A_460 = vector.broadcast %shift_right_logical3A_459 : i32 to vector<16xi32>
        %shift_right_logical3A_461 = arith.shrui %get3A_428, %shift_right_logical3A_460 : vector<16xi32>
        %and3A_462 = arith.constant 1023 : i32
        %and3A_463 = vector.broadcast %and3A_462 : i32 to vector<16xi32>
        %and3A_464 = arith.andi %shift_right_logical3A_461, %and3A_463 : vector<16xi32>
        %shift_right_logical3A_465 = arith.constant 11 : i32
        %shift_right_logical3A_466 = vector.broadcast %shift_right_logical3A_465 : i32 to vector<16xi32>
        %shift_right_logical3A_467 = arith.shrui %get3A_432, %shift_right_logical3A_466 : vector<16xi32>
        %and3A_468 = arith.constant 1023 : i32
        %and3A_469 = vector.broadcast %and3A_468 : i32 to vector<16xi32>
        %and3A_470 = arith.andi %shift_right_logical3A_467, %and3A_469 : vector<16xi32>
        %shift_right_logical3A_471 = arith.constant 21 : i32
        %shift_right_logical3A_472 = vector.broadcast %shift_right_logical3A_471 : i32 to vector<16xi32>
        %shift_right_logical3A_473 = arith.shrui %get3A_420, %shift_right_logical3A_472 : vector<16xi32>
        %and3A_474 = arith.constant 2047 : i32
        %and3A_475 = vector.broadcast %and3A_474 : i32 to vector<16xi32>
        %and3A_476 = arith.andi %shift_right_logical3A_473, %and3A_475 : vector<16xi32>
        %shift_right_logical3A_477 = arith.constant 21 : i32
        %shift_right_logical3A_478 = vector.broadcast %shift_right_logical3A_477 : i32 to vector<16xi32>
        %shift_right_logical3A_479 = arith.shrui %get3A_424, %shift_right_logical3A_478 : vector<16xi32>
        %and3A_480 = arith.constant 2047 : i32
        %and3A_481 = vector.broadcast %and3A_480 : i32 to vector<16xi32>
        %and3A_482 = arith.andi %shift_right_logical3A_479, %and3A_481 : vector<16xi32>
        %shift_right_logical3A_483 = arith.constant 21 : i32
        %shift_right_logical3A_484 = vector.broadcast %shift_right_logical3A_483 : i32 to vector<16xi32>
        %shift_right_logical3A_485 = arith.shrui %get3A_428, %shift_right_logical3A_484 : vector<16xi32>
        %and3A_486 = arith.constant 2047 : i32
        %and3A_487 = vector.broadcast %and3A_486 : i32 to vector<16xi32>
        %and3A_488 = arith.andi %shift_right_logical3A_485, %and3A_487 : vector<16xi32>
        %shift_right_logical3A_489 = arith.constant 21 : i32
        %shift_right_logical3A_490 = vector.broadcast %shift_right_logical3A_489 : i32 to vector<16xi32>
        %shift_right_logical3A_491 = arith.shrui %get3A_432, %shift_right_logical3A_490 : vector<16xi32>
        %and3A_492 = arith.constant 2047 : i32
        %and3A_493 = vector.broadcast %and3A_492 : i32 to vector<16xi32>
        %and3A_494 = arith.andi %shift_right_logical3A_491, %and3A_493 : vector<16xi32>
        %broadcast_in_dim3A_495 = arith.constant true
        %broadcast_in_dim3A_496 = vector.broadcast %broadcast_in_dim3A_495 : i1 to vector<16xi1>
        %unique3A, %unique3A_497 = tpu.scan_count mask(%broadcast_in_dim3A_496 : vector<16xi1>) value(%and3A_452 : vector<16xi32>) : vector<16xi1>, vector<16xi32>
        %broadcast_in_dim3A_498 = arith.constant true
        %broadcast_in_dim3A_499 = vector.broadcast %broadcast_in_dim3A_498 : i1 to vector<16xi1>
        %unique3A_500, %unique3A_501 = tpu.scan_count mask(%broadcast_in_dim3A_499 : vector<16xi1>) value(%and3A_458 : vector<16xi32>) : vector<16xi1>, vector<16xi32>
        %broadcast_in_dim3A_502 = arith.constant true
        %broadcast_in_dim3A_503 = vector.broadcast %broadcast_in_dim3A_502 : i1 to vector<16xi1>
        %unique3A_504, %unique3A_505 = tpu.scan_count mask(%broadcast_in_dim3A_503 : vector<16xi1>) value(%and3A_464 : vector<16xi32>) : vector<16xi1>, vector<16xi32>
        %broadcast_in_dim3A_506 = arith.constant true
        %broadcast_in_dim3A_507 = vector.broadcast %broadcast_in_dim3A_506 : i1 to vector<16xi1>
        %unique3A_508, %unique3A_509 = tpu.scan_count mask(%broadcast_in_dim3A_507 : vector<16xi1>) value(%and3A_470 : vector<16xi32>) : vector<16xi1>, vector<16xi32>
        %broadcast_in_dim3A_510 = arith.constant true
        %broadcast_in_dim3A_511 = vector.broadcast %broadcast_in_dim3A_510 : i1 to vector<16xi1>
        %unique3A_512, %unique3A_513 = tpu.scan_count mask(%broadcast_in_dim3A_511 : vector<16xi1>) value(%and3A_476 : vector<16xi32>) : vector<16xi1>, vector<16xi32>
        %broadcast_in_dim3A_514 = arith.constant true
        %broadcast_in_dim3A_515 = vector.broadcast %broadcast_in_dim3A_514 : i1 to vector<16xi1>
        %unique3A_516, %unique3A_517 = tpu.scan_count mask(%broadcast_in_dim3A_515 : vector<16xi1>) value(%and3A_482 : vector<16xi32>) : vector<16xi1>, vector<16xi32>
        %broadcast_in_dim3A_518 = arith.constant true
        %broadcast_in_dim3A_519 = vector.broadcast %broadcast_in_dim3A_518 : i1 to vector<16xi1>
        %unique3A_520, %unique3A_521 = tpu.scan_count mask(%broadcast_in_dim3A_519 : vector<16xi1>) value(%and3A_488 : vector<16xi32>) : vector<16xi1>, vector<16xi32>
        %broadcast_in_dim3A_522 = arith.constant true
        %broadcast_in_dim3A_523 = vector.broadcast %broadcast_in_dim3A_522 : i1 to vector<16xi1>
        %unique3A_524, %unique3A_525 = tpu.scan_count mask(%broadcast_in_dim3A_523 : vector<16xi1>) value(%and3A_494 : vector<16xi32>) : vector<16xi1>, vector<16xi32>
        %gather3A = tpu.vector_load_idx %arg10[%and3A_452] : memref<1024xi32, #tpu.memory_space<vmem>>[vector<16xi32>], vector<16xi32>,
        %gather3A_526 = tpu.vector_load_idx %arg19[%and3A_458] : memref<1024xi32, #tpu.memory_space<vmem>>[vector<16xi32>], vector<16xi32>,
        %gather3A_527 = tpu.vector_load_idx %arg28[%and3A_464] : memref<1024xi32, #tpu.memory_space<vmem>>[vector<16xi32>], vector<16xi32>,
        %gather3A_528 = tpu.vector_load_idx %arg37[%and3A_470] : memref<1024xi32, #tpu.memory_space<vmem>>[vector<16xi32>], vector<16xi32>,
        %add3A_529 = arith.addi %gather3A, %unique3A_497 : vector<16xi32>
        %sub3A_530 = arith.constant 1 : i32
        %sub3A_531 = vector.broadcast %sub3A_530 : i32 to vector<16xi32>
        %sub3A_532 = arith.subi %add3A_529, %sub3A_531 : vector<16xi32>
        %add3A_533 = arith.addi %gather3A_526, %unique3A_501 : vector<16xi32>
        %sub3A_534 = arith.constant 1 : i32
        %sub3A_535 = vector.broadcast %sub3A_534 : i32 to vector<16xi32>
        %sub3A_536 = arith.subi %add3A_533, %sub3A_535 : vector<16xi32>
        %add3A_537 = arith.addi %gather3A_527, %unique3A_505 : vector<16xi32>
        %sub3A_538 = arith.constant 1 : i32
        %sub3A_539 = vector.broadcast %sub3A_538 : i32 to vector<16xi32>
        %sub3A_540 = arith.subi %add3A_537, %sub3A_539 : vector<16xi32>
        %add3A_541 = arith.addi %gather3A_528, %unique3A_509 : vector<16xi32>
        %sub3A_542 = arith.constant 1 : i32
        %sub3A_543 = vector.broadcast %sub3A_542 : i32 to vector<16xi32>
        %sub3A_544 = arith.subi %add3A_541, %sub3A_543 : vector<16xi32>
        tpu.vector_store_idx %arg5[%sub3A_532], %get3A_420 : memref<4096xi32, #tpu.memory_space<vmem>>[vector<16xi32>], vector<16xi32>,
        tpu.vector_store_idx %arg14[%sub3A_536], %get3A_424 : memref<4096xi32, #tpu.memory_space<vmem>>[vector<16xi32>], vector<16xi32>,
        tpu.vector_store_idx %arg23[%sub3A_540], %get3A_428 : memref<4096xi32, #tpu.memory_space<vmem>>[vector<16xi32>], vector<16xi32>,
        tpu.vector_store_idx %arg32[%sub3A_544], %get3A_432 : memref<4096xi32, #tpu.memory_space<vmem>>[vector<16xi32>], vector<16xi32>,
        tpu.vector_store_idx %arg6[%sub3A_532], %get3A_436 : memref<4096xi32, #tpu.memory_space<vmem>>[vector<16xi32>], vector<16xi32>,
        tpu.vector_store_idx %arg15[%sub3A_536], %get3A_440 : memref<4096xi32, #tpu.memory_space<vmem>>[vector<16xi32>], vector<16xi32>,
        tpu.vector_store_idx %arg24[%sub3A_540], %get3A_444 : memref<4096xi32, #tpu.memory_space<vmem>>[vector<16xi32>], vector<16xi32>,
        tpu.vector_store_idx %arg33[%sub3A_544], %get3A_448 : memref<4096xi32, #tpu.memory_space<vmem>>[vector<16xi32>], vector<16xi32>,
        tpu.vector_store_idx %arg10[%and3A_452], %unique3A_497 masked %unique3A {add = true} : memref<1024xi32, #tpu.memory_space<vmem>>[vector<16xi32>], vector<16xi32>, vector<16xi1>
        tpu.vector_store_idx %arg19[%and3A_458], %unique3A_501 masked %unique3A_500 {add = true} : memref<1024xi32, #tpu.memory_space<vmem>>[vector<16xi32>], vector<16xi32>, vector<16xi1>
        tpu.vector_store_idx %arg28[%and3A_464], %unique3A_505 masked %unique3A_504 {add = true} : memref<1024xi32, #tpu.memory_space<vmem>>[vector<16xi32>], vector<16xi32>, vector<16xi1>
        tpu.vector_store_idx %arg37[%and3A_470], %unique3A_509 masked %unique3A_508 {add = true} : memref<1024xi32, #tpu.memory_space<vmem>>[vector<16xi32>], vector<16xi32>, vector<16xi1>
        tpu.vector_store_idx %arg9[%and3A_476], %unique3A_513 masked %unique3A_512 {add = true} : memref<2048xi32, #tpu.memory_space<vmem>>[vector<16xi32>], vector<16xi32>, vector<16xi1>
        tpu.vector_store_idx %arg18[%and3A_482], %unique3A_517 masked %unique3A_516 {add = true} : memref<2048xi32, #tpu.memory_space<vmem>>[vector<16xi32>], vector<16xi32>, vector<16xi1>
        tpu.vector_store_idx %arg27[%and3A_488], %unique3A_521 masked %unique3A_520 {add = true} : memref<2048xi32, #tpu.memory_space<vmem>>[vector<16xi32>], vector<16xi32>, vector<16xi1>
        tpu.vector_store_idx %arg36[%and3A_494], %unique3A_525 masked %unique3A_524 {add = true} : memref<2048xi32, #tpu.memory_space<vmem>>[vector<16xi32>], vector<16xi32>, vector<16xi1>
        %scan3A_545 = arith.constant 0 : i32
        %scan3A_546 = arith.constant 1 : i32
        %scan3A_547 = arith.addi %scan3A_416, %scan3A_546 : i32
        %mul3A_548 = arith.constant 16 : i32
        %mul3A_549 = arith.muli %scan3A_547, %mul3A_548 : i32
        %get3A_550 = arith.index_cast %mul3A_549 : i32 to index
        %get3A_551 = tpu.vector_load %arg7[%get3A_550] {strides = array<i32>} : memref<4096xi32, #tpu.memory_space<vmem>>, vector<16xi32>,
        %mul3A_552 = arith.constant 16 : i32
        %mul3A_553 = arith.muli %scan3A_547, %mul3A_552 : i32
        %get3A_554 = arith.index_cast %mul3A_553 : i32 to index
        %get3A_555 = tpu.vector_load %arg16[%get3A_554] {strides = array<i32>} : memref<4096xi32, #tpu.memory_space<vmem>>, vector<16xi32>,
        %mul3A_556 = arith.constant 16 : i32
        %mul3A_557 = arith.muli %scan3A_547, %mul3A_556 : i32
        %get3A_558 = arith.index_cast %mul3A_557 : i32 to index
        %get3A_559 = tpu.vector_load %arg25[%get3A_558] {strides = array<i32>} : memref<4096xi32, #tpu.memory_space<vmem>>, vector<16xi32>,
        %mul3A_560 = arith.constant 16 : i32
        %mul3A_561 = arith.muli %scan3A_547, %mul3A_560 : i32
        %get3A_562 = arith.index_cast %mul3A_561 : i32 to index
        %get3A_563 = tpu.vector_load %arg34[%get3A_562] {strides = array<i32>} : memref<4096xi32, #tpu.memory_space<vmem>>, vector<16xi32>,
        %mul3A_564 = arith.constant 16 : i32
        %mul3A_565 = arith.muli %scan3A_547, %mul3A_564 : i32
        %get3A_566 = arith.index_cast %mul3A_565 : i32 to index
        %get3A_567 = tpu.vector_load %arg8[%get3A_566] {strides = array<i32>} : memref<4096xi32, #tpu.memory_space<vmem>>, vector<16xi32>,
        %mul3A_568 = arith.constant 16 : i32
        %mul3A_569 = arith.muli %scan3A_547, %mul3A_568 : i32
        %get3A_570 = arith.index_cast %mul3A_569 : i32 to index
        %get3A_571 = tpu.vector_load %arg17[%get3A_570] {strides = array<i32>} : memref<4096xi32, #tpu.memory_space<vmem>>, vector<16xi32>,
        %mul3A_572 = arith.constant 16 : i32
        %mul3A_573 = arith.muli %scan3A_547, %mul3A_572 : i32
        %get3A_574 = arith.index_cast %mul3A_573 : i32 to index
        %get3A_575 = tpu.vector_load %arg26[%get3A_574] {strides = array<i32>} : memref<4096xi32, #tpu.memory_space<vmem>>, vector<16xi32>,
        %mul3A_576 = arith.constant 16 : i32
        %mul3A_577 = arith.muli %scan3A_547, %mul3A_576 : i32
        %get3A_578 = arith.index_cast %mul3A_577 : i32 to index
        %get3A_579 = tpu.vector_load %arg35[%get3A_578] {strides = array<i32>} : memref<4096xi32, #tpu.memory_space<vmem>>, vector<16xi32>,
        %shift_right_logical3A_580 = arith.constant 11 : i32
        %shift_right_logical3A_581 = vector.broadcast %shift_right_logical3A_580 : i32 to vector<16xi32>
        %shift_right_logical3A_582 = arith.shrui %get3A_551, %shift_right_logical3A_581 : vector<16xi32>
        %and3A_583 = arith.constant 1023 : i32
        %and3A_584 = vector.broadcast %and3A_583 : i32 to vector<16xi32>
        %and3A_585 = arith.andi %shift_right_logical3A_582, %and3A_584 : vector<16xi32>
        %shift_right_logical3A_586 = arith.constant 11 : i32
        %shift_right_logical3A_587 = vector.broadcast %shift_right_logical3A_586 : i32 to vector<16xi32>
        %shift_right_logical3A_588 = arith.shrui %get3A_555, %shift_right_logical3A_587 : vector<16xi32>
        %and3A_589 = arith.constant 1023 : i32
        %and3A_590 = vector.broadcast %and3A_589 : i32 to vector<16xi32>
        %and3A_591 = arith.andi %shift_right_logical3A_588, %and3A_590 : vector<16xi32>
        %shift_right_logical3A_592 = arith.constant 11 : i32
        %shift_right_logical3A_593 = vector.broadcast %shift_right_logical3A_592 : i32 to vector<16xi32>
        %shift_right_logical3A_594 = arith.shrui %get3A_559, %shift_right_logical3A_593 : vector<16xi32>
        %and3A_595 = arith.constant 1023 : i32
        %and3A_596 = vector.broadcast %and3A_595 : i32 to vector<16xi32>
        %and3A_597 = arith.andi %shift_right_logical3A_594, %and3A_596 : vector<16xi32>
        %shift_right_logical3A_598 = arith.constant 11 : i32
        %shift_right_logical3A_599 = vector.broadcast %shift_right_logical3A_598 : i32 to vector<16xi32>
        %shift_right_logical3A_600 = arith.shrui %get3A_563, %shift_right_logical3A_599 : vector<16xi32>
        %and3A_601 = arith.constant 1023 : i32
        %and3A_602 = vector.broadcast %and3A_601 : i32 to vector<16xi32>
        %and3A_603 = arith.andi %shift_right_logical3A_600, %and3A_602 : vector<16xi32>
        %shift_right_logical3A_604 = arith.constant 21 : i32
        %shift_right_logical3A_605 = vector.broadcast %shift_right_logical3A_604 : i32 to vector<16xi32>
        %shift_right_logical3A_606 = arith.shrui %get3A_551, %shift_right_logical3A_605 : vector<16xi32>
        %and3A_607 = arith.constant 2047 : i32
        %and3A_608 = vector.broadcast %and3A_607 : i32 to vector<16xi32>
        %and3A_609 = arith.andi %shift_right_logical3A_606, %and3A_608 : vector<16xi32>
        %shift_right_logical3A_610 = arith.constant 21 : i32
        %shift_right_logical3A_611 = vector.broadcast %shift_right_logical3A_610 : i32 to vector<16xi32>
        %shift_right_logical3A_612 = arith.shrui %get3A_555, %shift_right_logical3A_611 : vector<16xi32>
        %and3A_613 = arith.constant 2047 : i32
        %and3A_614 = vector.broadcast %and3A_613 : i32 to vector<16xi32>
        %and3A_615 = arith.andi %shift_right_logical3A_612, %and3A_614 : vector<16xi32>
        %shift_right_logical3A_616 = arith.constant 21 : i32
        %shift_right_logical3A_617 = vector.broadcast %shift_right_logical3A_616 : i32 to vector<16xi32>
        %shift_right_logical3A_618 = arith.shrui %get3A_559, %shift_right_logical3A_617 : vector<16xi32>
        %and3A_619 = arith.constant 2047 : i32
        %and3A_620 = vector.broadcast %and3A_619 : i32 to vector<16xi32>
        %and3A_621 = arith.andi %shift_right_logical3A_618, %and3A_620 : vector<16xi32>
        %shift_right_logical3A_622 = arith.constant 21 : i32
        %shift_right_logical3A_623 = vector.broadcast %shift_right_logical3A_622 : i32 to vector<16xi32>
        %shift_right_logical3A_624 = arith.shrui %get3A_563, %shift_right_logical3A_623 : vector<16xi32>
        %and3A_625 = arith.constant 2047 : i32
        %and3A_626 = vector.broadcast %and3A_625 : i32 to vector<16xi32>
        %and3A_627 = arith.andi %shift_right_logical3A_624, %and3A_626 : vector<16xi32>
        %broadcast_in_dim3A_628 = arith.constant true
        %broadcast_in_dim3A_629 = vector.broadcast %broadcast_in_dim3A_628 : i1 to vector<16xi1>
        %unique3A_630, %unique3A_631 = tpu.scan_count mask(%broadcast_in_dim3A_629 : vector<16xi1>) value(%and3A_585 : vector<16xi32>) : vector<16xi1>, vector<16xi32>
        %broadcast_in_dim3A_632 = arith.constant true
        %broadcast_in_dim3A_633 = vector.broadcast %broadcast_in_dim3A_632 : i1 to vector<16xi1>
        %unique3A_634, %unique3A_635 = tpu.scan_count mask(%broadcast_in_dim3A_633 : vector<16xi1>) value(%and3A_591 : vector<16xi32>) : vector<16xi1>, vector<16xi32>
        %broadcast_in_dim3A_636 = arith.constant true
        %broadcast_in_dim3A_637 = vector.broadcast %broadcast_in_dim3A_636 : i1 to vector<16xi1>
        %unique3A_638, %unique3A_639 = tpu.scan_count mask(%broadcast_in_dim3A_637 : vector<16xi1>) value(%and3A_597 : vector<16xi32>) : vector<16xi1>, vector<16xi32>
        %broadcast_in_dim3A_640 = arith.constant true
        %broadcast_in_dim3A_641 = vector.broadcast %broadcast_in_dim3A_640 : i1 to vector<16xi1>
        %unique3A_642, %unique3A_643 = tpu.scan_count mask(%broadcast_in_dim3A_641 : vector<16xi1>) value(%and3A_603 : vector<16xi32>) : vector<16xi1>, vector<16xi32>
        %broadcast_in_dim3A_644 = arith.constant true
        %broadcast_in_dim3A_645 = vector.broadcast %broadcast_in_dim3A_644 : i1 to vector<16xi1>
        %unique3A_646, %unique3A_647 = tpu.scan_count mask(%broadcast_in_dim3A_645 : vector<16xi1>) value(%and3A_609 : vector<16xi32>) : vector<16xi1>, vector<16xi32>
        %broadcast_in_dim3A_648 = arith.constant true
        %broadcast_in_dim3A_649 = vector.broadcast %broadcast_in_dim3A_648 : i1 to vector<16xi1>
        %unique3A_650, %unique3A_651 = tpu.scan_count mask(%broadcast_in_dim3A_649 : vector<16xi1>) value(%and3A_615 : vector<16xi32>) : vector<16xi1>, vector<16xi32>
        %broadcast_in_dim3A_652 = arith.constant true
        %broadcast_in_dim3A_653 = vector.broadcast %broadcast_in_dim3A_652 : i1 to vector<16xi1>
        %unique3A_654, %unique3A_655 = tpu.scan_count mask(%broadcast_in_dim3A_653 : vector<16xi1>) value(%and3A_621 : vector<16xi32>) : vector<16xi1>, vector<16xi32>
        %broadcast_in_dim3A_656 = arith.constant true
        %broadcast_in_dim3A_657 = vector.broadcast %broadcast_in_dim3A_656 : i1 to vector<16xi1>
        %unique3A_658, %unique3A_659 = tpu.scan_count mask(%broadcast_in_dim3A_657 : vector<16xi1>) value(%and3A_627 : vector<16xi32>) : vector<16xi1>, vector<16xi32>
        %gather3A_660 = tpu.vector_load_idx %arg10[%and3A_585] : memref<1024xi32, #tpu.memory_space<vmem>>[vector<16xi32>], vector<16xi32>,
        %gather3A_661 = tpu.vector_load_idx %arg19[%and3A_591] : memref<1024xi32, #tpu.memory_space<vmem>>[vector<16xi32>], vector<16xi32>,
        %gather3A_662 = tpu.vector_load_idx %arg28[%and3A_597] : memref<1024xi32, #tpu.memory_space<vmem>>[vector<16xi32>], vector<16xi32>,
        %gather3A_663 = tpu.vector_load_idx %arg37[%and3A_603] : memref<1024xi32, #tpu.memory_space<vmem>>[vector<16xi32>], vector<16xi32>,
        %add3A_664 = arith.addi %gather3A_660, %unique3A_631 : vector<16xi32>
        %sub3A_665 = arith.constant 1 : i32
        %sub3A_666 = vector.broadcast %sub3A_665 : i32 to vector<16xi32>
        %sub3A_667 = arith.subi %add3A_664, %sub3A_666 : vector<16xi32>
        %add3A_668 = arith.addi %gather3A_661, %unique3A_635 : vector<16xi32>
        %sub3A_669 = arith.constant 1 : i32
        %sub3A_670 = vector.broadcast %sub3A_669 : i32 to vector<16xi32>
        %sub3A_671 = arith.subi %add3A_668, %sub3A_670 : vector<16xi32>
        %add3A_672 = arith.addi %gather3A_662, %unique3A_639 : vector<16xi32>
        %sub3A_673 = arith.constant 1 : i32
        %sub3A_674 = vector.broadcast %sub3A_673 : i32 to vector<16xi32>
        %sub3A_675 = arith.subi %add3A_672, %sub3A_674 : vector<16xi32>
        %add3A_676 = arith.addi %gather3A_663, %unique3A_643 : vector<16xi32>
        %sub3A_677 = arith.constant 1 : i32
        %sub3A_678 = vector.broadcast %sub3A_677 : i32 to vector<16xi32>
        %sub3A_679 = arith.subi %add3A_676, %sub3A_678 : vector<16xi32>
        tpu.vector_store_idx %arg5[%sub3A_667], %get3A_551 : memref<4096xi32, #tpu.memory_space<vmem>>[vector<16xi32>], vector<16xi32>,
        tpu.vector_store_idx %arg14[%sub3A_671], %get3A_555 : memref<4096xi32, #tpu.memory_space<vmem>>[vector<16xi32>], vector<16xi32>,
        tpu.vector_store_idx %arg23[%sub3A_675], %get3A_559 : memref<4096xi32, #tpu.memory_space<vmem>>[vector<16xi32>], vector<16xi32>,
        tpu.vector_store_idx %arg32[%sub3A_679], %get3A_563 : memref<4096xi32, #tpu.memory_space<vmem>>[vector<16xi32>], vector<16xi32>,
        tpu.vector_store_idx %arg6[%sub3A_667], %get3A_567 : memref<4096xi32, #tpu.memory_space<vmem>>[vector<16xi32>], vector<16xi32>,
        tpu.vector_store_idx %arg15[%sub3A_671], %get3A_571 : memref<4096xi32, #tpu.memory_space<vmem>>[vector<16xi32>], vector<16xi32>,
        tpu.vector_store_idx %arg24[%sub3A_675], %get3A_575 : memref<4096xi32, #tpu.memory_space<vmem>>[vector<16xi32>], vector<16xi32>,
        tpu.vector_store_idx %arg33[%sub3A_679], %get3A_579 : memref<4096xi32, #tpu.memory_space<vmem>>[vector<16xi32>], vector<16xi32>,
        tpu.vector_store_idx %arg10[%and3A_585], %unique3A_631 masked %unique3A_630 {add = true} : memref<1024xi32, #tpu.memory_space<vmem>>[vector<16xi32>], vector<16xi32>, vector<16xi1>
        tpu.vector_store_idx %arg19[%and3A_591], %unique3A_635 masked %unique3A_634 {add = true} : memref<1024xi32, #tpu.memory_space<vmem>>[vector<16xi32>], vector<16xi32>, vector<16xi1>
        tpu.vector_store_idx %arg28[%and3A_597], %unique3A_639 masked %unique3A_638 {add = true} : memref<1024xi32, #tpu.memory_space<vmem>>[vector<16xi32>], vector<16xi32>, vector<16xi1>
        tpu.vector_store_idx %arg37[%and3A_603], %unique3A_643 masked %unique3A_642 {add = true} : memref<1024xi32, #tpu.memory_space<vmem>>[vector<16xi32>], vector<16xi32>, vector<16xi1>
        tpu.vector_store_idx %arg9[%and3A_609], %unique3A_647 masked %unique3A_646 {add = true} : memref<2048xi32, #tpu.memory_space<vmem>>[vector<16xi32>], vector<16xi32>, vector<16xi1>
        tpu.vector_store_idx %arg18[%and3A_615], %unique3A_651 masked %unique3A_650 {add = true} : memref<2048xi32, #tpu.memory_space<vmem>>[vector<16xi32>], vector<16xi32>, vector<16xi1>
        tpu.vector_store_idx %arg27[%and3A_621], %unique3A_655 masked %unique3A_654 {add = true} : memref<2048xi32, #tpu.memory_space<vmem>>[vector<16xi32>], vector<16xi32>, vector<16xi1>
        tpu.vector_store_idx %arg36[%and3A_627], %unique3A_659 masked %unique3A_658 {add = true} : memref<2048xi32, #tpu.memory_space<vmem>>[vector<16xi32>], vector<16xi32>, vector<16xi1>
        %scan3A_680 = arith.constant 0 : i32
        scf.yield %scan3A_680 : i32
      }
      %scan3A_258 = arith.constant 256 : i32
      %add3A_259 = arith.constant 15 : i32
      %add3A_260 = vector.broadcast %add3A_259 : i32 to vector<16xi32>
      %add3A_261 = arith.addi %broadcast_in_dim3A_1, %add3A_260 : vector<16xi32>
      %scan3A_262 = arith.constant 0 : i32
      %scan3A_263 = arith.constant 128 : i32
      %scan3A_264 = arith.addi %scan3A_262, %scan3A_263 : i32
      %scan3A_265 = arith.constant 2 : i32
      %scan3A_266:4 = scf.for %scan3A_416 = %scan3A_262 to %scan3A_264 step %scan3A_265 iter_args(%scan3A_417 = %broadcast_in_dim3A_1, %scan3A_418 = %broadcast_in_dim3A_1, %scan3A_419 = %broadcast_in_dim3A_1, %scan3A_420 = %broadcast_in_dim3A_1) -> (vector<16xi32>, vector<16xi32>, vector<16xi32>, vector<16xi32>)  : i32 {
        %mul3A_421 = arith.constant 16 : i32
        %mul3A_422 = arith.muli %scan3A_416, %mul3A_421 : i32
        %get3A = arith.index_cast %mul3A_422 : i32 to index
        %get3A_423 = tpu.vector_load %arg9[%get3A] {strides = array<i32>} : memref<2048xi32, #tpu.memory_space<vmem>>, vector<16xi32>,
        %mul3A_424 = arith.constant 16 : i32
        %mul3A_425 = arith.muli %scan3A_416, %mul3A_424 : i32
        %get3A_426 = arith.index_cast %mul3A_425 : i32 to index
        %get3A_427 = tpu.vector_load %arg18[%get3A_426] {strides = array<i32>} : memref<2048xi32, #tpu.memory_space<vmem>>, vector<16xi32>,
        %mul3A_428 = arith.constant 16 : i32
        %mul3A_429 = arith.muli %scan3A_416, %mul3A_428 : i32
        %get3A_430 = arith.index_cast %mul3A_429 : i32 to index
        %get3A_431 = tpu.vector_load %arg27[%get3A_430] {strides = array<i32>} : memref<2048xi32, #tpu.memory_space<vmem>>, vector<16xi32>,
        %mul3A_432 = arith.constant 16 : i32
        %mul3A_433 = arith.muli %scan3A_416, %mul3A_432 : i32
        %get3A_434 = arith.index_cast %mul3A_433 : i32 to index
        %get3A_435 = tpu.vector_load %arg36[%get3A_434] {strides = array<i32>} : memref<2048xi32, #tpu.memory_space<vmem>>, vector<16xi32>,
        %broadcast_in_dim3A_436 = arith.constant true
        %broadcast_in_dim3A_437 = vector.broadcast %broadcast_in_dim3A_436 : i1 to vector<16xi1>
        %masked_cumsum3A = tpu.scan <sum>, %get3A_423 masked %broadcast_in_dim3A_437 : vector<16xi32>, vector<16xi1> -> vector<16xi32>
        %broadcast_in_dim3A_438 = arith.constant true
        %broadcast_in_dim3A_439 = vector.broadcast %broadcast_in_dim3A_438 : i1 to vector<16xi1>
        %masked_cumsum3A_440 = tpu.scan <sum>, %get3A_427 masked %broadcast_in_dim3A_439 : vector<16xi32>, vector<16xi1> -> vector<16xi32>
        %broadcast_in_dim3A_441 = arith.constant true
        %broadcast_in_dim3A_442 = vector.broadcast %broadcast_in_dim3A_441 : i1 to vector<16xi1>
        %masked_cumsum3A_443 = tpu.scan <sum>, %get3A_431 masked %broadcast_in_dim3A_442 : vector<16xi32>, vector<16xi1> -> vector<16xi32>
        %broadcast_in_dim3A_444 = arith.constant true
        %broadcast_in_dim3A_445 = vector.broadcast %broadcast_in_dim3A_444 : i1 to vector<16xi1>
        %masked_cumsum3A_446 = tpu.scan <sum>, %get3A_435 masked %broadcast_in_dim3A_445 : vector<16xi32>, vector<16xi1> -> vector<16xi32>
        %sub3A_447 = arith.subi %masked_cumsum3A, %get3A_423 : vector<16xi32>
        %add3A_448 = arith.addi %sub3A_447, %scan3A_417 : vector<16xi32>
        %mul3A_449 = arith.constant 16 : i32
        %mul3A_450 = arith.muli %scan3A_416, %mul3A_449 : i32
        %swap3A_451 = arith.index_cast %mul3A_450 : i32 to index
        %swap3A_452 = tpu.vector_load %arg9[%swap3A_451] {strides = array<i32>} : memref<2048xi32, #tpu.memory_space<vmem>>, vector<16xi32>,
        tpu.vector_store %arg9[%swap3A_451], %add3A_448 {strides = array<i32>} : memref<2048xi32, #tpu.memory_space<vmem>>, vector<16xi32>,
        %sub3A_453 = arith.subi %masked_cumsum3A_440, %get3A_427 : vector<16xi32>
        %add3A_454 = arith.addi %sub3A_453, %scan3A_418 : vector<16xi32>
        %mul3A_455 = arith.constant 16 : i32
        %mul3A_456 = arith.muli %scan3A_416, %mul3A_455 : i32
        %swap3A_457 = arith.index_cast %mul3A_456 : i32 to index
        %swap3A_458 = tpu.vector_load %arg18[%swap3A_457] {strides = array<i32>} : memref<2048xi32, #tpu.memory_space<vmem>>, vector<16xi32>,
        tpu.vector_store %arg18[%swap3A_457], %add3A_454 {strides = array<i32>} : memref<2048xi32, #tpu.memory_space<vmem>>, vector<16xi32>,
        %sub3A_459 = arith.subi %masked_cumsum3A_443, %get3A_431 : vector<16xi32>
        %add3A_460 = arith.addi %sub3A_459, %scan3A_419 : vector<16xi32>
        %mul3A_461 = arith.constant 16 : i32
        %mul3A_462 = arith.muli %scan3A_416, %mul3A_461 : i32
        %swap3A_463 = arith.index_cast %mul3A_462 : i32 to index
        %swap3A_464 = tpu.vector_load %arg27[%swap3A_463] {strides = array<i32>} : memref<2048xi32, #tpu.memory_space<vmem>>, vector<16xi32>,
        tpu.vector_store %arg27[%swap3A_463], %add3A_460 {strides = array<i32>} : memref<2048xi32, #tpu.memory_space<vmem>>, vector<16xi32>,
        %sub3A_465 = arith.subi %masked_cumsum3A_446, %get3A_435 : vector<16xi32>
        %add3A_466 = arith.addi %sub3A_465, %scan3A_420 : vector<16xi32>
        %mul3A_467 = arith.constant 16 : i32
        %mul3A_468 = arith.muli %scan3A_416, %mul3A_467 : i32
        %swap3A_469 = arith.index_cast %mul3A_468 : i32 to index
        %swap3A_470 = tpu.vector_load %arg36[%swap3A_469] {strides = array<i32>} : memref<2048xi32, #tpu.memory_space<vmem>>, vector<16xi32>,
        tpu.vector_store %arg36[%swap3A_469], %add3A_466 {strides = array<i32>} : memref<2048xi32, #tpu.memory_space<vmem>>, vector<16xi32>,
        %lt3A_471 = arith.constant 0 : i32
        %lt3A_472 = vector.broadcast %lt3A_471 : i32 to vector<16xi32>
        %lt3A_473 = arith.cmpi slt, %add3A_261, %lt3A_472 : vector<16xi32>
        %add3A_474 = arith.constant 16 : i32
        %add3A_475 = vector.broadcast %add3A_474 : i32 to vector<16xi32>
        %add3A_476 = arith.addi %add3A_261, %add3A_475 : vector<16xi32>
        %select_n3A = arith.select %lt3A_473, %add3A_476, %add3A_261 : vector<16xi1>, vector<16xi32>
        %reshape3A = vector.shape_cast %select_n3A : vector<16xi32> to vector<16x1xi32>
        %gather3A = vector.shape_cast %reshape3A : vector<16x1xi32> to vector<16xi32>
        %gather3A_477 = tpu.dynamic_gather %masked_cumsum3A[%gather3A] in [0] : vector<16xi32>, vector<16xi32> -> vector<16xi32>
        %lt3A_478 = arith.constant 0 : i32
        %lt3A_479 = vector.broadcast %lt3A_478 : i32 to vector<16xi32>
        %lt3A_480 = arith.cmpi slt, %add3A_261, %lt3A_479 : vector<16xi32>
        %add3A_481 = arith.constant 16 : i32
        %add3A_482 = vector.broadcast %add3A_481 : i32 to vector<16xi32>
        %add3A_483 = arith.addi %add3A_261, %add3A_482 : vector<16xi32>
        %select_n3A_484 = arith.select %lt3A_480, %add3A_483, %add3A_261 : vector<16xi1>, vector<16xi32>
        %reshape3A_485 = vector.shape_cast %select_n3A_484 : vector<16xi32> to vector<16x1xi32>
        %gather3A_486 = vector.shape_cast %reshape3A_485 : vector<16x1xi32> to vector<16xi32>
        %gather3A_487 = tpu.dynamic_gather %masked_cumsum3A_440[%gather3A_486] in [0] : vector<16xi32>, vector<16xi32> -> vector<16xi32>
        %lt3A_488 = arith.constant 0 : i32
        %lt3A_489 = vector.broadcast %lt3A_488 : i32 to vector<16xi32>
        %lt3A_490 = arith.cmpi slt, %add3A_261, %lt3A_489 : vector<16xi32>
        %add3A_491 = arith.constant 16 : i32
        %add3A_492 = vector.broadcast %add3A_491 : i32 to vector<16xi32>
        %add3A_493 = arith.addi %add3A_261, %add3A_492 : vector<16xi32>
        %select_n3A_494 = arith.select %lt3A_490, %add3A_493, %add3A_261 : vector<16xi1>, vector<16xi32>
        %reshape3A_495 = vector.shape_cast %select_n3A_494 : vector<16xi32> to vector<16x1xi32>
        %gather3A_496 = vector.shape_cast %reshape3A_495 : vector<16x1xi32> to vector<16xi32>
        %gather3A_497 = tpu.dynamic_gather %masked_cumsum3A_443[%gather3A_496] in [0] : vector<16xi32>, vector<16xi32> -> vector<16xi32>
        %lt3A_498 = arith.constant 0 : i32
        %lt3A_499 = vector.broadcast %lt3A_498 : i32 to vector<16xi32>
        %lt3A_500 = arith.cmpi slt, %add3A_261, %lt3A_499 : vector<16xi32>
        %add3A_501 = arith.constant 16 : i32
        %add3A_502 = vector.broadcast %add3A_501 : i32 to vector<16xi32>
        %add3A_503 = arith.addi %add3A_261, %add3A_502 : vector<16xi32>
        %select_n3A_504 = arith.select %lt3A_500, %add3A_503, %add3A_261 : vector<16xi1>, vector<16xi32>
        %reshape3A_505 = vector.shape_cast %select_n3A_504 : vector<16xi32> to vector<16x1xi32>
        %gather3A_506 = vector.shape_cast %reshape3A_505 : vector<16x1xi32> to vector<16xi32>
        %gather3A_507 = tpu.dynamic_gather %masked_cumsum3A_446[%gather3A_506] in [0] : vector<16xi32>, vector<16xi32> -> vector<16xi32>
        %add3A_508 = arith.addi %scan3A_417, %gather3A_477 : vector<16xi32>
        %add3A_509 = arith.addi %scan3A_418, %gather3A_487 : vector<16xi32>
        %add3A_510 = arith.addi %scan3A_419, %gather3A_497 : vector<16xi32>
        %add3A_511 = arith.addi %scan3A_420, %gather3A_507 : vector<16xi32>
        %scan3A_512 = arith.constant 1 : i32
        %scan3A_513 = arith.addi %scan3A_416, %scan3A_512 : i32
        %mul3A_514 = arith.constant 16 : i32
        %mul3A_515 = arith.muli %scan3A_513, %mul3A_514 : i32
        %get3A_516 = arith.index_cast %mul3A_515 : i32 to index
        %get3A_517 = tpu.vector_load %arg9[%get3A_516] {strides = array<i32>} : memref<2048xi32, #tpu.memory_space<vmem>>, vector<16xi32>,
        %mul3A_518 = arith.constant 16 : i32
        %mul3A_519 = arith.muli %scan3A_513, %mul3A_518 : i32
        %get3A_520 = arith.index_cast %mul3A_519 : i32 to index
        %get3A_521 = tpu.vector_load %arg18[%get3A_520] {strides = array<i32>} : memref<2048xi32, #tpu.memory_space<vmem>>, vector<16xi32>,
        %mul3A_522 = arith.constant 16 : i32
        %mul3A_523 = arith.muli %scan3A_513, %mul3A_522 : i32
        %get3A_524 = arith.index_cast %mul3A_523 : i32 to index
        %get3A_525 = tpu.vector_load %arg27[%get3A_524] {strides = array<i32>} : memref<2048xi32, #tpu.memory_space<vmem>>, vector<16xi32>,
        %mul3A_526 = arith.constant 16 : i32
        %mul3A_527 = arith.muli %scan3A_513, %mul3A_526 : i32
        %get3A_528 = arith.index_cast %mul3A_527 : i32 to index
        %get3A_529 = tpu.vector_load %arg36[%get3A_528] {strides = array<i32>} : memref<2048xi32, #tpu.memory_space<vmem>>, vector<16xi32>,
        %broadcast_in_dim3A_530 = arith.constant true
        %broadcast_in_dim3A_531 = vector.broadcast %broadcast_in_dim3A_530 : i1 to vector<16xi1>
        %masked_cumsum3A_532 = tpu.scan <sum>, %get3A_517 masked %broadcast_in_dim3A_531 : vector<16xi32>, vector<16xi1> -> vector<16xi32>
        %broadcast_in_dim3A_533 = arith.constant true
        %broadcast_in_dim3A_534 = vector.broadcast %broadcast_in_dim3A_533 : i1 to vector<16xi1>
        %masked_cumsum3A_535 = tpu.scan <sum>, %get3A_521 masked %broadcast_in_dim3A_534 : vector<16xi32>, vector<16xi1> -> vector<16xi32>
        %broadcast_in_dim3A_536 = arith.constant true
        %broadcast_in_dim3A_537 = vector.broadcast %broadcast_in_dim3A_536 : i1 to vector<16xi1>
        %masked_cumsum3A_538 = tpu.scan <sum>, %get3A_525 masked %broadcast_in_dim3A_537 : vector<16xi32>, vector<16xi1> -> vector<16xi32>
        %broadcast_in_dim3A_539 = arith.constant true
        %broadcast_in_dim3A_540 = vector.broadcast %broadcast_in_dim3A_539 : i1 to vector<16xi1>
        %masked_cumsum3A_541 = tpu.scan <sum>, %get3A_529 masked %broadcast_in_dim3A_540 : vector<16xi32>, vector<16xi1> -> vector<16xi32>
        %sub3A_542 = arith.subi %masked_cumsum3A_532, %get3A_517 : vector<16xi32>
        %add3A_543 = arith.addi %sub3A_542, %add3A_508 : vector<16xi32>
        %mul3A_544 = arith.constant 16 : i32
        %mul3A_545 = arith.muli %scan3A_513, %mul3A_544 : i32
        %swap3A_546 = arith.index_cast %mul3A_545 : i32 to index
        %swap3A_547 = tpu.vector_load %arg9[%swap3A_546] {strides = array<i32>} : memref<2048xi32, #tpu.memory_space<vmem>>, vector<16xi32>,
        tpu.vector_store %arg9[%swap3A_546], %add3A_543 {strides = array<i32>} : memref<2048xi32, #tpu.memory_space<vmem>>, vector<16xi32>,
        %sub3A_548 = arith.subi %masked_cumsum3A_535, %get3A_521 : vector<16xi32>
        %add3A_549 = arith.addi %sub3A_548, %add3A_509 : vector<16xi32>
        %mul3A_550 = arith.constant 16 : i32
        %mul3A_551 = arith.muli %scan3A_513, %mul3A_550 : i32
        %swap3A_552 = arith.index_cast %mul3A_551 : i32 to index
        %swap3A_553 = tpu.vector_load %arg18[%swap3A_552] {strides = array<i32>} : memref<2048xi32, #tpu.memory_space<vmem>>, vector<16xi32>,
        tpu.vector_store %arg18[%swap3A_552], %add3A_549 {strides = array<i32>} : memref<2048xi32, #tpu.memory_space<vmem>>, vector<16xi32>,
        %sub3A_554 = arith.subi %masked_cumsum3A_538, %get3A_525 : vector<16xi32>
        %add3A_555 = arith.addi %sub3A_554, %add3A_510 : vector<16xi32>
        %mul3A_556 = arith.constant 16 : i32
        %mul3A_557 = arith.muli %scan3A_513, %mul3A_556 : i32
        %swap3A_558 = arith.index_cast %mul3A_557 : i32 to index
        %swap3A_559 = tpu.vector_load %arg27[%swap3A_558] {strides = array<i32>} : memref<2048xi32, #tpu.memory_space<vmem>>, vector<16xi32>,
        tpu.vector_store %arg27[%swap3A_558], %add3A_555 {strides = array<i32>} : memref<2048xi32, #tpu.memory_space<vmem>>, vector<16xi32>,
        %sub3A_560 = arith.subi %masked_cumsum3A_541, %get3A_529 : vector<16xi32>
        %add3A_561 = arith.addi %sub3A_560, %add3A_511 : vector<16xi32>
        %mul3A_562 = arith.constant 16 : i32
        %mul3A_563 = arith.muli %scan3A_513, %mul3A_562 : i32
        %swap3A_564 = arith.index_cast %mul3A_563 : i32 to index
        %swap3A_565 = tpu.vector_load %arg36[%swap3A_564] {strides = array<i32>} : memref<2048xi32, #tpu.memory_space<vmem>>, vector<16xi32>,
        tpu.vector_store %arg36[%swap3A_564], %add3A_561 {strides = array<i32>} : memref<2048xi32, #tpu.memory_space<vmem>>, vector<16xi32>,
        %lt3A_566 = arith.constant 0 : i32
        %lt3A_567 = vector.broadcast %lt3A_566 : i32 to vector<16xi32>
        %lt3A_568 = arith.cmpi slt, %add3A_261, %lt3A_567 : vector<16xi32>
        %add3A_569 = arith.constant 16 : i32
        %add3A_570 = vector.broadcast %add3A_569 : i32 to vector<16xi32>
        %add3A_571 = arith.addi %add3A_261, %add3A_570 : vector<16xi32>
        %select_n3A_572 = arith.select %lt3A_568, %add3A_571, %add3A_261 : vector<16xi1>, vector<16xi32>
        %reshape3A_573 = vector.shape_cast %select_n3A_572 : vector<16xi32> to vector<16x1xi32>
        %gather3A_574 = vector.shape_cast %reshape3A_573 : vector<16x1xi32> to vector<16xi32>
        %gather3A_575 = tpu.dynamic_gather %masked_cumsum3A_532[%gather3A_574] in [0] : vector<16xi32>, vector<16xi32> -> vector<16xi32>
        %lt3A_576 = arith.constant 0 : i32
        %lt3A_577 = vector.broadcast %lt3A_576 : i32 to vector<16xi32>
        %lt3A_578 = arith.cmpi slt, %add3A_261, %lt3A_577 : vector<16xi32>
        %add3A_579 = arith.constant 16 : i32
        %add3A_580 = vector.broadcast %add3A_579 : i32 to vector<16xi32>
        %add3A_581 = arith.addi %add3A_261, %add3A_580 : vector<16xi32>
        %select_n3A_582 = arith.select %lt3A_578, %add3A_581, %add3A_261 : vector<16xi1>, vector<16xi32>
        %reshape3A_583 = vector.shape_cast %select_n3A_582 : vector<16xi32> to vector<16x1xi32>
        %gather3A_584 = vector.shape_cast %reshape3A_583 : vector<16x1xi32> to vector<16xi32>
        %gather3A_585 = tpu.dynamic_gather %masked_cumsum3A_535[%gather3A_584] in [0] : vector<16xi32>, vector<16xi32> -> vector<16xi32>
        %lt3A_586 = arith.constant 0 : i32
        %lt3A_587 = vector.broadcast %lt3A_586 : i32 to vector<16xi32>
        %lt3A_588 = arith.cmpi slt, %add3A_261, %lt3A_587 : vector<16xi32>
        %add3A_589 = arith.constant 16 : i32
        %add3A_590 = vector.broadcast %add3A_589 : i32 to vector<16xi32>
        %add3A_591 = arith.addi %add3A_261, %add3A_590 : vector<16xi32>
        %select_n3A_592 = arith.select %lt3A_588, %add3A_591, %add3A_261 : vector<16xi1>, vector<16xi32>
        %reshape3A_593 = vector.shape_cast %select_n3A_592 : vector<16xi32> to vector<16x1xi32>
        %gather3A_594 = vector.shape_cast %reshape3A_593 : vector<16x1xi32> to vector<16xi32>
        %gather3A_595 = tpu.dynamic_gather %masked_cumsum3A_538[%gather3A_594] in [0] : vector<16xi32>, vector<16xi32> -> vector<16xi32>
        %lt3A_596 = arith.constant 0 : i32
        %lt3A_597 = vector.broadcast %lt3A_596 : i32 to vector<16xi32>
        %lt3A_598 = arith.cmpi slt, %add3A_261, %lt3A_597 : vector<16xi32>
        %add3A_599 = arith.constant 16 : i32
        %add3A_600 = vector.broadcast %add3A_599 : i32 to vector<16xi32>
        %add3A_601 = arith.addi %add3A_261, %add3A_600 : vector<16xi32>
        %select_n3A_602 = arith.select %lt3A_598, %add3A_601, %add3A_261 : vector<16xi1>, vector<16xi32>
        %reshape3A_603 = vector.shape_cast %select_n3A_602 : vector<16xi32> to vector<16x1xi32>
        %gather3A_604 = vector.shape_cast %reshape3A_603 : vector<16x1xi32> to vector<16xi32>
        %gather3A_605 = tpu.dynamic_gather %masked_cumsum3A_541[%gather3A_604] in [0] : vector<16xi32>, vector<16xi32> -> vector<16xi32>
        %add3A_606 = arith.addi %add3A_508, %gather3A_575 : vector<16xi32>
        %add3A_607 = arith.addi %add3A_509, %gather3A_585 : vector<16xi32>
        %add3A_608 = arith.addi %add3A_510, %gather3A_595 : vector<16xi32>
        %add3A_609 = arith.addi %add3A_511, %gather3A_605 : vector<16xi32>
        scf.yield %add3A_606, %add3A_607, %add3A_608, %add3A_609 : vector<16xi32>, vector<16xi32>, vector<16xi32>, vector<16xi32>
      }
      %scan3A_267 = arith.constant 128 : i32
      %gt3A_268 = arith.constant 0 : i32
      %gt3A_269 = arith.cmpi sgt, %scan3A_85, %gt3A_268 : i32
      %convert_element_type3A_270 = arith.extui %gt3A_269 : i1 to i32
      %cond3A_271 = arith.constant 0 : i32
      %cond3A_272 = arith.cmpi ne, %convert_element_type3A_270, %cond3A_271 : i32
      scf.if %cond3A_272 {
        %sub3A_416 = arith.constant 4 : i32
        %sub3A_417 = arith.subi %add3A_91, %sub3A_416 : i32
        %add3A_418 = arith.constant 0 : i32
        %add3A_419 = arith.addi %sub3A_417, %add3A_418 : i32
        %dma_wait3A_420 = arith.constant 0 : i32
        %dma_wait3A_421 = tpu.memref_slice %arg3[%add3A_419, %dma_wait3A_420] : memref<4096x4240xf32, #tpu.memory_space<hbm>> -> memref<1x4240xf32, #tpu.memory_space<hbm>>
        %dma_wait3A_422 = tpu.memref_squeeze %dma_wait3A_421 : memref<1x4240xf32, #tpu.memory_space<hbm>> -> memref<4240xf32, #tpu.memory_space<hbm>>
        %dma_wait3A_423 = arith.constant 0 : i32
        %dma_wait3A_424 = tpu.memref_slice %arg3[%add3A_419, %dma_wait3A_423] : memref<4096x4240xf32, #tpu.memory_space<hbm>> -> memref<1x4240xf32, #tpu.memory_space<hbm>>
        %dma_wait3A_425 = tpu.memref_squeeze %dma_wait3A_424 : memref<1x4240xf32, #tpu.memory_space<hbm>> -> memref<4240xf32, #tpu.memory_space<hbm>>
        tpu.wait_dma2 semaphore(%arg44 : memref<!tpu.dma_semaphore, #tpu.memory_space<semaphore_mem>>) src(%arg12 : memref<4240xf32, #tpu.memory_space<vmem>>) dst(%dma_wait3A_425 : memref<4240xf32, #tpu.memory_space<hbm>>)
        %sub3A_426 = arith.constant 4 : i32
        %sub3A_427 = arith.subi %add3A_91, %sub3A_426 : i32
        %add3A_428 = arith.constant 1 : i32
        %add3A_429 = arith.addi %sub3A_427, %add3A_428 : i32
        %dma_wait3A_430 = arith.constant 0 : i32
        %dma_wait3A_431 = tpu.memref_slice %arg3[%add3A_429, %dma_wait3A_430] : memref<4096x4240xf32, #tpu.memory_space<hbm>> -> memref<1x4240xf32, #tpu.memory_space<hbm>>
        %dma_wait3A_432 = tpu.memref_squeeze %dma_wait3A_431 : memref<1x4240xf32, #tpu.memory_space<hbm>> -> memref<4240xf32, #tpu.memory_space<hbm>>
        %dma_wait3A_433 = arith.constant 0 : i32
        %dma_wait3A_434 = tpu.memref_slice %arg3[%add3A_429, %dma_wait3A_433] : memref<4096x4240xf32, #tpu.memory_space<hbm>> -> memref<1x4240xf32, #tpu.memory_space<hbm>>
        %dma_wait3A_435 = tpu.memref_squeeze %dma_wait3A_434 : memref<1x4240xf32, #tpu.memory_space<hbm>> -> memref<4240xf32, #tpu.memory_space<hbm>>
        tpu.wait_dma2 semaphore(%arg45 : memref<!tpu.dma_semaphore, #tpu.memory_space<semaphore_mem>>) src(%arg21 : memref<4240xf32, #tpu.memory_space<vmem>>) dst(%dma_wait3A_435 : memref<4240xf32, #tpu.memory_space<hbm>>)
        %sub3A_436 = arith.constant 4 : i32
        %sub3A_437 = arith.subi %add3A_91, %sub3A_436 : i32
        %add3A_438 = arith.constant 2 : i32
        %add3A_439 = arith.addi %sub3A_437, %add3A_438 : i32
        %dma_wait3A_440 = arith.constant 0 : i32
        %dma_wait3A_441 = tpu.memref_slice %arg3[%add3A_439, %dma_wait3A_440] : memref<4096x4240xf32, #tpu.memory_space<hbm>> -> memref<1x4240xf32, #tpu.memory_space<hbm>>
        %dma_wait3A_442 = tpu.memref_squeeze %dma_wait3A_441 : memref<1x4240xf32, #tpu.memory_space<hbm>> -> memref<4240xf32, #tpu.memory_space<hbm>>
        %dma_wait3A_443 = arith.constant 0 : i32
        %dma_wait3A_444 = tpu.memref_slice %arg3[%add3A_439, %dma_wait3A_443] : memref<4096x4240xf32, #tpu.memory_space<hbm>> -> memref<1x4240xf32, #tpu.memory_space<hbm>>
        %dma_wait3A_445 = tpu.memref_squeeze %dma_wait3A_444 : memref<1x4240xf32, #tpu.memory_space<hbm>> -> memref<4240xf32, #tpu.memory_space<hbm>>
        tpu.wait_dma2 semaphore(%arg46 : memref<!tpu.dma_semaphore, #tpu.memory_space<semaphore_mem>>) src(%arg30 : memref<4240xf32, #tpu.memory_space<vmem>>) dst(%dma_wait3A_445 : memref<4240xf32, #tpu.memory_space<hbm>>)
        %sub3A_446 = arith.constant 4 : i32
        %sub3A_447 = arith.subi %add3A_91, %sub3A_446 : i32
        %add3A_448 = arith.constant 3 : i32
        %add3A_449 = arith.addi %sub3A_447, %add3A_448 : i32
        %dma_wait3A_450 = arith.constant 0 : i32
        %dma_wait3A_451 = tpu.memref_slice %arg3[%add3A_449, %dma_wait3A_450] : memref<4096x4240xf32, #tpu.memory_space<hbm>> -> memref<1x4240xf32, #tpu.memory_space<hbm>>
        %dma_wait3A_452 = tpu.memref_squeeze %dma_wait3A_451 : memref<1x4240xf32, #tpu.memory_space<hbm>> -> memref<4240xf32, #tpu.memory_space<hbm>>
        %dma_wait3A_453 = arith.constant 0 : i32
        %dma_wait3A_454 = tpu.memref_slice %arg3[%add3A_449, %dma_wait3A_453] : memref<4096x4240xf32, #tpu.memory_space<hbm>> -> memref<1x4240xf32, #tpu.memory_space<hbm>>
        %dma_wait3A_455 = tpu.memref_squeeze %dma_wait3A_454 : memref<1x4240xf32, #tpu.memory_space<hbm>> -> memref<4240xf32, #tpu.memory_space<hbm>>
        tpu.wait_dma2 semaphore(%arg47 : memref<!tpu.dma_semaphore, #tpu.memory_space<semaphore_mem>>) src(%arg39 : memref<4240xf32, #tpu.memory_space<vmem>>) dst(%dma_wait3A_455 : memref<4240xf32, #tpu.memory_space<hbm>>)
      } else {
      }
      %scan3A_273 = arith.constant 0 : i32
      %scan3A_274 = arith.constant 0 : i32
      %scan3A_275 = arith.constant 264 : i32
      %scan3A_276 = arith.addi %scan3A_274, %scan3A_275 : i32
      %scan3A_277 = arith.constant 4 : i32
      %scan3A_278 = scf.for %scan3A_416 = %scan3A_274 to %scan3A_276 step %scan3A_277 iter_args(%scan3A_417 = %scan3A_273) -> (i32)  : i32 {
        %mul3A_418 = arith.constant 16 : i32
        %mul3A_419 = arith.muli %scan3A_416, %mul3A_418 : i32
        %swap3A_420 = arith.index_cast %mul3A_419 : i32 to index
        %swap3A_421 = tpu.vector_load %arg12[%swap3A_420] {strides = array<i32>} : memref<4240xf32, #tpu.memory_space<vmem>>, vector<16xf32>,
        tpu.vector_store %arg12[%swap3A_420], %broadcast_in_dim3A_3 {strides = array<i32>} : memref<4240xf32, #tpu.memory_space<vmem>>, vector<16xf32>,
        %mul3A_422 = arith.constant 16 : i32
        %mul3A_423 = arith.muli %scan3A_416, %mul3A_422 : i32
        %swap3A_424 = arith.index_cast %mul3A_423 : i32 to index
        %swap3A_425 = tpu.vector_load %arg21[%swap3A_424] {strides = array<i32>} : memref<4240xf32, #tpu.memory_space<vmem>>, vector<16xf32>,
        tpu.vector_store %arg21[%swap3A_424], %broadcast_in_dim3A_3 {strides = array<i32>} : memref<4240xf32, #tpu.memory_space<vmem>>, vector<16xf32>,
        %mul3A_426 = arith.constant 16 : i32
        %mul3A_427 = arith.muli %scan3A_416, %mul3A_426 : i32
        %swap3A_428 = arith.index_cast %mul3A_427 : i32 to index
        %swap3A_429 = tpu.vector_load %arg30[%swap3A_428] {strides = array<i32>} : memref<4240xf32, #tpu.memory_space<vmem>>, vector<16xf32>,
        tpu.vector_store %arg30[%swap3A_428], %broadcast_in_dim3A_3 {strides = array<i32>} : memref<4240xf32, #tpu.memory_space<vmem>>, vector<16xf32>,
        %mul3A_430 = arith.constant 16 : i32
        %mul3A_431 = arith.muli %scan3A_416, %mul3A_430 : i32
        %swap3A_432 = arith.index_cast %mul3A_431 : i32 to index
        %swap3A_433 = tpu.vector_load %arg39[%swap3A_432] {strides = array<i32>} : memref<4240xf32, #tpu.memory_space<vmem>>, vector<16xf32>,
        tpu.vector_store %arg39[%swap3A_432], %broadcast_in_dim3A_3 {strides = array<i32>} : memref<4240xf32, #tpu.memory_space<vmem>>, vector<16xf32>,
        %scan3A_434 = arith.constant 0 : i32
        %scan3A_435 = arith.constant 1 : i32
        %scan3A_436 = arith.addi %scan3A_416, %scan3A_435 : i32
        %mul3A_437 = arith.constant 16 : i32
        %mul3A_438 = arith.muli %scan3A_436, %mul3A_437 : i32
        %swap3A_439 = arith.index_cast %mul3A_438 : i32 to index
        %swap3A_440 = tpu.vector_load %arg12[%swap3A_439] {strides = array<i32>} : memref<4240xf32, #tpu.memory_space<vmem>>, vector<16xf32>,
        tpu.vector_store %arg12[%swap3A_439], %broadcast_in_dim3A_3 {strides = array<i32>} : memref<4240xf32, #tpu.memory_space<vmem>>, vector<16xf32>,
        %mul3A_441 = arith.constant 16 : i32
        %mul3A_442 = arith.muli %scan3A_436, %mul3A_441 : i32
        %swap3A_443 = arith.index_cast %mul3A_442 : i32 to index
        %swap3A_444 = tpu.vector_load %arg21[%swap3A_443] {strides = array<i32>} : memref<4240xf32, #tpu.memory_space<vmem>>, vector<16xf32>,
        tpu.vector_store %arg21[%swap3A_443], %broadcast_in_dim3A_3 {strides = array<i32>} : memref<4240xf32, #tpu.memory_space<vmem>>, vector<16xf32>,
        %mul3A_445 = arith.constant 16 : i32
        %mul3A_446 = arith.muli %scan3A_436, %mul3A_445 : i32
        %swap3A_447 = arith.index_cast %mul3A_446 : i32 to index
        %swap3A_448 = tpu.vector_load %arg30[%swap3A_447] {strides = array<i32>} : memref<4240xf32, #tpu.memory_space<vmem>>, vector<16xf32>,
        tpu.vector_store %arg30[%swap3A_447], %broadcast_in_dim3A_3 {strides = array<i32>} : memref<4240xf32, #tpu.memory_space<vmem>>, vector<16xf32>,
        %mul3A_449 = arith.constant 16 : i32
        %mul3A_450 = arith.muli %scan3A_436, %mul3A_449 : i32
        %swap3A_451 = arith.index_cast %mul3A_450 : i32 to index
        %swap3A_452 = tpu.vector_load %arg39[%swap3A_451] {strides = array<i32>} : memref<4240xf32, #tpu.memory_space<vmem>>, vector<16xf32>,
        tpu.vector_store %arg39[%swap3A_451], %broadcast_in_dim3A_3 {strides = array<i32>} : memref<4240xf32, #tpu.memory_space<vmem>>, vector<16xf32>,
        %scan3A_453 = arith.constant 0 : i32
        %scan3A_454 = arith.constant 2 : i32
        %scan3A_455 = arith.addi %scan3A_416, %scan3A_454 : i32
        %mul3A_456 = arith.constant 16 : i32
        %mul3A_457 = arith.muli %scan3A_455, %mul3A_456 : i32
        %swap3A_458 = arith.index_cast %mul3A_457 : i32 to index
        %swap3A_459 = tpu.vector_load %arg12[%swap3A_458] {strides = array<i32>} : memref<4240xf32, #tpu.memory_space<vmem>>, vector<16xf32>,
        tpu.vector_store %arg12[%swap3A_458], %broadcast_in_dim3A_3 {strides = array<i32>} : memref<4240xf32, #tpu.memory_space<vmem>>, vector<16xf32>,
        %mul3A_460 = arith.constant 16 : i32
        %mul3A_461 = arith.muli %scan3A_455, %mul3A_460 : i32
        %swap3A_462 = arith.index_cast %mul3A_461 : i32 to index
        %swap3A_463 = tpu.vector_load %arg21[%swap3A_462] {strides = array<i32>} : memref<4240xf32, #tpu.memory_space<vmem>>, vector<16xf32>,
        tpu.vector_store %arg21[%swap3A_462], %broadcast_in_dim3A_3 {strides = array<i32>} : memref<4240xf32, #tpu.memory_space<vmem>>, vector<16xf32>,
        %mul3A_464 = arith.constant 16 : i32
        %mul3A_465 = arith.muli %scan3A_455, %mul3A_464 : i32
        %swap3A_466 = arith.index_cast %mul3A_465 : i32 to index
        %swap3A_467 = tpu.vector_load %arg30[%swap3A_466] {strides = array<i32>} : memref<4240xf32, #tpu.memory_space<vmem>>, vector<16xf32>,
        tpu.vector_store %arg30[%swap3A_466], %broadcast_in_dim3A_3 {strides = array<i32>} : memref<4240xf32, #tpu.memory_space<vmem>>, vector<16xf32>,
        %mul3A_468 = arith.constant 16 : i32
        %mul3A_469 = arith.muli %scan3A_455, %mul3A_468 : i32
        %swap3A_470 = arith.index_cast %mul3A_469 : i32 to index
        %swap3A_471 = tpu.vector_load %arg39[%swap3A_470] {strides = array<i32>} : memref<4240xf32, #tpu.memory_space<vmem>>, vector<16xf32>,
        tpu.vector_store %arg39[%swap3A_470], %broadcast_in_dim3A_3 {strides = array<i32>} : memref<4240xf32, #tpu.memory_space<vmem>>, vector<16xf32>,
        %scan3A_472 = arith.constant 0 : i32
        %scan3A_473 = arith.constant 3 : i32
        %scan3A_474 = arith.addi %scan3A_416, %scan3A_473 : i32
        %mul3A_475 = arith.constant 16 : i32
        %mul3A_476 = arith.muli %scan3A_474, %mul3A_475 : i32
        %swap3A_477 = arith.index_cast %mul3A_476 : i32 to index
        %swap3A_478 = tpu.vector_load %arg12[%swap3A_477] {strides = array<i32>} : memref<4240xf32, #tpu.memory_space<vmem>>, vector<16xf32>,
        tpu.vector_store %arg12[%swap3A_477], %broadcast_in_dim3A_3 {strides = array<i32>} : memref<4240xf32, #tpu.memory_space<vmem>>, vector<16xf32>,
        %mul3A_479 = arith.constant 16 : i32
        %mul3A_480 = arith.muli %scan3A_474, %mul3A_479 : i32
        %swap3A_481 = arith.index_cast %mul3A_480 : i32 to index
        %swap3A_482 = tpu.vector_load %arg21[%swap3A_481] {strides = array<i32>} : memref<4240xf32, #tpu.memory_space<vmem>>, vector<16xf32>,
        tpu.vector_store %arg21[%swap3A_481], %broadcast_in_dim3A_3 {strides = array<i32>} : memref<4240xf32, #tpu.memory_space<vmem>>, vector<16xf32>,
        %mul3A_483 = arith.constant 16 : i32
        %mul3A_484 = arith.muli %scan3A_474, %mul3A_483 : i32
        %swap3A_485 = arith.index_cast %mul3A_484 : i32 to index
        %swap3A_486 = tpu.vector_load %arg30[%swap3A_485] {strides = array<i32>} : memref<4240xf32, #tpu.memory_space<vmem>>, vector<16xf32>,
        tpu.vector_store %arg30[%swap3A_485], %broadcast_in_dim3A_3 {strides = array<i32>} : memref<4240xf32, #tpu.memory_space<vmem>>, vector<16xf32>,
        %mul3A_487 = arith.constant 16 : i32
        %mul3A_488 = arith.muli %scan3A_474, %mul3A_487 : i32
        %swap3A_489 = arith.index_cast %mul3A_488 : i32 to index
        %swap3A_490 = tpu.vector_load %arg39[%swap3A_489] {strides = array<i32>} : memref<4240xf32, #tpu.memory_space<vmem>>, vector<16xf32>,
        tpu.vector_store %arg39[%swap3A_489], %broadcast_in_dim3A_3 {strides = array<i32>} : memref<4240xf32, #tpu.memory_space<vmem>>, vector<16xf32>,
        %scan3A_491 = arith.constant 0 : i32
        scf.yield %scan3A_491 : i32
      }
      %scan3A_279 = arith.constant 264 : i32
      %scan3A_280 = arith.addi %scan3A_274, %scan3A_279 : i32
      %mul3A_281 = arith.constant 16 : i32
      %mul3A_282 = arith.muli %scan3A_280, %mul3A_281 : i32
      %swap3A_283 = arith.index_cast %mul3A_282 : i32 to index
      %swap3A_284 = tpu.vector_load %arg12[%swap3A_283] {strides = array<i32>} : memref<4240xf32, #tpu.memory_space<vmem>>, vector<16xf32>,
      tpu.vector_store %arg12[%swap3A_283], %broadcast_in_dim3A_3 {strides = array<i32>} : memref<4240xf32, #tpu.memory_space<vmem>>, vector<16xf32>,
      %mul3A_285 = arith.constant 16 : i32
      %mul3A_286 = arith.muli %scan3A_280, %mul3A_285 : i32
      %swap3A_287 = arith.index_cast %mul3A_286 : i32 to index
      %swap3A_288 = tpu.vector_load %arg21[%swap3A_287] {strides = array<i32>} : memref<4240xf32, #tpu.memory_space<vmem>>, vector<16xf32>,
      tpu.vector_store %arg21[%swap3A_287], %broadcast_in_dim3A_3 {strides = array<i32>} : memref<4240xf32, #tpu.memory_space<vmem>>, vector<16xf32>,
      %mul3A_289 = arith.constant 16 : i32
      %mul3A_290 = arith.muli %scan3A_280, %mul3A_289 : i32
      %swap3A_291 = arith.index_cast %mul3A_290 : i32 to index
      %swap3A_292 = tpu.vector_load %arg30[%swap3A_291] {strides = array<i32>} : memref<4240xf32, #tpu.memory_space<vmem>>, vector<16xf32>,
      tpu.vector_store %arg30[%swap3A_291], %broadcast_in_dim3A_3 {strides = array<i32>} : memref<4240xf32, #tpu.memory_space<vmem>>, vector<16xf32>,
      %mul3A_293 = arith.constant 16 : i32
      %mul3A_294 = arith.muli %scan3A_280, %mul3A_293 : i32
      %swap3A_295 = arith.index_cast %mul3A_294 : i32 to index
      %swap3A_296 = tpu.vector_load %arg39[%swap3A_295] {strides = array<i32>} : memref<4240xf32, #tpu.memory_space<vmem>>, vector<16xf32>,
      tpu.vector_store %arg39[%swap3A_295], %broadcast_in_dim3A_3 {strides = array<i32>} : memref<4240xf32, #tpu.memory_space<vmem>>, vector<16xf32>,
      %scan3A_297 = arith.constant 0 : i32
      %scan3A_298 = arith.constant 265 : i32
      %add3A_299 = arith.constant 6.500000e+01 : f32
      %add3A_300 = vector.broadcast %add3A_299 : f32 to vector<16xf32>
      %add3A_301 = arith.addf %broadcast_in_dim3A_3, %add3A_300 : vector<16xf32>
      %add3A_302 = vector.broadcast %max3A_215 : i32 to vector<16xi32>
      %add3A_303 = arith.addi %broadcast_in_dim3A_1, %add3A_302 : vector<16xi32>
      %convert_element_type3A_304 = arith.sitofp %add3A_303 : vector<16xi32> to vector<16xf32>
      %div3A = arith.divf %add3A_301, %convert_element_type3A_304 : vector<16xf32>
      %add3A_305 = arith.constant 6.500000e+01 : f32
      %add3A_306 = vector.broadcast %add3A_305 : f32 to vector<16xf32>
      %add3A_307 = arith.addf %broadcast_in_dim3A_3, %add3A_306 : vector<16xf32>
      %add3A_308 = vector.broadcast %max3A_217 : i32 to vector<16xi32>
      %add3A_309 = arith.addi %broadcast_in_dim3A_1, %add3A_308 : vector<16xi32>
      %convert_element_type3A_310 = arith.sitofp %add3A_309 : vector<16xi32> to vector<16xf32>
      %div3A_311 = arith.divf %add3A_307, %convert_element_type3A_310 : vector<16xf32>
      %add3A_312 = arith.constant 6.500000e+01 : f32
      %add3A_313 = vector.broadcast %add3A_312 : f32 to vector<16xf32>
      %add3A_314 = arith.addf %broadcast_in_dim3A_3, %add3A_313 : vector<16xf32>
      %add3A_315 = vector.broadcast %max3A_219 : i32 to vector<16xi32>
      %add3A_316 = arith.addi %broadcast_in_dim3A_1, %add3A_315 : vector<16xi32>
      %convert_element_type3A_317 = arith.sitofp %add3A_316 : vector<16xi32> to vector<16xf32>
      %div3A_318 = arith.divf %add3A_314, %convert_element_type3A_317 : vector<16xf32>
      %add3A_319 = arith.constant 6.500000e+01 : f32
      %add3A_320 = vector.broadcast %add3A_319 : f32 to vector<16xf32>
      %add3A_321 = arith.addf %broadcast_in_dim3A_3, %add3A_320 : vector<16xf32>
      %add3A_322 = vector.broadcast %max3A_221 : i32 to vector<16xi32>
      %add3A_323 = arith.addi %broadcast_in_dim3A_1, %add3A_322 : vector<16xi32>
      %convert_element_type3A_324 = arith.sitofp %add3A_323 : vector<16xi32> to vector<16xf32>
      %div3A_325 = arith.divf %add3A_321, %convert_element_type3A_324 : vector<16xf32>
      %scan3A_326 = arith.constant 0 : i32
      %scan3A_327 = arith.constant 0 : i32
      %scan3A_328 = arith.constant 256 : i32
      %scan3A_329 = arith.addi %scan3A_327, %scan3A_328 : i32
      %scan3A_330 = arith.constant 2 : i32
      %scan3A_331 = scf.for %scan3A_416 = %scan3A_327 to %scan3A_329 step %scan3A_330 iter_args(%scan3A_417 = %scan3A_326) -> (i32)  : i32 {
        %mul3A_418 = arith.constant 16 : i32
        %mul3A_419 = arith.muli %scan3A_416, %mul3A_418 : i32
        %get3A = arith.index_cast %mul3A_419 : i32 to index
        %get3A_420 = tpu.vector_load %arg5[%get3A] {strides = array<i32>} : memref<4096xi32, #tpu.memory_space<vmem>>, vector<16xi32>,
        %mul3A_421 = arith.constant 16 : i32
        %mul3A_422 = arith.muli %scan3A_416, %mul3A_421 : i32
        %get3A_423 = arith.index_cast %mul3A_422 : i32 to index
        %get3A_424 = tpu.vector_load %arg14[%get3A_423] {strides = array<i32>} : memref<4096xi32, #tpu.memory_space<vmem>>, vector<16xi32>,
        %mul3A_425 = arith.constant 16 : i32
        %mul3A_426 = arith.muli %scan3A_416, %mul3A_425 : i32
        %get3A_427 = arith.index_cast %mul3A_426 : i32 to index
        %get3A_428 = tpu.vector_load %arg23[%get3A_427] {strides = array<i32>} : memref<4096xi32, #tpu.memory_space<vmem>>, vector<16xi32>,
        %mul3A_429 = arith.constant 16 : i32
        %mul3A_430 = arith.muli %scan3A_416, %mul3A_429 : i32
        %get3A_431 = arith.index_cast %mul3A_430 : i32 to index
        %get3A_432 = tpu.vector_load %arg32[%get3A_431] {strides = array<i32>} : memref<4096xi32, #tpu.memory_space<vmem>>, vector<16xi32>,
        %mul3A_433 = arith.constant 16 : i32
        %mul3A_434 = arith.muli %scan3A_416, %mul3A_433 : i32
        %get3A_435 = arith.index_cast %mul3A_434 : i32 to index
        %get3A_436 = tpu.vector_load %arg6[%get3A_435] {strides = array<i32>} : memref<4096xi32, #tpu.memory_space<vmem>>, vector<16xi32>,
        %mul3A_437 = arith.constant 16 : i32
        %mul3A_438 = arith.muli %scan3A_416, %mul3A_437 : i32
        %get3A_439 = arith.index_cast %mul3A_438 : i32 to index
        %get3A_440 = tpu.vector_load %arg15[%get3A_439] {strides = array<i32>} : memref<4096xi32, #tpu.memory_space<vmem>>, vector<16xi32>,
        %mul3A_441 = arith.constant 16 : i32
        %mul3A_442 = arith.muli %scan3A_416, %mul3A_441 : i32
        %get3A_443 = arith.index_cast %mul3A_442 : i32 to index
        %get3A_444 = tpu.vector_load %arg24[%get3A_443] {strides = array<i32>} : memref<4096xi32, #tpu.memory_space<vmem>>, vector<16xi32>,
        %mul3A_445 = arith.constant 16 : i32
        %mul3A_446 = arith.muli %scan3A_416, %mul3A_445 : i32
        %get3A_447 = arith.index_cast %mul3A_446 : i32 to index
        %get3A_448 = tpu.vector_load %arg33[%get3A_447] {strides = array<i32>} : memref<4096xi32, #tpu.memory_space<vmem>>, vector<16xi32>,
        %shift_right_logical3A = arith.constant 21 : i32
        %shift_right_logical3A_449 = vector.broadcast %shift_right_logical3A : i32 to vector<16xi32>
        %shift_right_logical3A_450 = arith.shrui %get3A_420, %shift_right_logical3A_449 : vector<16xi32>
        %and3A = arith.constant 2047 : i32
        %and3A_451 = vector.broadcast %and3A : i32 to vector<16xi32>
        %and3A_452 = arith.andi %shift_right_logical3A_450, %and3A_451 : vector<16xi32>
        %shift_right_logical3A_453 = arith.constant 21 : i32
        %shift_right_logical3A_454 = vector.broadcast %shift_right_logical3A_453 : i32 to vector<16xi32>
        %shift_right_logical3A_455 = arith.shrui %get3A_424, %shift_right_logical3A_454 : vector<16xi32>
        %and3A_456 = arith.constant 2047 : i32
        %and3A_457 = vector.broadcast %and3A_456 : i32 to vector<16xi32>
        %and3A_458 = arith.andi %shift_right_logical3A_455, %and3A_457 : vector<16xi32>
        %shift_right_logical3A_459 = arith.constant 21 : i32
        %shift_right_logical3A_460 = vector.broadcast %shift_right_logical3A_459 : i32 to vector<16xi32>
        %shift_right_logical3A_461 = arith.shrui %get3A_428, %shift_right_logical3A_460 : vector<16xi32>
        %and3A_462 = arith.constant 2047 : i32
        %and3A_463 = vector.broadcast %and3A_462 : i32 to vector<16xi32>
        %and3A_464 = arith.andi %shift_right_logical3A_461, %and3A_463 : vector<16xi32>
        %shift_right_logical3A_465 = arith.constant 21 : i32
        %shift_right_logical3A_466 = vector.broadcast %shift_right_logical3A_465 : i32 to vector<16xi32>
        %shift_right_logical3A_467 = arith.shrui %get3A_432, %shift_right_logical3A_466 : vector<16xi32>
        %and3A_468 = arith.constant 2047 : i32
        %and3A_469 = vector.broadcast %and3A_468 : i32 to vector<16xi32>
        %and3A_470 = arith.andi %shift_right_logical3A_467, %and3A_469 : vector<16xi32>
        %broadcast_in_dim3A_471 = arith.constant true
        %broadcast_in_dim3A_472 = vector.broadcast %broadcast_in_dim3A_471 : i1 to vector<16xi1>
        %unique3A, %unique3A_473 = tpu.scan_count mask(%broadcast_in_dim3A_472 : vector<16xi1>) value(%and3A_452 : vector<16xi32>) : vector<16xi1>, vector<16xi32>
        %broadcast_in_dim3A_474 = arith.constant true
        %broadcast_in_dim3A_475 = vector.broadcast %broadcast_in_dim3A_474 : i1 to vector<16xi1>
        %unique3A_476, %unique3A_477 = tpu.scan_count mask(%broadcast_in_dim3A_475 : vector<16xi1>) value(%and3A_458 : vector<16xi32>) : vector<16xi1>, vector<16xi32>
        %broadcast_in_dim3A_478 = arith.constant true
        %broadcast_in_dim3A_479 = vector.broadcast %broadcast_in_dim3A_478 : i1 to vector<16xi1>
        %unique3A_480, %unique3A_481 = tpu.scan_count mask(%broadcast_in_dim3A_479 : vector<16xi1>) value(%and3A_464 : vector<16xi32>) : vector<16xi1>, vector<16xi32>
        %broadcast_in_dim3A_482 = arith.constant true
        %broadcast_in_dim3A_483 = vector.broadcast %broadcast_in_dim3A_482 : i1 to vector<16xi1>
        %unique3A_484, %unique3A_485 = tpu.scan_count mask(%broadcast_in_dim3A_483 : vector<16xi1>) value(%and3A_470 : vector<16xi32>) : vector<16xi1>, vector<16xi32>
        %gather3A = tpu.vector_load_idx %arg9[%and3A_452] : memref<2048xi32, #tpu.memory_space<vmem>>[vector<16xi32>], vector<16xi32>,
        %gather3A_486 = tpu.vector_load_idx %arg18[%and3A_458] : memref<2048xi32, #tpu.memory_space<vmem>>[vector<16xi32>], vector<16xi32>,
        %gather3A_487 = tpu.vector_load_idx %arg27[%and3A_464] : memref<2048xi32, #tpu.memory_space<vmem>>[vector<16xi32>], vector<16xi32>,
        %gather3A_488 = tpu.vector_load_idx %arg36[%and3A_470] : memref<2048xi32, #tpu.memory_space<vmem>>[vector<16xi32>], vector<16xi32>,
        %add3A_489 = arith.addi %gather3A, %unique3A_473 : vector<16xi32>
        %sub3A_490 = arith.constant 1 : i32
        %sub3A_491 = vector.broadcast %sub3A_490 : i32 to vector<16xi32>
        %sub3A_492 = arith.subi %add3A_489, %sub3A_491 : vector<16xi32>
        %add3A_493 = arith.addi %gather3A_486, %unique3A_477 : vector<16xi32>
        %sub3A_494 = arith.constant 1 : i32
        %sub3A_495 = vector.broadcast %sub3A_494 : i32 to vector<16xi32>
        %sub3A_496 = arith.subi %add3A_493, %sub3A_495 : vector<16xi32>
        %add3A_497 = arith.addi %gather3A_487, %unique3A_481 : vector<16xi32>
        %sub3A_498 = arith.constant 1 : i32
        %sub3A_499 = vector.broadcast %sub3A_498 : i32 to vector<16xi32>
        %sub3A_500 = arith.subi %add3A_497, %sub3A_499 : vector<16xi32>
        %add3A_501 = arith.addi %gather3A_488, %unique3A_485 : vector<16xi32>
        %sub3A_502 = arith.constant 1 : i32
        %sub3A_503 = vector.broadcast %sub3A_502 : i32 to vector<16xi32>
        %sub3A_504 = arith.subi %add3A_501, %sub3A_503 : vector<16xi32>
        tpu.vector_store_idx %arg9[%and3A_452], %unique3A_473 masked %unique3A {add = true} : memref<2048xi32, #tpu.memory_space<vmem>>[vector<16xi32>], vector<16xi32>, vector<16xi1>
        tpu.vector_store_idx %arg18[%and3A_458], %unique3A_477 masked %unique3A_476 {add = true} : memref<2048xi32, #tpu.memory_space<vmem>>[vector<16xi32>], vector<16xi32>, vector<16xi1>
        tpu.vector_store_idx %arg27[%and3A_464], %unique3A_481 masked %unique3A_480 {add = true} : memref<2048xi32, #tpu.memory_space<vmem>>[vector<16xi32>], vector<16xi32>, vector<16xi1>
        tpu.vector_store_idx %arg36[%and3A_470], %unique3A_485 masked %unique3A_484 {add = true} : memref<2048xi32, #tpu.memory_space<vmem>>[vector<16xi32>], vector<16xi32>, vector<16xi1>
        %convert_element_type3A_505 = arith.sitofp %sub3A_492 : vector<16xi32> to vector<16xf32>
        %mul3A_506 = arith.mulf %convert_element_type3A_505, %div3A : vector<16xf32>
        %add3A_507 = arith.constant 5.000000e-05 : f32
        %add3A_508 = vector.broadcast %add3A_507 : f32 to vector<16xf32>
        %add3A_509 = arith.addf %mul3A_506, %add3A_508 : vector<16xf32>
        %convert_element_type3A_510 = arith.sitofp %sub3A_496 : vector<16xi32> to vector<16xf32>
        %mul3A_511 = arith.mulf %convert_element_type3A_510, %div3A_311 : vector<16xf32>
        %add3A_512 = arith.constant 5.000000e-05 : f32
        %add3A_513 = vector.broadcast %add3A_512 : f32 to vector<16xf32>
        %add3A_514 = arith.addf %mul3A_511, %add3A_513 : vector<16xf32>
        %convert_element_type3A_515 = arith.sitofp %sub3A_500 : vector<16xi32> to vector<16xf32>
        %mul3A_516 = arith.mulf %convert_element_type3A_515, %div3A_318 : vector<16xf32>
        %add3A_517 = arith.constant 5.000000e-05 : f32
        %add3A_518 = vector.broadcast %add3A_517 : f32 to vector<16xf32>
        %add3A_519 = arith.addf %mul3A_516, %add3A_518 : vector<16xf32>
        %convert_element_type3A_520 = arith.sitofp %sub3A_504 : vector<16xi32> to vector<16xf32>
        %mul3A_521 = arith.mulf %convert_element_type3A_520, %div3A_325 : vector<16xf32>
        %add3A_522 = arith.constant 5.000000e-05 : f32
        %add3A_523 = vector.broadcast %add3A_522 : f32 to vector<16xf32>
        %add3A_524 = arith.addf %mul3A_521, %add3A_523 : vector<16xf32>
        %convert_element_type3A_525 = arith.fptosi %add3A_509 : vector<16xf32> to vector<16xi32>
        %min3A = arith.constant 64 : i32
        %min3A_526 = vector.broadcast %min3A : i32 to vector<16xi32>
        %min3A_527 = arith.minsi %convert_element_type3A_525, %min3A_526 : vector<16xi32>
        %convert_element_type3A_528 = arith.fptosi %add3A_514 : vector<16xf32> to vector<16xi32>
        %min3A_529 = arith.constant 64 : i32
        %min3A_530 = vector.broadcast %min3A_529 : i32 to vector<16xi32>
        %min3A_531 = arith.minsi %convert_element_type3A_528, %min3A_530 : vector<16xi32>
        %convert_element_type3A_532 = arith.fptosi %add3A_519 : vector<16xf32> to vector<16xi32>
        %min3A_533 = arith.constant 64 : i32
        %min3A_534 = vector.broadcast %min3A_533 : i32 to vector<16xi32>
        %min3A_535 = arith.minsi %convert_element_type3A_532, %min3A_534 : vector<16xi32>
        %convert_element_type3A_536 = arith.fptosi %add3A_524 : vector<16xf32> to vector<16xi32>
        %min3A_537 = arith.constant 64 : i32
        %min3A_538 = vector.broadcast %min3A_537 : i32 to vector<16xi32>
        %min3A_539 = arith.minsi %convert_element_type3A_536, %min3A_538 : vector<16xi32>
        tpu.vector_store_idx %arg11[%get3A_436], %min3A_527 : memref<4112xi32, #tpu.memory_space<vmem>>[vector<16xi32>], vector<16xi32>,
        tpu.vector_store_idx %arg20[%get3A_440], %min3A_531 : memref<4112xi32, #tpu.memory_space<vmem>>[vector<16xi32>], vector<16xi32>,
        tpu.vector_store_idx %arg29[%get3A_444], %min3A_535 : memref<4112xi32, #tpu.memory_space<vmem>>[vector<16xi32>], vector<16xi32>,
        tpu.vector_store_idx %arg38[%get3A_448], %min3A_539 : memref<4112xi32, #tpu.memory_space<vmem>>[vector<16xi32>], vector<16xi32>,
        %scan3A_540 = arith.constant 0 : i32
        %scan3A_541 = arith.constant 1 : i32
        %scan3A_542 = arith.addi %scan3A_416, %scan3A_541 : i32
        %mul3A_543 = arith.constant 16 : i32
        %mul3A_544 = arith.muli %scan3A_542, %mul3A_543 : i32
        %get3A_545 = arith.index_cast %mul3A_544 : i32 to index
        %get3A_546 = tpu.vector_load %arg5[%get3A_545] {strides = array<i32>} : memref<4096xi32, #tpu.memory_space<vmem>>, vector<16xi32>,
        %mul3A_547 = arith.constant 16 : i32
        %mul3A_548 = arith.muli %scan3A_542, %mul3A_547 : i32
        %get3A_549 = arith.index_cast %mul3A_548 : i32 to index
        %get3A_550 = tpu.vector_load %arg14[%get3A_549] {strides = array<i32>} : memref<4096xi32, #tpu.memory_space<vmem>>, vector<16xi32>,
        %mul3A_551 = arith.constant 16 : i32
        %mul3A_552 = arith.muli %scan3A_542, %mul3A_551 : i32
        %get3A_553 = arith.index_cast %mul3A_552 : i32 to index
        %get3A_554 = tpu.vector_load %arg23[%get3A_553] {strides = array<i32>} : memref<4096xi32, #tpu.memory_space<vmem>>, vector<16xi32>,
        %mul3A_555 = arith.constant 16 : i32
        %mul3A_556 = arith.muli %scan3A_542, %mul3A_555 : i32
        %get3A_557 = arith.index_cast %mul3A_556 : i32 to index
        %get3A_558 = tpu.vector_load %arg32[%get3A_557] {strides = array<i32>} : memref<4096xi32, #tpu.memory_space<vmem>>, vector<16xi32>,
        %mul3A_559 = arith.constant 16 : i32
        %mul3A_560 = arith.muli %scan3A_542, %mul3A_559 : i32
        %get3A_561 = arith.index_cast %mul3A_560 : i32 to index
        %get3A_562 = tpu.vector_load %arg6[%get3A_561] {strides = array<i32>} : memref<4096xi32, #tpu.memory_space<vmem>>, vector<16xi32>,
        %mul3A_563 = arith.constant 16 : i32
        %mul3A_564 = arith.muli %scan3A_542, %mul3A_563 : i32
        %get3A_565 = arith.index_cast %mul3A_564 : i32 to index
        %get3A_566 = tpu.vector_load %arg15[%get3A_565] {strides = array<i32>} : memref<4096xi32, #tpu.memory_space<vmem>>, vector<16xi32>,
        %mul3A_567 = arith.constant 16 : i32
        %mul3A_568 = arith.muli %scan3A_542, %mul3A_567 : i32
        %get3A_569 = arith.index_cast %mul3A_568 : i32 to index
        %get3A_570 = tpu.vector_load %arg24[%get3A_569] {strides = array<i32>} : memref<4096xi32, #tpu.memory_space<vmem>>, vector<16xi32>,
        %mul3A_571 = arith.constant 16 : i32
        %mul3A_572 = arith.muli %scan3A_542, %mul3A_571 : i32
        %get3A_573 = arith.index_cast %mul3A_572 : i32 to index
        %get3A_574 = tpu.vector_load %arg33[%get3A_573] {strides = array<i32>} : memref<4096xi32, #tpu.memory_space<vmem>>, vector<16xi32>,
        %shift_right_logical3A_575 = arith.constant 21 : i32
        %shift_right_logical3A_576 = vector.broadcast %shift_right_logical3A_575 : i32 to vector<16xi32>
        %shift_right_logical3A_577 = arith.shrui %get3A_546, %shift_right_logical3A_576 : vector<16xi32>
        %and3A_578 = arith.constant 2047 : i32
        %and3A_579 = vector.broadcast %and3A_578 : i32 to vector<16xi32>
        %and3A_580 = arith.andi %shift_right_logical3A_577, %and3A_579 : vector<16xi32>
        %shift_right_logical3A_581 = arith.constant 21 : i32
        %shift_right_logical3A_582 = vector.broadcast %shift_right_logical3A_581 : i32 to vector<16xi32>
        %shift_right_logical3A_583 = arith.shrui %get3A_550, %shift_right_logical3A_582 : vector<16xi32>
        %and3A_584 = arith.constant 2047 : i32
        %and3A_585 = vector.broadcast %and3A_584 : i32 to vector<16xi32>
        %and3A_586 = arith.andi %shift_right_logical3A_583, %and3A_585 : vector<16xi32>
        %shift_right_logical3A_587 = arith.constant 21 : i32
        %shift_right_logical3A_588 = vector.broadcast %shift_right_logical3A_587 : i32 to vector<16xi32>
        %shift_right_logical3A_589 = arith.shrui %get3A_554, %shift_right_logical3A_588 : vector<16xi32>
        %and3A_590 = arith.constant 2047 : i32
        %and3A_591 = vector.broadcast %and3A_590 : i32 to vector<16xi32>
        %and3A_592 = arith.andi %shift_right_logical3A_589, %and3A_591 : vector<16xi32>
        %shift_right_logical3A_593 = arith.constant 21 : i32
        %shift_right_logical3A_594 = vector.broadcast %shift_right_logical3A_593 : i32 to vector<16xi32>
        %shift_right_logical3A_595 = arith.shrui %get3A_558, %shift_right_logical3A_594 : vector<16xi32>
        %and3A_596 = arith.constant 2047 : i32
        %and3A_597 = vector.broadcast %and3A_596 : i32 to vector<16xi32>
        %and3A_598 = arith.andi %shift_right_logical3A_595, %and3A_597 : vector<16xi32>
        %broadcast_in_dim3A_599 = arith.constant true
        %broadcast_in_dim3A_600 = vector.broadcast %broadcast_in_dim3A_599 : i1 to vector<16xi1>
        %unique3A_601, %unique3A_602 = tpu.scan_count mask(%broadcast_in_dim3A_600 : vector<16xi1>) value(%and3A_580 : vector<16xi32>) : vector<16xi1>, vector<16xi32>
        %broadcast_in_dim3A_603 = arith.constant true
        %broadcast_in_dim3A_604 = vector.broadcast %broadcast_in_dim3A_603 : i1 to vector<16xi1>
        %unique3A_605, %unique3A_606 = tpu.scan_count mask(%broadcast_in_dim3A_604 : vector<16xi1>) value(%and3A_586 : vector<16xi32>) : vector<16xi1>, vector<16xi32>
        %broadcast_in_dim3A_607 = arith.constant true
        %broadcast_in_dim3A_608 = vector.broadcast %broadcast_in_dim3A_607 : i1 to vector<16xi1>
        %unique3A_609, %unique3A_610 = tpu.scan_count mask(%broadcast_in_dim3A_608 : vector<16xi1>) value(%and3A_592 : vector<16xi32>) : vector<16xi1>, vector<16xi32>
        %broadcast_in_dim3A_611 = arith.constant true
        %broadcast_in_dim3A_612 = vector.broadcast %broadcast_in_dim3A_611 : i1 to vector<16xi1>
        %unique3A_613, %unique3A_614 = tpu.scan_count mask(%broadcast_in_dim3A_612 : vector<16xi1>) value(%and3A_598 : vector<16xi32>) : vector<16xi1>, vector<16xi32>
        %gather3A_615 = tpu.vector_load_idx %arg9[%and3A_580] : memref<2048xi32, #tpu.memory_space<vmem>>[vector<16xi32>], vector<16xi32>,
        %gather3A_616 = tpu.vector_load_idx %arg18[%and3A_586] : memref<2048xi32, #tpu.memory_space<vmem>>[vector<16xi32>], vector<16xi32>,
        %gather3A_617 = tpu.vector_load_idx %arg27[%and3A_592] : memref<2048xi32, #tpu.memory_space<vmem>>[vector<16xi32>], vector<16xi32>,
        %gather3A_618 = tpu.vector_load_idx %arg36[%and3A_598] : memref<2048xi32, #tpu.memory_space<vmem>>[vector<16xi32>], vector<16xi32>,
        %add3A_619 = arith.addi %gather3A_615, %unique3A_602 : vector<16xi32>
        %sub3A_620 = arith.constant 1 : i32
        %sub3A_621 = vector.broadcast %sub3A_620 : i32 to vector<16xi32>
        %sub3A_622 = arith.subi %add3A_619, %sub3A_621 : vector<16xi32>
        %add3A_623 = arith.addi %gather3A_616, %unique3A_606 : vector<16xi32>
        %sub3A_624 = arith.constant 1 : i32
        %sub3A_625 = vector.broadcast %sub3A_624 : i32 to vector<16xi32>
        %sub3A_626 = arith.subi %add3A_623, %sub3A_625 : vector<16xi32>
        %add3A_627 = arith.addi %gather3A_617, %unique3A_610 : vector<16xi32>
        %sub3A_628 = arith.constant 1 : i32
        %sub3A_629 = vector.broadcast %sub3A_628 : i32 to vector<16xi32>
        %sub3A_630 = arith.subi %add3A_627, %sub3A_629 : vector<16xi32>
        %add3A_631 = arith.addi %gather3A_618, %unique3A_614 : vector<16xi32>
        %sub3A_632 = arith.constant 1 : i32
        %sub3A_633 = vector.broadcast %sub3A_632 : i32 to vector<16xi32>
        %sub3A_634 = arith.subi %add3A_631, %sub3A_633 : vector<16xi32>
        tpu.vector_store_idx %arg9[%and3A_580], %unique3A_602 masked %unique3A_601 {add = true} : memref<2048xi32, #tpu.memory_space<vmem>>[vector<16xi32>], vector<16xi32>, vector<16xi1>
        tpu.vector_store_idx %arg18[%and3A_586], %unique3A_606 masked %unique3A_605 {add = true} : memref<2048xi32, #tpu.memory_space<vmem>>[vector<16xi32>], vector<16xi32>, vector<16xi1>
        tpu.vector_store_idx %arg27[%and3A_592], %unique3A_610 masked %unique3A_609 {add = true} : memref<2048xi32, #tpu.memory_space<vmem>>[vector<16xi32>], vector<16xi32>, vector<16xi1>
        tpu.vector_store_idx %arg36[%and3A_598], %unique3A_614 masked %unique3A_613 {add = true} : memref<2048xi32, #tpu.memory_space<vmem>>[vector<16xi32>], vector<16xi32>, vector<16xi1>
        %convert_element_type3A_635 = arith.sitofp %sub3A_622 : vector<16xi32> to vector<16xf32>
        %mul3A_636 = arith.mulf %convert_element_type3A_635, %div3A : vector<16xf32>
        %add3A_637 = arith.constant 5.000000e-05 : f32
        %add3A_638 = vector.broadcast %add3A_637 : f32 to vector<16xf32>
        %add3A_639 = arith.addf %mul3A_636, %add3A_638 : vector<16xf32>
        %convert_element_type3A_640 = arith.sitofp %sub3A_626 : vector<16xi32> to vector<16xf32>
        %mul3A_641 = arith.mulf %convert_element_type3A_640, %div3A_311 : vector<16xf32>
        %add3A_642 = arith.constant 5.000000e-05 : f32
        %add3A_643 = vector.broadcast %add3A_642 : f32 to vector<16xf32>
        %add3A_644 = arith.addf %mul3A_641, %add3A_643 : vector<16xf32>
        %convert_element_type3A_645 = arith.sitofp %sub3A_630 : vector<16xi32> to vector<16xf32>
        %mul3A_646 = arith.mulf %convert_element_type3A_645, %div3A_318 : vector<16xf32>
        %add3A_647 = arith.constant 5.000000e-05 : f32
        %add3A_648 = vector.broadcast %add3A_647 : f32 to vector<16xf32>
        %add3A_649 = arith.addf %mul3A_646, %add3A_648 : vector<16xf32>
        %convert_element_type3A_650 = arith.sitofp %sub3A_634 : vector<16xi32> to vector<16xf32>
        %mul3A_651 = arith.mulf %convert_element_type3A_650, %div3A_325 : vector<16xf32>
        %add3A_652 = arith.constant 5.000000e-05 : f32
        %add3A_653 = vector.broadcast %add3A_652 : f32 to vector<16xf32>
        %add3A_654 = arith.addf %mul3A_651, %add3A_653 : vector<16xf32>
        %convert_element_type3A_655 = arith.fptosi %add3A_639 : vector<16xf32> to vector<16xi32>
        %min3A_656 = arith.constant 64 : i32
        %min3A_657 = vector.broadcast %min3A_656 : i32 to vector<16xi32>
        %min3A_658 = arith.minsi %convert_element_type3A_655, %min3A_657 : vector<16xi32>
        %convert_element_type3A_659 = arith.fptosi %add3A_644 : vector<16xf32> to vector<16xi32>
        %min3A_660 = arith.constant 64 : i32
        %min3A_661 = vector.broadcast %min3A_660 : i32 to vector<16xi32>
        %min3A_662 = arith.minsi %convert_element_type3A_659, %min3A_661 : vector<16xi32>
        %convert_element_type3A_663 = arith.fptosi %add3A_649 : vector<16xf32> to vector<16xi32>
        %min3A_664 = arith.constant 64 : i32
        %min3A_665 = vector.broadcast %min3A_664 : i32 to vector<16xi32>
        %min3A_666 = arith.minsi %convert_element_type3A_663, %min3A_665 : vector<16xi32>
        %convert_element_type3A_667 = arith.fptosi %add3A_654 : vector<16xf32> to vector<16xi32>
        %min3A_668 = arith.constant 64 : i32
        %min3A_669 = vector.broadcast %min3A_668 : i32 to vector<16xi32>
        %min3A_670 = arith.minsi %convert_element_type3A_667, %min3A_669 : vector<16xi32>
        tpu.vector_store_idx %arg11[%get3A_562], %min3A_658 : memref<4112xi32, #tpu.memory_space<vmem>>[vector<16xi32>], vector<16xi32>,
        tpu.vector_store_idx %arg20[%get3A_566], %min3A_662 : memref<4112xi32, #tpu.memory_space<vmem>>[vector<16xi32>], vector<16xi32>,
        tpu.vector_store_idx %arg29[%get3A_570], %min3A_666 : memref<4112xi32, #tpu.memory_space<vmem>>[vector<16xi32>], vector<16xi32>,
        tpu.vector_store_idx %arg38[%get3A_574], %min3A_670 : memref<4112xi32, #tpu.memory_space<vmem>>[vector<16xi32>], vector<16xi32>,
        %scan3A_671 = arith.constant 0 : i32
        scf.yield %scan3A_671 : i32
      }
      %scan3A_332 = arith.constant 256 : i32
      %add3A_333 = arith.constant 1.000000e+00 : f32
      %add3A_334 = vector.broadcast %add3A_333 : f32 to vector<16xf32>
      %add3A_335 = arith.addf %broadcast_in_dim3A_3, %add3A_334 : vector<16xf32>
      %sub3A_336 = arith.constant 1 : i32
      %sub3A_337 = arith.subi %add3A_205, %sub3A_336 : i32
      %max3A_338 = arith.constant 1 : i32
      %max3A_339 = arith.maxsi %sub3A_337, %max3A_338 : i32
      %add3A_340 = vector.broadcast %max3A_339 : i32 to vector<16xi32>
      %add3A_341 = arith.addi %broadcast_in_dim3A_1, %add3A_340 : vector<16xi32>
      %convert_element_type3A_342 = arith.sitofp %add3A_341 : vector<16xi32> to vector<16xf32>
      %div3A_343 = arith.divf %add3A_335, %convert_element_type3A_342 : vector<16xf32>
      %add3A_344 = arith.constant 1.000000e+00 : f32
      %add3A_345 = vector.broadcast %add3A_344 : f32 to vector<16xf32>
      %add3A_346 = arith.addf %broadcast_in_dim3A_3, %add3A_345 : vector<16xf32>
      %sub3A_347 = arith.constant 1 : i32
      %sub3A_348 = arith.subi %add3A_208, %sub3A_347 : i32
      %max3A_349 = arith.constant 1 : i32
      %max3A_350 = arith.maxsi %sub3A_348, %max3A_349 : i32
      %add3A_351 = vector.broadcast %max3A_350 : i32 to vector<16xi32>
      %add3A_352 = arith.addi %broadcast_in_dim3A_1, %add3A_351 : vector<16xi32>
      %convert_element_type3A_353 = arith.sitofp %add3A_352 : vector<16xi32> to vector<16xf32>
      %div3A_354 = arith.divf %add3A_346, %convert_element_type3A_353 : vector<16xf32>
      %add3A_355 = arith.constant 1.000000e+00 : f32
      %add3A_356 = vector.broadcast %add3A_355 : f32 to vector<16xf32>
      %add3A_357 = arith.addf %broadcast_in_dim3A_3, %add3A_356 : vector<16xf32>
      %sub3A_358 = arith.constant 1 : i32
      %sub3A_359 = arith.subi %add3A_211, %sub3A_358 : i32
      %max3A_360 = arith.constant 1 : i32
      %max3A_361 = arith.maxsi %sub3A_359, %max3A_360 : i32
      %add3A_362 = vector.broadcast %max3A_361 : i32 to vector<16xi32>
      %add3A_363 = arith.addi %broadcast_in_dim3A_1, %add3A_362 : vector<16xi32>
      %convert_element_type3A_364 = arith.sitofp %add3A_363 : vector<16xi32> to vector<16xf32>
      %div3A_365 = arith.divf %add3A_357, %convert_element_type3A_364 : vector<16xf32>
      %add3A_366 = arith.constant 1.000000e+00 : f32
      %add3A_367 = vector.broadcast %add3A_366 : f32 to vector<16xf32>
      %add3A_368 = arith.addf %broadcast_in_dim3A_3, %add3A_367 : vector<16xf32>
      %sub3A_369 = arith.constant 1 : i32
      %sub3A_370 = arith.subi %add3A_214, %sub3A_369 : i32
      %max3A_371 = arith.constant 1 : i32
      %max3A_372 = arith.maxsi %sub3A_370, %max3A_371 : i32
      %add3A_373 = vector.broadcast %max3A_372 : i32 to vector<16xi32>
      %add3A_374 = arith.addi %broadcast_in_dim3A_1, %add3A_373 : vector<16xi32>
      %convert_element_type3A_375 = arith.sitofp %add3A_374 : vector<16xi32> to vector<16xf32>
      %div3A_376 = arith.divf %add3A_368, %convert_element_type3A_375 : vector<16xf32>
      %or3A = arith.ori %gt3A_155, %gt3A_166 : i1
      %or3A_377 = arith.ori %or3A, %gt3A_177 : i1
      %or3A_378 = arith.ori %or3A_377, %gt3A_188 : i1
      %convert_element_type3A_379 = arith.extui %or3A_378 : i1 to i32
      %cond3A_380 = arith.constant 0 : i32
      %cond3A_381 = arith.cmpi ne, %convert_element_type3A_379, %cond3A_380 : i32
      %cond3A_382 = scf.if %cond3A_381 -> (i32) {
        %scan3A_416 = arith.constant 0 : i32
        %scan3A_417 = arith.constant 0 : i32
        %scan3A_418 = arith.constant 256 : i32
        %scan3A_419 = arith.addi %scan3A_417, %scan3A_418 : i32
        %scan3A_420 = arith.constant 2 : i32
        %scan3A_421 = scf.for %scan3A_424 = %scan3A_417 to %scan3A_419 step %scan3A_420 iter_args(%scan3A_425 = %scan3A_416) -> (i32)  : i32 {
          %mul3A_426 = arith.constant 16 : i32
          %mul3A_427 = arith.muli %scan3A_424, %mul3A_426 : i32
          %get3A = arith.index_cast %mul3A_427 : i32 to index
          %get3A_428 = tpu.vector_load %arg11[%get3A] {strides = array<i32>} : memref<4112xi32, #tpu.memory_space<vmem>>, vector<16xi32>,
          %mul3A_429 = arith.constant 16 : i32
          %mul3A_430 = arith.muli %scan3A_424, %mul3A_429 : i32
          %add3A_431 = arith.constant 1 : i32
          %add3A_432 = arith.addi %mul3A_430, %add3A_431 : i32
          %get3A_433 = arith.index_cast %add3A_432 : i32 to index
          %get3A_434 = tpu.vector_load %arg11[%get3A_433] {strides = array<i32>} : memref<4112xi32, #tpu.memory_space<vmem>>, vector<16xi32>,
          %mul3A_435 = arith.constant 16 : i32
          %mul3A_436 = arith.muli %scan3A_424, %mul3A_435 : i32
          %add3A_437 = vector.broadcast %mul3A_436 : i32 to vector<16xi32>
          %add3A_438 = arith.addi %add3A_437, %iota3A : vector<16xi32>
          %ge3A = vector.broadcast %cond3A_191#0 : i32 to vector<16xi32>
          %ge3A_439 = arith.cmpi sge, %add3A_438, %ge3A : vector<16xi32>
          %sub3A_440 = arith.constant 1 : i32
          %sub3A_441 = arith.subi %cond3A_191#1, %sub3A_440 : i32
          %le3A = vector.broadcast %sub3A_441 : i32 to vector<16xi32>
          %le3A_442 = arith.cmpi sle, %add3A_438, %le3A : vector<16xi32>
          %and3A = arith.andi %ge3A_439, %le3A_442 : vector<16xi1>
          %mul3A_443 = arith.constant 65 : i32
          %mul3A_444 = vector.broadcast %mul3A_443 : i32 to vector<16xi32>
          %mul3A_445 = arith.muli %get3A_428, %mul3A_444 : vector<16xi32>
          %add3A_446 = arith.addi %mul3A_445, %get3A_434 : vector<16xi32>
          %unique3A, %unique3A_447 = tpu.scan_count mask(%and3A : vector<16xi1>) value(%add3A_446 : vector<16xi32>) : vector<16xi1>, vector<16xi32>
          %convert_element_type3A_448 = arith.sitofp %unique3A_447 : vector<16xi32> to vector<16xf32>
          %mul3A_449 = arith.mulf %convert_element_type3A_448, %div3A_343 : vector<16xf32>
          %and3A_450 = arith.andi %unique3A, %and3A : vector<16xi1>
          tpu.vector_store_idx %arg12[%add3A_446], %mul3A_449 masked %and3A_450 {add = true} : memref<4240xf32, #tpu.memory_space<vmem>>[vector<16xi32>], vector<16xf32>, vector<16xi1>
          %mul3A_451 = arith.constant 16 : i32
          %mul3A_452 = arith.muli %scan3A_424, %mul3A_451 : i32
          %get3A_453 = arith.index_cast %mul3A_452 : i32 to index
          %get3A_454 = tpu.vector_load %arg20[%get3A_453] {strides = array<i32>} : memref<4112xi32, #tpu.memory_space<vmem>>, vector<16xi32>,
          %mul3A_455 = arith.constant 16 : i32
          %mul3A_456 = arith.muli %scan3A_424, %mul3A_455 : i32
          %add3A_457 = arith.constant 1 : i32
          %add3A_458 = arith.addi %mul3A_456, %add3A_457 : i32
          %get3A_459 = arith.index_cast %add3A_458 : i32 to index
          %get3A_460 = tpu.vector_load %arg20[%get3A_459] {strides = array<i32>} : memref<4112xi32, #tpu.memory_space<vmem>>, vector<16xi32>,
          %mul3A_461 = arith.constant 16 : i32
          %mul3A_462 = arith.muli %scan3A_424, %mul3A_461 : i32
          %add3A_463 = vector.broadcast %mul3A_462 : i32 to vector<16xi32>
          %add3A_464 = arith.addi %add3A_463, %iota3A : vector<16xi32>
          %ge3A_465 = vector.broadcast %cond3A_195#0 : i32 to vector<16xi32>
          %ge3A_466 = arith.cmpi sge, %add3A_464, %ge3A_465 : vector<16xi32>
          %sub3A_467 = arith.constant 1 : i32
          %sub3A_468 = arith.subi %cond3A_195#1, %sub3A_467 : i32
          %le3A_469 = vector.broadcast %sub3A_468 : i32 to vector<16xi32>
          %le3A_470 = arith.cmpi sle, %add3A_464, %le3A_469 : vector<16xi32>
          %and3A_471 = arith.andi %ge3A_466, %le3A_470 : vector<16xi1>
          %mul3A_472 = arith.constant 65 : i32
          %mul3A_473 = vector.broadcast %mul3A_472 : i32 to vector<16xi32>
          %mul3A_474 = arith.muli %get3A_454, %mul3A_473 : vector<16xi32>
          %add3A_475 = arith.addi %mul3A_474, %get3A_460 : vector<16xi32>
          %unique3A_476, %unique3A_477 = tpu.scan_count mask(%and3A_471 : vector<16xi1>) value(%add3A_475 : vector<16xi32>) : vector<16xi1>, vector<16xi32>
          %convert_element_type3A_478 = arith.sitofp %unique3A_477 : vector<16xi32> to vector<16xf32>
          %mul3A_479 = arith.mulf %convert_element_type3A_478, %div3A_354 : vector<16xf32>
          %and3A_480 = arith.andi %unique3A_476, %and3A_471 : vector<16xi1>
          tpu.vector_store_idx %arg21[%add3A_475], %mul3A_479 masked %and3A_480 {add = true} : memref<4240xf32, #tpu.memory_space<vmem>>[vector<16xi32>], vector<16xf32>, vector<16xi1>
          %mul3A_481 = arith.constant 16 : i32
          %mul3A_482 = arith.muli %scan3A_424, %mul3A_481 : i32
          %get3A_483 = arith.index_cast %mul3A_482 : i32 to index
          %get3A_484 = tpu.vector_load %arg29[%get3A_483] {strides = array<i32>} : memref<4112xi32, #tpu.memory_space<vmem>>, vector<16xi32>,
          %mul3A_485 = arith.constant 16 : i32
          %mul3A_486 = arith.muli %scan3A_424, %mul3A_485 : i32
          %add3A_487 = arith.constant 1 : i32
          %add3A_488 = arith.addi %mul3A_486, %add3A_487 : i32
          %get3A_489 = arith.index_cast %add3A_488 : i32 to index
          %get3A_490 = tpu.vector_load %arg29[%get3A_489] {strides = array<i32>} : memref<4112xi32, #tpu.memory_space<vmem>>, vector<16xi32>,
          %mul3A_491 = arith.constant 16 : i32
          %mul3A_492 = arith.muli %scan3A_424, %mul3A_491 : i32
          %add3A_493 = vector.broadcast %mul3A_492 : i32 to vector<16xi32>
          %add3A_494 = arith.addi %add3A_493, %iota3A : vector<16xi32>
          %ge3A_495 = vector.broadcast %cond3A_199#0 : i32 to vector<16xi32>
          %ge3A_496 = arith.cmpi sge, %add3A_494, %ge3A_495 : vector<16xi32>
          %sub3A_497 = arith.constant 1 : i32
          %sub3A_498 = arith.subi %cond3A_199#1, %sub3A_497 : i32
          %le3A_499 = vector.broadcast %sub3A_498 : i32 to vector<16xi32>
          %le3A_500 = arith.cmpi sle, %add3A_494, %le3A_499 : vector<16xi32>
          %and3A_501 = arith.andi %ge3A_496, %le3A_500 : vector<16xi1>
          %mul3A_502 = arith.constant 65 : i32
          %mul3A_503 = vector.broadcast %mul3A_502 : i32 to vector<16xi32>
          %mul3A_504 = arith.muli %get3A_484, %mul3A_503 : vector<16xi32>
          %add3A_505 = arith.addi %mul3A_504, %get3A_490 : vector<16xi32>
          %unique3A_506, %unique3A_507 = tpu.scan_count mask(%and3A_501 : vector<16xi1>) value(%add3A_505 : vector<16xi32>) : vector<16xi1>, vector<16xi32>
          %convert_element_type3A_508 = arith.sitofp %unique3A_507 : vector<16xi32> to vector<16xf32>
          %mul3A_509 = arith.mulf %convert_element_type3A_508, %div3A_365 : vector<16xf32>
          %and3A_510 = arith.andi %unique3A_506, %and3A_501 : vector<16xi1>
          tpu.vector_store_idx %arg30[%add3A_505], %mul3A_509 masked %and3A_510 {add = true} : memref<4240xf32, #tpu.memory_space<vmem>>[vector<16xi32>], vector<16xf32>, vector<16xi1>
          %mul3A_511 = arith.constant 16 : i32
          %mul3A_512 = arith.muli %scan3A_424, %mul3A_511 : i32
          %get3A_513 = arith.index_cast %mul3A_512 : i32 to index
          %get3A_514 = tpu.vector_load %arg38[%get3A_513] {strides = array<i32>} : memref<4112xi32, #tpu.memory_space<vmem>>, vector<16xi32>,
          %mul3A_515 = arith.constant 16 : i32
          %mul3A_516 = arith.muli %scan3A_424, %mul3A_515 : i32
          %add3A_517 = arith.constant 1 : i32
          %add3A_518 = arith.addi %mul3A_516, %add3A_517 : i32
          %get3A_519 = arith.index_cast %add3A_518 : i32 to index
          %get3A_520 = tpu.vector_load %arg38[%get3A_519] {strides = array<i32>} : memref<4112xi32, #tpu.memory_space<vmem>>, vector<16xi32>,
          %mul3A_521 = arith.constant 16 : i32
          %mul3A_522 = arith.muli %scan3A_424, %mul3A_521 : i32
          %add3A_523 = vector.broadcast %mul3A_522 : i32 to vector<16xi32>
          %add3A_524 = arith.addi %add3A_523, %iota3A : vector<16xi32>
          %ge3A_525 = vector.broadcast %cond3A_203#0 : i32 to vector<16xi32>
          %ge3A_526 = arith.cmpi sge, %add3A_524, %ge3A_525 : vector<16xi32>
          %sub3A_527 = arith.constant 1 : i32
          %sub3A_528 = arith.subi %cond3A_203#1, %sub3A_527 : i32
          %le3A_529 = vector.broadcast %sub3A_528 : i32 to vector<16xi32>
          %le3A_530 = arith.cmpi sle, %add3A_524, %le3A_529 : vector<16xi32>
          %and3A_531 = arith.andi %ge3A_526, %le3A_530 : vector<16xi1>
          %mul3A_532 = arith.constant 65 : i32
          %mul3A_533 = vector.broadcast %mul3A_532 : i32 to vector<16xi32>
          %mul3A_534 = arith.muli %get3A_514, %mul3A_533 : vector<16xi32>
          %add3A_535 = arith.addi %mul3A_534, %get3A_520 : vector<16xi32>
          %unique3A_536, %unique3A_537 = tpu.scan_count mask(%and3A_531 : vector<16xi1>) value(%add3A_535 : vector<16xi32>) : vector<16xi1>, vector<16xi32>
          %convert_element_type3A_538 = arith.sitofp %unique3A_537 : vector<16xi32> to vector<16xf32>
          %mul3A_539 = arith.mulf %convert_element_type3A_538, %div3A_376 : vector<16xf32>
          %and3A_540 = arith.andi %unique3A_536, %and3A_531 : vector<16xi1>
          tpu.vector_store_idx %arg39[%add3A_535], %mul3A_539 masked %and3A_540 {add = true} : memref<4240xf32, #tpu.memory_space<vmem>>[vector<16xi32>], vector<16xf32>, vector<16xi1>
          %scan3A_541 = arith.constant 0 : i32
          %scan3A_542 = arith.constant 1 : i32
          %scan3A_543 = arith.addi %scan3A_424, %scan3A_542 : i32
          %mul3A_544 = arith.constant 16 : i32
          %mul3A_545 = arith.muli %scan3A_543, %mul3A_544 : i32
          %get3A_546 = arith.index_cast %mul3A_545 : i32 to index
          %get3A_547 = tpu.vector_load %arg11[%get3A_546] {strides = array<i32>} : memref<4112xi32, #tpu.memory_space<vmem>>, vector<16xi32>,
          %mul3A_548 = arith.constant 16 : i32
          %mul3A_549 = arith.muli %scan3A_543, %mul3A_548 : i32
          %add3A_550 = arith.constant 1 : i32
          %add3A_551 = arith.addi %mul3A_549, %add3A_550 : i32
          %get3A_552 = arith.index_cast %add3A_551 : i32 to index
          %get3A_553 = tpu.vector_load %arg11[%get3A_552] {strides = array<i32>} : memref<4112xi32, #tpu.memory_space<vmem>>, vector<16xi32>,
          %mul3A_554 = arith.constant 16 : i32
          %mul3A_555 = arith.muli %scan3A_543, %mul3A_554 : i32
          %add3A_556 = vector.broadcast %mul3A_555 : i32 to vector<16xi32>
          %add3A_557 = arith.addi %add3A_556, %iota3A : vector<16xi32>
          %ge3A_558 = vector.broadcast %cond3A_191#0 : i32 to vector<16xi32>
          %ge3A_559 = arith.cmpi sge, %add3A_557, %ge3A_558 : vector<16xi32>
          %sub3A_560 = arith.constant 1 : i32
          %sub3A_561 = arith.subi %cond3A_191#1, %sub3A_560 : i32
          %le3A_562 = vector.broadcast %sub3A_561 : i32 to vector<16xi32>
          %le3A_563 = arith.cmpi sle, %add3A_557, %le3A_562 : vector<16xi32>
          %and3A_564 = arith.andi %ge3A_559, %le3A_563 : vector<16xi1>
          %mul3A_565 = arith.constant 65 : i32
          %mul3A_566 = vector.broadcast %mul3A_565 : i32 to vector<16xi32>
          %mul3A_567 = arith.muli %get3A_547, %mul3A_566 : vector<16xi32>
          %add3A_568 = arith.addi %mul3A_567, %get3A_553 : vector<16xi32>
          %unique3A_569, %unique3A_570 = tpu.scan_count mask(%and3A_564 : vector<16xi1>) value(%add3A_568 : vector<16xi32>) : vector<16xi1>, vector<16xi32>
          %convert_element_type3A_571 = arith.sitofp %unique3A_570 : vector<16xi32> to vector<16xf32>
          %mul3A_572 = arith.mulf %convert_element_type3A_571, %div3A_343 : vector<16xf32>
          %and3A_573 = arith.andi %unique3A_569, %and3A_564 : vector<16xi1>
          tpu.vector_store_idx %arg12[%add3A_568], %mul3A_572 masked %and3A_573 {add = true} : memref<4240xf32, #tpu.memory_space<vmem>>[vector<16xi32>], vector<16xf32>, vector<16xi1>
          %mul3A_574 = arith.constant 16 : i32
          %mul3A_575 = arith.muli %scan3A_543, %mul3A_574 : i32
          %get3A_576 = arith.index_cast %mul3A_575 : i32 to index
          %get3A_577 = tpu.vector_load %arg20[%get3A_576] {strides = array<i32>} : memref<4112xi32, #tpu.memory_space<vmem>>, vector<16xi32>,
          %mul3A_578 = arith.constant 16 : i32
          %mul3A_579 = arith.muli %scan3A_543, %mul3A_578 : i32
          %add3A_580 = arith.constant 1 : i32
          %add3A_581 = arith.addi %mul3A_579, %add3A_580 : i32
          %get3A_582 = arith.index_cast %add3A_581 : i32 to index
          %get3A_583 = tpu.vector_load %arg20[%get3A_582] {strides = array<i32>} : memref<4112xi32, #tpu.memory_space<vmem>>, vector<16xi32>,
          %mul3A_584 = arith.constant 16 : i32
          %mul3A_585 = arith.muli %scan3A_543, %mul3A_584 : i32
          %add3A_586 = vector.broadcast %mul3A_585 : i32 to vector<16xi32>
          %add3A_587 = arith.addi %add3A_586, %iota3A : vector<16xi32>
          %ge3A_588 = vector.broadcast %cond3A_195#0 : i32 to vector<16xi32>
          %ge3A_589 = arith.cmpi sge, %add3A_587, %ge3A_588 : vector<16xi32>
          %sub3A_590 = arith.constant 1 : i32
          %sub3A_591 = arith.subi %cond3A_195#1, %sub3A_590 : i32
          %le3A_592 = vector.broadcast %sub3A_591 : i32 to vector<16xi32>
          %le3A_593 = arith.cmpi sle, %add3A_587, %le3A_592 : vector<16xi32>
          %and3A_594 = arith.andi %ge3A_589, %le3A_593 : vector<16xi1>
          %mul3A_595 = arith.constant 65 : i32
          %mul3A_596 = vector.broadcast %mul3A_595 : i32 to vector<16xi32>
          %mul3A_597 = arith.muli %get3A_577, %mul3A_596 : vector<16xi32>
          %add3A_598 = arith.addi %mul3A_597, %get3A_583 : vector<16xi32>
          %unique3A_599, %unique3A_600 = tpu.scan_count mask(%and3A_594 : vector<16xi1>) value(%add3A_598 : vector<16xi32>) : vector<16xi1>, vector<16xi32>
          %convert_element_type3A_601 = arith.sitofp %unique3A_600 : vector<16xi32> to vector<16xf32>
          %mul3A_602 = arith.mulf %convert_element_type3A_601, %div3A_354 : vector<16xf32>
          %and3A_603 = arith.andi %unique3A_599, %and3A_594 : vector<16xi1>
          tpu.vector_store_idx %arg21[%add3A_598], %mul3A_602 masked %and3A_603 {add = true} : memref<4240xf32, #tpu.memory_space<vmem>>[vector<16xi32>], vector<16xf32>, vector<16xi1>
          %mul3A_604 = arith.constant 16 : i32
          %mul3A_605 = arith.muli %scan3A_543, %mul3A_604 : i32
          %get3A_606 = arith.index_cast %mul3A_605 : i32 to index
          %get3A_607 = tpu.vector_load %arg29[%get3A_606] {strides = array<i32>} : memref<4112xi32, #tpu.memory_space<vmem>>, vector<16xi32>,
          %mul3A_608 = arith.constant 16 : i32
          %mul3A_609 = arith.muli %scan3A_543, %mul3A_608 : i32
          %add3A_610 = arith.constant 1 : i32
          %add3A_611 = arith.addi %mul3A_609, %add3A_610 : i32
          %get3A_612 = arith.index_cast %add3A_611 : i32 to index
          %get3A_613 = tpu.vector_load %arg29[%get3A_612] {strides = array<i32>} : memref<4112xi32, #tpu.memory_space<vmem>>, vector<16xi32>,
          %mul3A_614 = arith.constant 16 : i32
          %mul3A_615 = arith.muli %scan3A_543, %mul3A_614 : i32
          %add3A_616 = vector.broadcast %mul3A_615 : i32 to vector<16xi32>
          %add3A_617 = arith.addi %add3A_616, %iota3A : vector<16xi32>
          %ge3A_618 = vector.broadcast %cond3A_199#0 : i32 to vector<16xi32>
          %ge3A_619 = arith.cmpi sge, %add3A_617, %ge3A_618 : vector<16xi32>
          %sub3A_620 = arith.constant 1 : i32
          %sub3A_621 = arith.subi %cond3A_199#1, %sub3A_620 : i32
          %le3A_622 = vector.broadcast %sub3A_621 : i32 to vector<16xi32>
          %le3A_623 = arith.cmpi sle, %add3A_617, %le3A_622 : vector<16xi32>
          %and3A_624 = arith.andi %ge3A_619, %le3A_623 : vector<16xi1>
          %mul3A_625 = arith.constant 65 : i32
          %mul3A_626 = vector.broadcast %mul3A_625 : i32 to vector<16xi32>
          %mul3A_627 = arith.muli %get3A_607, %mul3A_626 : vector<16xi32>
          %add3A_628 = arith.addi %mul3A_627, %get3A_613 : vector<16xi32>
          %unique3A_629, %unique3A_630 = tpu.scan_count mask(%and3A_624 : vector<16xi1>) value(%add3A_628 : vector<16xi32>) : vector<16xi1>, vector<16xi32>
          %convert_element_type3A_631 = arith.sitofp %unique3A_630 : vector<16xi32> to vector<16xf32>
          %mul3A_632 = arith.mulf %convert_element_type3A_631, %div3A_365 : vector<16xf32>
          %and3A_633 = arith.andi %unique3A_629, %and3A_624 : vector<16xi1>
          tpu.vector_store_idx %arg30[%add3A_628], %mul3A_632 masked %and3A_633 {add = true} : memref<4240xf32, #tpu.memory_space<vmem>>[vector<16xi32>], vector<16xf32>, vector<16xi1>
          %mul3A_634 = arith.constant 16 : i32
          %mul3A_635 = arith.muli %scan3A_543, %mul3A_634 : i32
          %get3A_636 = arith.index_cast %mul3A_635 : i32 to index
          %get3A_637 = tpu.vector_load %arg38[%get3A_636] {strides = array<i32>} : memref<4112xi32, #tpu.memory_space<vmem>>, vector<16xi32>,
          %mul3A_638 = arith.constant 16 : i32
          %mul3A_639 = arith.muli %scan3A_543, %mul3A_638 : i32
          %add3A_640 = arith.constant 1 : i32
          %add3A_641 = arith.addi %mul3A_639, %add3A_640 : i32
          %get3A_642 = arith.index_cast %add3A_641 : i32 to index
          %get3A_643 = tpu.vector_load %arg38[%get3A_642] {strides = array<i32>} : memref<4112xi32, #tpu.memory_space<vmem>>, vector<16xi32>,
          %mul3A_644 = arith.constant 16 : i32
          %mul3A_645 = arith.muli %scan3A_543, %mul3A_644 : i32
          %add3A_646 = vector.broadcast %mul3A_645 : i32 to vector<16xi32>
          %add3A_647 = arith.addi %add3A_646, %iota3A : vector<16xi32>
          %ge3A_648 = vector.broadcast %cond3A_203#0 : i32 to vector<16xi32>
          %ge3A_649 = arith.cmpi sge, %add3A_647, %ge3A_648 : vector<16xi32>
          %sub3A_650 = arith.constant 1 : i32
          %sub3A_651 = arith.subi %cond3A_203#1, %sub3A_650 : i32
          %le3A_652 = vector.broadcast %sub3A_651 : i32 to vector<16xi32>
          %le3A_653 = arith.cmpi sle, %add3A_647, %le3A_652 : vector<16xi32>
          %and3A_654 = arith.andi %ge3A_649, %le3A_653 : vector<16xi1>
          %mul3A_655 = arith.constant 65 : i32
          %mul3A_656 = vector.broadcast %mul3A_655 : i32 to vector<16xi32>
          %mul3A_657 = arith.muli %get3A_637, %mul3A_656 : vector<16xi32>
          %add3A_658 = arith.addi %mul3A_657, %get3A_643 : vector<16xi32>
          %unique3A_659, %unique3A_660 = tpu.scan_count mask(%and3A_654 : vector<16xi1>) value(%add3A_658 : vector<16xi32>) : vector<16xi1>, vector<16xi32>
          %convert_element_type3A_661 = arith.sitofp %unique3A_660 : vector<16xi32> to vector<16xf32>
          %mul3A_662 = arith.mulf %convert_element_type3A_661, %div3A_376 : vector<16xf32>
          %and3A_663 = arith.andi %unique3A_659, %and3A_654 : vector<16xi1>
          tpu.vector_store_idx %arg39[%add3A_658], %mul3A_662 masked %and3A_663 {add = true} : memref<4240xf32, #tpu.memory_space<vmem>>[vector<16xi32>], vector<16xf32>, vector<16xi1>
          %scan3A_664 = arith.constant 0 : i32
          scf.yield %scan3A_664 : i32
        }
        %scan3A_422 = arith.constant 256 : i32
        %cond3A_423 = arith.constant 0 : i32
        scf.yield %cond3A_423 : i32
      } else {
        %scan3A_416 = arith.constant 0 : i32
        %scan3A_417 = arith.constant 0 : i32
        %scan3A_418 = arith.constant 254 : i32
        %scan3A_419 = arith.addi %scan3A_417, %scan3A_418 : i32
        %scan3A_420 = arith.constant 2 : i32
        %scan3A_421 = scf.for %scan3A_594 = %scan3A_417 to %scan3A_419 step %scan3A_420 iter_args(%scan3A_595 = %scan3A_416) -> (i32)  : i32 {
          %mul3A_596 = arith.constant 16 : i32
          %mul3A_597 = arith.muli %scan3A_594, %mul3A_596 : i32
          %get3A_598 = arith.index_cast %mul3A_597 : i32 to index
          %get3A_599 = tpu.vector_load %arg11[%get3A_598] {strides = array<i32>} : memref<4112xi32, #tpu.memory_space<vmem>>, vector<16xi32>,
          %mul3A_600 = arith.constant 16 : i32
          %mul3A_601 = arith.muli %scan3A_594, %mul3A_600 : i32
          %get3A_602 = arith.index_cast %mul3A_601 : i32 to index
          %get3A_603 = tpu.vector_load %arg20[%get3A_602] {strides = array<i32>} : memref<4112xi32, #tpu.memory_space<vmem>>, vector<16xi32>,
          %mul3A_604 = arith.constant 16 : i32
          %mul3A_605 = arith.muli %scan3A_594, %mul3A_604 : i32
          %get3A_606 = arith.index_cast %mul3A_605 : i32 to index
          %get3A_607 = tpu.vector_load %arg29[%get3A_606] {strides = array<i32>} : memref<4112xi32, #tpu.memory_space<vmem>>, vector<16xi32>,
          %mul3A_608 = arith.constant 16 : i32
          %mul3A_609 = arith.muli %scan3A_594, %mul3A_608 : i32
          %get3A_610 = arith.index_cast %mul3A_609 : i32 to index
          %get3A_611 = tpu.vector_load %arg38[%get3A_610] {strides = array<i32>} : memref<4112xi32, #tpu.memory_space<vmem>>, vector<16xi32>,
          %mul3A_612 = arith.constant 16 : i32
          %mul3A_613 = arith.muli %scan3A_594, %mul3A_612 : i32
          %add3A_614 = arith.constant 1 : i32
          %add3A_615 = arith.addi %mul3A_613, %add3A_614 : i32
          %get3A_616 = arith.index_cast %add3A_615 : i32 to index
          %get3A_617 = tpu.vector_load %arg11[%get3A_616] {strides = array<i32>} : memref<4112xi32, #tpu.memory_space<vmem>>, vector<16xi32>,
          %mul3A_618 = arith.constant 16 : i32
          %mul3A_619 = arith.muli %scan3A_594, %mul3A_618 : i32
          %add3A_620 = arith.constant 1 : i32
          %add3A_621 = arith.addi %mul3A_619, %add3A_620 : i32
          %get3A_622 = arith.index_cast %add3A_621 : i32 to index
          %get3A_623 = tpu.vector_load %arg20[%get3A_622] {strides = array<i32>} : memref<4112xi32, #tpu.memory_space<vmem>>, vector<16xi32>,
          %mul3A_624 = arith.constant 16 : i32
          %mul3A_625 = arith.muli %scan3A_594, %mul3A_624 : i32
          %add3A_626 = arith.constant 1 : i32
          %add3A_627 = arith.addi %mul3A_625, %add3A_626 : i32
          %get3A_628 = arith.index_cast %add3A_627 : i32 to index
          %get3A_629 = tpu.vector_load %arg29[%get3A_628] {strides = array<i32>} : memref<4112xi32, #tpu.memory_space<vmem>>, vector<16xi32>,
          %mul3A_630 = arith.constant 16 : i32
          %mul3A_631 = arith.muli %scan3A_594, %mul3A_630 : i32
          %add3A_632 = arith.constant 1 : i32
          %add3A_633 = arith.addi %mul3A_631, %add3A_632 : i32
          %get3A_634 = arith.index_cast %add3A_633 : i32 to index
          %get3A_635 = tpu.vector_load %arg38[%get3A_634] {strides = array<i32>} : memref<4112xi32, #tpu.memory_space<vmem>>, vector<16xi32>,
          %mul3A_636 = arith.constant 65 : i32
          %mul3A_637 = vector.broadcast %mul3A_636 : i32 to vector<16xi32>
          %mul3A_638 = arith.muli %get3A_599, %mul3A_637 : vector<16xi32>
          %add3A_639 = arith.addi %mul3A_638, %get3A_617 : vector<16xi32>
          %mul3A_640 = arith.constant 65 : i32
          %mul3A_641 = vector.broadcast %mul3A_640 : i32 to vector<16xi32>
          %mul3A_642 = arith.muli %get3A_603, %mul3A_641 : vector<16xi32>
          %add3A_643 = arith.addi %mul3A_642, %get3A_623 : vector<16xi32>
          %mul3A_644 = arith.constant 65 : i32
          %mul3A_645 = vector.broadcast %mul3A_644 : i32 to vector<16xi32>
          %mul3A_646 = arith.muli %get3A_607, %mul3A_645 : vector<16xi32>
          %add3A_647 = arith.addi %mul3A_646, %get3A_629 : vector<16xi32>
          %mul3A_648 = arith.constant 65 : i32
          %mul3A_649 = vector.broadcast %mul3A_648 : i32 to vector<16xi32>
          %mul3A_650 = arith.muli %get3A_611, %mul3A_649 : vector<16xi32>
          %add3A_651 = arith.addi %mul3A_650, %get3A_635 : vector<16xi32>
          %broadcast_in_dim3A_652 = arith.constant true
          %broadcast_in_dim3A_653 = vector.broadcast %broadcast_in_dim3A_652 : i1 to vector<16xi1>
          %unique3A_654, %unique3A_655 = tpu.scan_count mask(%broadcast_in_dim3A_653 : vector<16xi1>) value(%add3A_639 : vector<16xi32>) : vector<16xi1>, vector<16xi32>
          %broadcast_in_dim3A_656 = arith.constant true
          %broadcast_in_dim3A_657 = vector.broadcast %broadcast_in_dim3A_656 : i1 to vector<16xi1>
          %unique3A_658, %unique3A_659 = tpu.scan_count mask(%broadcast_in_dim3A_657 : vector<16xi1>) value(%add3A_643 : vector<16xi32>) : vector<16xi1>, vector<16xi32>
          %broadcast_in_dim3A_660 = arith.constant true
          %broadcast_in_dim3A_661 = vector.broadcast %broadcast_in_dim3A_660 : i1 to vector<16xi1>
          %unique3A_662, %unique3A_663 = tpu.scan_count mask(%broadcast_in_dim3A_661 : vector<16xi1>) value(%add3A_647 : vector<16xi32>) : vector<16xi1>, vector<16xi32>
          %broadcast_in_dim3A_664 = arith.constant true
          %broadcast_in_dim3A_665 = vector.broadcast %broadcast_in_dim3A_664 : i1 to vector<16xi1>
          %unique3A_666, %unique3A_667 = tpu.scan_count mask(%broadcast_in_dim3A_665 : vector<16xi1>) value(%add3A_651 : vector<16xi32>) : vector<16xi1>, vector<16xi32>
          %convert_element_type3A_668 = arith.sitofp %unique3A_655 : vector<16xi32> to vector<16xf32>
          %mul3A_669 = arith.mulf %convert_element_type3A_668, %div3A_343 : vector<16xf32>
          tpu.vector_store_idx %arg12[%add3A_639], %mul3A_669 masked %unique3A_654 {add = true} : memref<4240xf32, #tpu.memory_space<vmem>>[vector<16xi32>], vector<16xf32>, vector<16xi1>
          %convert_element_type3A_670 = arith.sitofp %unique3A_659 : vector<16xi32> to vector<16xf32>
          %mul3A_671 = arith.mulf %convert_element_type3A_670, %div3A_354 : vector<16xf32>
          tpu.vector_store_idx %arg21[%add3A_643], %mul3A_671 masked %unique3A_658 {add = true} : memref<4240xf32, #tpu.memory_space<vmem>>[vector<16xi32>], vector<16xf32>, vector<16xi1>
          %convert_element_type3A_672 = arith.sitofp %unique3A_663 : vector<16xi32> to vector<16xf32>
          %mul3A_673 = arith.mulf %convert_element_type3A_672, %div3A_365 : vector<16xf32>
          tpu.vector_store_idx %arg30[%add3A_647], %mul3A_673 masked %unique3A_662 {add = true} : memref<4240xf32, #tpu.memory_space<vmem>>[vector<16xi32>], vector<16xf32>, vector<16xi1>
          %convert_element_type3A_674 = arith.sitofp %unique3A_667 : vector<16xi32> to vector<16xf32>
          %mul3A_675 = arith.mulf %convert_element_type3A_674, %div3A_376 : vector<16xf32>
          tpu.vector_store_idx %arg39[%add3A_651], %mul3A_675 masked %unique3A_666 {add = true} : memref<4240xf32, #tpu.memory_space<vmem>>[vector<16xi32>], vector<16xf32>, vector<16xi1>
          %scan3A_676 = arith.constant 0 : i32
          %scan3A_677 = arith.constant 1 : i32
          %scan3A_678 = arith.addi %scan3A_594, %scan3A_677 : i32
          %mul3A_679 = arith.constant 16 : i32
          %mul3A_680 = arith.muli %scan3A_678, %mul3A_679 : i32
          %get3A_681 = arith.index_cast %mul3A_680 : i32 to index
          %get3A_682 = tpu.vector_load %arg11[%get3A_681] {strides = array<i32>} : memref<4112xi32, #tpu.memory_space<vmem>>, vector<16xi32>,
          %mul3A_683 = arith.constant 16 : i32
          %mul3A_684 = arith.muli %scan3A_678, %mul3A_683 : i32
          %get3A_685 = arith.index_cast %mul3A_684 : i32 to index
          %get3A_686 = tpu.vector_load %arg20[%get3A_685] {strides = array<i32>} : memref<4112xi32, #tpu.memory_space<vmem>>, vector<16xi32>,
          %mul3A_687 = arith.constant 16 : i32
          %mul3A_688 = arith.muli %scan3A_678, %mul3A_687 : i32
          %get3A_689 = arith.index_cast %mul3A_688 : i32 to index
          %get3A_690 = tpu.vector_load %arg29[%get3A_689] {strides = array<i32>} : memref<4112xi32, #tpu.memory_space<vmem>>, vector<16xi32>,
          %mul3A_691 = arith.constant 16 : i32
          %mul3A_692 = arith.muli %scan3A_678, %mul3A_691 : i32
          %get3A_693 = arith.index_cast %mul3A_692 : i32 to index
          %get3A_694 = tpu.vector_load %arg38[%get3A_693] {strides = array<i32>} : memref<4112xi32, #tpu.memory_space<vmem>>, vector<16xi32>,
          %mul3A_695 = arith.constant 16 : i32
          %mul3A_696 = arith.muli %scan3A_678, %mul3A_695 : i32
          %add3A_697 = arith.constant 1 : i32
          %add3A_698 = arith.addi %mul3A_696, %add3A_697 : i32
          %get3A_699 = arith.index_cast %add3A_698 : i32 to index
          %get3A_700 = tpu.vector_load %arg11[%get3A_699] {strides = array<i32>} : memref<4112xi32, #tpu.memory_space<vmem>>, vector<16xi32>,
          %mul3A_701 = arith.constant 16 : i32
          %mul3A_702 = arith.muli %scan3A_678, %mul3A_701 : i32
          %add3A_703 = arith.constant 1 : i32
          %add3A_704 = arith.addi %mul3A_702, %add3A_703 : i32
          %get3A_705 = arith.index_cast %add3A_704 : i32 to index
          %get3A_706 = tpu.vector_load %arg20[%get3A_705] {strides = array<i32>} : memref<4112xi32, #tpu.memory_space<vmem>>, vector<16xi32>,
          %mul3A_707 = arith.constant 16 : i32
          %mul3A_708 = arith.muli %scan3A_678, %mul3A_707 : i32
          %add3A_709 = arith.constant 1 : i32
          %add3A_710 = arith.addi %mul3A_708, %add3A_709 : i32
          %get3A_711 = arith.index_cast %add3A_710 : i32 to index
          %get3A_712 = tpu.vector_load %arg29[%get3A_711] {strides = array<i32>} : memref<4112xi32, #tpu.memory_space<vmem>>, vector<16xi32>,
          %mul3A_713 = arith.constant 16 : i32
          %mul3A_714 = arith.muli %scan3A_678, %mul3A_713 : i32
          %add3A_715 = arith.constant 1 : i32
          %add3A_716 = arith.addi %mul3A_714, %add3A_715 : i32
          %get3A_717 = arith.index_cast %add3A_716 : i32 to index
          %get3A_718 = tpu.vector_load %arg38[%get3A_717] {strides = array<i32>} : memref<4112xi32, #tpu.memory_space<vmem>>, vector<16xi32>,
          %mul3A_719 = arith.constant 65 : i32
          %mul3A_720 = vector.broadcast %mul3A_719 : i32 to vector<16xi32>
          %mul3A_721 = arith.muli %get3A_682, %mul3A_720 : vector<16xi32>
          %add3A_722 = arith.addi %mul3A_721, %get3A_700 : vector<16xi32>
          %mul3A_723 = arith.constant 65 : i32
          %mul3A_724 = vector.broadcast %mul3A_723 : i32 to vector<16xi32>
          %mul3A_725 = arith.muli %get3A_686, %mul3A_724 : vector<16xi32>
          %add3A_726 = arith.addi %mul3A_725, %get3A_706 : vector<16xi32>
          %mul3A_727 = arith.constant 65 : i32
          %mul3A_728 = vector.broadcast %mul3A_727 : i32 to vector<16xi32>
          %mul3A_729 = arith.muli %get3A_690, %mul3A_728 : vector<16xi32>
          %add3A_730 = arith.addi %mul3A_729, %get3A_712 : vector<16xi32>
          %mul3A_731 = arith.constant 65 : i32
          %mul3A_732 = vector.broadcast %mul3A_731 : i32 to vector<16xi32>
          %mul3A_733 = arith.muli %get3A_694, %mul3A_732 : vector<16xi32>
          %add3A_734 = arith.addi %mul3A_733, %get3A_718 : vector<16xi32>
          %broadcast_in_dim3A_735 = arith.constant true
          %broadcast_in_dim3A_736 = vector.broadcast %broadcast_in_dim3A_735 : i1 to vector<16xi1>
          %unique3A_737, %unique3A_738 = tpu.scan_count mask(%broadcast_in_dim3A_736 : vector<16xi1>) value(%add3A_722 : vector<16xi32>) : vector<16xi1>, vector<16xi32>
          %broadcast_in_dim3A_739 = arith.constant true
          %broadcast_in_dim3A_740 = vector.broadcast %broadcast_in_dim3A_739 : i1 to vector<16xi1>
          %unique3A_741, %unique3A_742 = tpu.scan_count mask(%broadcast_in_dim3A_740 : vector<16xi1>) value(%add3A_726 : vector<16xi32>) : vector<16xi1>, vector<16xi32>
          %broadcast_in_dim3A_743 = arith.constant true
          %broadcast_in_dim3A_744 = vector.broadcast %broadcast_in_dim3A_743 : i1 to vector<16xi1>
          %unique3A_745, %unique3A_746 = tpu.scan_count mask(%broadcast_in_dim3A_744 : vector<16xi1>) value(%add3A_730 : vector<16xi32>) : vector<16xi1>, vector<16xi32>
          %broadcast_in_dim3A_747 = arith.constant true
          %broadcast_in_dim3A_748 = vector.broadcast %broadcast_in_dim3A_747 : i1 to vector<16xi1>
          %unique3A_749, %unique3A_750 = tpu.scan_count mask(%broadcast_in_dim3A_748 : vector<16xi1>) value(%add3A_734 : vector<16xi32>) : vector<16xi1>, vector<16xi32>
          %convert_element_type3A_751 = arith.sitofp %unique3A_738 : vector<16xi32> to vector<16xf32>
          %mul3A_752 = arith.mulf %convert_element_type3A_751, %div3A_343 : vector<16xf32>
          tpu.vector_store_idx %arg12[%add3A_722], %mul3A_752 masked %unique3A_737 {add = true} : memref<4240xf32, #tpu.memory_space<vmem>>[vector<16xi32>], vector<16xf32>, vector<16xi1>
          %convert_element_type3A_753 = arith.sitofp %unique3A_742 : vector<16xi32> to vector<16xf32>
          %mul3A_754 = arith.mulf %convert_element_type3A_753, %div3A_354 : vector<16xf32>
          tpu.vector_store_idx %arg21[%add3A_726], %mul3A_754 masked %unique3A_741 {add = true} : memref<4240xf32, #tpu.memory_space<vmem>>[vector<16xi32>], vector<16xf32>, vector<16xi1>
          %convert_element_type3A_755 = arith.sitofp %unique3A_746 : vector<16xi32> to vector<16xf32>
          %mul3A_756 = arith.mulf %convert_element_type3A_755, %div3A_365 : vector<16xf32>
          tpu.vector_store_idx %arg30[%add3A_730], %mul3A_756 masked %unique3A_745 {add = true} : memref<4240xf32, #tpu.memory_space<vmem>>[vector<16xi32>], vector<16xf32>, vector<16xi1>
          %convert_element_type3A_757 = arith.sitofp %unique3A_750 : vector<16xi32> to vector<16xf32>
          %mul3A_758 = arith.mulf %convert_element_type3A_757, %div3A_376 : vector<16xf32>
          tpu.vector_store_idx %arg39[%add3A_734], %mul3A_758 masked %unique3A_749 {add = true} : memref<4240xf32, #tpu.memory_space<vmem>>[vector<16xi32>], vector<16xf32>, vector<16xi1>
          %scan3A_759 = arith.constant 0 : i32
          scf.yield %scan3A_759 : i32
        }
        %scan3A_422 = arith.constant 254 : i32
        %scan3A_423 = arith.addi %scan3A_417, %scan3A_422 : i32
        %mul3A_424 = arith.constant 16 : i32
        %mul3A_425 = arith.muli %scan3A_423, %mul3A_424 : i32
        %get3A = arith.index_cast %mul3A_425 : i32 to index
        %get3A_426 = tpu.vector_load %arg11[%get3A] {strides = array<i32>} : memref<4112xi32, #tpu.memory_space<vmem>>, vector<16xi32>,
        %mul3A_427 = arith.constant 16 : i32
        %mul3A_428 = arith.muli %scan3A_423, %mul3A_427 : i32
        %get3A_429 = arith.index_cast %mul3A_428 : i32 to index
        %get3A_430 = tpu.vector_load %arg20[%get3A_429] {strides = array<i32>} : memref<4112xi32, #tpu.memory_space<vmem>>, vector<16xi32>,
        %mul3A_431 = arith.constant 16 : i32
        %mul3A_432 = arith.muli %scan3A_423, %mul3A_431 : i32
        %get3A_433 = arith.index_cast %mul3A_432 : i32 to index
        %get3A_434 = tpu.vector_load %arg29[%get3A_433] {strides = array<i32>} : memref<4112xi32, #tpu.memory_space<vmem>>, vector<16xi32>,
        %mul3A_435 = arith.constant 16 : i32
        %mul3A_436 = arith.muli %scan3A_423, %mul3A_435 : i32
        %get3A_437 = arith.index_cast %mul3A_436 : i32 to index
        %get3A_438 = tpu.vector_load %arg38[%get3A_437] {strides = array<i32>} : memref<4112xi32, #tpu.memory_space<vmem>>, vector<16xi32>,
        %mul3A_439 = arith.constant 16 : i32
        %mul3A_440 = arith.muli %scan3A_423, %mul3A_439 : i32
        %add3A_441 = arith.constant 1 : i32
        %add3A_442 = arith.addi %mul3A_440, %add3A_441 : i32
        %get3A_443 = arith.index_cast %add3A_442 : i32 to index
        %get3A_444 = tpu.vector_load %arg11[%get3A_443] {strides = array<i32>} : memref<4112xi32, #tpu.memory_space<vmem>>, vector<16xi32>,
        %mul3A_445 = arith.constant 16 : i32
        %mul3A_446 = arith.muli %scan3A_423, %mul3A_445 : i32
        %add3A_447 = arith.constant 1 : i32
        %add3A_448 = arith.addi %mul3A_446, %add3A_447 : i32
        %get3A_449 = arith.index_cast %add3A_448 : i32 to index
        %get3A_450 = tpu.vector_load %arg20[%get3A_449] {strides = array<i32>} : memref<4112xi32, #tpu.memory_space<vmem>>, vector<16xi32>,
        %mul3A_451 = arith.constant 16 : i32
        %mul3A_452 = arith.muli %scan3A_423, %mul3A_451 : i32
        %add3A_453 = arith.constant 1 : i32
        %add3A_454 = arith.addi %mul3A_452, %add3A_453 : i32
        %get3A_455 = arith.index_cast %add3A_454 : i32 to index
        %get3A_456 = tpu.vector_load %arg29[%get3A_455] {strides = array<i32>} : memref<4112xi32, #tpu.memory_space<vmem>>, vector<16xi32>,
        %mul3A_457 = arith.constant 16 : i32
        %mul3A_458 = arith.muli %scan3A_423, %mul3A_457 : i32
        %add3A_459 = arith.constant 1 : i32
        %add3A_460 = arith.addi %mul3A_458, %add3A_459 : i32
        %get3A_461 = arith.index_cast %add3A_460 : i32 to index
        %get3A_462 = tpu.vector_load %arg38[%get3A_461] {strides = array<i32>} : memref<4112xi32, #tpu.memory_space<vmem>>, vector<16xi32>,
        %mul3A_463 = arith.constant 65 : i32
        %mul3A_464 = vector.broadcast %mul3A_463 : i32 to vector<16xi32>
        %mul3A_465 = arith.muli %get3A_426, %mul3A_464 : vector<16xi32>
        %add3A_466 = arith.addi %mul3A_465, %get3A_444 : vector<16xi32>
        %mul3A_467 = arith.constant 65 : i32
        %mul3A_468 = vector.broadcast %mul3A_467 : i32 to vector<16xi32>
        %mul3A_469 = arith.muli %get3A_430, %mul3A_468 : vector<16xi32>
        %add3A_470 = arith.addi %mul3A_469, %get3A_450 : vector<16xi32>
        %mul3A_471 = arith.constant 65 : i32
        %mul3A_472 = vector.broadcast %mul3A_471 : i32 to vector<16xi32>
        %mul3A_473 = arith.muli %get3A_434, %mul3A_472 : vector<16xi32>
        %add3A_474 = arith.addi %mul3A_473, %get3A_456 : vector<16xi32>
        %mul3A_475 = arith.constant 65 : i32
        %mul3A_476 = vector.broadcast %mul3A_475 : i32 to vector<16xi32>
        %mul3A_477 = arith.muli %get3A_438, %mul3A_476 : vector<16xi32>
        %add3A_478 = arith.addi %mul3A_477, %get3A_462 : vector<16xi32>
        %broadcast_in_dim3A_479 = arith.constant true
        %broadcast_in_dim3A_480 = vector.broadcast %broadcast_in_dim3A_479 : i1 to vector<16xi1>
        %unique3A, %unique3A_481 = tpu.scan_count mask(%broadcast_in_dim3A_480 : vector<16xi1>) value(%add3A_466 : vector<16xi32>) : vector<16xi1>, vector<16xi32>
        %broadcast_in_dim3A_482 = arith.constant true
        %broadcast_in_dim3A_483 = vector.broadcast %broadcast_in_dim3A_482 : i1 to vector<16xi1>
        %unique3A_484, %unique3A_485 = tpu.scan_count mask(%broadcast_in_dim3A_483 : vector<16xi1>) value(%add3A_470 : vector<16xi32>) : vector<16xi1>, vector<16xi32>
        %broadcast_in_dim3A_486 = arith.constant true
        %broadcast_in_dim3A_487 = vector.broadcast %broadcast_in_dim3A_486 : i1 to vector<16xi1>
        %unique3A_488, %unique3A_489 = tpu.scan_count mask(%broadcast_in_dim3A_487 : vector<16xi1>) value(%add3A_474 : vector<16xi32>) : vector<16xi1>, vector<16xi32>
        %broadcast_in_dim3A_490 = arith.constant true
        %broadcast_in_dim3A_491 = vector.broadcast %broadcast_in_dim3A_490 : i1 to vector<16xi1>
        %unique3A_492, %unique3A_493 = tpu.scan_count mask(%broadcast_in_dim3A_491 : vector<16xi1>) value(%add3A_478 : vector<16xi32>) : vector<16xi1>, vector<16xi32>
        %convert_element_type3A_494 = arith.sitofp %unique3A_481 : vector<16xi32> to vector<16xf32>
        %mul3A_495 = arith.mulf %convert_element_type3A_494, %div3A_343 : vector<16xf32>
        tpu.vector_store_idx %arg12[%add3A_466], %mul3A_495 masked %unique3A {add = true} : memref<4240xf32, #tpu.memory_space<vmem>>[vector<16xi32>], vector<16xf32>, vector<16xi1>
        %convert_element_type3A_496 = arith.sitofp %unique3A_485 : vector<16xi32> to vector<16xf32>
        %mul3A_497 = arith.mulf %convert_element_type3A_496, %div3A_354 : vector<16xf32>
        tpu.vector_store_idx %arg21[%add3A_470], %mul3A_497 masked %unique3A_484 {add = true} : memref<4240xf32, #tpu.memory_space<vmem>>[vector<16xi32>], vector<16xf32>, vector<16xi1>
        %convert_element_type3A_498 = arith.sitofp %unique3A_489 : vector<16xi32> to vector<16xf32>
        %mul3A_499 = arith.mulf %convert_element_type3A_498, %div3A_365 : vector<16xf32>
        tpu.vector_store_idx %arg30[%add3A_474], %mul3A_499 masked %unique3A_488 {add = true} : memref<4240xf32, #tpu.memory_space<vmem>>[vector<16xi32>], vector<16xf32>, vector<16xi1>
        %convert_element_type3A_500 = arith.sitofp %unique3A_493 : vector<16xi32> to vector<16xf32>
        %mul3A_501 = arith.mulf %convert_element_type3A_500, %div3A_376 : vector<16xf32>
        tpu.vector_store_idx %arg39[%add3A_478], %mul3A_501 masked %unique3A_492 {add = true} : memref<4240xf32, #tpu.memory_space<vmem>>[vector<16xi32>], vector<16xf32>, vector<16xi1>
        %scan3A_502 = arith.constant 0 : i32
        %scan3A_503 = arith.constant 255 : i32
        %get3A_504 = arith.constant 4080 : index
        %get3A_505 = tpu.vector_load %arg11[%get3A_504] {strides = array<i32>} : memref<4112xi32, #tpu.memory_space<vmem>>, vector<16xi32>,
        %get3A_506 = arith.constant 4081 : index
        %get3A_507 = tpu.vector_load %arg11[%get3A_506] {strides = array<i32>} : memref<4112xi32, #tpu.memory_space<vmem>>, vector<16xi32>,
        %add3A_508 = arith.constant 4080 : i32
        %add3A_509 = vector.broadcast %add3A_508 : i32 to vector<16xi32>
        %add3A_510 = arith.addi %add3A_509, %iota3A : vector<16xi32>
        %ge3A = vector.broadcast %cond3A_191#0 : i32 to vector<16xi32>
        %ge3A_511 = arith.cmpi sge, %add3A_510, %ge3A : vector<16xi32>
        %sub3A_512 = arith.constant 1 : i32
        %sub3A_513 = arith.subi %cond3A_191#1, %sub3A_512 : i32
        %le3A = vector.broadcast %sub3A_513 : i32 to vector<16xi32>
        %le3A_514 = arith.cmpi sle, %add3A_510, %le3A : vector<16xi32>
        %and3A = arith.andi %ge3A_511, %le3A_514 : vector<16xi1>
        %mul3A_515 = arith.constant 65 : i32
        %mul3A_516 = vector.broadcast %mul3A_515 : i32 to vector<16xi32>
        %mul3A_517 = arith.muli %get3A_505, %mul3A_516 : vector<16xi32>
        %add3A_518 = arith.addi %mul3A_517, %get3A_507 : vector<16xi32>
        %unique3A_519, %unique3A_520 = tpu.scan_count mask(%and3A : vector<16xi1>) value(%add3A_518 : vector<16xi32>) : vector<16xi1>, vector<16xi32>
        %convert_element_type3A_521 = arith.sitofp %unique3A_520 : vector<16xi32> to vector<16xf32>
        %mul3A_522 = arith.mulf %convert_element_type3A_521, %div3A_343 : vector<16xf32>
        %and3A_523 = arith.andi %unique3A_519, %and3A : vector<16xi1>
        tpu.vector_store_idx %arg12[%add3A_518], %mul3A_522 masked %and3A_523 {add = true} : memref<4240xf32, #tpu.memory_space<vmem>>[vector<16xi32>], vector<16xf32>, vector<16xi1>
        %get3A_524 = arith.constant 4080 : index
        %get3A_525 = tpu.vector_load %arg20[%get3A_524] {strides = array<i32>} : memref<4112xi32, #tpu.memory_space<vmem>>, vector<16xi32>,
        %get3A_526 = arith.constant 4081 : index
        %get3A_527 = tpu.vector_load %arg20[%get3A_526] {strides = array<i32>} : memref<4112xi32, #tpu.memory_space<vmem>>, vector<16xi32>,
        %add3A_528 = arith.constant 4080 : i32
        %add3A_529 = vector.broadcast %add3A_528 : i32 to vector<16xi32>
        %add3A_530 = arith.addi %add3A_529, %iota3A : vector<16xi32>
        %ge3A_531 = vector.broadcast %cond3A_195#0 : i32 to vector<16xi32>
        %ge3A_532 = arith.cmpi sge, %add3A_530, %ge3A_531 : vector<16xi32>
        %sub3A_533 = arith.constant 1 : i32
        %sub3A_534 = arith.subi %cond3A_195#1, %sub3A_533 : i32
        %le3A_535 = vector.broadcast %sub3A_534 : i32 to vector<16xi32>
        %le3A_536 = arith.cmpi sle, %add3A_530, %le3A_535 : vector<16xi32>
        %and3A_537 = arith.andi %ge3A_532, %le3A_536 : vector<16xi1>
        %mul3A_538 = arith.constant 65 : i32
        %mul3A_539 = vector.broadcast %mul3A_538 : i32 to vector<16xi32>
        %mul3A_540 = arith.muli %get3A_525, %mul3A_539 : vector<16xi32>
        %add3A_541 = arith.addi %mul3A_540, %get3A_527 : vector<16xi32>
        %unique3A_542, %unique3A_543 = tpu.scan_count mask(%and3A_537 : vector<16xi1>) value(%add3A_541 : vector<16xi32>) : vector<16xi1>, vector<16xi32>
        %convert_element_type3A_544 = arith.sitofp %unique3A_543 : vector<16xi32> to vector<16xf32>
        %mul3A_545 = arith.mulf %convert_element_type3A_544, %div3A_354 : vector<16xf32>
        %and3A_546 = arith.andi %unique3A_542, %and3A_537 : vector<16xi1>
        tpu.vector_store_idx %arg21[%add3A_541], %mul3A_545 masked %and3A_546 {add = true} : memref<4240xf32, #tpu.memory_space<vmem>>[vector<16xi32>], vector<16xf32>, vector<16xi1>
        %get3A_547 = arith.constant 4080 : index
        %get3A_548 = tpu.vector_load %arg29[%get3A_547] {strides = array<i32>} : memref<4112xi32, #tpu.memory_space<vmem>>, vector<16xi32>,
        %get3A_549 = arith.constant 4081 : index
        %get3A_550 = tpu.vector_load %arg29[%get3A_549] {strides = array<i32>} : memref<4112xi32, #tpu.memory_space<vmem>>, vector<16xi32>,
        %add3A_551 = arith.constant 4080 : i32
        %add3A_552 = vector.broadcast %add3A_551 : i32 to vector<16xi32>
        %add3A_553 = arith.addi %add3A_552, %iota3A : vector<16xi32>
        %ge3A_554 = vector.broadcast %cond3A_199#0 : i32 to vector<16xi32>
        %ge3A_555 = arith.cmpi sge, %add3A_553, %ge3A_554 : vector<16xi32>
        %sub3A_556 = arith.constant 1 : i32
        %sub3A_557 = arith.subi %cond3A_199#1, %sub3A_556 : i32
        %le3A_558 = vector.broadcast %sub3A_557 : i32 to vector<16xi32>
        %le3A_559 = arith.cmpi sle, %add3A_553, %le3A_558 : vector<16xi32>
        %and3A_560 = arith.andi %ge3A_555, %le3A_559 : vector<16xi1>
        %mul3A_561 = arith.constant 65 : i32
        %mul3A_562 = vector.broadcast %mul3A_561 : i32 to vector<16xi32>
        %mul3A_563 = arith.muli %get3A_548, %mul3A_562 : vector<16xi32>
        %add3A_564 = arith.addi %mul3A_563, %get3A_550 : vector<16xi32>
        %unique3A_565, %unique3A_566 = tpu.scan_count mask(%and3A_560 : vector<16xi1>) value(%add3A_564 : vector<16xi32>) : vector<16xi1>, vector<16xi32>
        %convert_element_type3A_567 = arith.sitofp %unique3A_566 : vector<16xi32> to vector<16xf32>
        %mul3A_568 = arith.mulf %convert_element_type3A_567, %div3A_365 : vector<16xf32>
        %and3A_569 = arith.andi %unique3A_565, %and3A_560 : vector<16xi1>
        tpu.vector_store_idx %arg30[%add3A_564], %mul3A_568 masked %and3A_569 {add = true} : memref<4240xf32, #tpu.memory_space<vmem>>[vector<16xi32>], vector<16xf32>, vector<16xi1>
        %get3A_570 = arith.constant 4080 : index
        %get3A_571 = tpu.vector_load %arg38[%get3A_570] {strides = array<i32>} : memref<4112xi32, #tpu.memory_space<vmem>>, vector<16xi32>,
        %get3A_572 = arith.constant 4081 : index
        %get3A_573 = tpu.vector_load %arg38[%get3A_572] {strides = array<i32>} : memref<4112xi32, #tpu.memory_space<vmem>>, vector<16xi32>,
        %add3A_574 = arith.constant 4080 : i32
        %add3A_575 = vector.broadcast %add3A_574 : i32 to vector<16xi32>
        %add3A_576 = arith.addi %add3A_575, %iota3A : vector<16xi32>
        %ge3A_577 = vector.broadcast %cond3A_203#0 : i32 to vector<16xi32>
        %ge3A_578 = arith.cmpi sge, %add3A_576, %ge3A_577 : vector<16xi32>
        %sub3A_579 = arith.constant 1 : i32
        %sub3A_580 = arith.subi %cond3A_203#1, %sub3A_579 : i32
        %le3A_581 = vector.broadcast %sub3A_580 : i32 to vector<16xi32>
        %le3A_582 = arith.cmpi sle, %add3A_576, %le3A_581 : vector<16xi32>
        %and3A_583 = arith.andi %ge3A_578, %le3A_582 : vector<16xi1>
        %mul3A_584 = arith.constant 65 : i32
        %mul3A_585 = vector.broadcast %mul3A_584 : i32 to vector<16xi32>
        %mul3A_586 = arith.muli %get3A_571, %mul3A_585 : vector<16xi32>
        %add3A_587 = arith.addi %mul3A_586, %get3A_573 : vector<16xi32>
        %unique3A_588, %unique3A_589 = tpu.scan_count mask(%and3A_583 : vector<16xi1>) value(%add3A_587 : vector<16xi32>) : vector<16xi1>, vector<16xi32>
        %convert_element_type3A_590 = arith.sitofp %unique3A_589 : vector<16xi32> to vector<16xf32>
        %mul3A_591 = arith.mulf %convert_element_type3A_590, %div3A_376 : vector<16xf32>
        %and3A_592 = arith.andi %unique3A_588, %and3A_583 : vector<16xi1>
        tpu.vector_store_idx %arg39[%add3A_587], %mul3A_591 masked %and3A_592 {add = true} : memref<4240xf32, #tpu.memory_space<vmem>>[vector<16xi32>], vector<16xf32>, vector<16xi1>
        %cond3A_593 = arith.constant 0 : i32
        scf.yield %cond3A_593 : i32
      }
      %add3A_383 = arith.constant 0 : i32
      %add3A_384 = arith.addi %add3A_91, %add3A_383 : i32
      %dma_start3A_385 = arith.constant 0 : i32
      %dma_start3A_386 = tpu.memref_slice %arg3[%add3A_384, %dma_start3A_385] : memref<4096x4240xf32, #tpu.memory_space<hbm>> -> memref<1x4240xf32, #tpu.memory_space<hbm>>
      %dma_start3A_387 = tpu.memref_squeeze %dma_start3A_386 : memref<1x4240xf32, #tpu.memory_space<hbm>> -> memref<4240xf32, #tpu.memory_space<hbm>>
      %dma_start3A_388 = arith.constant 0 : i32
      %dma_start3A_389 = tpu.memref_slice %arg3[%add3A_384, %dma_start3A_388] : memref<4096x4240xf32, #tpu.memory_space<hbm>> -> memref<1x4240xf32, #tpu.memory_space<hbm>>
      %dma_start3A_390 = tpu.memref_squeeze %dma_start3A_389 : memref<1x4240xf32, #tpu.memory_space<hbm>> -> memref<4240xf32, #tpu.memory_space<hbm>>
      tpu.enqueue_dma source(%arg12 : memref<4240xf32, #tpu.memory_space<vmem>>) target(%dma_start3A_390 : memref<4240xf32, #tpu.memory_space<hbm>>) target_semaphore(%arg44 : memref<!tpu.dma_semaphore, #tpu.memory_space<semaphore_mem>>)
      %add3A_391 = arith.constant 1 : i32
      %add3A_392 = arith.addi %add3A_91, %add3A_391 : i32
      %dma_start3A_393 = arith.constant 0 : i32
      %dma_start3A_394 = tpu.memref_slice %arg3[%add3A_392, %dma_start3A_393] : memref<4096x4240xf32, #tpu.memory_space<hbm>> -> memref<1x4240xf32, #tpu.memory_space<hbm>>
      %dma_start3A_395 = tpu.memref_squeeze %dma_start3A_394 : memref<1x4240xf32, #tpu.memory_space<hbm>> -> memref<4240xf32, #tpu.memory_space<hbm>>
      %dma_start3A_396 = arith.constant 0 : i32
      %dma_start3A_397 = tpu.memref_slice %arg3[%add3A_392, %dma_start3A_396] : memref<4096x4240xf32, #tpu.memory_space<hbm>> -> memref<1x4240xf32, #tpu.memory_space<hbm>>
      %dma_start3A_398 = tpu.memref_squeeze %dma_start3A_397 : memref<1x4240xf32, #tpu.memory_space<hbm>> -> memref<4240xf32, #tpu.memory_space<hbm>>
      tpu.enqueue_dma source(%arg21 : memref<4240xf32, #tpu.memory_space<vmem>>) target(%dma_start3A_398 : memref<4240xf32, #tpu.memory_space<hbm>>) target_semaphore(%arg45 : memref<!tpu.dma_semaphore, #tpu.memory_space<semaphore_mem>>)
      %add3A_399 = arith.constant 2 : i32
      %add3A_400 = arith.addi %add3A_91, %add3A_399 : i32
      %dma_start3A_401 = arith.constant 0 : i32
      %dma_start3A_402 = tpu.memref_slice %arg3[%add3A_400, %dma_start3A_401] : memref<4096x4240xf32, #tpu.memory_space<hbm>> -> memref<1x4240xf32, #tpu.memory_space<hbm>>
      %dma_start3A_403 = tpu.memref_squeeze %dma_start3A_402 : memref<1x4240xf32, #tpu.memory_space<hbm>> -> memref<4240xf32, #tpu.memory_space<hbm>>
      %dma_start3A_404 = arith.constant 0 : i32
      %dma_start3A_405 = tpu.memref_slice %arg3[%add3A_400, %dma_start3A_404] : memref<4096x4240xf32, #tpu.memory_space<hbm>> -> memref<1x4240xf32, #tpu.memory_space<hbm>>
      %dma_start3A_406 = tpu.memref_squeeze %dma_start3A_405 : memref<1x4240xf32, #tpu.memory_space<hbm>> -> memref<4240xf32, #tpu.memory_space<hbm>>
      tpu.enqueue_dma source(%arg30 : memref<4240xf32, #tpu.memory_space<vmem>>) target(%dma_start3A_406 : memref<4240xf32, #tpu.memory_space<hbm>>) target_semaphore(%arg46 : memref<!tpu.dma_semaphore, #tpu.memory_space<semaphore_mem>>)
      %add3A_407 = arith.constant 3 : i32
      %add3A_408 = arith.addi %add3A_91, %add3A_407 : i32
      %dma_start3A_409 = arith.constant 0 : i32
      %dma_start3A_410 = tpu.memref_slice %arg3[%add3A_408, %dma_start3A_409] : memref<4096x4240xf32, #tpu.memory_space<hbm>> -> memref<1x4240xf32, #tpu.memory_space<hbm>>
      %dma_start3A_411 = tpu.memref_squeeze %dma_start3A_410 : memref<1x4240xf32, #tpu.memory_space<hbm>> -> memref<4240xf32, #tpu.memory_space<hbm>>
      %dma_start3A_412 = arith.constant 0 : i32
      %dma_start3A_413 = tpu.memref_slice %arg3[%add3A_408, %dma_start3A_412] : memref<4096x4240xf32, #tpu.memory_space<hbm>> -> memref<1x4240xf32, #tpu.memory_space<hbm>>
      %dma_start3A_414 = tpu.memref_squeeze %dma_start3A_413 : memref<1x4240xf32, #tpu.memory_space<hbm>> -> memref<4240xf32, #tpu.memory_space<hbm>>
      tpu.enqueue_dma source(%arg39 : memref<4240xf32, #tpu.memory_space<vmem>>) target(%dma_start3A_414 : memref<4240xf32, #tpu.memory_space<hbm>>) target_semaphore(%arg47 : memref<!tpu.dma_semaphore, #tpu.memory_space<semaphore_mem>>)
      %scan3A_415 = arith.constant 0 : i32
      scf.yield %scan3A_415 : i32
    }
    %scan3A_49 = arith.constant 32 : i32
    %mul3A_50 = arith.constant 128 : i32
    %mul3A_51 = arith.muli %add3A, %mul3A_50 : i32
    %add3A_52 = arith.constant 124 : i32
    %add3A_53 = arith.addi %mul3A_51, %add3A_52 : i32
    %add3A_54 = arith.constant 0 : i32
    %add3A_55 = arith.addi %add3A_53, %add3A_54 : i32
    %dma_wait3A = arith.constant 0 : i32
    %dma_wait3A_56 = tpu.memref_slice %arg3[%add3A_55, %dma_wait3A] : memref<4096x4240xf32, #tpu.memory_space<hbm>> -> memref<1x4240xf32, #tpu.memory_space<hbm>>
    %dma_wait3A_57 = tpu.memref_squeeze %dma_wait3A_56 : memref<1x4240xf32, #tpu.memory_space<hbm>> -> memref<4240xf32, #tpu.memory_space<hbm>>
    %dma_wait3A_58 = arith.constant 0 : i32
    %dma_wait3A_59 = tpu.memref_slice %arg3[%add3A_55, %dma_wait3A_58] : memref<4096x4240xf32, #tpu.memory_space<hbm>> -> memref<1x4240xf32, #tpu.memory_space<hbm>>
    %dma_wait3A_60 = tpu.memref_squeeze %dma_wait3A_59 : memref<1x4240xf32, #tpu.memory_space<hbm>> -> memref<4240xf32, #tpu.memory_space<hbm>>
    tpu.wait_dma2 semaphore(%arg44 : memref<!tpu.dma_semaphore, #tpu.memory_space<semaphore_mem>>) src(%arg12 : memref<4240xf32, #tpu.memory_space<vmem>>) dst(%dma_wait3A_60 : memref<4240xf32, #tpu.memory_space<hbm>>)
    %add3A_61 = arith.constant 1 : i32
    %add3A_62 = arith.addi %add3A_53, %add3A_61 : i32
    %dma_wait3A_63 = arith.constant 0 : i32
    %dma_wait3A_64 = tpu.memref_slice %arg3[%add3A_62, %dma_wait3A_63] : memref<4096x4240xf32, #tpu.memory_space<hbm>> -> memref<1x4240xf32, #tpu.memory_space<hbm>>
    %dma_wait3A_65 = tpu.memref_squeeze %dma_wait3A_64 : memref<1x4240xf32, #tpu.memory_space<hbm>> -> memref<4240xf32, #tpu.memory_space<hbm>>
    %dma_wait3A_66 = arith.constant 0 : i32
    %dma_wait3A_67 = tpu.memref_slice %arg3[%add3A_62, %dma_wait3A_66] : memref<4096x4240xf32, #tpu.memory_space<hbm>> -> memref<1x4240xf32, #tpu.memory_space<hbm>>
    %dma_wait3A_68 = tpu.memref_squeeze %dma_wait3A_67 : memref<1x4240xf32, #tpu.memory_space<hbm>> -> memref<4240xf32, #tpu.memory_space<hbm>>
    tpu.wait_dma2 semaphore(%arg45 : memref<!tpu.dma_semaphore, #tpu.memory_space<semaphore_mem>>) src(%arg21 : memref<4240xf32, #tpu.memory_space<vmem>>) dst(%dma_wait3A_68 : memref<4240xf32, #tpu.memory_space<hbm>>)
    %add3A_69 = arith.constant 2 : i32
    %add3A_70 = arith.addi %add3A_53, %add3A_69 : i32
    %dma_wait3A_71 = arith.constant 0 : i32
    %dma_wait3A_72 = tpu.memref_slice %arg3[%add3A_70, %dma_wait3A_71] : memref<4096x4240xf32, #tpu.memory_space<hbm>> -> memref<1x4240xf32, #tpu.memory_space<hbm>>
    %dma_wait3A_73 = tpu.memref_squeeze %dma_wait3A_72 : memref<1x4240xf32, #tpu.memory_space<hbm>> -> memref<4240xf32, #tpu.memory_space<hbm>>
    %dma_wait3A_74 = arith.constant 0 : i32
    %dma_wait3A_75 = tpu.memref_slice %arg3[%add3A_70, %dma_wait3A_74] : memref<4096x4240xf32, #tpu.memory_space<hbm>> -> memref<1x4240xf32, #tpu.memory_space<hbm>>
    %dma_wait3A_76 = tpu.memref_squeeze %dma_wait3A_75 : memref<1x4240xf32, #tpu.memory_space<hbm>> -> memref<4240xf32, #tpu.memory_space<hbm>>
    tpu.wait_dma2 semaphore(%arg46 : memref<!tpu.dma_semaphore, #tpu.memory_space<semaphore_mem>>) src(%arg30 : memref<4240xf32, #tpu.memory_space<vmem>>) dst(%dma_wait3A_76 : memref<4240xf32, #tpu.memory_space<hbm>>)
    %add3A_77 = arith.constant 3 : i32
    %add3A_78 = arith.addi %add3A_53, %add3A_77 : i32
    %dma_wait3A_79 = arith.constant 0 : i32
    %dma_wait3A_80 = tpu.memref_slice %arg3[%add3A_78, %dma_wait3A_79] : memref<4096x4240xf32, #tpu.memory_space<hbm>> -> memref<1x4240xf32, #tpu.memory_space<hbm>>
    %dma_wait3A_81 = tpu.memref_squeeze %dma_wait3A_80 : memref<1x4240xf32, #tpu.memory_space<hbm>> -> memref<4240xf32, #tpu.memory_space<hbm>>
    %dma_wait3A_82 = arith.constant 0 : i32
    %dma_wait3A_83 = tpu.memref_slice %arg3[%add3A_78, %dma_wait3A_82] : memref<4096x4240xf32, #tpu.memory_space<hbm>> -> memref<1x4240xf32, #tpu.memory_space<hbm>>
    %dma_wait3A_84 = tpu.memref_squeeze %dma_wait3A_83 : memref<1x4240xf32, #tpu.memory_space<hbm>> -> memref<4240xf32, #tpu.memory_space<hbm>>
    tpu.wait_dma2 semaphore(%arg47 : memref<!tpu.dma_semaphore, #tpu.memory_space<semaphore_mem>>) src(%arg39 : memref<4240xf32, #tpu.memory_space<vmem>>) dst(%dma_wait3A_84 : memref<4240xf32, #tpu.memory_space<hbm>>)
    return
  }
}

</mosaic_0001>

<sc_bundles>
// kernel: kernel.3.cloned.1.call-start
scs
__scs_entry_jumppad:
0x0: {  	(pc) =	sbr.rel $0x88, $3  }
0x1: {  	(tag) =	ssettag $0x0;
	lr =	simm.s32 $0x1  }
0x2: {  	[smem:$0x3FA0] =	sst lr;
	_ =	strace $0xD0000000  }
0x3: {  	_ = 	snop  }
0x4: {  	_ = 	snop  }
0x5: {  	_ = 	snop  }
0x6: {  	_ = 	snop  }
0x7: {  	_ = 	snop  }
__scs_overlays_trampoline_lowered:
0x8: {  	[smem:$0x3FAF] =	sst s0  }
0x9: {  	[smem:$0x3FB0] =	sst s1  }
0xa: {  	[smem:$0x3FB1] =	sst s2  }
0xb: {  	[smem:$0x3FB2] =	sst s3  }
0xc: {  	[smem:$0x3FB3] =	sst s4  }
0xd: {  	[smem:$0x3FB4] =	sst s5  }
0xe: {  	[smem:$0x3FB5] =	sst s6  }
0xf: {  	[smem:$0x3FB6] =	sst s7  }
0x10: {  	[smem:$0x3FB7] =	sst s8  }
0x11: {  	[smem:$0x3FB8] =	sst s9;
	s0 =	simm.s32 @!p0 $0x0  }
0x12: {  	s1 =	sld [smem:$0x3F9E];
	s0 =	simm.s32 @p0 $0x1  }
0x13: {  	[smem:$0x3FB9] =	sst s0;
	s0 =	simm.s32 @!p1 $0x0  }
0x14: {  	s2 =	sld [smem:$0x3F9D];
	s0 =	simm.s32 @p1 $0x1  }
0x15: {  	[smem:$0x3FBA] =	sst s0;
	s0 =	simm.s32 @!p2 $0x0  }
0x16: {  	s3 =	sld [smem:$0x3FDB];
	s0 =	simm.s32 @p2 $0x1  }
0x17: {  	s4 =	simm.s32 $0x1BF5;
	[smem:$0x3FBC] =	sst s0  }
0x18: {  	s0 =	sld [smem:$0x3F9F];
	_ =	swait.ge [sflag:s4], $0x0  }
0x19: {  	s7 =	sld [smem:$0x3FA0]  }
0x1a: {  	s8 =	sadd.s32 $0xFFFFE003, lr  }
0x1b: {  	s9 =	sadd.s32 $0xFFFFFEF7, lr;
	s5 =	simm.s32 $0xFFFFFFFF;
	p2 =	slt.u32 s8, $0xFFFFF086  }
0x1c: {  	p1 =	slt.u32 s9, $0xF7A;
	s5 =	simm.s32 @!p2 $0x0  }
0x1d: {  	s5 =	simm.s32 @p1 $0x1;
	p0 =	seq.s32 s7, s2  }
0x1e: {  	s7 =	smul.u32 @!p0 $0xF7A, s2;
	p2 =	seq.s32 @!p0 s5, $0x0  }
0x1f: {  	s9 =	smul.u32 $0xF7A, s1;
	s8 =	simm.s32 @!p0 $0x1BF5;
	p2 =	por !p2, p0  }
0x20: {  	[sflag:s8] =	ssyncset.s32 @!p0 $0xFFFFF086;
	s6 =	sadd.s32 @!p0 s3, s7;
	s7 =	simm.s32 @!p0 $0x108  }
0x21: {  	s3 =	sadd.s32 s3, s9;
	s6 =	sadd.s32 @!p0 $0x88, s6;
	s7 =	simm.s32 @p2 $0x1082  }
0x22: {  	[simem:s7], [sflag:s8] =	dma.local @!p0 [hbm:s6], $0xF7A  }
0x23: {  	s9 =	sor.u32 $0xD0000000, s2;
	s6 =	simm.s32 $0x108;
	_ =	swait.ge @!p0 [sflag:s8], $0x0  }
0x24: {  	s3 =	sadd.s32 $0x88, s3;
	s6 =	simm.s32 @!p1 $0x1082;
	[sflag:s4] =	ssyncset.s32 $0xFFFFF086  }
0x25: {  	[simem:s6], [sflag:s4] =	dma.local [hbm:s3], $0xF7A  }
0x26: {  	[smem:$0x3FA0] =	sst s1;
	(tag) =	ssettag s2;
	_ =	strace s9  }
0x27: {  	s1 =	sld [smem:$0x3FB0]  }
0x28: {  	s2 =	sld [smem:$0x3FB1]  }
0x29: {  	s4 =	sld [smem:$0x3FB3]  }
0x2a: {  	p0 =	seq.s32 s5, $0x0;
	s5 =	sld [smem:$0x3FB4]  }
0x2b: {  	s6 =	sld [smem:$0x3FB5]  }
0x2c: {  	s7 =	sld [smem:$0x3FB6]  }
0x2d: {  	s3 =	simm.s32 $0x108;
	s8 =	sld [smem:$0x3FB7]  }
0x2e: {  	s3 =	simm.s32 @!p0 $0x1082;
	s9 =	sld [smem:$0x3FB8]  }
0x2f: {  	lr =	sadd.s32 s0, s3;
	s0 =	sld [smem:$0x3FAF]  }
0x30: {  	s3 =	sld [smem:$0x3FB2]  }
0x31: {  	[smem:$0x3FBB] =	sst s10  }
0x32: {  	s10 =	sld [smem:$0x3FB9];
	_ =	sdelay $0x3  }
0x33: {  	p0 =	seq.s32 s10, $0x1;
	s10 =	sld [smem:$0x3FBB];
	_ =	sdelay $0x3  }
0x34: {  	[smem:$0x3FBB] =	sst s10  }
0x35: {  	s10 =	sld [smem:$0x3FBA];
	_ =	sdelay $0x3  }
0x36: {  	p1 =	seq.s32 s10, $0x1;
	s10 =	sld [smem:$0x3FBB];
	_ =	sdelay $0x3  }
0x37: {  	[smem:$0x3FBB] =	sst s10  }
0x38: {  	s10 =	sld [smem:$0x3FBC]  }
0x39: {  	_ = 	snop;
	(pc) =	sbr.ind lr, $3  }
0x3a: {  	_ = 	snop  }
0x3b: {  	_ = 	snop  }
0x3c: {  	p2 =	seq.s32 s10, $0x1;
	s10 =	sld [smem:$0x3FBB]  }
0x3d: {  	_ =	shalt  }
0x3e: {  	_ =	shalt  }
0x3f: {  	_ =	shalt  }
0x40: {  	_ =	shalt  }
0x41: {  	_ =	shalt  }
0x42: {  	_ =	shalt  }
0x43: {  	_ =	shalt  }
0x44: {  	_ =	shalt  }
0x45: {  	_ =	shalt  }
0x46: {  	_ =	shalt  }
0x47: {  	_ =	shalt  }
0x48: {  	_ =	shalt  }
0x49: {  	_ =	shalt  }
0x4a: {  	_ =	shalt  }
0x4b: {  	_ =	shalt  }
0x4c: {  	_ =	shalt  }
0x4d: {  	_ =	shalt  }
0x4e: {  	_ =	shalt  }
0x4f: {  	_ =	shalt  }
0x50: {  	_ =	shalt  }
0x51: {  	_ =	shalt  }
0x52: {  	_ =	shalt  }
0x53: {  	_ =	shalt  }
0x54: {  	_ =	shalt  }
0x55: {  	_ =	shalt  }
0x56: {  	_ =	shalt  }
0x57: {  	_ =	shalt  }
0x58: {  	_ =	shalt  }
0x59: {  	_ =	shalt  }
0x5a: {  	_ =	shalt  }
0x5b: {  	_ =	shalt  }
0x5c: {  	_ =	shalt  }
0x5d: {  	_ =	shalt  }
0x5e: {  	_ =	shalt  }
0x5f: {  	_ =	shalt  }
0x60: {  	_ =	shalt  }
0x61: {  	_ =	shalt  }
0x62: {  	_ =	shalt  }
0x63: {  	_ =	shalt  }
0x64: {  	_ =	shalt  }
0x65: {  	_ =	shalt  }
0x66: {  	_ =	shalt  }
0x67: {  	_ =	shalt  }
0x68: {  	_ =	shalt  }
0x69: {  	_ =	shalt  }
0x6a: {  	_ =	shalt  }
0x6b: {  	_ =	shalt  }
0x6c: {  	_ =	shalt  }
0x6d: {  	_ =	shalt  }
0x6e: {  	_ =	shalt  }
0x6f: {  	_ =	shalt  }
0x70: {  	_ =	shalt  }
0x71: {  	_ =	shalt  }
0x72: {  	_ =	shalt  }
0x73: {  	_ =	shalt  }
0x74: {  	_ =	shalt  }
0x75: {  	_ =	shalt  }
0x76: {  	_ =	shalt  }
0x77: {  	_ =	shalt  }
0x78: {  	_ =	shalt  }
0x79: {  	_ =	shalt  }
0x7a: {  	_ =	shalt  }
0x7b: {  	_ =	shalt  }
0x7c: {  	_ =	shalt  }
0x7d: {  	_ =	shalt  }
0x7e: {  	_ =	shalt  }
0x7f: {  	_ =	shalt  }
0x80: {  	_ =	shalt  }
0x81: {  	_ =	shalt  }
0x82: {  	_ =	shalt  }
0x83: {  	_ =	shalt  }
0x84: {  	_ =	shalt  }
0x85: {  	_ =	shalt  }
0x86: {  	_ =	shalt  }
0x87: {  	_ =	shalt  }
.Lfunc_end0:
.L_simem_size_0:
called_computation.1_lowered:
.L_overlay_start_0:
0x88: {  	s2 =	sld [smem:$0x3FD9]  }
0x89: {  	s3 =	sld [smem:$0x3FFE];
	_ =	sdelay $0x1  }
0x8a: {  	s1 =	srdreg.scid  }
0x8b: {  	s0 =	sand.u32 $0x1, s1  }
0x8c: {  	s17 =	sshll.u32 s0, $0xA;
	s2 =	sadd.s32 s3, s2  }
0x8d: {  	s2 =	sadd.s32 s2, s17  }
0x8e: {  	[smem:$0x3FC7] =	sst s2  }
0x8f: {  	_ = 	snop  }
0x90: {  	s2 =	sld [smem:$0x3FC9];
	(tm) =	ssettm $0x1  }
0x91: {  	s18 =	sld [smem:$0x3FFB];
	_ =	sdelay $0x3  }
0x92: {  	_ =	strace s18  }
0x93: {  	s3 =	sld [smem:$0x3FFC];
	_ =	sdelay $0x3  }
0x94: {  	_ =	strace s3  }
0x95: {  	s3 =	sld [smem:$0x3FFD];
	_ =	sdelay $0x3  }
0x96: {  	_ =	strace s3  }
0x97: {  	_ =	strace $0x8FFFFFFF  }
0x98: {  	s19 =	sld [smem:$0x3FDB];
	_ =	sdelay $0x1  }
0x99: {  	s4 =	simm.s32 $_scs_section_size  }
0x9a: {  	s5 =	simm.s32 $_size__tile_overlayer_lowered;
	s6 =	simm.s32 $_tile_overlayer_lowered  }
0x9b: {  	s22 =	simm.s32 $0x1BFF;
	s21 =	sshll.u32 s6, $0x1;
	s3 =	sadd.s32 s4, s19  }
0x9c: {  	s7 =	simm.s32 $0x0;
	s20 =	sshll.u32 s5, $0x1;
	s5 =	sadd.s32 s21, s3  }
0x9d: {  	[timem:s7], [sflag:s22] =	dma.local [hbm:s5], s20  }
0x9e: {  	_ =	swait.ge [sflag:s22], s20  }
0x9f: {  	s4 =	ssub.s32 $0x0, s20;
	[sflag:s22] =	ssyncset.done $0x0  }
0xa0: {  	[sflag:s22] =	ssyncadd.s32 s4;
	_ =	sdelay $0x1  }
0xa1: {  	s23 =	simm.s32 $0x1B8B  }
0xa2: {  	_ =	swait.ge [sflag:s23], $0x1  }
0xa3: {  	[sflag:s23] =	ssyncset.done $0x0  }
0xa4: {  	s25 =	simm.s32 $0x1B8E;
	s24 =	sld [smem:$0x3FFE];
	[sflag:s23] =	ssyncadd.s32 $0xFFFFFFFF  }
0xa5: {  	s26 =	simm.s32 $execute0_lowered;
	[smem:$0x3FD2] =	sst s25  }
0xa6: {  	s5 =	sshll.u32 s26, $0x1;
	_ =	strace $0x80000046;
	[dreg:$0x1] =	wrdreg $0xFFFFFFFF  }
0xa7: {  	s28 =	simm.s32 $_size_execute0_lowered;
	s3 =	sadd.s32 s3, s5;
	[dreg:$0x0] =	wrdreg $0x0  }
0xa8: {  	s5 =	sshll.u32 s28, $0x1;
	[dreg:$0x2] =	wrdreg s3  }
0xa9: {  	[dreg:$0x3] =	wrdreg s5  }
0xaa: {  	[dreg:$0x4] =	wrdreg $0xC0  }
0xab: {  	_ =	task [dreg:s7], $0x5FFFF  }
0xac: {  	[dreg:$0x1] =	wrdreg $0xFFFFFFFF  }
0xad: {  	[dreg:$0x0] =	wrdreg $0x60  }
0xae: {  	[dreg:$0x2] =	wrdreg s2  }
0xaf: {  	[dreg:$0x3] =	wrdreg s24  }
0xb0: {  	[dreg:$0x4] =	wrdreg $0x9  }
0xb1: {  	_ =	task.clear_ibuf [dreg:s7], $0x5FFFF;
	_ =	strace $0x90000046  }
0xb2: {  	s29 =	simm.s32 $0x9;
	_ =	strace $0x80000048  }
0xb3: {  	_ =	swait.ge [sflag:s29], $0x1  }
0xb4: {  	[sflag:s29] =	ssyncadd.s32 $0xFFFFFFFF  }
0xb5: {  	_ =	strace $0x90000048  }
0xb6: {  	_ =	sfence  }
0xb7: {  	s30 =	sld [smem:$0x0];
	_ =	sdelay $0x2  }
0xb8: {  	s31 =	sshll.u32 s1, $0xD;
	s1 =	sshrl.u32 s1, $0x2  }
0xb9: {  	s3 =	sand.u32 $0x4000, s31;
	s1 =	sadd.s32 s1, s30  }
0xba: {  	s0 =	sor.u32 s3, s0;
	s1 =	sshll.u32 s1, $0x11  }
0xbb: {  	s0 =	sor.u32 s1, s0  }
0xbc: {  	s0 =	sadd.s32 $0x8F2B, s0  }
0xbd: {  	[sflag:s0] =	ssyncadd.remote.s32 $0x1  }
0xbe: {  	_ =	sfence.sel $0xFFFF  }
0xbf: {  	[dreg:$0x0] =	wrdreg $0xFFFFFFFF;
	(pc) =	sbr.abs _section_cstart, $3  }
0xc0: {  	[dreg:$0x1] =	wrdreg $0xFFFFFFFF  }
0xc1: {  	_ =	task.clear_ibuf [dreg:s7], $0x2FFFF;
	_ =	strace $0x9FFFFFFF  }
0xc2: {  	(tm) =	ssettm $0x7FFFFFFF  }
0xc3: {  	_ =	shalt  }
tec
execute0_lowered:
.L_overlay_start_1:
0x0: {  	(tag) =	ssettag $0x1  }
0x1: {  	s4 =	rddreg [dreg:$0x0]  }
0x2: {  	s0 =	rddreg [dreg:$0x1]  }
0x3: {  	s1 =	srdreg.scid;
	s2 =	stileid.u32;
	s5 =	simm.s32 $0x0  }
0x4: {  	s20 =	simm.s32 $0x5000;
	s21 =	simm.s32 $0xCD80;
	s22 =	simm.s32 $0x14B00  }
0x5: {  	s23 =	simm.s32 $0x1C880;
	s1 =	sand.u32 $0x1, s1;
	s2 =	sshll.u32 s2, $0x8  }
0x6: {  	[smem:$0x7FF] =	sst s5;
	s0 =	sadd.s32 $0x800, s0;
	s3 =	sshll.u32 s1, $0x7  }
0x7: {  	_ =	strace $0x80000047;
	s1 =	ssub.s32 $0x2, s1;
	s2 =	sor.u32 s3, s2  }
0x8: {  	s28 =	sshrl.u32 s1, $0x1;
	[dreg:$0x3] =	wrdreg s2;
	s2 =	sshll.u32 s2, $0x9  }
0x9: {  	[dreg:$0x4] =	wrdreg s0;
	s0 =	ssub.s32 s1, s28;
	s2 =	sadd.s32 s4, s2  }
.Ltmp0:
0xa: {  	s0 =	smax.u32 s0, $0x1;
	[dreg:$0x5] =	wrdreg s2;
	(pc) =	sbr.rel .LBB2_1-.Ltmp0, $4  }
0xb: {  	s16 =	simm.s32 $0x5C00;
	s29 =	sadd.s32 $0x10, s2;
	[dreg:$0x9] =	wrdreg s0  }
0xc: {  	s17 =	simm.s32 $0xD980;
	s30 =	sadd.s32 $0x20, s2;
	[dreg:$0x6] =	wrdreg s29  }
0xd: {  	s18 =	simm.s32 $0x15700;
	v0 =	vimm.s32 $0x0;
	vm0 =	vmxor vm0, vm0;
	s31 =	sadd.s32 $0x30, s2;
	[dreg:$0x7] =	wrdreg s30  }
0xe: {  	s19 =	simm.s32 $0x1D480;
	v1 =	vlaneseq.u32;
	v2 =	vimm.s32 $0xF;
	v3 =	vimm.f32 $0.0e+00;
	s2 =	simm.s32 $0x0;
	[dreg:$0x8] =	wrdreg s31  }
.LBB2_55:
0xf: {  	s0 =	simm.s32 $0x5  }
0x10: {  	_ =	swait.ge [sflag:s0], $0x1100  }
0x11: {  	[sflag:s0] =	ssyncset.done $0x0  }
0x12: {  	s29 =	simm.s32 $0x6;
	[sflag:s0] =	ssyncadd.s32 $0xFFFFEF00  }
0x13: {  	_ =	swait.ge [sflag:s29], $0x1100  }
0x14: {  	[sflag:s29] =	ssyncset.done $0x0  }
0x15: {  	s30 =	simm.s32 $0x7;
	[sflag:s29] =	ssyncadd.s32 $0xFFFFEF00  }
0x16: {  	_ =	swait.ge [sflag:s30], $0x1100  }
0x17: {  	[sflag:s30] =	ssyncset.done $0x0  }
0x18: {  	s1 =	simm.s32 $0x8;
	[sflag:s30] =	ssyncadd.s32 $0xFFFFEF00  }
0x19: {  	_ =	swait.ge [sflag:s1], $0x1100  }
0x1a: {  	s2 =	rddreg [dreg:$0xa]  }
0x1b: {  	s31 =	rddreg [dreg:$0x9];
	s2 =	sadd.s32 $0x1, s2  }
0x1c: {  	p0 =	sne.s32 s2, s31  }
.Ltmp1:
0x1d: {  	_ = 	snop;
	(pc) =	sbr.rel @!p0 .LBB2_56-.Ltmp1, $3  }
0x1e: {  	_ =	sdelay $0x1  }
0x1f: {  	[sflag:s1] =	ssyncset.done $0x0  }
0x20: {  	[sflag:s1] =	ssyncadd.s32 $0xFFFFEF00  }
.LBB2_1:
0x21: {  	[tilespmem:$0x6C00] =	vst v0  }
0x22: {  	[tilespmem:$0xE980] =	vst v0  }
0x23: {  	[tilespmem:$0x16700] =	vst v0;
	s0 =	simm.s32 $0x0  }
0x24: {  	[tilespmem:$0x1E480] =	vst v0;
	s1 =	rddreg [dreg:$0x5];
	s24 =	simm.s32 $0x80;
	s3 =	simm.s32 $0x400  }
0x25: {  	[tilespmem:s0], [sflag:$0x1] =	stream.strided.gather [hbm4b:s1+s24], $0x1000, s3, s24, $0x38;
	[tilespmem:$0x1F600] =	vst v63  }
0x26: {  	s25 =	rddreg [dreg:$0x6];
	s26 =	simm.s32 $0x7D80  }
0x27: {  	[tilespmem:s26], [sflag:$0x2] =	stream.strided.gather [hbm4b:s25+s24], $0x1000, s3, s24, $0x38;
	[tilespmem:$0x1F600] =	vst v63  }
.Ltmp2:
0x28: {  	[dreg:$0xa] =	wrdreg s2;
	(pc) =	sbr.rel .LBB2_2-.Ltmp2, $4  }
0x29: {  	s28 =	rddreg [dreg:$0x7];
	s29 =	simm.s32 $0xFB00  }
0x2a: {  	[tilespmem:s29], [sflag:$0x3] =	stream.strided.gather [hbm4b:s28+s24], $0x1000, s3, s24, $0x38;
	[tilespmem:$0x1F600] =	vst v63  }
0x2b: {  	s30 =	rddreg [dreg:$0x8];
	s31 =	simm.s32 $0x17880;
	s14 =	simm.s32 $0x0  }
0x2c: {  	[tilespmem:s31], [sflag:$0x4] =	stream.strided.gather [hbm4b:s30+s24], $0x1000, s3, s24, $0x38;
	[tilespmem:$0x1F600] =	vst v63  }
.LBB2_54:
0x2d: {  	s0 =	smul.u32 $0x8800, s13;
	_ =	sdelay $0x1  }
0x2e: {  	s0 =	sor.u32 s15, s0  }
0x2f: {  	s1 =	rddreg [dreg:$0x4];
	s2 =	simm.s32 $0x80;
	s0 =	sshrl.u32 s0, $0x3  }
0x30: {  	s3 =	simm.s32 $0x400;
	s14 =	sadd.s32 $0x1, s14;
	s0 =	sadd.s32 s1, s0  }
0x31: {  	[hbm4b:s0+s2] =	stream.strided.scatter [tilespmem:s7], [sflag:$0x5], $0x1100, s3, s2, $0x38;
	[tilespmem:$0x1F600] =	vst v63  }
0x32: {  	p0 =	sne.s32 s14, $0x20;
	s1 =	sadd.s32 $0x10, s0  }
0x33: {  	[hbm4b:s1+s2] =	stream.strided.scatter [tilespmem:s8], [sflag:$0x6], $0x1100, s3, s2, $0x38;
	[tilespmem:$0x1F600] =	vst v63  }
.Ltmp3:
0x34: {  	_ = 	snop;
	(pc) =	sbr.rel @!p0 .LBB2_55-.Ltmp3, $4  }
0x35: {  	s31 =	sadd.s32 $0x20, s0  }
0x36: {  	[hbm4b:s31+s2] =	stream.strided.scatter [tilespmem:s9], [sflag:$0x7], $0x1100, s3, s2, $0x38;
	[tilespmem:$0x1F600] =	vst v63  }
0x37: {  	s0 =	sadd.s32 $0x30, s0  }
0x38: {  	[hbm4b:s0+s2] =	stream.strided.scatter [tilespmem:s24], [sflag:$0x8], $0x1100, s3, s2, $0x38;
	[tilespmem:$0x1F600] =	vst v63  }
.LBB2_2:
0x39: {  	s0 =	simm.s32 $0x1  }
0x3a: {  	_ =	swait.ge [sflag:s0], $0x1000  }
0x3b: {  	[sflag:s0] =	ssyncset.done $0x0  }
0x3c: {  	s29 =	simm.s32 $0x2;
	[sflag:s0] =	ssyncadd.s32 $0xFFFFF000  }
0x3d: {  	_ =	swait.ge [sflag:s29], $0x1000  }
0x3e: {  	[sflag:s29] =	ssyncset.done $0x0  }
0x3f: {  	s30 =	simm.s32 $0x3;
	[sflag:s29] =	ssyncadd.s32 $0xFFFFF000  }
0x40: {  	_ =	swait.ge [sflag:s30], $0x1000  }
0x41: {  	[sflag:s30] =	ssyncset.done $0x0  }
0x42: {  	s31 =	simm.s32 $0x4;
	[sflag:s30] =	ssyncadd.s32 $0xFFFFF000  }
0x43: {  	_ =	swait.ge [sflag:s31], $0x1000  }
0x44: {  	[sflag:s31] =	ssyncset.done $0x0  }
0x45: {  	s4 =	simm.s32 $0x5020;
	[sflag:s31] =	ssyncadd.s32 $0xFFFFF000  }
0x46: {  	s7 =	simm.s32 $0xCDA0;
	[tilespmem:s4+$0xFFFFFFE0] =	vst v0  }
0x47: {  	s1 =	simm.s32 $0x14B20;
	[tilespmem:s7+$0xFFFFFFE0] =	vst v0  }
0x48: {  	s2 =	simm.s32 $0x1C8A0;
	[tilespmem:s1+$0xFFFFFFE0] =	vst v0  }
0x49: {  	[tilespmem:s2+$0xFFFFFFE0] =	vst v0  }
0x4a: {  	[tilespmem:s4+$0xFFFFFFF0] =	vst v0  }
0x4b: {  	[tilespmem:s7+$0xFFFFFFF0] =	vst v0  }
0x4c: {  	[tilespmem:s1+$0xFFFFFFF0] =	vst v0  }
0x4d: {  	[tilespmem:s2+$0xFFFFFFF0] =	vst v0  }
0x4e: {  	[tilespmem:s4+$0x0] =	vst v0  }
0x4f: {  	[tilespmem:s7+$0x0] =	vst v0  }
0x50: {  	[tilespmem:s1+$0x0] =	vst v0  }
0x51: {  	s11 =	simm.s32 $0x0;
	s3 =	simm.s32 $0x10;
	s5 =	simm.s32 $0x17890;
	[tilespmem:s2+$0x0] =	vst v0  }
0x52: {  	s6 =	simm.s32 $0xFB10;
	s8 =	simm.s32 $0x10B10;
	s9 =	simm.s32 $0x8D90;
	[tilespmem:s4+$0x10] =	vst v0  }
0x53: {  	s12 =	simm.s32 $0xCDE0;
	s13 =	simm.s32 $0x5060;
	s10 =	simm.s32 $0xFFFFFFFE;
	[tilespmem:s7+$0x10] =	vst v0  }
0x54: {  	s0 =	simm.s32 $0x7D90;
	s4 =	simm.s32 $0x1010;
	s7 =	simm.s32 $0x18890;
	[tilespmem:s1+$0x10] =	vst v0  }
.LBB2_3:
0x55: {  	s11 =	sadd.s32 $0x4, s11;
	[tilespmem:s2+$0x10] =	vst v0;
	s2 =	sadd.s32 $0x40, s2;
	s1 =	sadd.s32 $0x40, s1  }
0x56: {  	[tilespmem:s13+$0xFFFFFFE0] =	vst v0;
	p0 =	slt.u32 s11, $0x7C  }
0x57: {  	[tilespmem:s12+$0xFFFFFFE0] =	vst v0  }
0x58: {  	[tilespmem:s1+$0xFFFFFFE0] =	vst v0  }
0x59: {  	[tilespmem:s2+$0xFFFFFFE0] =	vst v0  }
0x5a: {  	[tilespmem:s13+$0xFFFFFFF0] =	vst v0  }
0x5b: {  	[tilespmem:s12+$0xFFFFFFF0] =	vst v0  }
0x5c: {  	[tilespmem:s1+$0xFFFFFFF0] =	vst v0  }
0x5d: {  	[tilespmem:s2+$0xFFFFFFF0] =	vst v0  }
0x5e: {  	[tilespmem:s13+$0x0] =	vst v0  }
0x5f: {  	[tilespmem:s12+$0x0] =	vst v0  }
.Ltmp4:
0x60: {  	[tilespmem:s1+$0x0] =	vst v0;
	(pc) =	sbr.rel @p0 .LBB2_3-.Ltmp4, $4  }
0x61: {  	[tilespmem:s2+$0x0] =	vst v0  }
0x62: {  	[tilespmem:s13+$0x10] =	vst v0  }
0x63: {  	[tilespmem:s12+$0x10] =	vst v0  }
0x64: {  	s13 =	sadd.s32 $0x40, s13;
	s12 =	sadd.s32 $0x40, s12;
	[tilespmem:s1+$0x10] =	vst v0  }
0x65: {  	vm1 =	vmmov vm0  }
0x66: {  	[tilespmem:s2+$0x10] =	vst v0;
	vm2 =	vmmov vm0;
	vm3 =	vmmov vm0;
	vm4 =	vmmov vm0  }
.LBB2_5:
0x67: {  	v4 =	vld [tilespmem:s3+$0xFFFFFFF0]  }
0x68: {  	v5 =	vld [tilespmem:s0+$0xFFFFFFF0]  }
0x69: {  	v6 =	vld [tilespmem:s6+$0xFFFFFFF0]  }
0x6a: {  	v7 =	vld [tilespmem:s5+$0xFFFFFFF0];
	_ =	sdelay $0x2  }
0x6b: {  	v8 =	vshra.s32 v4, $0x1F  }
0x6c: {  	v9 =	vshra.s32 v5, $0x1F;
	v10 =	vshra.s32 v6, $0x1F;
	v8 =	vor.u32 $0x80000000, v8  }
0x6d: {  	v11 =	vshra.s32 v7, $0x1F;
	v9 =	vor.u32 $0x80000000, v9;
	v8 =	vxor.u32 v4, v8  }
0x6e: {  	v10 =	vor.u32 $0x80000000, v10;
	v9 =	vxor.u32 v5, v9;
	v12 =	vand.u32 $0x7FF, v8  }
0x6f: {  	v11 =	vor.u32 $0x80000000, v11;
	v10 =	vxor.u32 v6, v10;
	v13 =	vand.u32 $0x7FF, v9;
	(xrf1) =	vunique.msk.u32 $0xffff, v12  }
0x70: {  	v11 =	vxor.u32 v7, v11;
	v14 =	vand.u32 $0x7FF, v10;
	(xrf1) =	vunique.msk.u32 $0xffff, v13  }
0x71: {  	v15 =	vand.u32 $0x7FF, v11;
	(xrf1) =	vunique.msk.u32 $0xffff, v14  }
0x72: {  	(xrf1) =	vunique.msk.u32 $0xffff, v15;
	_ =	sdelay $0xa  }
0x73: {  	_, v16, vm5 =	vpop (xrf1)  }
0x74: {  	_, v17, vm6 =	vpop (xrf1)  }
0x75: {  	[tilespmem:s4+$0xFFFFFFF0] =	vst v8;
	_, v18, vm7 =	vpop (xrf1)  }
0x76: {  	[tilespmem:s9+$0xFFFFFFF0] =	vst v9;
	_, v53, vm8 =	vpop (xrf1)  }
0x77: {  	[tilespmem:s8+$0xFFFFFFF0] =	vst v10  }
0x78: {  	[tilespmem:s7+$0xFFFFFFF0] =	vst v11  }
0x79: {  	[tilespmem:v12+s20+$0x0] =	vst.idx.add.s32.msk vm5, v16  }
0x7a: {  	[tilespmem:v13+s21+$0x0] =	vst.idx.add.s32.msk vm6, v17  }
0x7b: {  	[tilespmem:v14+s22+$0x0] =	vst.idx.add.s32.msk vm7, v18  }
0x7c: {  	[tilespmem:v15+s23+$0x0] =	vst.idx.add.s32.msk vm8, v53  }
0x7d: {  	v8 =	vld [tilespmem:s3+$0x0]  }
0x7e: {  	v9 =	vld [tilespmem:s0+$0x0]  }
0x7f: {  	v10 =	vld [tilespmem:s6+$0x0]  }
0x80: {  	v11 =	vld [tilespmem:s5+$0x0];
	_ =	sdelay $0x2  }
0x81: {  	v54 =	vshra.s32 v8, $0x1F  }
0x82: {  	v55 =	vshra.s32 v9, $0x1F;
	v56 =	vshra.s32 v10, $0x1F;
	v12 =	vor.u32 $0x80000000, v54  }
0x83: {  	v57 =	vshra.s32 v11, $0x1F;
	v13 =	vor.u32 $0x80000000, v55;
	v12 =	vxor.u32 v8, v12  }
0x84: {  	v14 =	vor.u32 $0x80000000, v56;
	v13 =	vxor.u32 v9, v13;
	v58 =	vand.u32 $0x7FF, v12  }
0x85: {  	v15 =	vor.u32 $0x80000000, v57;
	v14 =	vxor.u32 v10, v14;
	v59 =	vand.u32 $0x7FF, v13;
	(xrf1) =	vunique.msk.u32 $0xffff, v58  }
0x86: {  	v15 =	vxor.u32 v11, v15;
	v60 =	vand.u32 $0x7FF, v14;
	(xrf1) =	vunique.msk.u32 $0xffff, v59  }
0x87: {  	v19 =	vand.u32 $0x7FF, v15;
	(xrf1) =	vunique.msk.u32 $0xffff, v60  }
0x88: {  	(xrf1) =	vunique.msk.u32 $0xffff, v19;
	_ =	sdelay $0x9  }
0x89: {  	v4 =	vand.u32 $0x7FFFFFFF, v4  }
0x8a: {  	_, v20, vm5 =	vpop (xrf1)  }
0x8b: {  	_, v21, vm6 =	vpop (xrf1)  }
0x8c: {  	v61 =	vand.u32 $0x7FFFFFFF, v7;
	v5 =	vand.u32 $0x7FFFFFFF, v5;
	[tilespmem:s4+$0x0] =	vst v12;
	_, v22, vm7 =	vpop (xrf1)  }
0x8d: {  	s10 =	sadd.s32 $0x2, s10;
	vm12 =	veq.s32 v61, $0x0;
	vm14 =	veq.s32 v4, $0x0;
	vm9 =	veq.s32 v5, $0x0;
	[tilespmem:s9+$0x0] =	vst v13;
	_, v4, vm10 =	vpop (xrf1)  }
0x8e: {  	p0 =	slt.u32 s10, $0xFE;
	v5 =	vand.u32 $0x7FFFFFFF, v6;
	v63 =	vand.u32 $0x7FFFFFFF, v11;
	v8 =	vand.u32 $0x7FFFFFFF, v8;
	[tilespmem:s8+$0x0] =	vst v14  }
.Ltmp5:
0x8f: {  	v62 =	vand.u32 $0x7FFFFFFF, v10;
	vm15 =	veq.s32 v63, $0x0;
	vm11 =	veq.s32 v8, $0x0;
	[tilespmem:s7+$0x0] =	vst v15;
	(pc) =	sbr.rel @p0 .LBB2_5-.Ltmp5, $4  }
0x90: {  	vm8 =	vmor vm14, vm11;
	vm11 =	veq.s32 v5, $0x0;
	v5 =	vand.u32 $0x7FFFFFFF, v9;
	[tilespmem:v58+s20+$0x0] =	vst.idx.add.s32.msk vm5, v20  }
0x91: {  	s5 =	sadd.s32 $0x20, s5;
	s6 =	sadd.s32 $0x20, s6;
	vm4 =	vmor vm4, vm8;
	vm5 =	veq.s32 v5, $0x0;
	[tilespmem:v59+s21+$0x0] =	vst.idx.add.s32.msk vm6, v21;
	vm6 =	veq.s32 v62, $0x0  }
0x92: {  	s0 =	sadd.s32 $0x20, s0;
	s3 =	sadd.s32 $0x20, s3;
	s4 =	sadd.s32 $0x20, s4;
	vm5 =	vmor vm9, vm5;
	[tilespmem:v60+s22+$0x0] =	vst.idx.add.s32.msk vm7, v22;
	vm6 =	vmor vm11, vm6;
	vm7 =	vmor vm12, vm15  }
0x93: {  	s9 =	sadd.s32 $0x20, s9;
	s8 =	sadd.s32 $0x20, s8;
	s7 =	sadd.s32 $0x20, s7;
	vm3 =	vmor vm3, vm5;
	[tilespmem:v19+s23+$0x0] =	vst.idx.add.s32.msk vm10, v4;
	vm2 =	vmor vm2, vm6;
	vm1 =	vmor vm1, vm7  }
0x94: {  	v4 =	vsel vm4, $0x1, v0  }
0x95: {  	v4 =	vor.u32 $0x80000000, v4  }
0x96: {  	v5 =	vsel vm3, $0x1, v0;
	(xrf0) =	vmax.scan.msk.u32 $0xffff, v4  }
0x97: {  	v4 =	vor.u32 $0x80000000, v5;
	v5 =	vsel vm2, $0x1, v0  }
0x98: {  	(xrf0) =	vmax.scan.msk.u32 $0xffff, v4;
	v4 =	vor.u32 $0x80000000, v5;
	v5 =	vsel vm1, $0x1, v0  }
0x99: {  	(xrf0) =	vmax.scan.msk.u32 $0xffff, v4;
	v4 =	vor.u32 $0x80000000, v5;
	_ =	sdelay $0x2  }
0x9a: {  	(xrf0) =	vmax.scan.msk.u32 $0xffff, v4;
	v4, _, _ =	vpop (xrf0)  }
0x9b: {  	(v2sf) =	vpush v4, $0xF;
	_ =	sdelay $0x2  }
0x9c: {  	v5, _, _ =	vpop (xrf0)  }
0x9d: {  	v4, _, _ =	vpop (xrf0);
	(v2sf) =	vpush v5, $0xF  }
0x9e: {  	(v2sf) =	vpush v4, $0xF;
	v4, _, _ =	vpop (xrf0)  }
0x9f: {  	(v2sf) =	vpush v4, $0xF;
	_ =	sdelay $0x8  }
0xa0: {  	s0 =	spop (v2sf)  }
0xa1: {  	p0 =	slt.u32 s0, $0x80000001  }
.Ltmp6:
0xa2: {  	_ = 	snop;
	(pc) =	sbr.rel @p0 .LBB2_13-.Ltmp6, $4  }
0xa3: {  	_ = 	snop  }
0xa4: {  	s9 =	simm.s32 $0xFFF;
	s8 =	spop (v2sf)  }
0xa5: {  	s25 =	simm.s32 $0x0;
	s10 =	simm.s32 $0x0;
	s7 =	spop (v2sf)  }
0xa6: {  	s11 =	simm.s32 $0xFFF;
	[dreg:$0xf] =	wrdreg s0;
	s6 =	spop (v2sf)  }
0xa7: {  	s0 =	simm.s32 $0x20  }
0xa8: {  	v6 =	vld [tilespmem:s0+$0x10]  }
0xa9: {  	v7 =	vld [tilespmem:s0+$0x0]  }
0xaa: {  	v8 =	vld [tilespmem:s0+$0xFFFFFFF0]  }
0xab: {  	v9 =	vld [tilespmem:s0+$0xFFFFFFE0]  }
0xac: {  	v10 =	vimm.s32 $0x1000;
	v11 =	vimm.s32 $0xFFFFFFFF;
	s31 =	simm.s32 $0x20;
	s1 =	simm.s32 $0x30  }
0xad: {  	v12 =	vor.u32 s25, v1;
	s2 =	simm.s32 $0x10;
	v5 =	vor.u32 s31, v1;
	v4 =	vor.u32 s1, v1  }
0xae: {  	v13 =	vor.u32 s2, v1;
	vm1 =	vlt.f32 v6, $0.0e+00;
	vm3 =	vgt.f32 v6, $0.0e+00  }
0xaf: {  	vm4 =	vlt.f32 v8, $0.0e+00;
	vm2 =	vlt.f32 v7, $0.0e+00;
	vm5 =	vgt.f32 v7, $0.0e+00  }
0xb0: {  	vm6 =	vlt.f32 v9, $0.0e+00;
	vm7 =	vgt.f32 v9, $0.0e+00;
	vm8 =	vgt.f32 v8, $0.0e+00  }
0xb1: {  	vm6 =	vmor vm7, vm6;
	vm2 =	vmor vm5, vm2;
	vm1 =	vmor vm3, vm1  }
0xb2: {  	vm3 =	vmor vm8, vm4;
	v6 =	vnsel vm6, $0x1000, v12;
	v9 =	vnsel vm6, $0xFFFFFFFF, v12  }
0xb3: {  	v7 =	vnsel vm3, $0x1000, v13;
	vm4 =	vlt.s32 v10, v6;
	vm5 =	vgt.s32 v11, v9  }
0xb4: {  	v8 =	vsel vm4, v10, v6;
	v9 =	vsel vm5, v11, v9;
	v10 =	vnsel vm3, $0xFFFFFFFF, v13  }
0xb5: {  	s0 =	simm.s32 $0x0;
	s1 =	simm.s32 $0x60;
	s2 =	simm.s32 $0x0;
	v6 =	vnsel vm2, $0x1000, v5;
	vm3 =	vlt.s32 v8, v7;
	vm4 =	vgt.s32 v9, v10  }
.LBB2_8:
0xb6: {  	v11 =	vld [tilespmem:s1+$0x10];
	v7 =	vsel vm3, v8, v7;
	v8 =	vsel vm4, v9, v10;
	v5 =	vnsel vm2, $0xFFFFFFFF, v5  }
0xb7: {  	v10 =	vnsel vm1, $0x1000, v4;
	v9 =	vld [tilespmem:s1+$0x0];
	vm2 =	vlt.s32 v7, v6;
	vm3 =	vgt.s32 v8, v5  }
0xb8: {  	v4 =	vnsel vm1, $0xFFFFFFFF, v4;
	v12 =	vld [tilespmem:s1+$0xFFFFFFF0];
	v6 =	vsel vm2, v7, v6;
	v5 =	vsel vm3, v8, v5  }
0xb9: {  	s0 =	sadd.s32 $0x4, s0;
	s2 =	sadd.s32 $0x40, s2;
	v7 =	vld [tilespmem:s1+$0xFFFFFFE0];
	vm1 =	vlt.s32 v6, v10;
	vm2 =	vgt.s32 v5, v4  }
0xba: {  	s3 =	sadd.s32 $0x20, s2;
	s4 =	sadd.s32 $0x30, s2;
	p0 =	slt.u32 s0, $0xFC;
	v6 =	vsel vm1, v6, v10;
	v10 =	vsel vm2, v5, v4  }
0xbb: {  	s5 =	sadd.s32 $0x10, s2;
	v8 =	vor.u32 s2, v1;
	v5 =	vor.u32 s3, v1;
	v4 =	vor.u32 s4, v1  }
0xbc: {  	v13 =	vor.u32 s5, v1;
	vm1 =	vlt.f32 v11, $0.0e+00;
	vm3 =	vgt.f32 v11, $0.0e+00  }
0xbd: {  	vm2 =	vlt.f32 v9, $0.0e+00;
	vm5 =	vgt.f32 v9, $0.0e+00;
	vm4 =	vlt.f32 v12, $0.0e+00  }
0xbe: {  	vm8 =	vgt.f32 v12, $0.0e+00;
	vm6 =	vlt.f32 v7, $0.0e+00;
	vm7 =	vgt.f32 v7, $0.0e+00  }
.Ltmp7:
0xbf: {  	vm1 =	vmor vm3, vm1;
	vm2 =	vmor vm5, vm2;
	vm6 =	vmor vm7, vm6;
	(pc) =	sbr.rel @p0 .LBB2_8-.Ltmp7, $4  }
0xc0: {  	vm3 =	vmor vm8, vm4;
	v9 =	vnsel vm6, $0x1000, v8;
	v11 =	vnsel vm6, $0xFFFFFFFF, v8  }
0xc1: {  	v7 =	vnsel vm3, $0x1000, v13;
	vm4 =	vlt.s32 v6, v9;
	vm5 =	vgt.s32 v10, v11  }
0xc2: {  	v8 =	vsel vm4, v6, v9;
	v9 =	vsel vm5, v10, v11;
	v10 =	vnsel vm3, $0xFFFFFFFF, v13  }
0xc3: {  	s1 =	sadd.s32 $0x40, s1;
	v6 =	vnsel vm2, $0x1000, v5;
	vm3 =	vlt.s32 v8, v7;
	vm4 =	vgt.s32 v9, v10  }
0xc4: {  	v7 =	vsel vm3, v8, v7;
	v62 =	vsel vm4, v9, v10;
	v5 =	vnsel vm2, $0xFFFFFFFF, v5  }
0xc5: {  	v63 =	vnsel vm1, $0x1000, v4;
	s0 =	simm.s32 $0x5020;
	vm2 =	vlt.s32 v7, v6;
	vm3 =	vgt.s32 v62, v5  }
0xc6: {  	v4 =	vnsel vm1, $0xFFFFFFFF, v4;
	[tilespmem:s0+$0xFFFFFFE0] =	vst v0;
	v6 =	vsel vm2, v7, v6;
	v7 =	vsel vm3, v62, v5  }
0xc7: {  	[tilespmem:s0+$0x10] =	vst v0;
	vm1 =	vlt.s32 v6, v63;
	vm2 =	vgt.s32 v7, v4  }
0xc8: {  	s1 =	simm.s32 $0x0;
	[tilespmem:s0+$0x0] =	vst v0;
	v5 =	vsel vm1, v6, v63;
	v4 =	vsel vm2, v7, v4  }
.LBB2_10:
0xc9: {  	s1 =	sadd.s32 $0x4, s1  }
0xca: {  	[tilespmem:s0+$0xFFFFFFF0] =	vst v0;
	s0 =	sadd.s32 $0x40, s0;
	p0 =	slt.u32 s1, $0x7C  }
.Ltmp8:
0xcb: {  	[tilespmem:s0+$0xFFFFFFE0] =	vst v0;
	(pc) =	sbr.rel @p0 .LBB2_10-.Ltmp8, $3  }
0xcc: {  	_ =	sdelay $0x1  }
0xcd: {  	[tilespmem:s0+$0x10] =	vst v0  }
0xce: {  	[tilespmem:s0+$0x0] =	vst v0  }
0xcf: {  	v5 =	vxor.u32 $0x80000000, v5  }
0xd0: {  	v4 =	vxor.u32 $0x80000000, v4;
	(xrf0) =	vmin.scan.msk.u32 $0xffff, v5  }
0xd1: {  	(xrf0) =	vmax.scan.msk.u32 $0xffff, v4;
	_ =	sdelay $0x4  }
0xd2: {  	v4, _, _ =	vpop (xrf0)  }
0xd3: {  	(v2sf) =	vpush v4, $0xF;
	v4, _, _ =	vpop (xrf0)  }
0xd4: {  	(v2sf) =	vpush v4, $0xF;
	_ =	sdelay $0xd  }
0xd5: {  	s31 =	spop (v2sf)  }
0xd6: {  	s1 =	spop (v2sf)  }
0xd7: {  	s10 =	sxor.u32 $0x80000000, s31;
	s11 =	sxor.u32 $0x80000000, s1  }
0xd8: {  	[tilespmem:s0+$0xFFFFFFF0] =	vst v0;
	s0 =	simm.s32 $0xFFFFFFFC;
	s2 =	simm.s32 $0x1020;
	v4 =	vmov s10;
	s1 =	simm.s32 $0x0;
	v5 =	vmov s11  }
.LBB2_12:
0xd9: {  	v6 =	vld [tilespmem:s2+$0xFFFFFFE0];
	_ =	sdelay $0x1  }
0xda: {  	v7 =	vor.u32 s1, v1  }
0xdb: {  	vm1 =	vge.s32 v7, v4;
	vm2 =	vle.s32 v7, v5  }
0xdc: {  	vm1 =	vmand vm1, vm2  }
0xdd: {  	v6 =	vnsel vm1, $0xFFFFFFFF, v6  }
0xde: {  	v7 =	vand.u32 $0x7FF, v6  }
0xdf: {  	(xrf1) =	vunique.msk.u32 $0xffff, v7;
	_ =	sdelay $0xd  }
0xe0: {  	_, v8, vm1 =	vpop (xrf1);
	_ =	sdelay $0x4  }
0xe1: {  	[tilespmem:s2+$0xFFFFFFE0] =	vst v6  }
0xe2: {  	[tilespmem:v7+s20+$0x0] =	vst.idx.add.s32.msk vm1, v8  }
0xe3: {  	v6 =	vld [tilespmem:s2+$0xFFFFFFF0]  }
0xe4: {  	s3 =	sadd.s32 $0x10, s1  }
0xe5: {  	v7 =	vor.u32 s3, v1  }
0xe6: {  	vm1 =	vge.s32 v7, v4;
	vm2 =	vle.s32 v7, v5  }
0xe7: {  	vm1 =	vmand vm1, vm2  }
0xe8: {  	v6 =	vnsel vm1, $0xFFFFFFFF, v6  }
0xe9: {  	v7 =	vand.u32 $0x7FF, v6  }
0xea: {  	(xrf1) =	vunique.msk.u32 $0xffff, v7;
	_ =	sdelay $0xd  }
0xeb: {  	_, v61, vm1 =	vpop (xrf1);
	_ =	sdelay $0x4  }
0xec: {  	[tilespmem:s2+$0xFFFFFFF0] =	vst v6  }
0xed: {  	[tilespmem:v7+s20+$0x0] =	vst.idx.add.s32.msk vm1, v61  }
0xee: {  	v6 =	vld [tilespmem:s2+$0x0]  }
0xef: {  	s30 =	sadd.s32 $0x20, s1  }
0xf0: {  	v7 =	vor.u32 s30, v1  }
0xf1: {  	vm1 =	vge.s32 v7, v4;
	vm2 =	vle.s32 v7, v5  }
0xf2: {  	vm1 =	vmand vm1, vm2  }
0xf3: {  	v6 =	vnsel vm1, $0xFFFFFFFF, v6  }
0xf4: {  	v7 =	vand.u32 $0x7FF, v6  }
0xf5: {  	(xrf1) =	vunique.msk.u32 $0xffff, v7;
	_ =	sdelay $0xd  }
0xf6: {  	_, v62, vm1 =	vpop (xrf1);
	_ =	sdelay $0x4  }
0xf7: {  	[tilespmem:s2+$0x0] =	vst v6  }
0xf8: {  	[tilespmem:v7+s20+$0x0] =	vst.idx.add.s32.msk vm1, v62  }
0xf9: {  	v6 =	vld [tilespmem:s2+$0x10]  }
0xfa: {  	s31 =	sadd.s32 $0x30, s1  }
0xfb: {  	v7 =	vor.u32 s31, v1  }
0xfc: {  	vm1 =	vge.s32 v7, v4;
	vm2 =	vle.s32 v7, v5  }
0xfd: {  	vm1 =	vmand vm1, vm2  }
0xfe: {  	v6 =	vnsel vm1, $0xFFFFFFFF, v6  }
0xff: {  	v7 =	vand.u32 $0x7FF, v6  }
0x100: {  	(xrf1) =	vunique.msk.u32 $0xffff, v7;
	_ =	sdelay $0xd  }
0x101: {  	s0 =	sadd.s32 $0x4, s0;
	_, v63, vm1 =	vpop (xrf1)  }
0x102: {  	p0 =	slt.u32 s0, $0xFC  }
.Ltmp9:
0x103: {  	_ = 	snop;
	(pc) =	sbr.rel @p0 .LBB2_12-.Ltmp9, $3  }
0x104: {  	_ =	sdelay $0x1  }
0x105: {  	[tilespmem:s2+$0x10] =	vst v6  }
0x106: {  	s1 =	sadd.s32 $0x40, s1;
	s2 =	sadd.s32 $0x40, s2;
	[tilespmem:v7+s20+$0x0] =	vst.idx.add.s32.msk vm1, v63  }
.LBB2_13:
0x107: {  	p0 =	slt.u32 s8, $0x80000001  }
.Ltmp10:
0x108: {  	_ = 	snop;
	(pc) =	sbr.rel @p0 .LBB2_20-.Ltmp10, $1  }
0x109: {  	_ =	sdelay $0x3  }
0x10a: {  	s0 =	simm.s32 $0x7DA0  }
0x10b: {  	v6 =	vld [tilespmem:s0+$0x10]  }
0x10c: {  	v7 =	vld [tilespmem:s0+$0x0]  }
0x10d: {  	v8 =	vld [tilespmem:s0+$0xFFFFFFF0]  }
0x10e: {  	v9 =	vld [tilespmem:s0+$0xFFFFFFE0]  }
0x10f: {  	v10 =	vimm.s32 $0x1000;
	v11 =	vimm.s32 $0xFFFFFFFF;
	s31 =	simm.s32 $0x20;
	s1 =	simm.s32 $0x30  }
0x110: {  	v12 =	vor.u32 s25, v1;
	s2 =	simm.s32 $0x10;
	v5 =	vor.u32 s31, v1;
	v4 =	vor.u32 s1, v1  }
0x111: {  	v13 =	vor.u32 s2, v1;
	vm1 =	vlt.f32 v6, $0.0e+00;
	vm3 =	vgt.f32 v6, $0.0e+00  }
0x112: {  	vm4 =	vlt.f32 v8, $0.0e+00;
	vm2 =	vlt.f32 v7, $0.0e+00;
	vm5 =	vgt.f32 v7, $0.0e+00  }
0x113: {  	vm6 =	vlt.f32 v9, $0.0e+00;
	vm7 =	vgt.f32 v9, $0.0e+00;
	vm8 =	vgt.f32 v8, $0.0e+00  }
0x114: {  	vm6 =	vmor vm7, vm6;
	vm2 =	vmor vm5, vm2;
	vm1 =	vmor vm3, vm1  }
0x115: {  	vm3 =	vmor vm8, vm4;
	v6 =	vnsel vm6, $0x1000, v12;
	v9 =	vnsel vm6, $0xFFFFFFFF, v12  }
0x116: {  	v7 =	vnsel vm3, $0x1000, v13;
	vm4 =	vlt.s32 v10, v6;
	vm5 =	vgt.s32 v11, v9  }
0x117: {  	v8 =	vsel vm4, v10, v6;
	v9 =	vsel vm5, v11, v9;
	v10 =	vnsel vm3, $0xFFFFFFFF, v13  }
0x118: {  	s0 =	simm.s32 $0x0;
	s1 =	simm.s32 $0x7DE0;
	v6 =	vnsel vm2, $0x1000, v5;
	vm3 =	vlt.s32 v8, v7;
	vm4 =	vgt.s32 v9, v10  }
.LBB2_15:
0x119: {  	v11 =	vld [tilespmem:s1+$0x10];
	v7 =	vsel vm3, v8, v7;
	v8 =	vsel vm4, v9, v10;
	v5 =	vnsel vm2, $0xFFFFFFFF, v5  }
0x11a: {  	v10 =	vnsel vm1, $0x1000, v4;
	v9 =	vld [tilespmem:s1+$0x0];
	vm2 =	vlt.s32 v7, v6;
	vm3 =	vgt.s32 v8, v5  }
0x11b: {  	v4 =	vnsel vm1, $0xFFFFFFFF, v4;
	v12 =	vld [tilespmem:s1+$0xFFFFFFF0];
	v6 =	vsel vm2, v7, v6;
	v5 =	vsel vm3, v8, v5  }
0x11c: {  	s0 =	sadd.s32 $0x4, s0;
	s25 =	sadd.s32 $0x40, s25;
	v7 =	vld [tilespmem:s1+$0xFFFFFFE0];
	vm1 =	vlt.s32 v6, v10;
	vm2 =	vgt.s32 v5, v4  }
0x11d: {  	s2 =	sadd.s32 $0x20, s25;
	s3 =	sadd.s32 $0x30, s25;
	p0 =	slt.u32 s0, $0xFC;
	v6 =	vsel vm1, v6, v10;
	v10 =	vsel vm2, v5, v4  }
0x11e: {  	s4 =	sadd.s32 $0x10, s25;
	v8 =	vor.u32 s25, v1;
	v5 =	vor.u32 s2, v1;
	v4 =	vor.u32 s3, v1  }
0x11f: {  	v13 =	vor.u32 s4, v1;
	vm1 =	vlt.f32 v11, $0.0e+00;
	vm3 =	vgt.f32 v11, $0.0e+00  }
0x120: {  	vm2 =	vlt.f32 v9, $0.0e+00;
	vm5 =	vgt.f32 v9, $0.0e+00;
	vm4 =	vlt.f32 v12, $0.0e+00  }
0x121: {  	vm8 =	vgt.f32 v12, $0.0e+00;
	vm6 =	vlt.f32 v7, $0.0e+00;
	vm7 =	vgt.f32 v7, $0.0e+00  }
.Ltmp11:
0x122: {  	vm1 =	vmor vm3, vm1;
	vm2 =	vmor vm5, vm2;
	vm6 =	vmor vm7, vm6;
	(pc) =	sbr.rel @p0 .LBB2_15-.Ltmp11, $4  }
0x123: {  	vm3 =	vmor vm8, vm4;
	v9 =	vnsel vm6, $0x1000, v8;
	v11 =	vnsel vm6, $0xFFFFFFFF, v8  }
0x124: {  	v7 =	vnsel vm3, $0x1000, v13;
	vm4 =	vlt.s32 v6, v9;
	vm5 =	vgt.s32 v10, v11  }
0x125: {  	v8 =	vsel vm4, v6, v9;
	v9 =	vsel vm5, v10, v11;
	v10 =	vnsel vm3, $0xFFFFFFFF, v13  }
0x126: {  	s1 =	sadd.s32 $0x40, s1;
	v6 =	vnsel vm2, $0x1000, v5;
	vm3 =	vlt.s32 v8, v7;
	vm4 =	vgt.s32 v9, v10  }
0x127: {  	v7 =	vsel vm3, v8, v7;
	v62 =	vsel vm4, v9, v10;
	v5 =	vnsel vm2, $0xFFFFFFFF, v5  }
0x128: {  	v63 =	vnsel vm1, $0x1000, v4;
	s0 =	simm.s32 $0xCDA0;
	vm2 =	vlt.s32 v7, v6;
	vm3 =	vgt.s32 v62, v5  }
0x129: {  	v4 =	vnsel vm1, $0xFFFFFFFF, v4;
	[tilespmem:s0+$0xFFFFFFE0] =	vst v0;
	v6 =	vsel vm2, v7, v6;
	v7 =	vsel vm3, v62, v5  }
0x12a: {  	[tilespmem:s0+$0x10] =	vst v0;
	vm1 =	vlt.s32 v6, v63;
	vm2 =	vgt.s32 v7, v4  }
0x12b: {  	s1 =	simm.s32 $0x0;
	[tilespmem:s0+$0x0] =	vst v0;
	v5 =	vsel vm1, v6, v63;
	v4 =	vsel vm2, v7, v4  }
.LBB2_17:
0x12c: {  	s1 =	sadd.s32 $0x4, s1  }
0x12d: {  	[tilespmem:s0+$0xFFFFFFF0] =	vst v0;
	s0 =	sadd.s32 $0x40, s0;
	p0 =	slt.u32 s1, $0x7C  }
.Ltmp12:
0x12e: {  	[tilespmem:s0+$0xFFFFFFE0] =	vst v0;
	(pc) =	sbr.rel @p0 .LBB2_17-.Ltmp12, $3  }
0x12f: {  	_ =	sdelay $0x1  }
0x130: {  	[tilespmem:s0+$0x10] =	vst v0  }
0x131: {  	[tilespmem:s0+$0x0] =	vst v0  }
0x132: {  	v5 =	vxor.u32 $0x80000000, v5  }
0x133: {  	v4 =	vxor.u32 $0x80000000, v4;
	(xrf0) =	vmin.scan.msk.u32 $0xffff, v5  }
0x134: {  	(xrf0) =	vmax.scan.msk.u32 $0xffff, v4;
	_ =	sdelay $0x4  }
0x135: {  	v4, _, _ =	vpop (xrf0)  }
0x136: {  	(v2sf) =	vpush v4, $0xF;
	v4, _, _ =	vpop (xrf0)  }
0x137: {  	(v2sf) =	vpush v4, $0xF;
	_ =	sdelay $0xd  }
0x138: {  	s31 =	spop (v2sf)  }
0x139: {  	s1 =	spop (v2sf)  }
0x13a: {  	s25 =	sxor.u32 $0x80000000, s31;
	s9 =	sxor.u32 $0x80000000, s1  }
0x13b: {  	[tilespmem:s0+$0xFFFFFFF0] =	vst v0;
	s0 =	simm.s32 $0xFFFFFFFC;
	s2 =	simm.s32 $0x8DA0;
	v4 =	vmov s25;
	s1 =	simm.s32 $0x0;
	v5 =	vmov s9  }
.LBB2_19:
0x13c: {  	v6 =	vld [tilespmem:s2+$0xFFFFFFE0];
	_ =	sdelay $0x1  }
0x13d: {  	v7 =	vor.u32 s1, v1  }
0x13e: {  	vm1 =	vge.s32 v7, v4;
	vm2 =	vle.s32 v7, v5  }
0x13f: {  	vm1 =	vmand vm1, vm2  }
0x140: {  	v6 =	vnsel vm1, $0xFFFFFFFF, v6  }
0x141: {  	v7 =	vand.u32 $0x7FF, v6  }
0x142: {  	(xrf1) =	vunique.msk.u32 $0xffff, v7;
	_ =	sdelay $0xd  }
0x143: {  	_, v8, vm1 =	vpop (xrf1);
	_ =	sdelay $0x4  }
0x144: {  	[tilespmem:s2+$0xFFFFFFE0] =	vst v6  }
0x145: {  	[tilespmem:v7+s21+$0x0] =	vst.idx.add.s32.msk vm1, v8  }
0x146: {  	v6 =	vld [tilespmem:s2+$0xFFFFFFF0]  }
0x147: {  	s3 =	sadd.s32 $0x10, s1  }
0x148: {  	v7 =	vor.u32 s3, v1  }
0x149: {  	vm1 =	vge.s32 v7, v4;
	vm2 =	vle.s32 v7, v5  }
0x14a: {  	vm1 =	vmand vm1, vm2  }
0x14b: {  	v6 =	vnsel vm1, $0xFFFFFFFF, v6  }
0x14c: {  	v7 =	vand.u32 $0x7FF, v6  }
0x14d: {  	(xrf1) =	vunique.msk.u32 $0xffff, v7;
	_ =	sdelay $0xd  }
0x14e: {  	_, v61, vm1 =	vpop (xrf1);
	_ =	sdelay $0x4  }
0x14f: {  	[tilespmem:s2+$0xFFFFFFF0] =	vst v6  }
0x150: {  	[tilespmem:v7+s21+$0x0] =	vst.idx.add.s32.msk vm1, v61  }
0x151: {  	v6 =	vld [tilespmem:s2+$0x0]  }
0x152: {  	s30 =	sadd.s32 $0x20, s1  }
0x153: {  	v7 =	vor.u32 s30, v1  }
0x154: {  	vm1 =	vge.s32 v7, v4;
	vm2 =	vle.s32 v7, v5  }
0x155: {  	vm1 =	vmand vm1, vm2  }
0x156: {  	v6 =	vnsel vm1, $0xFFFFFFFF, v6  }
0x157: {  	v7 =	vand.u32 $0x7FF, v6  }
0x158: {  	(xrf1) =	vunique.msk.u32 $0xffff, v7;
	_ =	sdelay $0xd  }
0x159: {  	_, v62, vm1 =	vpop (xrf1);
	_ =	sdelay $0x4  }
0x15a: {  	[tilespmem:s2+$0x0] =	vst v6  }
0x15b: {  	[tilespmem:v7+s21+$0x0] =	vst.idx.add.s32.msk vm1, v62  }
0x15c: {  	v6 =	vld [tilespmem:s2+$0x10]  }
0x15d: {  	s31 =	sadd.s32 $0x30, s1  }
0x15e: {  	v7 =	vor.u32 s31, v1  }
0x15f: {  	vm1 =	vge.s32 v7, v4;
	vm2 =	vle.s32 v7, v5  }
0x160: {  	vm1 =	vmand vm1, vm2  }
0x161: {  	v6 =	vnsel vm1, $0xFFFFFFFF, v6  }
0x162: {  	v7 =	vand.u32 $0x7FF, v6  }
0x163: {  	(xrf1) =	vunique.msk.u32 $0xffff, v7;
	_ =	sdelay $0xd  }
0x164: {  	s0 =	sadd.s32 $0x4, s0;
	_, v63, vm1 =	vpop (xrf1)  }
0x165: {  	p0 =	slt.u32 s0, $0xFC  }
.Ltmp13:
0x166: {  	_ = 	snop;
	(pc) =	sbr.rel @p0 .LBB2_19-.Ltmp13, $3  }
0x167: {  	_ =	sdelay $0x1  }
0x168: {  	[tilespmem:s2+$0x10] =	vst v6  }
0x169: {  	s1 =	sadd.s32 $0x40, s1;
	s2 =	sadd.s32 $0x40, s2;
	[tilespmem:v7+s21+$0x0] =	vst.idx.add.s32.msk vm1, v63  }
.LBB2_20:
0x16a: {  	p0 =	slt.u32 s7, $0x80000001  }
.Ltmp14:
0x16b: {  	_ = 	snop;
	(pc) =	sbr.rel @p0 .LBB2_27-.Ltmp14, $3  }
0x16c: {  	_ =	sdelay $0x1  }
0x16d: {  	s12 =	simm.s32 $0xFFF  }
0x16e: {  	s26 =	simm.s32 $0x0;
	s13 =	simm.s32 $0x0;
	s15 =	simm.s32 $0xFFF  }
0x16f: {  	s0 =	simm.s32 $0xFB20  }
0x170: {  	v6 =	vld [tilespmem:s0+$0x10]  }
0x171: {  	v7 =	vld [tilespmem:s0+$0x0]  }
0x172: {  	v8 =	vld [tilespmem:s0+$0xFFFFFFF0]  }
0x173: {  	v9 =	vld [tilespmem:s0+$0xFFFFFFE0]  }
0x174: {  	v10 =	vimm.s32 $0x1000;
	v11 =	vimm.s32 $0xFFFFFFFF;
	s31 =	simm.s32 $0x20;
	s1 =	simm.s32 $0x30  }
0x175: {  	v12 =	vor.u32 s26, v1;
	s2 =	simm.s32 $0x10;
	v5 =	vor.u32 s31, v1;
	v4 =	vor.u32 s1, v1  }
0x176: {  	v13 =	vor.u32 s2, v1;
	vm1 =	vlt.f32 v6, $0.0e+00;
	vm3 =	vgt.f32 v6, $0.0e+00  }
0x177: {  	vm4 =	vlt.f32 v8, $0.0e+00;
	vm2 =	vlt.f32 v7, $0.0e+00;
	vm5 =	vgt.f32 v7, $0.0e+00  }
0x178: {  	vm6 =	vlt.f32 v9, $0.0e+00;
	vm7 =	vgt.f32 v9, $0.0e+00;
	vm8 =	vgt.f32 v8, $0.0e+00  }
0x179: {  	vm6 =	vmor vm7, vm6;
	vm2 =	vmor vm5, vm2;
	vm1 =	vmor vm3, vm1  }
0x17a: {  	vm3 =	vmor vm8, vm4;
	v6 =	vnsel vm6, $0x1000, v12;
	v9 =	vnsel vm6, $0xFFFFFFFF, v12  }
0x17b: {  	v7 =	vnsel vm3, $0x1000, v13;
	vm4 =	vlt.s32 v10, v6;
	vm5 =	vgt.s32 v11, v9  }
0x17c: {  	v8 =	vsel vm4, v10, v6;
	v9 =	vsel vm5, v11, v9;
	v10 =	vnsel vm3, $0xFFFFFFFF, v13  }
0x17d: {  	s0 =	simm.s32 $0x0;
	s1 =	simm.s32 $0xFB60;
	s2 =	simm.s32 $0x0;
	v6 =	vnsel vm2, $0x1000, v5;
	vm3 =	vlt.s32 v8, v7;
	vm4 =	vgt.s32 v9, v10  }
.LBB2_22:
0x17e: {  	v11 =	vld [tilespmem:s1+$0x10];
	v7 =	vsel vm3, v8, v7;
	v8 =	vsel vm4, v9, v10;
	v5 =	vnsel vm2, $0xFFFFFFFF, v5  }
0x17f: {  	v10 =	vnsel vm1, $0x1000, v4;
	v9 =	vld [tilespmem:s1+$0x0];
	vm2 =	vlt.s32 v7, v6;
	vm3 =	vgt.s32 v8, v5  }
0x180: {  	v4 =	vnsel vm1, $0xFFFFFFFF, v4;
	v12 =	vld [tilespmem:s1+$0xFFFFFFF0];
	v6 =	vsel vm2, v7, v6;
	v5 =	vsel vm3, v8, v5  }
0x181: {  	s0 =	sadd.s32 $0x4, s0;
	s2 =	sadd.s32 $0x40, s2;
	v7 =	vld [tilespmem:s1+$0xFFFFFFE0];
	vm1 =	vlt.s32 v6, v10;
	vm2 =	vgt.s32 v5, v4  }
0x182: {  	s3 =	sadd.s32 $0x20, s2;
	s4 =	sadd.s32 $0x30, s2;
	p0 =	slt.u32 s0, $0xFC;
	v6 =	vsel vm1, v6, v10;
	v10 =	vsel vm2, v5, v4  }
0x183: {  	s5 =	sadd.s32 $0x10, s2;
	v8 =	vor.u32 s2, v1;
	v5 =	vor.u32 s3, v1;
	v4 =	vor.u32 s4, v1  }
0x184: {  	v13 =	vor.u32 s5, v1;
	vm1 =	vlt.f32 v11, $0.0e+00;
	vm3 =	vgt.f32 v11, $0.0e+00  }
0x185: {  	vm2 =	vlt.f32 v9, $0.0e+00;
	vm5 =	vgt.f32 v9, $0.0e+00;
	vm4 =	vlt.f32 v12, $0.0e+00  }
0x186: {  	vm8 =	vgt.f32 v12, $0.0e+00;
	vm6 =	vlt.f32 v7, $0.0e+00;
	vm7 =	vgt.f32 v7, $0.0e+00  }
.Ltmp15:
0x187: {  	vm1 =	vmor vm3, vm1;
	vm2 =	vmor vm5, vm2;
	vm6 =	vmor vm7, vm6;
	(pc) =	sbr.rel @p0 .LBB2_22-.Ltmp15, $4  }
0x188: {  	vm3 =	vmor vm8, vm4;
	v9 =	vnsel vm6, $0x1000, v8;
	v11 =	vnsel vm6, $0xFFFFFFFF, v8  }
0x189: {  	v7 =	vnsel vm3, $0x1000, v13;
	vm4 =	vlt.s32 v6, v9;
	vm5 =	vgt.s32 v10, v11  }
0x18a: {  	v8 =	vsel vm4, v6, v9;
	v9 =	vsel vm5, v10, v11;
	v10 =	vnsel vm3, $0xFFFFFFFF, v13  }
0x18b: {  	s1 =	sadd.s32 $0x40, s1;
	v6 =	vnsel vm2, $0x1000, v5;
	vm3 =	vlt.s32 v8, v7;
	vm4 =	vgt.s32 v9, v10  }
0x18c: {  	v7 =	vsel vm3, v8, v7;
	v62 =	vsel vm4, v9, v10;
	v5 =	vnsel vm2, $0xFFFFFFFF, v5  }
0x18d: {  	v63 =	vnsel vm1, $0x1000, v4;
	s0 =	simm.s32 $0x14B20;
	vm2 =	vlt.s32 v7, v6;
	vm3 =	vgt.s32 v62, v5  }
0x18e: {  	v4 =	vnsel vm1, $0xFFFFFFFF, v4;
	[tilespmem:s0+$0xFFFFFFE0] =	vst v0;
	v6 =	vsel vm2, v7, v6;
	v7 =	vsel vm3, v62, v5  }
0x18f: {  	[tilespmem:s0+$0x10] =	vst v0;
	vm1 =	vlt.s32 v6, v63;
	vm2 =	vgt.s32 v7, v4  }
0x190: {  	s1 =	simm.s32 $0x0;
	[tilespmem:s0+$0x0] =	vst v0;
	v5 =	vsel vm1, v6, v63;
	v4 =	vsel vm2, v7, v4  }
.LBB2_24:
0x191: {  	s1 =	sadd.s32 $0x4, s1  }
0x192: {  	[tilespmem:s0+$0xFFFFFFF0] =	vst v0;
	s0 =	sadd.s32 $0x40, s0;
	p0 =	slt.u32 s1, $0x7C  }
.Ltmp16:
0x193: {  	[tilespmem:s0+$0xFFFFFFE0] =	vst v0;
	(pc) =	sbr.rel @p0 .LBB2_24-.Ltmp16, $3  }
0x194: {  	_ =	sdelay $0x1  }
0x195: {  	[tilespmem:s0+$0x10] =	vst v0  }
0x196: {  	[tilespmem:s0+$0x0] =	vst v0  }
0x197: {  	v5 =	vxor.u32 $0x80000000, v5  }
0x198: {  	v4 =	vxor.u32 $0x80000000, v4;
	(xrf0) =	vmin.scan.msk.u32 $0xffff, v5  }
0x199: {  	(xrf0) =	vmax.scan.msk.u32 $0xffff, v4;
	_ =	sdelay $0x4  }
0x19a: {  	v4, _, _ =	vpop (xrf0)  }
0x19b: {  	(v2sf) =	vpush v4, $0xF;
	v4, _, _ =	vpop (xrf0)  }
0x19c: {  	(v2sf) =	vpush v4, $0xF;
	_ =	sdelay $0xd  }
0x19d: {  	s31 =	spop (v2sf)  }
0x19e: {  	s1 =	spop (v2sf)  }
0x19f: {  	s13 =	sxor.u32 $0x80000000, s31;
	s15 =	sxor.u32 $0x80000000, s1  }
0x1a0: {  	[tilespmem:s0+$0xFFFFFFF0] =	vst v0;
	s0 =	simm.s32 $0xFFFFFFFC;
	s2 =	simm.s32 $0x10B20;
	v4 =	vmov s13;
	s1 =	simm.s32 $0x0;
	v5 =	vmov s15  }
.LBB2_26:
0x1a1: {  	v6 =	vld [tilespmem:s2+$0xFFFFFFE0];
	_ =	sdelay $0x1  }
0x1a2: {  	v7 =	vor.u32 s1, v1  }
0x1a3: {  	vm1 =	vge.s32 v7, v4;
	vm2 =	vle.s32 v7, v5  }
0x1a4: {  	vm1 =	vmand vm1, vm2  }
0x1a5: {  	v6 =	vnsel vm1, $0xFFFFFFFF, v6  }
0x1a6: {  	v7 =	vand.u32 $0x7FF, v6  }
0x1a7: {  	(xrf1) =	vunique.msk.u32 $0xffff, v7;
	_ =	sdelay $0xd  }
0x1a8: {  	_, v8, vm1 =	vpop (xrf1);
	_ =	sdelay $0x4  }
0x1a9: {  	[tilespmem:s2+$0xFFFFFFE0] =	vst v6  }
0x1aa: {  	[tilespmem:v7+s22+$0x0] =	vst.idx.add.s32.msk vm1, v8  }
0x1ab: {  	v6 =	vld [tilespmem:s2+$0xFFFFFFF0]  }
0x1ac: {  	s3 =	sadd.s32 $0x10, s1  }
0x1ad: {  	v7 =	vor.u32 s3, v1  }
0x1ae: {  	vm1 =	vge.s32 v7, v4;
	vm2 =	vle.s32 v7, v5  }
0x1af: {  	vm1 =	vmand vm1, vm2  }
0x1b0: {  	v6 =	vnsel vm1, $0xFFFFFFFF, v6  }
0x1b1: {  	v7 =	vand.u32 $0x7FF, v6  }
0x1b2: {  	(xrf1) =	vunique.msk.u32 $0xffff, v7;
	_ =	sdelay $0xd  }
0x1b3: {  	_, v61, vm1 =	vpop (xrf1);
	_ =	sdelay $0x4  }
0x1b4: {  	[tilespmem:s2+$0xFFFFFFF0] =	vst v6  }
0x1b5: {  	[tilespmem:v7+s22+$0x0] =	vst.idx.add.s32.msk vm1, v61  }
0x1b6: {  	v6 =	vld [tilespmem:s2+$0x0]  }
0x1b7: {  	s30 =	sadd.s32 $0x20, s1  }
0x1b8: {  	v7 =	vor.u32 s30, v1  }
0x1b9: {  	vm1 =	vge.s32 v7, v4;
	vm2 =	vle.s32 v7, v5  }
0x1ba: {  	vm1 =	vmand vm1, vm2  }
0x1bb: {  	v6 =	vnsel vm1, $0xFFFFFFFF, v6  }
0x1bc: {  	v7 =	vand.u32 $0x7FF, v6  }
0x1bd: {  	(xrf1) =	vunique.msk.u32 $0xffff, v7;
	_ =	sdelay $0xd  }
0x1be: {  	_, v62, vm1 =	vpop (xrf1);
	_ =	sdelay $0x4  }
0x1bf: {  	[tilespmem:s2+$0x0] =	vst v6  }
0x1c0: {  	[tilespmem:v7+s22+$0x0] =	vst.idx.add.s32.msk vm1, v62  }
0x1c1: {  	v6 =	vld [tilespmem:s2+$0x10]  }
0x1c2: {  	s31 =	sadd.s32 $0x30, s1  }
0x1c3: {  	v7 =	vor.u32 s31, v1  }
0x1c4: {  	vm1 =	vge.s32 v7, v4;
	vm2 =	vle.s32 v7, v5  }
0x1c5: {  	vm1 =	vmand vm1, vm2  }
0x1c6: {  	v6 =	vnsel vm1, $0xFFFFFFFF, v6  }
0x1c7: {  	v7 =	vand.u32 $0x7FF, v6  }
0x1c8: {  	(xrf1) =	vunique.msk.u32 $0xffff, v7;
	_ =	sdelay $0xd  }
0x1c9: {  	s0 =	sadd.s32 $0x4, s0;
	_, v63, vm1 =	vpop (xrf1)  }
0x1ca: {  	p0 =	slt.u32 s0, $0xFC  }
.Ltmp17:
0x1cb: {  	_ = 	snop;
	(pc) =	sbr.rel @p0 .LBB2_26-.Ltmp17, $3  }
0x1cc: {  	_ =	sdelay $0x1  }
0x1cd: {  	[tilespmem:s2+$0x10] =	vst v6  }
0x1ce: {  	s1 =	sadd.s32 $0x40, s1;
	s2 =	sadd.s32 $0x40, s2;
	[tilespmem:v7+s22+$0x0] =	vst.idx.add.s32.msk vm1, v63  }
.LBB2_27:
0x1cf: {  	p0 =	slt.u32 s6, $0x80000001  }
.Ltmp18:
0x1d0: {  	_ = 	snop;
	(pc) =	sbr.rel @p0 .LBB2_34-.Ltmp18, $4  }
0x1d1: {  	_ = 	snop  }
0x1d2: {  	[dreg:$0xd] =	wrdreg s6  }
0x1d3: {  	[dreg:$0xe] =	wrdreg s7  }
0x1d4: {  	[dreg:$0x10] =	wrdreg s8  }
0x1d5: {  	s0 =	simm.s32 $0x178A0  }
0x1d6: {  	v6 =	vld [tilespmem:s0+$0x10]  }
0x1d7: {  	v7 =	vld [tilespmem:s0+$0x0]  }
0x1d8: {  	v8 =	vld [tilespmem:s0+$0xFFFFFFF0]  }
0x1d9: {  	v9 =	vld [tilespmem:s0+$0xFFFFFFE0]  }
0x1da: {  	v10 =	vimm.s32 $0x1000;
	v11 =	vimm.s32 $0xFFFFFFFF;
	s31 =	simm.s32 $0x20;
	s1 =	simm.s32 $0x30  }
0x1db: {  	v12 =	vor.u32 s26, v1;
	s2 =	simm.s32 $0x10;
	v5 =	vor.u32 s31, v1;
	v4 =	vor.u32 s1, v1  }
0x1dc: {  	v13 =	vor.u32 s2, v1;
	vm1 =	vlt.f32 v6, $0.0e+00;
	vm3 =	vgt.f32 v6, $0.0e+00  }
0x1dd: {  	vm4 =	vlt.f32 v8, $0.0e+00;
	vm2 =	vlt.f32 v7, $0.0e+00;
	vm5 =	vgt.f32 v7, $0.0e+00  }
0x1de: {  	vm6 =	vlt.f32 v9, $0.0e+00;
	vm7 =	vgt.f32 v9, $0.0e+00;
	vm8 =	vgt.f32 v8, $0.0e+00  }
0x1df: {  	vm6 =	vmor vm7, vm6;
	vm2 =	vmor vm5, vm2;
	vm1 =	vmor vm3, vm1  }
0x1e0: {  	vm3 =	vmor vm8, vm4;
	v6 =	vnsel vm6, $0x1000, v12;
	v9 =	vnsel vm6, $0xFFFFFFFF, v12  }
0x1e1: {  	v7 =	vnsel vm3, $0x1000, v13;
	vm4 =	vlt.s32 v10, v6;
	vm5 =	vgt.s32 v11, v9  }
0x1e2: {  	v8 =	vsel vm4, v10, v6;
	v9 =	vsel vm5, v11, v9;
	v10 =	vnsel vm3, $0xFFFFFFFF, v13  }
0x1e3: {  	s0 =	simm.s32 $0x0;
	s1 =	simm.s32 $0x178E0;
	v6 =	vnsel vm2, $0x1000, v5;
	vm3 =	vlt.s32 v8, v7;
	vm4 =	vgt.s32 v9, v10  }
.LBB2_29:
0x1e4: {  	v11 =	vld [tilespmem:s1+$0x10];
	v7 =	vsel vm3, v8, v7;
	v8 =	vsel vm4, v9, v10;
	v5 =	vnsel vm2, $0xFFFFFFFF, v5  }
0x1e5: {  	v10 =	vnsel vm1, $0x1000, v4;
	v9 =	vld [tilespmem:s1+$0x0];
	vm2 =	vlt.s32 v7, v6;
	vm3 =	vgt.s32 v8, v5  }
0x1e6: {  	v4 =	vnsel vm1, $0xFFFFFFFF, v4;
	v12 =	vld [tilespmem:s1+$0xFFFFFFF0];
	v6 =	vsel vm2, v7, v6;
	v5 =	vsel vm3, v8, v5  }
0x1e7: {  	s0 =	sadd.s32 $0x4, s0;
	s26 =	sadd.s32 $0x40, s26;
	v7 =	vld [tilespmem:s1+$0xFFFFFFE0];
	vm1 =	vlt.s32 v6, v10;
	vm2 =	vgt.s32 v5, v4  }
0x1e8: {  	s2 =	sadd.s32 $0x20, s26;
	s3 =	sadd.s32 $0x30, s26;
	p0 =	slt.u32 s0, $0xFC;
	v6 =	vsel vm1, v6, v10;
	v10 =	vsel vm2, v5, v4  }
0x1e9: {  	s4 =	sadd.s32 $0x10, s26;
	v8 =	vor.u32 s26, v1;
	v5 =	vor.u32 s2, v1;
	v4 =	vor.u32 s3, v1  }
0x1ea: {  	v13 =	vor.u32 s4, v1;
	vm1 =	vlt.f32 v11, $0.0e+00;
	vm3 =	vgt.f32 v11, $0.0e+00  }
0x1eb: {  	vm2 =	vlt.f32 v9, $0.0e+00;
	vm5 =	vgt.f32 v9, $0.0e+00;
	vm4 =	vlt.f32 v12, $0.0e+00  }
0x1ec: {  	vm8 =	vgt.f32 v12, $0.0e+00;
	vm6 =	vlt.f32 v7, $0.0e+00;
	vm7 =	vgt.f32 v7, $0.0e+00  }
.Ltmp19:
0x1ed: {  	vm1 =	vmor vm3, vm1;
	vm2 =	vmor vm5, vm2;
	vm6 =	vmor vm7, vm6;
	(pc) =	sbr.rel @p0 .LBB2_29-.Ltmp19, $4  }
0x1ee: {  	vm3 =	vmor vm8, vm4;
	v9 =	vnsel vm6, $0x1000, v8;
	v11 =	vnsel vm6, $0xFFFFFFFF, v8  }
0x1ef: {  	v7 =	vnsel vm3, $0x1000, v13;
	vm4 =	vlt.s32 v6, v9;
	vm5 =	vgt.s32 v10, v11  }
0x1f0: {  	v8 =	vsel vm4, v6, v9;
	v9 =	vsel vm5, v10, v11;
	v10 =	vnsel vm3, $0xFFFFFFFF, v13  }
0x1f1: {  	s1 =	sadd.s32 $0x40, s1;
	v6 =	vnsel vm2, $0x1000, v5;
	vm3 =	vlt.s32 v8, v7;
	vm4 =	vgt.s32 v9, v10  }
0x1f2: {  	v7 =	vsel vm3, v8, v7;
	v62 =	vsel vm4, v9, v10;
	v5 =	vnsel vm2, $0xFFFFFFFF, v5  }
0x1f3: {  	v63 =	vnsel vm1, $0x1000, v4;
	s0 =	simm.s32 $0x1C8A0;
	vm2 =	vlt.s32 v7, v6;
	vm3 =	vgt.s32 v62, v5  }
0x1f4: {  	v4 =	vnsel vm1, $0xFFFFFFFF, v4;
	[tilespmem:s0+$0xFFFFFFE0] =	vst v0;
	v6 =	vsel vm2, v7, v6;
	v7 =	vsel vm3, v62, v5  }
0x1f5: {  	[tilespmem:s0+$0x10] =	vst v0;
	vm1 =	vlt.s32 v6, v63;
	vm2 =	vgt.s32 v7, v4  }
0x1f6: {  	s1 =	simm.s32 $0x0;
	[tilespmem:s0+$0x0] =	vst v0;
	v5 =	vsel vm1, v6, v63;
	v4 =	vsel vm2, v7, v4  }
.LBB2_31:
0x1f7: {  	s1 =	sadd.s32 $0x4, s1  }
0x1f8: {  	[tilespmem:s0+$0xFFFFFFF0] =	vst v0;
	s0 =	sadd.s32 $0x40, s0;
	p0 =	slt.u32 s1, $0x7C  }
.Ltmp20:
0x1f9: {  	[tilespmem:s0+$0xFFFFFFE0] =	vst v0;
	(pc) =	sbr.rel @p0 .LBB2_31-.Ltmp20, $3  }
0x1fa: {  	_ =	sdelay $0x1  }
0x1fb: {  	[tilespmem:s0+$0x10] =	vst v0  }
0x1fc: {  	[tilespmem:s0+$0x0] =	vst v0  }
0x1fd: {  	v5 =	vxor.u32 $0x80000000, v5  }
0x1fe: {  	v4 =	vxor.u32 $0x80000000, v4;
	(xrf0) =	vmin.scan.msk.u32 $0xffff, v5  }
0x1ff: {  	(xrf0) =	vmax.scan.msk.u32 $0xffff, v4;
	_ =	sdelay $0x4  }
0x200: {  	v4, _, _ =	vpop (xrf0)  }
0x201: {  	(v2sf) =	vpush v4, $0xF;
	v4, _, _ =	vpop (xrf0)  }
0x202: {  	(v2sf) =	vpush v4, $0xF;
	_ =	sdelay $0xd  }
0x203: {  	s31 =	spop (v2sf)  }
0x204: {  	s1 =	spop (v2sf)  }
0x205: {  	s26 =	sxor.u32 $0x80000000, s31;
	s12 =	sxor.u32 $0x80000000, s1  }
0x206: {  	[tilespmem:s0+$0xFFFFFFF0] =	vst v0;
	s0 =	simm.s32 $0xFFFFFFFC;
	s2 =	simm.s32 $0x188A0;
	v4 =	vmov s26;
	s1 =	simm.s32 $0x0;
	v5 =	vmov s12  }
.LBB2_33:
0x207: {  	v6 =	vld [tilespmem:s2+$0xFFFFFFE0];
	_ =	sdelay $0x1  }
0x208: {  	v7 =	vor.u32 s1, v1  }
0x209: {  	vm1 =	vge.s32 v7, v4;
	vm2 =	vle.s32 v7, v5  }
0x20a: {  	vm1 =	vmand vm1, vm2  }
0x20b: {  	v6 =	vnsel vm1, $0xFFFFFFFF, v6  }
0x20c: {  	v7 =	vand.u32 $0x7FF, v6  }
0x20d: {  	(xrf1) =	vunique.msk.u32 $0xffff, v7;
	_ =	sdelay $0xd  }
0x20e: {  	_, v8, vm1 =	vpop (xrf1);
	_ =	sdelay $0x4  }
0x20f: {  	[tilespmem:s2+$0xFFFFFFE0] =	vst v6  }
0x210: {  	[tilespmem:v7+s23+$0x0] =	vst.idx.add.s32.msk vm1, v8  }
0x211: {  	v6 =	vld [tilespmem:s2+$0xFFFFFFF0]  }
0x212: {  	s3 =	sadd.s32 $0x10, s1  }
0x213: {  	v7 =	vor.u32 s3, v1  }
0x214: {  	vm1 =	vge.s32 v7, v4;
	vm2 =	vle.s32 v7, v5  }
0x215: {  	vm1 =	vmand vm1, vm2  }
0x216: {  	v6 =	vnsel vm1, $0xFFFFFFFF, v6  }
0x217: {  	v7 =	vand.u32 $0x7FF, v6  }
0x218: {  	(xrf1) =	vunique.msk.u32 $0xffff, v7;
	_ =	sdelay $0xd  }
0x219: {  	_, v61, vm1 =	vpop (xrf1);
	_ =	sdelay $0x4  }
0x21a: {  	[tilespmem:s2+$0xFFFFFFF0] =	vst v6  }
0x21b: {  	[tilespmem:v7+s23+$0x0] =	vst.idx.add.s32.msk vm1, v61  }
0x21c: {  	v6 =	vld [tilespmem:s2+$0x0]  }
0x21d: {  	s30 =	sadd.s32 $0x20, s1  }
0x21e: {  	v7 =	vor.u32 s30, v1  }
0x21f: {  	vm1 =	vge.s32 v7, v4;
	vm2 =	vle.s32 v7, v5  }
0x220: {  	vm1 =	vmand vm1, vm2  }
0x221: {  	v6 =	vnsel vm1, $0xFFFFFFFF, v6  }
0x222: {  	v7 =	vand.u32 $0x7FF, v6  }
0x223: {  	(xrf1) =	vunique.msk.u32 $0xffff, v7;
	_ =	sdelay $0xd  }
0x224: {  	_, v62, vm1 =	vpop (xrf1);
	_ =	sdelay $0x4  }
0x225: {  	[tilespmem:s2+$0x0] =	vst v6  }
0x226: {  	[tilespmem:v7+s23+$0x0] =	vst.idx.add.s32.msk vm1, v62  }
0x227: {  	v6 =	vld [tilespmem:s2+$0x10]  }
0x228: {  	s31 =	sadd.s32 $0x30, s1  }
0x229: {  	v7 =	vor.u32 s31, v1  }
0x22a: {  	vm1 =	vge.s32 v7, v4;
	vm2 =	vle.s32 v7, v5  }
0x22b: {  	vm1 =	vmand vm1, vm2  }
0x22c: {  	v6 =	vnsel vm1, $0xFFFFFFFF, v6  }
0x22d: {  	v7 =	vand.u32 $0x7FF, v6  }
0x22e: {  	(xrf1) =	vunique.msk.u32 $0xffff, v7;
	_ =	sdelay $0xd  }
0x22f: {  	s0 =	sadd.s32 $0x4, s0;
	_, v63, vm1 =	vpop (xrf1)  }
0x230: {  	p0 =	slt.u32 s0, $0xFC  }
.Ltmp21:
0x231: {  	_ = 	snop;
	(pc) =	sbr.rel @p0 .LBB2_33-.Ltmp21, $3  }
0x232: {  	_ =	sdelay $0x1  }
0x233: {  	[tilespmem:s2+$0x10] =	vst v6  }
0x234: {  	s1 =	sadd.s32 $0x40, s1;
	s2 =	sadd.s32 $0x40, s2;
	[tilespmem:v7+s23+$0x0] =	vst.idx.add.s32.msk vm1, v63  }
.LBB2_34:
0x235: {  	s0 =	sshll.u32 s14, $0x2;
	s1 =	rddreg [dreg:$0x3]  }
0x236: {  	p0 =	seq.s32 s14, $0x1F;
	s0 =	sadd.s32 s1, s0  }
0x237: {  	s1 =	sadd.s32 @!p0 $0x4, s0  }
0x238: {  	s2 =	sshll.u32 @!p0 s1, $0x4  }
0x239: {  	s5 =	rddreg [dreg:$0x0];
	s1 =	sshll.u32 @!p0 s1, $0x9;
	s2 =	sand.u32 @!p0 $0x40, s2  }
0x23a: {  	s3 =	simm.s32 @!p0 $0x400;
	s1 =	sand.u32 @!p0 $0xFFFF000, s1;
	s2 =	sadd.s32 @!p0 s5, s2  }
0x23b: {  	s4 =	simm.s32 @!p0 $0x0;
	s1 =	sadd.s32 @!p0 s1, s2;
	s2 =	simm.s32 @!p0 $0x80  }
0x23c: {  	[tilespmem:s4], [sflag:$0x1] =	stream.strided.gather @!p0 [hbm4b:s1+s2], $0x1000, s3, s2, $0x38;
	[tilespmem:$0x1F600] =	vst v63  }
0x23d: {  	s1 =	sadd.s32 @!p0 $0x5, s0  }
0x23e: {  	s4 =	sshll.u32 @!p0 s1, $0x4  }
0x23f: {  	s1 =	sshll.u32 @!p0 s1, $0x9;
	s4 =	sand.u32 @!p0 $0x50, s4  }
0x240: {  	s1 =	sand.u32 @!p0 $0xFFFF000, s1;
	s4 =	sadd.s32 @!p0 s5, s4  }
0x241: {  	s1 =	sadd.s32 @!p0 s1, s4;
	s4 =	simm.s32 @!p0 $0x7D80  }
0x242: {  	[tilespmem:s4], [sflag:$0x2] =	stream.strided.gather @!p0 [hbm4b:s1+s2], $0x1000, s3, s2, $0x38;
	[tilespmem:$0x1F600] =	vst v63  }
0x243: {  	s1 =	sadd.s32 @!p0 $0x6, s0  }
0x244: {  	s4 =	sshll.u32 @!p0 s1, $0x4  }
0x245: {  	s1 =	sshll.u32 @!p0 s1, $0x9;
	s4 =	sand.u32 @!p0 $0x60, s4  }
0x246: {  	s1 =	sand.u32 @!p0 $0xFFFF000, s1;
	s4 =	sadd.s32 @!p0 s5, s4  }
0x247: {  	s1 =	sadd.s32 @!p0 s1, s4;
	s4 =	simm.s32 @!p0 $0xFB00  }
0x248: {  	[tilespmem:s4], [sflag:$0x3] =	stream.strided.gather @!p0 [hbm4b:s1+s2], $0x1000, s3, s2, $0x38;
	[tilespmem:$0x1F600] =	vst v63  }
0x249: {  	s1 =	sadd.s32 @!p0 $0x7, s0  }
0x24a: {  	s4 =	sshll.u32 @!p0 s1, $0x4  }
0x24b: {  	s1 =	sshll.u32 @!p0 s1, $0x9;
	s4 =	sand.u32 @!p0 $0x70, s4  }
0x24c: {  	s1 =	sand.u32 @!p0 $0xFFFF000, s1;
	s4 =	sadd.s32 @!p0 s5, s4  }
0x24d: {  	s6 =	simm.s32 $0x5010;
	s1 =	sadd.s32 @!p0 s1, s4;
	s4 =	simm.s32 @!p0 $0x17880  }
0x24e: {  	[tilespmem:s4], [sflag:$0x4] =	stream.strided.gather @!p0 [hbm4b:s1+s2], $0x1000, s3, s2, $0x38;
	[tilespmem:$0x1F600] =	vst v63  }
0x24f: {  	s2 =	simm.s32 $0xCD90;
	v4 =	vld [tilespmem:s6+$0xFFFFFFF0]  }
0x250: {  	s31 =	simm.s32 $0x14B10;
	v5 =	vld [tilespmem:s2+$0xFFFFFFF0]  }
0x251: {  	s1 =	simm.s32 $0x1C890;
	v6 =	vld [tilespmem:s31+$0xFFFFFFF0]  }
0x252: {  	v7 =	vld [tilespmem:s1+$0xFFFFFFF0];
	_ =	sdelay $0x1  }
0x253: {  	(xrf0) =	vadd.scan.msk.s32 $0xffff, v4  }
0x254: {  	(xrf0) =	vadd.scan.msk.s32 $0xffff, v5  }
0x255: {  	(xrf0) =	vadd.scan.msk.s32 $0xffff, v6  }
0x256: {  	(xrf0) =	vadd.scan.msk.s32 $0xffff, v7;
	_ =	sdelay $0x1  }
0x257: {  	v8 =	vimm.s32 $0x0  }
0x258: {  	v4 =	vsub.s32 v8, v4;
	v9, _, _ =	vpop (xrf0)  }
0x259: {  	v5 =	vsub.s32 v8, v5;
	v4 =	vadd.s32 v9, v4;
	v10, _, _ =	vpop (xrf0)  }
0x25a: {  	[tilespmem:s6+$0xFFFFFFF0] =	vst v4;
	v4 =	vadd.s32 v10, v5;
	v5 =	vsub.s32 v8, v6;
	v6, _, _ =	vpop (xrf0)  }
0x25b: {  	[tilespmem:s2+$0xFFFFFFF0] =	vst v4;
	v4 =	vadd.s32 v6, v5;
	v5 =	vsub.s32 v8, v7;
	v7, _, _ =	vpop (xrf0)  }
0x25c: {  	p0 =	por $0x0, $0x0;
	[tilespmem:s31+$0xFFFFFFF0] =	vst v4;
	v4 =	vadd.s32 v7, v5  }
0x25d: {  	s7 =	simm.s32 $0x5810;
	[tilespmem:s1+$0xFFFFFFF0] =	vst v4;
	v4 =	vimm.s32 @!p0 $0x0  }
0x25e: {  	s8 =	simm.s32 $0xD590;
	[tilespmem:s7+$0xFFFFFFF0] =	vst @!p0 v4  }
0x25f: {  	s3 =	simm.s32 $0x15310;
	[tilespmem:s8+$0xFFFFFFF0] =	vst @!p0 v4  }
0x260: {  	s4 =	simm.s32 $0x1D090;
	[tilespmem:s3+$0xFFFFFFF0] =	vst @!p0 v4  }
0x261: {  	[tilespmem:s4+$0xFFFFFFF0] =	vst @!p0 v4  }
0x262: {  	v5 =	vld [tilespmem:s6+$0x0]  }
0x263: {  	[dreg:$0x11] =	wrdreg s10;
	v11 =	vld [tilespmem:s2+$0x0]  }
0x264: {  	[dreg:$0x12] =	wrdreg s11;
	v12 =	vld [tilespmem:s31+$0x0]  }
0x265: {  	[dreg:$0xc] =	wrdreg s9;
	v13 =	vld [tilespmem:s1+$0x0]  }
0x266: {  	[dreg:$0x14] =	wrdreg s13  }
0x267: {  	[dreg:$0x15] =	wrdreg s15;
	(xrf0) =	vadd.scan.msk.s32 $0xffff, v5  }
0x268: {  	[dreg:$0x13] =	wrdreg s12;
	(xrf0) =	vadd.scan.msk.s32 $0xffff, v11  }
0x269: {  	s24 =	ssub.s32 s11, s10;
	[dreg:$0xb] =	wrdreg s14;
	(xrf0) =	vadd.scan.msk.s32 $0xffff, v12  }
0x26a: {  	s28 =	ssub.s32 s9, s25;
	s29 =	ssub.s32 s15, s13;
	[dreg:$0x19] =	wrdreg s24;
	v9 =	vperm.xlane v9, v2;
	(xrf0) =	vadd.scan.msk.s32 $0xffff, v13  }
0x26b: {  	s30 =	ssub.s32 s12, s26;
	s13 =	simm.s32 $0x5830;
	[dreg:$0x1a] =	wrdreg s28;
	v10 =	vperm.xlane v10, v2;
	v7 =	vperm.xlane v7, v2  }
0x26c: {  	s11 =	sadd.s32 $0x1, s24;
	s28 =	sadd.s32 $0x1, s28;
	[dreg:$0x1b] =	wrdreg s29;
	v6 =	vperm.xlane v6, v2;
	v9 =	vadd.s32 v8, v9  }
0x26d: {  	s10 =	sadd.s32 $0x1, s29;
	[dreg:$0x18] =	wrdreg s30;
	p1 =	sgt.s32 s11, $0x1;
	v10 =	vadd.s32 v8, v10;
	v5 =	vsub.s32 v9, v5;
	v14, _, _ =	vpop (xrf0)  }
0x26e: {  	s9 =	sadd.s32 $0x1, s30;
	p2 =	sgt.s32 s10, $0x1;
	s11 =	simm.s32 @!p1 $0x1;
	v15 =	vadd.s32 v8, v6;
	v6 =	vsub.s32 v10, v11;
	v5 =	vadd.s32 v14, v5;
	v11, _, _ =	vpop (xrf0)  }
0x26f: {  	p1 =	sgt.s32 s28, $0x1;
	s10 =	simm.s32 @!p2 $0x1;
	[dreg:$0x1c] =	wrdreg s11;
	v8 =	vadd.s32 v8, v7;
	[tilespmem:s6+$0x0] =	vst v5;
	v5 =	vadd.s32 v11, v6;
	v6 =	vsub.s32 v15, v12;
	v7, _, _ =	vpop (xrf0)  }
0x270: {  	s28 =	simm.s32 @!p1 $0x1;
	[dreg:$0x1f] =	wrdreg s10;
	p1 =	sgt.s32 s9, $0x1;
	[tilespmem:s2+$0x0] =	vst v5;
	v5 =	vadd.s32 v7, v6;
	v6 =	vsub.s32 v8, v13;
	v63, _, _ =	vpop (xrf0)  }
0x271: {  	s10 =	simm.s32 $0x5030;
	[dreg:$0x1d] =	wrdreg s28;
	s9 =	simm.s32 @!p1 $0x1;
	[tilespmem:s31+$0x0] =	vst v5;
	v5 =	vadd.s32 v63, v6  }
0x272: {  	s11 =	simm.s32 $0xD5B0;
	[dreg:$0x1e] =	wrdreg s9;
	s0 =	sshrl.u32 s0, $0x3;
	v11 =	vperm.xlane v11, v2;
	v7 =	vperm.xlane v7, v2;
	[tilespmem:s1+$0x0] =	vst v5  }
0x273: {  	[dreg:$0x16] =	wrdreg s0;
	s6 =	simm.s32 $0xCDB0;
	s31 =	sshll.u32 s14, $0x9;
	v6 =	vperm.xlane v14, v2;
	v12 =	vperm.xlane v63, v2;
	[tilespmem:s7+$0x0] =	vst @!p0 v4  }
0x274: {  	s2 =	simm.s32 $0x14B30;
	s14 =	simm.s32 $0x1C8B0;
	s0 =	sand.u32 $0x200, s31;
	v7 =	vadd.s32 v15, v7;
	[tilespmem:s8+$0x0] =	vst @!p0 v4  }
0x275: {  	s1 =	simm.s32 $0x0;
	[dreg:$0x17] =	wrdreg s0;
	s0 =	simm.s32 $0xFFFFFFFE;
	v5 =	vadd.s32 v9, v6;
	v6 =	vadd.s32 v10, v11;
	v8 =	vadd.s32 v8, v12;
	[tilespmem:s3+$0x0] =	vst @!p0 v4  }
.LBB2_35:
0x276: {  	s1 =	sadd.s32 $0x2, s1;
	[tilespmem:s4+$0x0] =	vst @!p0 v4;
	s4 =	sadd.s32 $0x20, s4;
	s3 =	sadd.s32 $0x20, s3  }
0x277: {  	v4 =	vld [tilespmem:s10+$0xFFFFFFF0];
	p1 =	slt.u32 s1, $0x7E  }
0x278: {  	v9 =	vld [tilespmem:s6+$0xFFFFFFF0]  }
0x279: {  	v10 =	vld [tilespmem:s2+$0xFFFFFFF0]  }
0x27a: {  	v11 =	vld [tilespmem:s14+$0xFFFFFFF0];
	_ =	sdelay $0x1  }
0x27b: {  	(xrf0) =	vadd.scan.msk.s32 $0xffff, v4  }
0x27c: {  	(xrf0) =	vadd.scan.msk.s32 $0xffff, v9  }
0x27d: {  	(xrf0) =	vadd.scan.msk.s32 $0xffff, v10  }
0x27e: {  	(xrf0) =	vadd.scan.msk.s32 $0xffff, v11;
	_ =	sdelay $0x2  }
0x27f: {  	v4 =	vsub.s32 v5, v4;
	v12, _, _ =	vpop (xrf0)  }
0x280: {  	v9 =	vsub.s32 v6, v9;
	v4 =	vadd.s32 v12, v4;
	v12 =	vperm.xlane v12, v2;
	v13, _, _ =	vpop (xrf0)  }
0x281: {  	[tilespmem:s10+$0xFFFFFFF0] =	vst v4;
	v4 =	vadd.s32 v13, v9;
	v9 =	vsub.s32 v7, v10;
	v10 =	vperm.xlane v13, v2;
	v13, _, _ =	vpop (xrf0)  }
0x282: {  	[tilespmem:s6+$0xFFFFFFF0] =	vst v4;
	v4 =	vadd.s32 v13, v9;
	v9 =	vsub.s32 v8, v11;
	v11 =	vperm.xlane v13, v2;
	v13, _, _ =	vpop (xrf0)  }
0x283: {  	p0 =	sgt.u32 s1, $0x3F;
	[tilespmem:s2+$0xFFFFFFF0] =	vst v4;
	v4 =	vadd.s32 v13, v9;
	v9 =	vperm.xlane v13, v2  }
0x284: {  	[tilespmem:s14+$0xFFFFFFF0] =	vst v4;
	v4 =	vimm.s32 @!p0 $0x0  }
0x285: {  	[tilespmem:s13+$0xFFFFFFF0] =	vst @!p0 v4  }
0x286: {  	[tilespmem:s11+$0xFFFFFFF0] =	vst @!p0 v4  }
0x287: {  	[tilespmem:s3+$0xFFFFFFF0] =	vst @!p0 v4  }
0x288: {  	[tilespmem:s4+$0xFFFFFFF0] =	vst @!p0 v4  }
0x289: {  	v13 =	vld [tilespmem:s10+$0x0]  }
0x28a: {  	v14 =	vld [tilespmem:s6+$0x0]  }
0x28b: {  	v15 =	vld [tilespmem:s2+$0x0]  }
0x28c: {  	v16 =	vld [tilespmem:s14+$0x0];
	_ =	sdelay $0x1  }
0x28d: {  	(xrf0) =	vadd.scan.msk.s32 $0xffff, v13  }
0x28e: {  	(xrf0) =	vadd.scan.msk.s32 $0xffff, v14  }
0x28f: {  	(xrf0) =	vadd.scan.msk.s32 $0xffff, v15  }
0x290: {  	(xrf0) =	vadd.scan.msk.s32 $0xffff, v16;
	_ =	sdelay $0x1  }
0x291: {  	v5 =	vadd.s32 v5, v12;
	v8 =	vadd.s32 v8, v9  }
0x292: {  	v6 =	vadd.s32 v6, v10;
	v7 =	vadd.s32 v7, v11;
	v9 =	vsub.s32 v5, v13;
	v10, _, _ =	vpop (xrf0)  }
0x293: {  	v11 =	vsub.s32 v6, v14;
	v9 =	vadd.s32 v10, v9;
	v10 =	vperm.xlane v10, v2;
	v12, _, _ =	vpop (xrf0)  }
0x294: {  	[tilespmem:s10+$0x0] =	vst v9;
	v9 =	vadd.s32 v12, v11;
	v11 =	vsub.s32 v7, v15;
	v12 =	vperm.xlane v12, v2;
	v13, _, _ =	vpop (xrf0)  }
0x295: {  	[tilespmem:s6+$0x0] =	vst v9;
	v9 =	vadd.s32 v13, v11;
	v11 =	vsub.s32 v8, v16;
	v13 =	vperm.xlane v13, v2;
	v14, _, _ =	vpop (xrf0)  }
.Ltmp22:
0x296: {  	v5 =	vadd.s32 v5, v10;
	[tilespmem:s2+$0x0] =	vst v9;
	v9 =	vadd.s32 v14, v11;
	v11 =	vperm.xlane v14, v2;
	(pc) =	sbr.rel @p1 .LBB2_35-.Ltmp22, $4  }
0x297: {  	s5 =	simm.s32 $0x18890;
	s7 =	simm.s32 $0x1010;
	v6 =	vadd.s32 v6, v12;
	[tilespmem:s14+$0x0] =	vst v9;
	v7 =	vadd.s32 v7, v13  }
0x298: {  	s8 =	simm.s32 $0x0;
	s9 =	simm.s32 $0x8D90;
	s29 =	simm.s32 $0x10B10;
	[tilespmem:s13+$0x0] =	vst @!p0 v4;
	v8 =	vadd.s32 v8, v11  }
0x299: {  	s10 =	sadd.s32 $0x20, s10;
	s6 =	sadd.s32 $0x20, s6;
	s2 =	sadd.s32 $0x20, s2;
	[tilespmem:s11+$0x0] =	vst @!p0 v4  }
0x29a: {  	s14 =	sadd.s32 $0x20, s14;
	s13 =	sadd.s32 $0x20, s13;
	s11 =	sadd.s32 $0x20, s11;
	[tilespmem:s3+$0x0] =	vst @!p0 v4  }
0x29b: {  	s24 =	simm.s32 $0x4000;
	s15 =	simm.s32 $0x15300;
	s30 =	simm.s32 $0x1D080  }
0x29c: {  	[tilespmem:s4+$0x0] =	vst @!p0 v4;
	s31 =	simm.s32 $0x3000;
	s13 =	simm.s32 $0xAD80;
	s14 =	simm.s32 $0x12B00  }
.LBB2_37:
0x29d: {  	v4 =	vld [tilespmem:s7+$0xFFFFFFF0]  }
0x29e: {  	v5 =	vld [tilespmem:s9+$0xFFFFFFF0]  }
0x29f: {  	v6 =	vld [tilespmem:s29+$0xFFFFFFF0]  }
0x2a0: {  	v7 =	vld [tilespmem:s5+$0xFFFFFFF0];
	_ =	sdelay $0x1  }
0x2a1: {  	v8 =	vand.u32 $0x7FF, v4  }
0x2a2: {  	v9 =	vand.u32 $0x7FF, v5;
	(xrf1) =	vunique.msk.u32 $0xffff, v8  }
0x2a3: {  	v10 =	vand.u32 $0x7FF, v6;
	(xrf1) =	vunique.msk.u32 $0xffff, v9  }
0x2a4: {  	v11 =	vand.u32 $0x7FF, v7;
	(xrf1) =	vunique.msk.u32 $0xffff, v10  }
0x2a5: {  	(xrf1) =	vunique.msk.u32 $0xffff, v11;
	_ =	sdelay $0x6  }
0x2a6: {  	v12 =	vld.idx.msk [tilespmem:v8+s20+$0x0], $0xffff  }
0x2a7: {  	v13 =	vshrl.u32 v4, $0xB;
	v14 =	vld.idx.msk [tilespmem:v9+s21+$0x0], $0xffff  }
0x2a8: {  	v15 =	vshrl.u32 v5, $0xB;
	v13 =	vand.u32 $0x3FF, v13;
	v16 =	vld.idx.msk [tilespmem:v10+s22+$0x0], $0xffff  }
0x2a9: {  	v17 =	vshrl.u32 v6, $0xB;
	v15 =	vand.u32 $0x3FF, v15;
	(xrf1) =	vunique.msk.u32 $0xffff, v13;
	v18 =	vld.idx.msk [tilespmem:v11+s23+$0x0], $0xffff  }
0x2aa: {  	v19 =	vshrl.u32 v7, $0xB;
	v17 =	vand.u32 $0x3FF, v17;
	_, v20, vm1 =	vpop (xrf1);
	(xrf1) =	vunique.msk.u32 $0xffff, v15  }
0x2ab: {  	v19 =	vand.u32 $0x3FF, v19;
	_, v21, vm2 =	vpop (xrf1);
	(xrf1) =	vunique.msk.u32 $0xffff, v17;
	v12 =	vadd.s32 v12, v20  }
0x2ac: {  	_, v22, vm3 =	vpop (xrf1);
	(xrf1) =	vunique.msk.u32 $0xffff, v19;
	v12 =	vadd.s32 $0xFFFFFFFF, v12;
	v14 =	vadd.s32 v14, v21  }
0x2ad: {  	_, v23, vm4 =	vpop (xrf1);
	v14 =	vadd.s32 $0xFFFFFFFF, v14;
	v16 =	vadd.s32 v16, v22  }
0x2ae: {  	v16 =	vadd.s32 $0xFFFFFFFF, v16;
	v18 =	vadd.s32 v18, v23  }
0x2af: {  	v18 =	vadd.s32 $0xFFFFFFFF, v18;
	_ =	sdelay $0x1  }
0x2b0: {  	[tilespmem:v12+s31+$0x0] =	vst.idx.msk $0xffff, v4  }
0x2b1: {  	[tilespmem:v14+s13+$0x0] =	vst.idx.msk $0xffff, v5  }
0x2b2: {  	s2 =	simm.s32 $0x1A880;
	[tilespmem:v16+s14+$0x0] =	vst.idx.msk $0xffff, v6  }
0x2b3: {  	v4 =	vor.u32 s8, v1;
	[tilespmem:v18+s2+$0x0] =	vst.idx.msk $0xffff, v7  }
0x2b4: {  	s3 =	simm.s32 $0xBD80;
	[tilespmem:v12+s24+$0x0] =	vst.idx.msk $0xffff, v4  }
0x2b5: {  	s4 =	simm.s32 $0x13B00;
	[tilespmem:v14+s3+$0x0] =	vst.idx.msk $0xffff, v4  }
0x2b6: {  	s6 =	simm.s32 $0x1B880;
	_, v5, vm5 =	vpop (xrf1);
	[tilespmem:v16+s4+$0x0] =	vst.idx.msk $0xffff, v4  }
0x2b7: {  	_, v6, vm6 =	vpop (xrf1);
	[tilespmem:v18+s6+$0x0] =	vst.idx.msk $0xffff, v4  }
0x2b8: {  	_, v4, vm7 =	vpop (xrf1);
	[tilespmem:v8+s20+$0x0] =	vst.idx.add.s32.msk vm1, v20  }
0x2b9: {  	_, v7, vm1 =	vpop (xrf1);
	[tilespmem:v9+s21+$0x0] =	vst.idx.add.s32.msk vm2, v21  }
0x2ba: {  	[tilespmem:v10+s22+$0x0] =	vst.idx.add.s32.msk vm3, v22  }
0x2bb: {  	s10 =	simm.s32 $0x5800;
	[tilespmem:v11+s23+$0x0] =	vst.idx.add.s32.msk vm4, v23  }
0x2bc: {  	s11 =	simm.s32 $0xD580;
	[tilespmem:v13+s10+$0x0] =	vst.idx.add.s32.msk vm5, v5  }
0x2bd: {  	[tilespmem:v15+s11+$0x0] =	vst.idx.add.s32.msk vm6, v6  }
0x2be: {  	[tilespmem:v17+s15+$0x0] =	vst.idx.add.s32.msk vm7, v4  }
0x2bf: {  	[tilespmem:v19+s30+$0x0] =	vst.idx.add.s32.msk vm1, v7  }
0x2c0: {  	v4 =	vld [tilespmem:s7+$0x0]  }
0x2c1: {  	v5 =	vld [tilespmem:s9+$0x0]  }
0x2c2: {  	v6 =	vld [tilespmem:s29+$0x0]  }
0x2c3: {  	v7 =	vld [tilespmem:s5+$0x0];
	_ =	sdelay $0x1  }
0x2c4: {  	v55 =	vand.u32 $0x7FF, v4  }
0x2c5: {  	v56 =	vand.u32 $0x7FF, v5;
	(xrf1) =	vunique.msk.u32 $0xffff, v55  }
0x2c6: {  	v57 =	vand.u32 $0x7FF, v6;
	(xrf1) =	vunique.msk.u32 $0xffff, v56  }
0x2c7: {  	v58 =	vand.u32 $0x7FF, v7;
	(xrf1) =	vunique.msk.u32 $0xffff, v57  }
0x2c8: {  	(xrf1) =	vunique.msk.u32 $0xffff, v58;
	_ =	sdelay $0x6  }
0x2c9: {  	v12 =	vld.idx.msk [tilespmem:v55+s20+$0x0], $0xffff  }
0x2ca: {  	v59 =	vshrl.u32 v4, $0xB;
	v14 =	vld.idx.msk [tilespmem:v56+s21+$0x0], $0xffff  }
0x2cb: {  	v60 =	vshrl.u32 v5, $0xB;
	v13 =	vand.u32 $0x3FF, v59;
	v16 =	vld.idx.msk [tilespmem:v57+s22+$0x0], $0xffff  }
0x2cc: {  	v61 =	vshrl.u32 v6, $0xB;
	v15 =	vand.u32 $0x3FF, v60;
	(xrf1) =	vunique.msk.u32 $0xffff, v13;
	v18 =	vld.idx.msk [tilespmem:v58+s23+$0x0], $0xffff  }
0x2cd: {  	v62 =	vshrl.u32 v7, $0xB;
	v17 =	vand.u32 $0x3FF, v61;
	_, v63, vm1 =	vpop (xrf1);
	(xrf1) =	vunique.msk.u32 $0xffff, v15  }
0x2ce: {  	v19 =	vand.u32 $0x3FF, v62;
	_, v21, vm2 =	vpop (xrf1);
	(xrf1) =	vunique.msk.u32 $0xffff, v17;
	v12 =	vadd.s32 v12, v63  }
0x2cf: {  	_, v22, vm3 =	vpop (xrf1);
	(xrf1) =	vunique.msk.u32 $0xffff, v19;
	v12 =	vadd.s32 $0xFFFFFFFF, v12;
	v14 =	vadd.s32 v14, v21  }
0x2d0: {  	_, v23, vm4 =	vpop (xrf1);
	v14 =	vadd.s32 $0xFFFFFFFF, v14;
	v16 =	vadd.s32 v16, v22  }
0x2d1: {  	v16 =	vadd.s32 $0xFFFFFFFF, v16;
	v18 =	vadd.s32 v18, v23  }
0x2d2: {  	v18 =	vadd.s32 $0xFFFFFFFF, v18;
	_ =	sdelay $0x1  }
0x2d3: {  	[tilespmem:v12+s31+$0x0] =	vst.idx.msk $0xffff, v4  }
0x2d4: {  	[tilespmem:v14+s13+$0x0] =	vst.idx.msk $0xffff, v5  }
0x2d5: {  	s1 =	sadd.s32 $0x10, s8;
	[tilespmem:v16+s14+$0x0] =	vst.idx.msk $0xffff, v6  }
0x2d6: {  	v4 =	vor.u32 s1, v1;
	[tilespmem:v18+s2+$0x0] =	vst.idx.msk $0xffff, v7  }
0x2d7: {  	[tilespmem:v12+s24+$0x0] =	vst.idx.msk $0xffff, v4  }
0x2d8: {  	[tilespmem:v14+s3+$0x0] =	vst.idx.msk $0xffff, v4  }
0x2d9: {  	_, v5, vm13 =	vpop (xrf1);
	[tilespmem:v16+s4+$0x0] =	vst.idx.msk $0xffff, v4  }
0x2da: {  	_, v6, vm14 =	vpop (xrf1);
	[tilespmem:v18+s6+$0x0] =	vst.idx.msk $0xffff, v4  }
0x2db: {  	_, v4, vm15 =	vpop (xrf1);
	[tilespmem:v55+s20+$0x0] =	vst.idx.add.s32.msk vm1, v63  }
0x2dc: {  	s0 =	sadd.s32 $0x2, s0;
	_, v7, vm1 =	vpop (xrf1);
	[tilespmem:v56+s21+$0x0] =	vst.idx.add.s32.msk vm2, v21  }
0x2dd: {  	p0 =	slt.u32 s0, $0xFE;
	[tilespmem:v57+s22+$0x0] =	vst.idx.add.s32.msk vm3, v22  }
.Ltmp23:
0x2de: {  	s28 =	simm.s32 $0xFFFFFFFE;
	s12 =	simm.s32 $0x5810;
	[tilespmem:v58+s23+$0x0] =	vst.idx.add.s32.msk vm4, v23;
	(pc) =	sbr.rel @p0 .LBB2_37-.Ltmp23, $4  }
0x2df: {  	s8 =	sadd.s32 $0x20, s8;
	s9 =	sadd.s32 $0x20, s9;
	s29 =	sadd.s32 $0x20, s29;
	[tilespmem:v13+s10+$0x0] =	vst.idx.add.s32.msk vm13, v5  }
0x2e0: {  	s5 =	sadd.s32 $0x20, s5;
	s7 =	sadd.s32 $0x20, s7;
	s1 =	simm.s32 $0xCDA0;
	[tilespmem:v15+s11+$0x0] =	vst.idx.add.s32.msk vm14, v6  }
0x2e1: {  	s2 =	simm.s32 $0x14B20;
	s3 =	simm.s32 $0xD590;
	s4 =	simm.s32 $0x1C8A0;
	[tilespmem:v17+s15+$0x0] =	vst.idx.add.s32.msk vm15, v4  }
0x2e2: {  	s6 =	simm.s32 $0x15310;
	s10 =	simm.s32 $0x1D090;
	s11 =	simm.s32 $0x5020;
	v4 =	vimm.s32 $0x0;
	[tilespmem:v19+s30+$0x0] =	vst.idx.add.s32.msk vm1, v7  }
0x2e3: {  	v5 =	vld [tilespmem:s12+$0xFFFFFFF0]  }
0x2e4: {  	v6 =	vld [tilespmem:s3+$0xFFFFFFF0]  }
0x2e5: {  	v7 =	vld [tilespmem:s6+$0xFFFFFFF0]  }
0x2e6: {  	v8 =	vld [tilespmem:s10+$0xFFFFFFF0];
	_ =	sdelay $0x1  }
0x2e7: {  	(xrf0) =	vadd.scan.msk.s32 $0xffff, v5  }
0x2e8: {  	(xrf0) =	vadd.scan.msk.s32 $0xffff, v6  }
0x2e9: {  	(xrf0) =	vadd.scan.msk.s32 $0xffff, v7  }
0x2ea: {  	(xrf0) =	vadd.scan.msk.s32 $0xffff, v8;
	_ =	sdelay $0x2  }
0x2eb: {  	v5 =	vsub.s32 v4, v5;
	v9, _, _ =	vpop (xrf0)  }
0x2ec: {  	v6 =	vsub.s32 v4, v6;
	v5 =	vadd.s32 v9, v5;
	v10, _, _ =	vpop (xrf0)  }
0x2ed: {  	[tilespmem:s12+$0xFFFFFFF0] =	vst v5;
	v5 =	vadd.s32 v10, v6;
	v6 =	vsub.s32 v4, v7;
	v7, _, _ =	vpop (xrf0)  }
0x2ee: {  	[tilespmem:s3+$0xFFFFFFF0] =	vst v5;
	v5 =	vadd.s32 v7, v6;
	v6 =	vsub.s32 v4, v8;
	v8, _, _ =	vpop (xrf0)  }
0x2ef: {  	[tilespmem:s6+$0xFFFFFFF0] =	vst v5;
	v5 =	vadd.s32 v8, v6  }
0x2f0: {  	[tilespmem:s10+$0xFFFFFFF0] =	vst v5  }
0x2f1: {  	[tilespmem:s11+$0xFFFFFFE0] =	vst v0  }
0x2f2: {  	[tilespmem:s1+$0xFFFFFFE0] =	vst v0  }
0x2f3: {  	[tilespmem:s2+$0xFFFFFFE0] =	vst v0  }
0x2f4: {  	[tilespmem:s4+$0xFFFFFFE0] =	vst v0  }
0x2f5: {  	[tilespmem:s11+$0xFFFFFFF0] =	vst v0  }
0x2f6: {  	[tilespmem:s1+$0xFFFFFFF0] =	vst v0  }
0x2f7: {  	[tilespmem:s2+$0xFFFFFFF0] =	vst v0  }
0x2f8: {  	[tilespmem:s4+$0xFFFFFFF0] =	vst v0  }
0x2f9: {  	v5 =	vld [tilespmem:s12+$0x0]  }
0x2fa: {  	v6 =	vld [tilespmem:s3+$0x0]  }
0x2fb: {  	v11 =	vld [tilespmem:s6+$0x0]  }
0x2fc: {  	v12 =	vld [tilespmem:s10+$0x0];
	_ =	sdelay $0x1  }
0x2fd: {  	(xrf0) =	vadd.scan.msk.s32 $0xffff, v5  }
0x2fe: {  	(xrf0) =	vadd.scan.msk.s32 $0xffff, v6  }
0x2ff: {  	v10 =	vperm.xlane v10, v2;
	(xrf0) =	vadd.scan.msk.s32 $0xffff, v11  }
0x300: {  	v9 =	vperm.xlane v9, v2;
	(xrf0) =	vadd.scan.msk.s32 $0xffff, v12  }
0x301: {  	v10 =	vadd.s32 v4, v10  }
0x302: {  	v7 =	vperm.xlane v7, v2;
	v9 =	vadd.s32 v4, v9;
	v6 =	vsub.s32 v10, v6  }
0x303: {  	v8 =	vperm.xlane v8, v2;
	v5 =	vsub.s32 v9, v5;
	v13, _, _ =	vpop (xrf0)  }
0x304: {  	v7 =	vadd.s32 v4, v7;
	v5 =	vadd.s32 v13, v5;
	v14, _, _ =	vpop (xrf0)  }
0x305: {  	v8 =	vadd.s32 v4, v8;
	[tilespmem:s12+$0x0] =	vst v5;
	v4 =	vadd.s32 v14, v6;
	v5 =	vsub.s32 v7, v11;
	v6, _, _ =	vpop (xrf0)  }
0x306: {  	[tilespmem:s3+$0x0] =	vst v4;
	v4 =	vadd.s32 v6, v5;
	v5 =	vsub.s32 v8, v12;
	v62, _, _ =	vpop (xrf0)  }
0x307: {  	[tilespmem:s6+$0x0] =	vst v4;
	v4 =	vadd.s32 v62, v5  }
0x308: {  	[tilespmem:s10+$0x0] =	vst v4  }
0x309: {  	[tilespmem:s11+$0x0] =	vst v0  }
0x30a: {  	[tilespmem:s1+$0x0] =	vst v0  }
0x30b: {  	s5 =	simm.s32 $0x0;
	s29 =	simm.s32 $0xAD90;
	s30 =	simm.s32 $0x3010;
	[tilespmem:s2+$0x0] =	vst v0  }
0x30c: {  	s31 =	simm.s32 $0x4010;
	s0 =	simm.s32 $0x1A890;
	s7 =	simm.s32 $0x1B890;
	v63 =	vperm.xlane v6, v2;
	v5 =	vperm.xlane v13, v2;
	[tilespmem:s4+$0x0] =	vst v0  }
0x30d: {  	s8 =	simm.s32 $0x13B10;
	s9 =	simm.s32 $0xBD90;
	s13 =	simm.s32 $0x14B60;
	v11 =	vperm.xlane v62, v2;
	v4 =	vperm.xlane v14, v2;
	[tilespmem:s11+$0x10] =	vst v0  }
0x30e: {  	s14 =	simm.s32 $0x1C8E0;
	s15 =	simm.s32 $0xD5B0;
	s3 =	simm.s32 $0x12B10;
	v6 =	vadd.s32 v9, v5;
	[tilespmem:s1+$0x10] =	vst v0  }
0x30f: {  	v5 =	vadd.s32 v7, v63;
	v7 =	vadd.s32 v8, v11;
	v4 =	vadd.s32 v10, v4;
	s11 =	simm.s32 $0x5060;
	s1 =	simm.s32 $0xCDE0;
	[tilespmem:s2+$0x10] =	vst v0;
	s2 =	simm.s32 $0x5830  }
.LBB2_39:
0x310: {  	s5 =	sadd.s32 $0x2, s5;
	[tilespmem:s4+$0x10] =	vst v0;
	s10 =	sadd.s32 $0x20, s10;
	s6 =	sadd.s32 $0x20, s6  }
0x311: {  	s12 =	smov.u32 s13;
	s4 =	smov.u32 s14;
	v8 =	vld [tilespmem:s2+$0xFFFFFFF0];
	p0 =	slt.u32 s5, $0x3E  }
0x312: {  	v9 =	vld [tilespmem:s15+$0xFFFFFFF0]  }
0x313: {  	v10 =	vld [tilespmem:s6+$0xFFFFFFF0]  }
0x314: {  	v11 =	vld [tilespmem:s10+$0xFFFFFFF0];
	_ =	sdelay $0x1  }
0x315: {  	(xrf0) =	vadd.scan.msk.s32 $0xffff, v8  }
0x316: {  	(xrf0) =	vadd.scan.msk.s32 $0xffff, v9  }
0x317: {  	(xrf0) =	vadd.scan.msk.s32 $0xffff, v10  }
0x318: {  	(xrf0) =	vadd.scan.msk.s32 $0xffff, v11;
	_ =	sdelay $0x2  }
0x319: {  	v8 =	vsub.s32 v6, v8;
	v12, _, _ =	vpop (xrf0)  }
0x31a: {  	v9 =	vsub.s32 v4, v9;
	v8 =	vadd.s32 v12, v8;
	v12 =	vperm.xlane v12, v2;
	v13, _, _ =	vpop (xrf0)  }
0x31b: {  	[tilespmem:s2+$0xFFFFFFF0] =	vst v8;
	v8 =	vadd.s32 v13, v9;
	v9 =	vsub.s32 v5, v10;
	v10 =	vperm.xlane v13, v2;
	v13, _, _ =	vpop (xrf0)  }
0x31c: {  	[tilespmem:s15+$0xFFFFFFF0] =	vst v8;
	v8 =	vadd.s32 v13, v9;
	v9 =	vsub.s32 v7, v11;
	v11 =	vperm.xlane v13, v2;
	v13, _, _ =	vpop (xrf0)  }
0x31d: {  	[tilespmem:s6+$0xFFFFFFF0] =	vst v8;
	v8 =	vadd.s32 v13, v9;
	v9 =	vperm.xlane v13, v2  }
0x31e: {  	[tilespmem:s10+$0xFFFFFFF0] =	vst v8  }
0x31f: {  	[tilespmem:s11+$0xFFFFFFE0] =	vst v0  }
0x320: {  	[tilespmem:s1+$0xFFFFFFE0] =	vst v0  }
0x321: {  	[tilespmem:s13+$0xFFFFFFE0] =	vst v0  }
0x322: {  	[tilespmem:s14+$0xFFFFFFE0] =	vst v0  }
0x323: {  	[tilespmem:s11+$0xFFFFFFF0] =	vst v0  }
0x324: {  	[tilespmem:s1+$0xFFFFFFF0] =	vst v0  }
0x325: {  	[tilespmem:s13+$0xFFFFFFF0] =	vst v0  }
0x326: {  	[tilespmem:s14+$0xFFFFFFF0] =	vst v0  }
0x327: {  	v8 =	vld [tilespmem:s2+$0x0]  }
0x328: {  	v13 =	vld [tilespmem:s15+$0x0]  }
0x329: {  	v14 =	vld [tilespmem:s6+$0x0]  }
0x32a: {  	v15 =	vld [tilespmem:s10+$0x0];
	_ =	sdelay $0x1  }
0x32b: {  	(xrf0) =	vadd.scan.msk.s32 $0xffff, v8  }
0x32c: {  	(xrf0) =	vadd.scan.msk.s32 $0xffff, v13  }
0x32d: {  	(xrf0) =	vadd.scan.msk.s32 $0xffff, v14  }
0x32e: {  	(xrf0) =	vadd.scan.msk.s32 $0xffff, v15;
	_ =	sdelay $0x1  }
0x32f: {  	v6 =	vadd.s32 v6, v12;
	v7 =	vadd.s32 v7, v9  }
0x330: {  	v4 =	vadd.s32 v4, v10;
	v5 =	vadd.s32 v5, v11;
	v8 =	vsub.s32 v6, v8;
	v9, _, _ =	vpop (xrf0)  }
0x331: {  	v10 =	vsub.s32 v4, v13;
	v8 =	vadd.s32 v9, v8;
	v9 =	vperm.xlane v9, v2;
	v11, _, _ =	vpop (xrf0)  }
0x332: {  	[tilespmem:s2+$0x0] =	vst v8;
	v8 =	vadd.s32 v11, v10;
	v10 =	vsub.s32 v5, v14;
	v11 =	vperm.xlane v11, v2;
	v12, _, _ =	vpop (xrf0)  }
0x333: {  	[tilespmem:s15+$0x0] =	vst v8;
	v8 =	vadd.s32 v12, v10;
	v10 =	vsub.s32 v7, v15;
	v12 =	vperm.xlane v12, v2;
	v13, _, _ =	vpop (xrf0)  }
0x334: {  	[tilespmem:s6+$0x0] =	vst v8;
	v8 =	vadd.s32 v13, v10;
	v10 =	vperm.xlane v13, v2;
	v4 =	vadd.s32 v4, v11  }
0x335: {  	v6 =	vadd.s32 v6, v9;
	[tilespmem:s10+$0x0] =	vst v8;
	v5 =	vadd.s32 v5, v12  }
0x336: {  	[tilespmem:s11+$0x0] =	vst v0;
	v7 =	vadd.s32 v7, v10  }
0x337: {  	[tilespmem:s1+$0x0] =	vst v0  }
.Ltmp24:
0x338: {  	[tilespmem:s13+$0x0] =	vst v0;
	(pc) =	sbr.rel @p0 .LBB2_39-.Ltmp24, $4  }
0x339: {  	[tilespmem:s14+$0x0] =	vst v0  }
0x33a: {  	[tilespmem:s11+$0x10] =	vst v0  }
0x33b: {  	s13 =	sadd.s32 $0x40, s13;
	s14 =	sadd.s32 $0x40, s14;
	[tilespmem:s1+$0x10] =	vst v0;
	s1 =	sadd.s32 $0x40, s1  }
0x33c: {  	s2 =	sadd.s32 $0x20, s2;
	s15 =	sadd.s32 $0x20, s15;
	s11 =	sadd.s32 $0x40, s11;
	[tilespmem:s12+$0x10] =	vst v0  }
0x33d: {  	s10 =	simm.s32 $0x5800  }
0x33e: {  	[tilespmem:s4+$0x10] =	vst v0;
	s11 =	simm.s32 $0xD580;
	s12 =	simm.s32 $0x15300;
	s13 =	simm.s32 $0x1D080  }
.LBB2_41:
0x33f: {  	v4 =	vld [tilespmem:s30+$0xFFFFFFF0]  }
0x340: {  	v5 =	vld [tilespmem:s29+$0xFFFFFFF0]  }
0x341: {  	v6 =	vld [tilespmem:s3+$0xFFFFFFF0]  }
0x342: {  	v7 =	vld [tilespmem:s0+$0xFFFFFFF0];
	_ =	sdelay $0x1  }
0x343: {  	v8 =	vshrl.u32 v4, $0xB  }
0x344: {  	v9 =	vshrl.u32 v5, $0xB;
	v8 =	vand.u32 $0x3FF, v8  }
0x345: {  	v10 =	vshrl.u32 v6, $0xB;
	v9 =	vand.u32 $0x3FF, v9;
	(xrf1) =	vunique.msk.u32 $0xffff, v8  }
0x346: {  	v11 =	vshrl.u32 v7, $0xB;
	v10 =	vand.u32 $0x3FF, v10;
	(xrf1) =	vunique.msk.u32 $0xffff, v9  }
0x347: {  	v11 =	vand.u32 $0x3FF, v11;
	(xrf1) =	vunique.msk.u32 $0xffff, v10  }
0x348: {  	(xrf1) =	vunique.msk.u32 $0xffff, v11;
	_ =	sdelay $0x6  }
0x349: {  	v12 =	vld.idx.msk [tilespmem:v8+s10+$0x0], $0xffff  }
0x34a: {  	v13 =	vld.idx.msk [tilespmem:v9+s11+$0x0], $0xffff  }
0x34b: {  	v14 =	vshrl.u32 v4, $0x15;
	v15 =	vld.idx.msk [tilespmem:v10+s12+$0x0], $0xffff  }
0x34c: {  	v16 =	vshrl.u32 v5, $0x15;
	(xrf1) =	vunique.msk.u32 $0xffff, v14;
	v17 =	vld.idx.msk [tilespmem:v11+s13+$0x0], $0xffff  }
0x34d: {  	v18 =	vshrl.u32 v6, $0x15;
	_, v19, vm1 =	vpop (xrf1);
	(xrf1) =	vunique.msk.u32 $0xffff, v16  }
0x34e: {  	v20 =	vshrl.u32 v7, $0x15;
	_, v21, vm2 =	vpop (xrf1);
	(xrf1) =	vunique.msk.u32 $0xffff, v18;
	v12 =	vadd.s32 v12, v19  }
0x34f: {  	_, v22, vm3 =	vpop (xrf1);
	(xrf1) =	vunique.msk.u32 $0xffff, v20;
	v12 =	vadd.s32 $0xFFFFFFFF, v12;
	v13 =	vadd.s32 v13, v21  }
0x350: {  	_, v24, vm4 =	vpop (xrf1);
	v13 =	vadd.s32 $0xFFFFFFFF, v13;
	v15 =	vadd.s32 v15, v22  }
0x351: {  	v23 =	vld [tilespmem:s31+$0xFFFFFFF0];
	v15 =	vadd.s32 $0xFFFFFFFF, v15;
	v17 =	vadd.s32 v17, v24  }
0x352: {  	v25 =	vld [tilespmem:s9+$0xFFFFFFF0];
	v17 =	vadd.s32 $0xFFFFFFFF, v17  }
0x353: {  	v26 =	vld [tilespmem:s8+$0xFFFFFFF0];
	s1 =	simm.s32 $0x1000  }
0x354: {  	v27 =	vld [tilespmem:s7+$0xFFFFFFF0];
	s2 =	simm.s32 $0x8D80;
	[tilespmem:v12+s1+$0x0] =	vst.idx.msk $0xffff, v4  }
0x355: {  	s4 =	simm.s32 $0x10B00;
	[tilespmem:v13+s2+$0x0] =	vst.idx.msk $0xffff, v5  }
0x356: {  	s5 =	simm.s32 $0x18880;
	[tilespmem:v15+s4+$0x0] =	vst.idx.msk $0xffff, v6  }
0x357: {  	s6 =	simm.s32 $0x2000;
	[tilespmem:v17+s5+$0x0] =	vst.idx.msk $0xffff, v7  }
0x358: {  	s14 =	simm.s32 $0x9D80;
	[tilespmem:v12+s6+$0x0] =	vst.idx.msk $0xffff, v23  }
0x359: {  	s15 =	simm.s32 $0x11B00;
	[tilespmem:v13+s14+$0x0] =	vst.idx.msk $0xffff, v25  }
0x35a: {  	s24 =	simm.s32 $0x19880;
	_, v4, vm5 =	vpop (xrf1);
	[tilespmem:v15+s15+$0x0] =	vst.idx.msk $0xffff, v26  }
0x35b: {  	_, v5, vm6 =	vpop (xrf1);
	[tilespmem:v17+s24+$0x0] =	vst.idx.msk $0xffff, v27  }
0x35c: {  	_, v6, vm7 =	vpop (xrf1);
	[tilespmem:v8+s10+$0x0] =	vst.idx.add.s32.msk vm1, v19  }
0x35d: {  	_, v7, vm1 =	vpop (xrf1);
	[tilespmem:v9+s11+$0x0] =	vst.idx.add.s32.msk vm2, v21  }
0x35e: {  	[tilespmem:v10+s12+$0x0] =	vst.idx.add.s32.msk vm3, v22  }
0x35f: {  	[tilespmem:v11+s13+$0x0] =	vst.idx.add.s32.msk vm4, v24  }
0x360: {  	[tilespmem:v14+s20+$0x0] =	vst.idx.add.s32.msk vm5, v4  }
0x361: {  	[tilespmem:v16+s21+$0x0] =	vst.idx.add.s32.msk vm6, v5  }
0x362: {  	[tilespmem:v18+s22+$0x0] =	vst.idx.add.s32.msk vm7, v6  }
0x363: {  	[tilespmem:v20+s23+$0x0] =	vst.idx.add.s32.msk vm1, v7  }
0x364: {  	v4 =	vld [tilespmem:s30+$0x0]  }
0x365: {  	v5 =	vld [tilespmem:s29+$0x0]  }
0x366: {  	v6 =	vld [tilespmem:s3+$0x0]  }
0x367: {  	v7 =	vld [tilespmem:s0+$0x0];
	_ =	sdelay $0x1  }
0x368: {  	v54 =	vshrl.u32 v4, $0xB  }
0x369: {  	v55 =	vshrl.u32 v5, $0xB;
	v8 =	vand.u32 $0x3FF, v54  }
0x36a: {  	v56 =	vshrl.u32 v6, $0xB;
	v9 =	vand.u32 $0x3FF, v55;
	(xrf1) =	vunique.msk.u32 $0xffff, v8  }
0x36b: {  	v57 =	vshrl.u32 v7, $0xB;
	v10 =	vand.u32 $0x3FF, v56;
	(xrf1) =	vunique.msk.u32 $0xffff, v9  }
0x36c: {  	v11 =	vand.u32 $0x3FF, v57;
	(xrf1) =	vunique.msk.u32 $0xffff, v10  }
0x36d: {  	(xrf1) =	vunique.msk.u32 $0xffff, v11;
	_ =	sdelay $0x6  }
0x36e: {  	v12 =	vld.idx.msk [tilespmem:v8+s10+$0x0], $0xffff  }
0x36f: {  	v13 =	vld.idx.msk [tilespmem:v9+s11+$0x0], $0xffff  }
0x370: {  	v58 =	vshrl.u32 v4, $0x15;
	v15 =	vld.idx.msk [tilespmem:v10+s12+$0x0], $0xffff  }
0x371: {  	v59 =	vshrl.u32 v5, $0x15;
	(xrf1) =	vunique.msk.u32 $0xffff, v58;
	v17 =	vld.idx.msk [tilespmem:v11+s13+$0x0], $0xffff  }
0x372: {  	v60 =	vshrl.u32 v6, $0x15;
	_, v61, vm1 =	vpop (xrf1);
	(xrf1) =	vunique.msk.u32 $0xffff, v59  }
0x373: {  	v62 =	vshrl.u32 v7, $0x15;
	_, v21, vm2 =	vpop (xrf1);
	(xrf1) =	vunique.msk.u32 $0xffff, v60;
	v12 =	vadd.s32 v12, v61  }
0x374: {  	_, v22, vm3 =	vpop (xrf1);
	(xrf1) =	vunique.msk.u32 $0xffff, v62;
	v12 =	vadd.s32 $0xFFFFFFFF, v12;
	v13 =	vadd.s32 v13, v21  }
0x375: {  	_, v63, vm12 =	vpop (xrf1);
	v13 =	vadd.s32 $0xFFFFFFFF, v13;
	v15 =	vadd.s32 v15, v22  }
0x376: {  	v24 =	vld [tilespmem:s31+$0x0];
	v15 =	vadd.s32 $0xFFFFFFFF, v15;
	v17 =	vadd.s32 v17, v63  }
0x377: {  	v25 =	vld [tilespmem:s9+$0x0];
	v17 =	vadd.s32 $0xFFFFFFFF, v17  }
0x378: {  	v26 =	vld [tilespmem:s8+$0x0]  }
0x379: {  	v27 =	vld [tilespmem:s7+$0x0];
	[tilespmem:v12+s1+$0x0] =	vst.idx.msk $0xffff, v4  }
0x37a: {  	[tilespmem:v13+s2+$0x0] =	vst.idx.msk $0xffff, v5  }
0x37b: {  	[tilespmem:v15+s4+$0x0] =	vst.idx.msk $0xffff, v6  }
0x37c: {  	[tilespmem:v17+s5+$0x0] =	vst.idx.msk $0xffff, v7  }
0x37d: {  	[tilespmem:v12+s6+$0x0] =	vst.idx.msk $0xffff, v24  }
0x37e: {  	[tilespmem:v13+s14+$0x0] =	vst.idx.msk $0xffff, v25  }
0x37f: {  	_, v4, vm13 =	vpop (xrf1);
	[tilespmem:v15+s15+$0x0] =	vst.idx.msk $0xffff, v26  }
0x380: {  	_, v5, vm14 =	vpop (xrf1);
	[tilespmem:v17+s24+$0x0] =	vst.idx.msk $0xffff, v27  }
0x381: {  	_, v6, vm15 =	vpop (xrf1);
	[tilespmem:v8+s10+$0x0] =	vst.idx.add.s32.msk vm1, v61  }
0x382: {  	s28 =	sadd.s32 $0x2, s28;
	_, v7, vm1 =	vpop (xrf1);
	[tilespmem:v9+s11+$0x0] =	vst.idx.add.s32.msk vm2, v21  }
0x383: {  	p0 =	slt.u32 s28, $0xFE;
	[tilespmem:v10+s12+$0x0] =	vst.idx.add.s32.msk vm3, v22  }
.Ltmp25:
0x384: {  	s7 =	sadd.s32 $0x20, s7;
	[tilespmem:v11+s13+$0x0] =	vst.idx.add.s32.msk vm12, v63;
	(pc) =	sbr.rel @p0 .LBB2_41-.Ltmp25, $4  }
0x385: {  	s8 =	sadd.s32 $0x20, s8;
	s9 =	sadd.s32 $0x20, s9;
	s31 =	sadd.s32 $0x20, s31;
	[tilespmem:v58+s20+$0x0] =	vst.idx.add.s32.msk vm13, v4  }
0x386: {  	s0 =	sadd.s32 $0x20, s0;
	s3 =	sadd.s32 $0x20, s3;
	s29 =	sadd.s32 $0x20, s29;
	[tilespmem:v59+s21+$0x0] =	vst.idx.add.s32.msk vm14, v5  }
0x387: {  	s30 =	sadd.s32 $0x20, s30;
	s1 =	simm.s32 $0xCD90;
	s2 =	simm.s32 $0x5010;
	[tilespmem:v60+s22+$0x0] =	vst.idx.add.s32.msk vm15, v6  }
0x388: {  	s4 =	simm.s32 $0x1C890;
	s5 =	simm.s32 $0xFFFFFFFE;
	s6 =	simm.s32 $0x14B10;
	v4 =	vimm.s32 $0x0;
	[tilespmem:v62+s23+$0x0] =	vst.idx.add.s32.msk vm1, v7  }
0x389: {  	v5 =	vld [tilespmem:s2+$0xFFFFFFF0]  }
0x38a: {  	v6 =	vld [tilespmem:s1+$0xFFFFFFF0]  }
0x38b: {  	v7 =	vld [tilespmem:s6+$0xFFFFFFF0]  }
0x38c: {  	v8 =	vld [tilespmem:s4+$0xFFFFFFF0];
	_ =	sdelay $0x1  }
0x38d: {  	(xrf0) =	vadd.scan.msk.s32 $0xffff, v5  }
0x38e: {  	(xrf0) =	vadd.scan.msk.s32 $0xffff, v6  }
0x38f: {  	(xrf0) =	vadd.scan.msk.s32 $0xffff, v7  }
0x390: {  	(xrf0) =	vadd.scan.msk.s32 $0xffff, v8;
	_ =	sdelay $0x2  }
0x391: {  	v5 =	vsub.s32 v4, v5;
	v9, _, _ =	vpop (xrf0)  }
0x392: {  	v6 =	vsub.s32 v4, v6;
	v5 =	vadd.s32 v9, v5;
	v10, _, _ =	vpop (xrf0)  }
0x393: {  	[tilespmem:s2+$0xFFFFFFF0] =	vst v5;
	v5 =	vadd.s32 v10, v6;
	v6 =	vsub.s32 v4, v7;
	v7, _, _ =	vpop (xrf0)  }
0x394: {  	[tilespmem:s1+$0xFFFFFFF0] =	vst v5;
	v5 =	vadd.s32 v7, v6;
	v6 =	vsub.s32 v4, v8;
	v8, _, _ =	vpop (xrf0)  }
0x395: {  	[tilespmem:s6+$0xFFFFFFF0] =	vst v5;
	v5 =	vadd.s32 v8, v6  }
0x396: {  	[tilespmem:s4+$0xFFFFFFF0] =	vst v5;
	v5 =	vld [tilespmem:s4+$0x0]  }
0x397: {  	v6 =	vld [tilespmem:s2+$0x0]  }
0x398: {  	v11 =	vld [tilespmem:s1+$0x0]  }
0x399: {  	v12 =	vld [tilespmem:s6+$0x0];
	_ =	sdelay $0x1  }
0x39a: {  	(xrf0) =	vadd.scan.msk.s32 $0xffff, v5  }
0x39b: {  	(xrf0) =	vadd.scan.msk.s32 $0xffff, v6  }
0x39c: {  	(xrf0) =	vadd.scan.msk.s32 $0xffff, v11  }
0x39d: {  	v9 =	vperm.xlane v9, v2;
	v10 =	vperm.xlane v10, v2;
	(xrf0) =	vadd.scan.msk.s32 $0xffff, v12  }
0x39e: {  	v7 =	vperm.xlane v7, v2;
	v8 =	vperm.xlane v8, v2  }
0x39f: {  	v9 =	vadd.s32 v4, v9  }
0x3a0: {  	v10 =	vadd.s32 v4, v10;
	v7 =	vadd.s32 v4, v7;
	v8 =	vadd.s32 v4, v8;
	v13, _, _ =	vpop (xrf0)  }
0x3a1: {  	v14 =	vsub.s32 v8, v5;
	v4 =	vsub.s32 v9, v6;
	v5 =	vsub.s32 v7, v12;
	v6, _, _ =	vpop (xrf0)  }
0x3a2: {  	v11 =	vsub.s32 v10, v11;
	v63 =	vperm.xlane v13, v2;
	v4 =	vadd.s32 v6, v4;
	v15, _, _ =	vpop (xrf0)  }
0x3a3: {  	v6 =	vperm.xlane v6, v2;
	[tilespmem:s2+$0x0] =	vst v4;
	v11 =	vadd.s32 v15, v11;
	v15 =	vperm.xlane v15, v2;
	v16, _, _ =	vpop (xrf0)  }
0x3a4: {  	v4 =	vadd.s32 v8, v63;
	[tilespmem:s1+$0x0] =	vst v11;
	v11 =	vadd.s32 v16, v5;
	v8 =	vperm.xlane v16, v2  }
0x3a5: {  	s0 =	sadd.s32 $0x2, s5;
	s2 =	sadd.s32 $0x20, s2;
	v5 =	vadd.s32 v9, v6;
	v9 =	vadd.s32 v13, v14;
	s1 =	sadd.s32 $0x20, s1;
	[tilespmem:s6+$0x0] =	vst v11;
	v6 =	vadd.s32 v10, v15  }
.LBB2_43:
0x3a6: {  	s0 =	sadd.s32 $0x2, s0;
	[tilespmem:s4+$0x0] =	vst v9;
	v7 =	vadd.s32 v7, v8;
	s4 =	sadd.s32 $0x20, s4;
	s6 =	sadd.s32 $0x20, s6  }
0x3a7: {  	v8 =	vld [tilespmem:s2+$0xFFFFFFF0];
	p0 =	slt.u32 s0, $0x7E  }
0x3a8: {  	v9 =	vld [tilespmem:s1+$0xFFFFFFF0]  }
0x3a9: {  	v10 =	vld [tilespmem:s6+$0xFFFFFFF0]  }
0x3aa: {  	v11 =	vld [tilespmem:s4+$0xFFFFFFF0];
	_ =	sdelay $0x1  }
0x3ab: {  	(xrf0) =	vadd.scan.msk.s32 $0xffff, v8  }
0x3ac: {  	(xrf0) =	vadd.scan.msk.s32 $0xffff, v9  }
0x3ad: {  	(xrf0) =	vadd.scan.msk.s32 $0xffff, v10  }
0x3ae: {  	(xrf0) =	vadd.scan.msk.s32 $0xffff, v11;
	_ =	sdelay $0x2  }
0x3af: {  	v8 =	vsub.s32 v5, v8;
	v12, _, _ =	vpop (xrf0)  }
0x3b0: {  	v9 =	vsub.s32 v6, v9;
	v8 =	vadd.s32 v12, v8;
	v12 =	vperm.xlane v12, v2;
	v13, _, _ =	vpop (xrf0)  }
0x3b1: {  	[tilespmem:s2+$0xFFFFFFF0] =	vst v8;
	v8 =	vadd.s32 v13, v9;
	v9 =	vsub.s32 v7, v10;
	v10 =	vperm.xlane v13, v2;
	v13, _, _ =	vpop (xrf0)  }
0x3b2: {  	[tilespmem:s1+$0xFFFFFFF0] =	vst v8;
	v8 =	vadd.s32 v13, v9;
	v9 =	vsub.s32 v4, v11;
	v11 =	vperm.xlane v13, v2;
	v13, _, _ =	vpop (xrf0)  }
0x3b3: {  	[tilespmem:s6+$0xFFFFFFF0] =	vst v8;
	v8 =	vadd.s32 v13, v9;
	v9 =	vperm.xlane v13, v2  }
0x3b4: {  	[tilespmem:s4+$0xFFFFFFF0] =	vst v8;
	v8 =	vld [tilespmem:s4+$0x0]  }
0x3b5: {  	v13 =	vld [tilespmem:s2+$0x0]  }
0x3b6: {  	v14 =	vld [tilespmem:s1+$0x0]  }
0x3b7: {  	v15 =	vld [tilespmem:s6+$0x0];
	_ =	sdelay $0x1  }
0x3b8: {  	(xrf0) =	vadd.scan.msk.s32 $0xffff, v8  }
0x3b9: {  	(xrf0) =	vadd.scan.msk.s32 $0xffff, v13  }
0x3ba: {  	(xrf0) =	vadd.scan.msk.s32 $0xffff, v14  }
0x3bb: {  	(xrf0) =	vadd.scan.msk.s32 $0xffff, v15;
	_ =	sdelay $0x1  }
0x3bc: {  	v6 =	vadd.s32 v6, v10;
	v4 =	vadd.s32 v4, v9  }
0x3bd: {  	v5 =	vadd.s32 v5, v12;
	v7 =	vadd.s32 v7, v11;
	v9 =	vsub.s32 v4, v8;
	v10, _, _ =	vpop (xrf0)  }
.Ltmp26:
0x3be: {  	v8 =	vsub.s32 v5, v13;
	v11 =	vsub.s32 v7, v15;
	v16 =	vperm.xlane v10, v2;
	v13, _, _ =	vpop (xrf0);
	(pc) =	sbr.rel @p0 .LBB2_43-.Ltmp26, $4  }
0x3bf: {  	v14 =	vsub.s32 v6, v14;
	v8 =	vadd.s32 v13, v8;
	v13 =	vperm.xlane v13, v2;
	v15, _, _ =	vpop (xrf0)  }
0x3c0: {  	[tilespmem:s2+$0x0] =	vst v8;
	v8 =	vadd.s32 v15, v14;
	v14 =	vperm.xlane v15, v2;
	v4 =	vadd.s32 v4, v16;
	v12, _, _ =	vpop (xrf0)  }
0x3c1: {  	[tilespmem:s1+$0x0] =	vst v8;
	v11 =	vadd.s32 v12, v11;
	v8 =	vperm.xlane v12, v2;
	v5 =	vadd.s32 v5, v13  }
0x3c2: {  	v9 =	vadd.s32 v10, v9;
	s2 =	sadd.s32 $0x20, s2;
	s1 =	sadd.s32 $0x20, s1;
	[tilespmem:s6+$0x0] =	vst v11;
	v6 =	vadd.s32 v6, v14  }
0x3c3: {  	s14 =	rddreg [dreg:$0xb]  }
0x3c4: {  	p0 =	seq.s32 s14, $0x0  }
0x3c5: {  	[tilespmem:s4+$0x0] =	vst v9;
	s0 =	simm.s32 @!p0 $0x5  }
0x3c6: {  	_ =	swait.ge @!p0 [sflag:s0], $0x1100  }
0x3c7: {  	[sflag:s0] =	ssyncset.done @!p0 $0x0  }
0x3c8: {  	[sflag:s0] =	ssyncadd.s32 @!p0 $0xFFFFEF00;
	s0 =	simm.s32 @!p0 $0x6  }
0x3c9: {  	_ =	swait.ge @!p0 [sflag:s0], $0x1100  }
0x3ca: {  	[sflag:s0] =	ssyncset.done @!p0 $0x0  }
0x3cb: {  	[sflag:s0] =	ssyncadd.s32 @!p0 $0xFFFFEF00;
	s0 =	simm.s32 @!p0 $0x7  }
0x3cc: {  	_ =	swait.ge @!p0 [sflag:s0], $0x1100  }
0x3cd: {  	[sflag:s0] =	ssyncset.done @!p0 $0x0  }
0x3ce: {  	[sflag:s0] =	ssyncadd.s32 @!p0 $0xFFFFEF00;
	s0 =	simm.s32 @!p0 $0x8  }
0x3cf: {  	_ =	swait.ge @!p0 [sflag:s0], $0x1100  }
0x3d0: {  	[sflag:s0] =	ssyncset.done @!p0 $0x0  }
0x3d1: {  	s2 =	simm.s32 $0x6CA0;
	[sflag:s0] =	ssyncadd.s32 @!p0 $0xFFFFEF00  }
0x3d2: {  	s3 =	simm.s32 $0xEA20;
	[tilespmem:s2+$0xFFFFFFE0] =	vst v3  }
0x3d3: {  	s0 =	simm.s32 $0x167A0;
	[tilespmem:s3+$0xFFFFFFE0] =	vst v3  }
0x3d4: {  	s1 =	simm.s32 $0x1E520;
	[tilespmem:s0+$0xFFFFFFE0] =	vst v3  }
0x3d5: {  	[tilespmem:s1+$0xFFFFFFE0] =	vst v3  }
0x3d6: {  	[tilespmem:s2+$0xFFFFFFF0] =	vst v3  }
0x3d7: {  	[tilespmem:s3+$0xFFFFFFF0] =	vst v3  }
0x3d8: {  	[tilespmem:s0+$0xFFFFFFF0] =	vst v3  }
0x3d9: {  	[tilespmem:s1+$0xFFFFFFF0] =	vst v3  }
0x3da: {  	[tilespmem:s2+$0x0] =	vst v3  }
0x3db: {  	[tilespmem:s3+$0x0] =	vst v3  }
0x3dc: {  	[tilespmem:s0+$0x0] =	vst v3  }
0x3dd: {  	[tilespmem:s1+$0x0] =	vst v3  }
0x3de: {  	[tilespmem:s2+$0x10] =	vst v3  }
0x3df: {  	s4 =	simm.s32 $0x6CE0;
	s10 =	rddreg [dreg:$0x11];
	[tilespmem:s3+$0x10] =	vst v3  }
0x3e0: {  	s11 =	rddreg [dreg:$0x12];
	s2 =	simm.s32 $0x0;
	s3 =	simm.s32 $0xEA60;
	[tilespmem:s0+$0x10] =	vst v3  }
.LBB2_45:
0x3e1: {  	s2 =	sadd.s32 $0x4, s2;
	[tilespmem:s1+$0x10] =	vst v3;
	s1 =	sadd.s32 $0x40, s1;
	s0 =	sadd.s32 $0x40, s0  }
0x3e2: {  	[tilespmem:s4+$0xFFFFFFE0] =	vst v3;
	p0 =	slt.u32 s2, $0x104  }
0x3e3: {  	[tilespmem:s3+$0xFFFFFFE0] =	vst v3  }
0x3e4: {  	[tilespmem:s0+$0xFFFFFFE0] =	vst v3  }
0x3e5: {  	[tilespmem:s1+$0xFFFFFFE0] =	vst v3  }
0x3e6: {  	[tilespmem:s4+$0xFFFFFFF0] =	vst v3  }
0x3e7: {  	[tilespmem:s3+$0xFFFFFFF0] =	vst v3  }
0x3e8: {  	[tilespmem:s0+$0xFFFFFFF0] =	vst v3  }
0x3e9: {  	[tilespmem:s1+$0xFFFFFFF0] =	vst v3  }
0x3ea: {  	[tilespmem:s4+$0x0] =	vst v3  }
0x3eb: {  	[tilespmem:s3+$0x0] =	vst v3  }
.Ltmp27:
0x3ec: {  	[tilespmem:s0+$0x0] =	vst v3;
	(pc) =	sbr.rel @p0 .LBB2_45-.Ltmp27, $4  }
0x3ed: {  	[tilespmem:s1+$0x0] =	vst v3  }
0x3ee: {  	[tilespmem:s4+$0x10] =	vst v3  }
0x3ef: {  	[tilespmem:s3+$0x10] =	vst v3  }
0x3f0: {  	s4 =	sadd.s32 $0x40, s4;
	s3 =	sadd.s32 $0x40, s3;
	[tilespmem:s0+$0x10] =	vst v3  }
0x3f1: {  	[tilespmem:s1+$0x10] =	vst v3  }
0x3f2: {  	[tilespmem:$0x7D00] =	vst v3  }
0x3f3: {  	[tilespmem:$0xFA80] =	vst v3  }
0x3f4: {  	[tilespmem:$0x17800] =	vst v3  }
0x3f5: {  	s0 =	simm.s32 $0x1010;
	[tilespmem:$0x1F580] =	vst v3  }
0x3f6: {  	s13 =	simm.s32 $0x8D90;
	s2 =	rddreg [dreg:$0x1c];
	v4 =	vld [tilespmem:s0+$0xFFFFFFF0]  }
0x3f7: {  	s15 =	simm.s32 $0x10B10;
	s4 =	rddreg [dreg:$0x1d];
	v6 =	vld [tilespmem:s13+$0xFFFFFFF0]  }
0x3f8: {  	s3 =	simm.s32 $0x18890;
	s24 =	rddreg [dreg:$0x1f];
	v5 =	vmov s2;
	v7 =	vld [tilespmem:s15+$0xFFFFFFF0]  }
0x3f9: {  	s30 =	rddreg [dreg:$0x1e];
	v8 =	vmov s4;
	v5 =	vcvt.s32.f32 v5;
	v9 =	vld [tilespmem:s3+$0xFFFFFFF0]  }
0x3fa: {  	v10 =	vmov s24;
	v11 =	vmov s30;
	v8 =	vcvt.s32.f32 v8  }
0x3fb: {  	v10 =	vcvt.s32.f32 v10;
	v5 =	vbroadcast v5, $0x0;
	v12 =	vshrl.u32 v4, $0x15  }
0x3fc: {  	v4 =	vbroadcast v8, $0x0;
	v8 =	vcvt.s32.f32 v11;
	v11 =	vshrl.u32 v6, $0x15;
	(xrf1) =	vunique.msk.u32 $0xffff, v12  }
0x3fd: {  	(erf) = vrcp.f32 v5;
	v5 =	vbroadcast v10, $0x0;
	v10 =	vshrl.u32 v7, $0x15;
	(xrf1) =	vunique.msk.u32 $0xffff, v11  }
0x3fe: {  	(erf) = vrcp.f32 v4;
	v4 =	vbroadcast v8, $0x0;
	v8 =	vshrl.u32 v9, $0x15;
	(xrf1) =	vunique.msk.u32 $0xffff, v10  }
0x3ff: {  	(erf) = vrcp.f32 v5;
	(xrf1) =	vunique.msk.u32 $0xffff, v8  }
0x400: {  	(erf) = vrcp.f32 v4;
	_ =	sdelay $0x5  }
0x401: {  	v7 =	vld.idx.msk [tilespmem:v12+s20+$0x0], $0xffff;
	v4 =	vpop (erf)  }
0x402: {  	v9 =	vld.idx.msk [tilespmem:v11+s21+$0x0], $0xffff;
	v5 =	vpop (erf)  }
0x403: {  	v13 =	vld.idx.msk [tilespmem:v10+s22+$0x0], $0xffff;
	v6 =	vpop (erf)  }
0x404: {  	v15 =	vld.idx.msk [tilespmem:v8+s23+$0x0], $0xffff;
	v14 =	vpop (erf)  }
0x405: {  	v4 =	vmul.f32 $6.500000000e+01, v4;
	_, v16, vm1 =	vpop (xrf1)  }
0x406: {  	v5 =	vmul.f32 $6.500000000e+01, v5;
	v6 =	vmul.f32 $6.500000000e+01, v6;
	v17 =	vadd.s32 v7, v16;
	_, v18, vm2 =	vpop (xrf1)  }
0x407: {  	v7 =	vmul.f32 $6.500000000e+01, v14;
	v50 =	vadd.s32 $0xFFFFFFFF, v17;
	v9 =	vadd.s32 v9, v18;
	_, v51, vm3 =	vpop (xrf1)  }
0x408: {  	v9 =	vadd.s32 $0xFFFFFFFF, v9;
	v13 =	vadd.s32 v13, v51;
	v14 =	vcvt.s32.f32 v50;
	_, v19, vm4 =	vpop (xrf1)  }
0x409: {  	v13 =	vadd.s32 $0xFFFFFFFF, v13;
	v15 =	vadd.s32 v15, v19;
	v9 =	vcvt.s32.f32 v9  }
0x40a: {  	s31 =	simm.s32 $0x2010;
	v15 =	vadd.s32 $0xFFFFFFFF, v15;
	v14 =	vmul.f32 v14, v4;
	v13 =	vcvt.s32.f32 v13  }
0x40b: {  	s5 =	simm.s32 $0x9D90;
	v20 =	vld [tilespmem:s31+$0xFFFFFFF0];
	v9 =	vmul.f32 v9, v5;
	v15 =	vcvt.s32.f32 v15  }
0x40c: {  	s28 =	simm.s32 $0x11B10;
	v21 =	vld [tilespmem:s5+$0xFFFFFFF0];
	v14 =	vadd.f32 $4.999999870e-05, v14;
	v13 =	vmul.f32 v13, v6  }
0x40d: {  	s29 =	simm.s32 $0x19890;
	v22 =	vld [tilespmem:s28+$0xFFFFFFF0];
	v9 =	vadd.f32 $4.999999870e-05, v9;
	v15 =	vmul.f32 v15, v7  }
0x40e: {  	v23 =	vld [tilespmem:s29+$0xFFFFFFF0];
	v13 =	vadd.f32 $4.999999870e-05, v13;
	v14 =	vtrunc.f32 v14  }
0x40f: {  	[tilespmem:v12+s20+$0x0] =	vst.idx.add.s32.msk vm1, v16;
	v52 =	vadd.f32 $4.999999870e-05, v15;
	v14 =	vcvt.f32.s32 v14;
	v9 =	vtrunc.f32 v9  }
0x410: {  	[tilespmem:v11+s21+$0x0] =	vst.idx.add.s32.msk vm2, v18;
	v9 =	vcvt.f32.s32 v9;
	v11 =	vtrunc.f32 v13  }
0x411: {  	[tilespmem:v10+s22+$0x0] =	vst.idx.add.s32.msk vm3, v51;
	vm1 =	vlt.s32 v14, $0x40;
	v10 =	vcvt.f32.s32 v11;
	v11 =	vtrunc.f32 v52  }
0x412: {  	[tilespmem:v8+s23+$0x0] =	vst.idx.add.s32.msk vm4, v19;
	v8 =	vnsel vm1, $0x40, v14;
	vm1 =	vlt.s32 v9, $0x40;
	v11 =	vcvt.f32.s32 v11  }
0x413: {  	v9 =	vnsel vm1, $0x40, v9;
	vm1 =	vlt.s32 v10, $0x40;
	[tilespmem:v20+s16+$0x0] =	vst.idx.msk $0xffff, v8  }
0x414: {  	v8 =	vnsel vm1, $0x40, v10;
	vm1 =	vlt.s32 v11, $0x40;
	[tilespmem:v21+s17+$0x0] =	vst.idx.msk $0xffff, v9  }
0x415: {  	v9 =	vnsel vm1, $0x40, v11;
	[tilespmem:v22+s18+$0x0] =	vst.idx.msk $0xffff, v8  }
0x416: {  	[tilespmem:v23+s19+$0x0] =	vst.idx.msk $0xffff, v9  }
0x417: {  	v8 =	vld [tilespmem:s0+$0x0]  }
0x418: {  	v9 =	vld [tilespmem:s13+$0x0]  }
0x419: {  	v10 =	vld [tilespmem:s15+$0x0]  }
0x41a: {  	v11 =	vld [tilespmem:s3+$0x0];
	_ =	sdelay $0x1  }
0x41b: {  	v53 =	vshrl.u32 v8, $0x15  }
0x41c: {  	v9 =	vshrl.u32 v9, $0x15;
	(xrf1) =	vunique.msk.u32 $0xffff, v53  }
0x41d: {  	v10 =	vshrl.u32 v10, $0x15;
	(xrf1) =	vunique.msk.u32 $0xffff, v9  }
0x41e: {  	v11 =	vshrl.u32 v11, $0x15;
	(xrf1) =	vunique.msk.u32 $0xffff, v10  }
0x41f: {  	(xrf1) =	vunique.msk.u32 $0xffff, v11;
	_ =	sdelay $0x6  }
0x420: {  	v8 =	vld.idx.msk [tilespmem:v53+s20+$0x0], $0xffff  }
0x421: {  	v54 =	vld.idx.msk [tilespmem:v9+s21+$0x0], $0xffff  }
0x422: {  	v55 =	vld.idx.msk [tilespmem:v10+s22+$0x0], $0xffff  }
0x423: {  	v56 =	vld.idx.msk [tilespmem:v11+s23+$0x0], $0xffff  }
0x424: {  	_, v57, vm1 =	vpop (xrf1)  }
0x425: {  	v8 =	vadd.s32 v8, v57;
	_, v58, vm2 =	vpop (xrf1)  }
0x426: {  	v8 =	vadd.s32 $0xFFFFFFFF, v8;
	v13 =	vadd.s32 v54, v58;
	_, v59, vm3 =	vpop (xrf1)  }
0x427: {  	v13 =	vadd.s32 $0xFFFFFFFF, v13;
	v14 =	vadd.s32 v55, v59;
	v8 =	vcvt.s32.f32 v8;
	_, v19, vm4 =	vpop (xrf1)  }
0x428: {  	v14 =	vadd.s32 $0xFFFFFFFF, v14;
	v15 =	vadd.s32 v56, v19;
	v13 =	vcvt.s32.f32 v13  }
0x429: {  	v15 =	vadd.s32 $0xFFFFFFFF, v15;
	v8 =	vmul.f32 v8, v4;
	v14 =	vcvt.s32.f32 v14  }
0x42a: {  	v20 =	vld [tilespmem:s31+$0x0];
	v13 =	vmul.f32 v13, v5;
	v15 =	vcvt.s32.f32 v15  }
0x42b: {  	v21 =	vld [tilespmem:s5+$0x0];
	v60 =	vadd.f32 $4.999999870e-05, v8;
	v14 =	vmul.f32 v14, v6  }
0x42c: {  	v23 =	vld [tilespmem:s28+$0x0];
	v13 =	vadd.f32 $4.999999870e-05, v13;
	v15 =	vmul.f32 v15, v7  }
0x42d: {  	v8 =	vld [tilespmem:s29+$0x0];
	v14 =	vadd.f32 $4.999999870e-05, v14;
	v22 =	vtrunc.f32 v60  }
0x42e: {  	[tilespmem:v53+s20+$0x0] =	vst.idx.add.s32.msk vm1, v57;
	v61 =	vadd.f32 $4.999999870e-05, v15;
	v62 =	vcvt.f32.s32 v22;
	v13 =	vtrunc.f32 v13  }
0x42f: {  	[tilespmem:v9+s21+$0x0] =	vst.idx.add.s32.msk vm2, v58;
	v9 =	vcvt.f32.s32 v13;
	v63 =	vtrunc.f32 v14  }
0x430: {  	[tilespmem:v10+s22+$0x0] =	vst.idx.add.s32.msk vm3, v59;
	vm1 =	vlt.s32 v62, $0x40;
	v10 =	vcvt.f32.s32 v63;
	v12 =	vtrunc.f32 v61  }
0x431: {  	[tilespmem:v11+s23+$0x0] =	vst.idx.add.s32.msk vm4, v19;
	v11 =	vnsel vm1, $0x40, v62;
	vm1 =	vlt.s32 v9, $0x40;
	v12 =	vcvt.f32.s32 v12  }
0x432: {  	s6 =	simm.s32 $0x1030;
	v9 =	vnsel vm1, $0x40, v9;
	vm1 =	vlt.s32 v10, $0x40;
	[tilespmem:v20+s16+$0x0] =	vst.idx.msk $0xffff, v11  }
0x433: {  	s7 =	simm.s32 $0x9DB0;
	s8 =	simm.s32 $0x2030;
	s9 =	simm.s32 $0x188B0;
	v10 =	vnsel vm1, $0x40, v10;
	vm1 =	vlt.s32 v12, $0x40;
	[tilespmem:v21+s17+$0x0] =	vst.idx.msk $0xffff, v9  }
0x434: {  	s4 =	simm.s32 $0x8DB0;
	s0 =	simm.s32 $0x0;
	s3 =	simm.s32 $0x10B30;
	v9 =	vnsel vm1, $0x40, v12;
	[tilespmem:v23+s18+$0x0] =	vst.idx.msk $0xffff, v10  }
.LBB2_47:
0x435: {  	s0 =	sadd.s32 $0x2, s0;
	[tilespmem:v8+s19+$0x0] =	vst.idx.msk $0xffff, v9;
	s29 =	sadd.s32 $0x20, s29;
	s28 =	sadd.s32 $0x20, s28  }
0x436: {  	v8 =	vld [tilespmem:s6+$0xFFFFFFF0];
	p0 =	slt.u32 s0, $0xFE  }
0x437: {  	v9 =	vld [tilespmem:s4+$0xFFFFFFF0]  }
0x438: {  	v10 =	vld [tilespmem:s3+$0xFFFFFFF0]  }
0x439: {  	v11 =	vld [tilespmem:s9+$0xFFFFFFF0];
	_ =	sdelay $0x1  }
0x43a: {  	v8 =	vshrl.u32 v8, $0x15  }
0x43b: {  	v9 =	vshrl.u32 v9, $0x15;
	(xrf1) =	vunique.msk.u32 $0xffff, v8  }
0x43c: {  	v10 =	vshrl.u32 v10, $0x15;
	(xrf1) =	vunique.msk.u32 $0xffff, v9  }
0x43d: {  	v11 =	vshrl.u32 v11, $0x15;
	(xrf1) =	vunique.msk.u32 $0xffff, v10  }
0x43e: {  	(xrf1) =	vunique.msk.u32 $0xffff, v11;
	_ =	sdelay $0x5  }
0x43f: {  	v12 =	vld.idx.msk [tilespmem:v8+s20+$0x0], $0xffff  }
0x440: {  	v13 =	vld.idx.msk [tilespmem:v9+s21+$0x0], $0xffff  }
0x441: {  	v14 =	vld.idx.msk [tilespmem:v10+s22+$0x0], $0xffff  }
0x442: {  	v15 =	vld.idx.msk [tilespmem:v11+s23+$0x0], $0xffff;
	_ =	sdelay $0x1  }
0x443: {  	_, v16, vm4 =	vpop (xrf1)  }
0x444: {  	v12 =	vadd.s32 v12, v16;
	_, v17, vm1 =	vpop (xrf1)  }
0x445: {  	v12 =	vadd.s32 $0xFFFFFFFF, v12;
	v13 =	vadd.s32 v13, v17;
	_, v18, vm2 =	vpop (xrf1)  }
0x446: {  	v13 =	vadd.s32 $0xFFFFFFFF, v13;
	v14 =	vadd.s32 v14, v18;
	v12 =	vcvt.s32.f32 v12;
	_, v19, vm3 =	vpop (xrf1)  }
0x447: {  	v14 =	vadd.s32 $0xFFFFFFFF, v14;
	v15 =	vadd.s32 v15, v19;
	v13 =	vcvt.s32.f32 v13  }
0x448: {  	v15 =	vadd.s32 $0xFFFFFFFF, v15;
	v12 =	vmul.f32 v12, v4;
	v14 =	vcvt.s32.f32 v14  }
0x449: {  	v20 =	vld [tilespmem:s8+$0xFFFFFFF0];
	v13 =	vmul.f32 v13, v5;
	v15 =	vcvt.s32.f32 v15  }
0x44a: {  	v21 =	vld [tilespmem:s7+$0xFFFFFFF0];
	v12 =	vadd.f32 $4.999999870e-05, v12;
	v14 =	vmul.f32 v14, v6  }
0x44b: {  	v22 =	vld [tilespmem:s28+$0xFFFFFFF0];
	v13 =	vadd.f32 $4.999999870e-05, v13;
	v15 =	vmul.f32 v15, v7  }
0x44c: {  	v23 =	vld [tilespmem:s29+$0xFFFFFFF0];
	v14 =	vadd.f32 $4.999999870e-05, v14;
	v12 =	vtrunc.f32 v12  }
0x44d: {  	[tilespmem:v8+s20+$0x0] =	vst.idx.add.s32.msk vm4, v16;
	v8 =	vadd.f32 $4.999999870e-05, v15;
	v12 =	vcvt.f32.s32 v12;
	v13 =	vtrunc.f32 v13  }
0x44e: {  	[tilespmem:v9+s21+$0x0] =	vst.idx.add.s32.msk vm1, v17;
	v9 =	vcvt.f32.s32 v13;
	v13 =	vtrunc.f32 v14  }
0x44f: {  	[tilespmem:v10+s22+$0x0] =	vst.idx.add.s32.msk vm2, v18;
	vm1 =	vlt.s32 v12, $0x40;
	v10 =	vcvt.f32.s32 v13;
	v8 =	vtrunc.f32 v8  }
0x450: {  	[tilespmem:v11+s23+$0x0] =	vst.idx.add.s32.msk vm3, v19;
	v11 =	vnsel vm1, $0x40, v12;
	vm1 =	vlt.s32 v9, $0x40;
	v8 =	vcvt.f32.s32 v8  }
0x451: {  	v9 =	vnsel vm1, $0x40, v9;
	vm1 =	vlt.s32 v10, $0x40;
	[tilespmem:v20+s16+$0x0] =	vst.idx.msk $0xffff, v11  }
0x452: {  	v10 =	vnsel vm1, $0x40, v10;
	vm1 =	vlt.s32 v8, $0x40;
	[tilespmem:v21+s17+$0x0] =	vst.idx.msk $0xffff, v9  }
0x453: {  	v8 =	vnsel vm1, $0x40, v8;
	[tilespmem:v22+s18+$0x0] =	vst.idx.msk $0xffff, v10  }
0x454: {  	[tilespmem:v23+s19+$0x0] =	vst.idx.msk $0xffff, v8  }
0x455: {  	v8 =	vld [tilespmem:s6+$0x0]  }
0x456: {  	v9 =	vld [tilespmem:s4+$0x0]  }
0x457: {  	v10 =	vld [tilespmem:s3+$0x0]  }
0x458: {  	v11 =	vld [tilespmem:s9+$0x0];
	_ =	sdelay $0x1  }
0x459: {  	v12 =	vshrl.u32 v8, $0x15  }
0x45a: {  	v9 =	vshrl.u32 v9, $0x15;
	(xrf1) =	vunique.msk.u32 $0xffff, v12  }
0x45b: {  	v10 =	vshrl.u32 v10, $0x15;
	(xrf1) =	vunique.msk.u32 $0xffff, v9  }
0x45c: {  	v11 =	vshrl.u32 v11, $0x15;
	(xrf1) =	vunique.msk.u32 $0xffff, v10  }
0x45d: {  	(xrf1) =	vunique.msk.u32 $0xffff, v11;
	_ =	sdelay $0x5  }
0x45e: {  	v8 =	vld.idx.msk [tilespmem:v12+s20+$0x0], $0xffff  }
0x45f: {  	v13 =	vld.idx.msk [tilespmem:v9+s21+$0x0], $0xffff  }
0x460: {  	v14 =	vld.idx.msk [tilespmem:v10+s22+$0x0], $0xffff  }
0x461: {  	v15 =	vld.idx.msk [tilespmem:v11+s23+$0x0], $0xffff;
	_ =	sdelay $0x1  }
0x462: {  	_, v16, vm1 =	vpop (xrf1)  }
0x463: {  	v17 =	vadd.s32 v8, v16;
	_, v18, vm2 =	vpop (xrf1)  }
0x464: {  	v8 =	vld [tilespmem:s29+$0x0];
	v17 =	vadd.s32 $0xFFFFFFFF, v17;
	v13 =	vadd.s32 v13, v18;
	_, v19, vm3 =	vpop (xrf1)  }
0x465: {  	v20 =	vld [tilespmem:s28+$0x0];
	v13 =	vadd.s32 $0xFFFFFFFF, v13;
	v14 =	vadd.s32 v14, v19;
	v17 =	vcvt.s32.f32 v17;
	_, v21, vm4 =	vpop (xrf1)  }
0x466: {  	v22 =	vld [tilespmem:s7+$0x0];
	v14 =	vadd.s32 $0xFFFFFFFF, v14;
	v15 =	vadd.s32 v15, v21;
	v13 =	vcvt.s32.f32 v13  }
0x467: {  	v23 =	vld [tilespmem:s8+$0x0];
	v15 =	vadd.s32 $0xFFFFFFFF, v15;
	v17 =	vmul.f32 v17, v4;
	v14 =	vcvt.s32.f32 v14  }
0x468: {  	[tilespmem:v12+s20+$0x0] =	vst.idx.add.s32.msk vm1, v16;
	v12 =	vmul.f32 v13, v5;
	v13 =	vcvt.s32.f32 v15  }
0x469: {  	[tilespmem:v9+s21+$0x0] =	vst.idx.add.s32.msk vm2, v18;
	v9 =	vadd.f32 $4.999999870e-05, v17;
	v14 =	vmul.f32 v14, v6  }
0x46a: {  	[tilespmem:v10+s22+$0x0] =	vst.idx.add.s32.msk vm3, v19;
	v10 =	vadd.f32 $4.999999870e-05, v12;
	v12 =	vmul.f32 v13, v7  }
0x46b: {  	[tilespmem:v11+s23+$0x0] =	vst.idx.add.s32.msk vm4, v21;
	v11 =	vadd.f32 $4.999999870e-05, v14;
	v9 =	vtrunc.f32 v9  }
0x46c: {  	v12 =	vadd.f32 $4.999999870e-05, v12;
	v9 =	vcvt.f32.s32 v9;
	v10 =	vtrunc.f32 v10  }
0x46d: {  	v10 =	vcvt.f32.s32 v10;
	v11 =	vtrunc.f32 v11  }
.Ltmp28:
0x46e: {  	vm1 =	vlt.s32 v9, $0x40;
	v11 =	vcvt.f32.s32 v11;
	v12 =	vtrunc.f32 v12;
	(pc) =	sbr.rel @p0 .LBB2_47-.Ltmp28, $4  }
0x46f: {  	v9 =	vnsel vm1, $0x40, v9;
	vm1 =	vlt.s32 v10, $0x40;
	v12 =	vcvt.f32.s32 v12  }
0x470: {  	v10 =	vnsel vm1, $0x40, v10;
	vm1 =	vlt.s32 v11, $0x40;
	[tilespmem:v23+s16+$0x0] =	vst.idx.msk $0xffff, v9  }
0x471: {  	s6 =	sadd.s32 $0x20, s6;
	s4 =	sadd.s32 $0x20, s4;
	s3 =	sadd.s32 $0x20, s3;
	v11 =	vnsel vm1, $0x40, v11;
	vm1 =	vlt.s32 v12, $0x40;
	[tilespmem:v22+s17+$0x0] =	vst.idx.msk $0xffff, v10  }
0x472: {  	s9 =	sadd.s32 $0x20, s9;
	s7 =	sadd.s32 $0x20, s7;
	s8 =	sadd.s32 $0x20, s8;
	v9 =	vnsel vm1, $0x40, v12;
	[tilespmem:v20+s18+$0x0] =	vst.idx.msk $0xffff, v11  }
0x473: {  	s0 =	rddreg [dreg:$0x19]  }
0x474: {  	s1 =	rddreg [dreg:$0x1a];
	p0 =	sgt.s32 s0, $0x1  }
0x475: {  	s2 =	rddreg [dreg:$0x1b];
	s0 =	simm.s32 @!p0 $0x1;
	p0 =	sgt.s32 s1, $0x1  }
0x476: {  	v4 =	vmov s0;
	s1 =	simm.s32 @!p0 $0x1;
	p0 =	sgt.s32 s2, $0x1;
	s0 =	rddreg [dreg:$0x18]  }
0x477: {  	v4 =	vcvt.s32.f32 v4;
	v5 =	vmov s1;
	s2 =	simm.s32 @!p0 $0x1;
	p0 =	sgt.s32 s0, $0x1  }
0x478: {  	v5 =	vcvt.s32.f32 v5;
	v6 =	vmov s2;
	s0 =	simm.s32 @!p0 $0x1  }
0x479: {  	v4 =	vbroadcast v4, $0x0;
	v6 =	vcvt.s32.f32 v6;
	v7 =	vmov s0  }
0x47a: {  	v5 =	vbroadcast v5, $0x0;
	v7 =	vcvt.s32.f32 v7  }
0x47b: {  	s31 =	rddreg [dreg:$0xf];
	(erf) = vrcp.f32 v4;
	v4 =	vbroadcast v6, $0x0  }
0x47c: {  	p0 =	sgt.u32 s31, $0x80000000;
	s0 =	rddreg [dreg:$0x10];
	(erf) = vrcp.f32 v5;
	v5 =	vbroadcast v7, $0x0  }
0x47d: {  	p1 =	sgt.u32 @!p0 s0, $0x80000000;
	(erf) = vrcp.f32 v4  }
0x47e: {  	s0 =	rddreg [dreg:$0xe];
	p0 =	por p0, p1;
	(erf) = vrcp.f32 v5  }
0x47f: {  	p1 =	sgt.u32 @!p0 s0, $0x80000000  }
0x480: {  	s0 =	rddreg [dreg:$0xd];
	p0 =	por p0, p1  }
0x481: {  	p1 =	slt.u32 @!p0 s0, $0x80000001  }
0x482: {  	p0 =	por p0, !p1  }
.Ltmp29:
0x483: {  	_ = 	snop;
	(pc) =	sbr.rel @p0 .LBB2_52-.Ltmp29, $4  }
0x484: {  	v7 =	vpop (erf)  }
0x485: {  	v6 =	vpop (erf)  }
0x486: {  	v5 =	vpop (erf)  }
0x487: {  	[tilespmem:v8+s19+$0x0] =	vst.idx.msk $0xffff, v9;
	v9 =	vmov s10;
	v8 =	vmov s25;
	s0 =	sadd.s32 $0xFFFFFFFF, s11;
	v4 =	vpop (erf)  }
0x488: {  	s4 =	simm.s32 $0xD991  }
0x489: {  	s3 =	simm.s32 $0x5C11;
	v10 =	vld [tilespmem:s4+$0xFFFFFFF0]  }
0x48a: {  	v11 =	vld [tilespmem:s3+$0xFFFFFFF0]  }
0x48b: {  	v12 =	vld [tilespmem:s3+$0xFFFFFFEF]  }
0x48c: {  	s2 =	simm.s32 $0x15711;
	v13 =	vld [tilespmem:s4+$0xFFFFFFEF]  }
0x48d: {  	s1 =	simm.s32 $0x1D491;
	v14 =	vld [tilespmem:s2+$0xFFFFFFEF]  }
0x48e: {  	v15 =	vld [tilespmem:s1+$0xFFFFFFEF]  }
0x48f: {  	v16 =	vld [tilespmem:s2+$0xFFFFFFF0]  }
0x490: {  	v17 =	vld [tilespmem:s1+$0xFFFFFFF0];
	v12 =	vmul.u32 $0x41, v12  }
0x491: {  	v13 =	vmul.u32 $0x41, v13  }
0x492: {  	v11 =	vadd.s32 v12, v11;
	v12 =	vmul.u32 $0x41, v14  }
0x493: {  	v10 =	vadd.s32 v13, v10;
	v13 =	vmul.u32 $0x41, v15;
	(xrf1) =	vunique.msk.u32 $0xffff, v11  }
0x494: {  	v12 =	vadd.s32 v12, v16;
	(xrf1) =	vunique.msk.u32 $0xffff, v10  }
0x495: {  	v13 =	vadd.s32 v13, v17;
	(xrf1) =	vunique.msk.u32 $0xffff, v12  }
0x496: {  	(xrf1) =	vunique.msk.u32 $0xffff, v13;
	_ =	sdelay $0xa  }
0x497: {  	_, v14, vm1 =	vpop (xrf1)  }
0x498: {  	_, v15, vm2 =	vpop (xrf1)  }
0x499: {  	v14 =	vcvt.s32.f32 v14;
	_, v16, vm3 =	vpop (xrf1)  }
0x49a: {  	v15 =	vcvt.s32.f32 v15;
	_, v17, vm4 =	vpop (xrf1)  }
0x49b: {  	v14 =	vmul.f32 v14, v7;
	v16 =	vcvt.s32.f32 v16  }
0x49c: {  	s7 =	simm.s32 $0x6C80;
	v15 =	vmul.f32 v15, v6;
	v17 =	vcvt.s32.f32 v17  }
0x49d: {  	s8 =	simm.s32 $0xEA00;
	[tilespmem:v11+s7+$0x0] =	vst.idx.add.f32.msk vm1, v14;
	v11 =	vmul.f32 v16, v5  }
0x49e: {  	s9 =	simm.s32 $0x16780;
	[tilespmem:v10+s8+$0x0] =	vst.idx.add.f32.msk vm2, v15;
	v10 =	vmul.f32 v17, v4  }
0x49f: {  	s24 =	simm.s32 $0x1E500;
	[tilespmem:v12+s9+$0x0] =	vst.idx.add.f32.msk vm3, v11  }
0x4a0: {  	[tilespmem:v13+s24+$0x0] =	vst.idx.add.f32.msk vm4, v10  }
0x4a1: {  	v10 =	vld [tilespmem:s4+$0xFFFFFFFF]  }
0x4a2: {  	v11 =	vld [tilespmem:s3+$0x0]  }
0x4a3: {  	v12 =	vld [tilespmem:s3+$0xFFFFFFFF]  }
0x4a4: {  	v13 =	vld [tilespmem:s4+$0x0]  }
0x4a5: {  	v14 =	vld [tilespmem:s2+$0xFFFFFFFF]  }
0x4a6: {  	v15 =	vld [tilespmem:s1+$0xFFFFFFFF]  }
0x4a7: {  	v16 =	vld [tilespmem:s2+$0x0]  }
0x4a8: {  	v17 =	vld [tilespmem:s1+$0x0];
	v12 =	vmul.u32 $0x41, v12  }
0x4a9: {  	v10 =	vmul.u32 $0x41, v10  }
0x4aa: {  	v18 =	vadd.s32 v12, v11;
	v11 =	vmul.u32 $0x41, v14  }
0x4ab: {  	v10 =	vadd.s32 v10, v13;
	v12 =	vmul.u32 $0x41, v15;
	(xrf1) =	vunique.msk.u32 $0xffff, v18  }
0x4ac: {  	v11 =	vadd.s32 v11, v16;
	(xrf1) =	vunique.msk.u32 $0xffff, v10  }
0x4ad: {  	v12 =	vadd.s32 v12, v17;
	(xrf1) =	vunique.msk.u32 $0xffff, v11  }
0x4ae: {  	(xrf1) =	vunique.msk.u32 $0xffff, v12;
	_ =	sdelay $0xa  }
0x4af: {  	_, v13, vm4 =	vpop (xrf1)  }
0x4b0: {  	s10 =	rddreg [dreg:$0x13];
	_, v14, vm2 =	vpop (xrf1)  }
0x4b1: {  	s11 =	rddreg [dreg:$0x14];
	v13 =	vcvt.s32.f32 v13;
	_, v15, vm1 =	vpop (xrf1)  }
0x4b2: {  	s12 =	rddreg [dreg:$0x15];
	v14 =	vcvt.s32.f32 v14;
	v15 =	vcvt.s32.f32 v15;
	_, v16, vm3 =	vpop (xrf1)  }
0x4b3: {  	s13 =	rddreg [dreg:$0x16];
	v13 =	vmul.f32 v13, v7;
	v16 =	vcvt.s32.f32 v16  }
0x4b4: {  	s15 =	rddreg [dreg:$0x17];
	v14 =	vmul.f32 v14, v6  }
0x4b5: {  	s5 =	simm.s32 $0x15731;
	s6 =	simm.s32 $0x1D4B1;
	s1 =	simm.s32 $0x0;
	v15 =	vmul.f32 v15, v5;
	[tilespmem:v18+s7+$0x0] =	vst.idx.add.f32.msk vm4, v13;
	v13 =	vmul.f32 v16, v4  }
.LBB2_50:
0x4b6: {  	s1 =	sadd.s32 $0x2, s1;
	[tilespmem:v10+s8+$0x0] =	vst.idx.add.f32.msk vm2, v14;
	s3 =	sadd.s32 $0x20, s3;
	s4 =	sadd.s32 $0x20, s4  }
0x4b7: {  	p0 =	slt.u32 s1, $0xFC;
	[tilespmem:v11+s9+$0x0] =	vst.idx.add.f32.msk vm1, v15  }
0x4b8: {  	[tilespmem:v12+s24+$0x0] =	vst.idx.add.f32.msk vm3, v13  }
0x4b9: {  	v10 =	vld [tilespmem:s4+$0xFFFFFFF0]  }
0x4ba: {  	v11 =	vld [tilespmem:s3+$0xFFFFFFF0]  }
0x4bb: {  	v12 =	vld [tilespmem:s3+$0xFFFFFFEF]  }
0x4bc: {  	v13 =	vld [tilespmem:s4+$0xFFFFFFEF]  }
0x4bd: {  	v14 =	vld [tilespmem:s5+$0xFFFFFFEF]  }
0x4be: {  	v15 =	vld [tilespmem:s6+$0xFFFFFFEF]  }
0x4bf: {  	v16 =	vld [tilespmem:s5+$0xFFFFFFF0]  }
0x4c0: {  	v17 =	vld [tilespmem:s6+$0xFFFFFFF0];
	v12 =	vmul.u32 $0x41, v12  }
0x4c1: {  	v13 =	vmul.u32 $0x41, v13  }
0x4c2: {  	v11 =	vadd.s32 v12, v11;
	v12 =	vmul.u32 $0x41, v14  }
0x4c3: {  	v10 =	vadd.s32 v13, v10;
	v13 =	vmul.u32 $0x41, v15;
	(xrf1) =	vunique.msk.u32 $0xffff, v11  }
0x4c4: {  	v12 =	vadd.s32 v12, v16;
	(xrf1) =	vunique.msk.u32 $0xffff, v10  }
0x4c5: {  	v13 =	vadd.s32 v13, v17;
	(xrf1) =	vunique.msk.u32 $0xffff, v12  }
0x4c6: {  	(xrf1) =	vunique.msk.u32 $0xffff, v13;
	_ =	sdelay $0xa  }
0x4c7: {  	_, v14, vm1 =	vpop (xrf1)  }
0x4c8: {  	v14 =	vcvt.s32.f32 v14;
	_, v15, vm2 =	vpop (xrf1)  }
0x4c9: {  	v15 =	vcvt.s32.f32 v15;
	_, v16, vm3 =	vpop (xrf1)  }
0x4ca: {  	_, v17, vm4 =	vpop (xrf1)  }
0x4cb: {  	v14 =	vmul.f32 v14, v7;
	v16 =	vcvt.s32.f32 v16  }
0x4cc: {  	v15 =	vmul.f32 v15, v6;
	v17 =	vcvt.s32.f32 v17  }
0x4cd: {  	[tilespmem:v11+s7+$0x0] =	vst.idx.add.f32.msk vm1, v14;
	v11 =	vmul.f32 v16, v5  }
0x4ce: {  	[tilespmem:v10+s8+$0x0] =	vst.idx.add.f32.msk vm2, v15;
	v10 =	vmul.f32 v17, v4  }
0x4cf: {  	[tilespmem:v12+s9+$0x0] =	vst.idx.add.f32.msk vm3, v11  }
0x4d0: {  	[tilespmem:v13+s24+$0x0] =	vst.idx.add.f32.msk vm4, v10  }
0x4d1: {  	v10 =	vld [tilespmem:s4+$0xFFFFFFFF]  }
0x4d2: {  	v11 =	vld [tilespmem:s3+$0x0]  }
0x4d3: {  	v12 =	vld [tilespmem:s3+$0xFFFFFFFF]  }
0x4d4: {  	v13 =	vld [tilespmem:s4+$0x0]  }
0x4d5: {  	v14 =	vld [tilespmem:s5+$0xFFFFFFFF]  }
0x4d6: {  	v15 =	vld [tilespmem:s6+$0xFFFFFFFF];
	v10 =	vmul.u32 $0x41, v10  }
0x4d7: {  	v16 =	vld [tilespmem:s5+$0x0]  }
0x4d8: {  	v17 =	vld [tilespmem:s6+$0x0];
	v12 =	vmul.u32 $0x41, v12;
	_ =	sdelay $0x1  }
0x4d9: {  	v10 =	vadd.s32 v10, v13;
	v18 =	vadd.s32 v12, v11;
	v11 =	vmul.u32 $0x41, v14  }
0x4da: {  	v12 =	vmul.u32 $0x41, v15;
	(xrf1) =	vunique.msk.u32 $0xffff, v18  }
0x4db: {  	v11 =	vadd.s32 v11, v16;
	(xrf1) =	vunique.msk.u32 $0xffff, v10  }
0x4dc: {  	v12 =	vadd.s32 v12, v17;
	(xrf1) =	vunique.msk.u32 $0xffff, v11  }
0x4dd: {  	(xrf1) =	vunique.msk.u32 $0xffff, v12;
	_ =	sdelay $0xa  }
0x4de: {  	_, v13, vm4 =	vpop (xrf1)  }
0x4df: {  	v13 =	vcvt.s32.f32 v13;
	_, v14, vm2 =	vpop (xrf1)  }
.Ltmp30:
0x4e0: {  	v14 =	vcvt.s32.f32 v14;
	_, v15, vm1 =	vpop (xrf1);
	(pc) =	sbr.rel @p0 .LBB2_50-.Ltmp30, $4  }
0x4e1: {  	v15 =	vcvt.s32.f32 v15;
	_, v16, vm3 =	vpop (xrf1)  }
0x4e2: {  	v13 =	vmul.f32 v13, v7;
	v16 =	vcvt.s32.f32 v16  }
0x4e3: {  	v14 =	vmul.f32 v14, v6  }
0x4e4: {  	s5 =	sadd.s32 $0x20, s5;
	s6 =	sadd.s32 $0x20, s6;
	v15 =	vmul.f32 v15, v5;
	[tilespmem:v18+s7+$0x0] =	vst.idx.add.f32.msk vm4, v13;
	v13 =	vmul.f32 v16, v4  }
0x4e5: {  	_ =	sdelay $0x4  }
0x4e6: {  	[tilespmem:v10+s8+$0x0] =	vst.idx.add.f32.msk vm2, v14  }
0x4e7: {  	[tilespmem:v11+s9+$0x0] =	vst.idx.add.f32.msk vm1, v15  }
0x4e8: {  	[tilespmem:v12+s24+$0x0] =	vst.idx.add.f32.msk vm3, v13  }
0x4e9: {  	v10 =	vld [tilespmem:$0x6BE0]  }
0x4ea: {  	v11 =	vld [tilespmem:$0xE960]  }
0x4eb: {  	v12 =	vld [tilespmem:$0x166E0]  }
0x4ec: {  	v13 =	vld [tilespmem:$0x1E460]  }
0x4ed: {  	v14 =	vld [tilespmem:$0x6BE1]  }
0x4ee: {  	v15 =	vld [tilespmem:$0xE961]  }
0x4ef: {  	v16 =	vld [tilespmem:$0x166E1]  }
0x4f0: {  	v17 =	vld [tilespmem:$0x1E461];
	v10 =	vmul.u32 $0x41, v10  }
0x4f1: {  	v11 =	vmul.u32 $0x41, v11  }
0x4f2: {  	v12 =	vmul.u32 $0x41, v12;
	v10 =	vadd.s32 v10, v14  }
0x4f3: {  	v13 =	vmul.u32 $0x41, v13;
	v11 =	vadd.s32 v11, v15;
	(xrf1) =	vunique.msk.u32 $0xffff, v10  }
0x4f4: {  	v12 =	vadd.s32 v12, v16;
	(xrf1) =	vunique.msk.u32 $0xffff, v11  }
0x4f5: {  	v13 =	vadd.s32 v13, v17;
	(xrf1) =	vunique.msk.u32 $0xffff, v12  }
0x4f6: {  	(xrf1) =	vunique.msk.u32 $0xffff, v13;
	_ =	sdelay $0xa  }
0x4f7: {  	_, v43, vm1 =	vpop (xrf1)  }
0x4f8: {  	_, v44, vm2 =	vpop (xrf1)  }
0x4f9: {  	v14 =	vcvt.s32.f32 v43;
	_, v45, vm3 =	vpop (xrf1)  }
0x4fa: {  	v15 =	vcvt.s32.f32 v44;
	_, v46, vm4 =	vpop (xrf1)  }
0x4fb: {  	v14 =	vmul.f32 v14, v7;
	v16 =	vcvt.s32.f32 v45  }
0x4fc: {  	v15 =	vmul.f32 v15, v6;
	v17 =	vcvt.s32.f32 v46  }
0x4fd: {  	v47 =	vmul.f32 v16, v5;
	[tilespmem:v10+s7+$0x0] =	vst.idx.add.f32.msk vm1, v14  }
0x4fe: {  	v48 =	vmul.f32 v17, v4;
	[tilespmem:v11+s8+$0x0] =	vst.idx.add.f32.msk vm2, v15  }
0x4ff: {  	[tilespmem:v12+s9+$0x0] =	vst.idx.add.f32.msk vm3, v47  }
0x500: {  	[tilespmem:v13+s24+$0x0] =	vst.idx.add.f32.msk vm4, v48  }
0x501: {  	v10 =	vld [tilespmem:$0x6BF0];
	_ =	sdelay $0x1  }
0x502: {  	v11 =	vld [tilespmem:$0x6BF1];
	_ =	sdelay $0x1  }
0x503: {  	v49 =	vadd.s32 $0xFF1, v1  }
0x504: {  	v50 =	vmov s0;
	v51 =	vadd.s32 $0xFEF, v1;
	v10 =	vmul.u32 $0x41, v10  }
0x505: {  	vm1 =	vlt.s32 v9, v49;
	vm2 =	vgt.s32 v50, v51  }
0x506: {  	vm1 =	vmand vm1, vm2;
	v52 =	vadd.s32 v11, v10  }
0x507: {  	(xrf1) =	vunique.msk.u32 vm1, v52;
	_ =	sdelay $0xd  }
0x508: {  	_, v53, vm2 =	vpop (xrf1)  }
0x509: {  	vm1 =	vmand vm1, vm2;
	_ =	sdelay $0x1  }
0x50a: {  	v10 =	vcvt.s32.f32 v53;
	_ =	sdelay $0x1  }
0x50b: {  	v54 =	vmul.f32 v10, v7;
	_ =	sdelay $0x1  }
0x50c: {  	[tilespmem:v52+s7+$0x0] =	vst.idx.add.f32.msk vm1, v54  }
0x50d: {  	v7 =	vld [tilespmem:$0xE970];
	_ =	sdelay $0x1  }
0x50e: {  	v9 =	vld [tilespmem:$0xE971]  }
0x50f: {  	s29 =	rddreg [dreg:$0xc]  }
0x510: {  	s0 =	sadd.s32 $0xFFFFFFFF, s29  }
0x511: {  	v55 =	vmov s0;
	v7 =	vmul.u32 $0x41, v7  }
0x512: {  	vm2 =	vgt.s32 v55, v51;
	vm1 =	vlt.s32 v8, v49  }
0x513: {  	vm1 =	vmand vm1, vm2;
	v7 =	vadd.s32 v9, v7  }
0x514: {  	(xrf1) =	vunique.msk.u32 vm1, v7;
	_ =	sdelay $0xd  }
0x515: {  	_, v56, vm2 =	vpop (xrf1)  }
0x516: {  	vm1 =	vmand vm1, vm2;
	_ =	sdelay $0x1  }
0x517: {  	v8 =	vcvt.s32.f32 v56;
	_ =	sdelay $0x1  }
0x518: {  	v57 =	vmul.f32 v8, v6;
	_ =	sdelay $0x1  }
0x519: {  	[tilespmem:v7+s8+$0x0] =	vst.idx.add.f32.msk vm1, v57  }
0x51a: {  	v6 =	vld [tilespmem:$0x166F0];
	_ =	sdelay $0x1  }
0x51b: {  	v7 =	vld [tilespmem:$0x166F1];
	_ =	sdelay $0x1  }
0x51c: {  	s30 =	sadd.s32 $0xFFFFFFFF, s12  }
0x51d: {  	v58 =	vmov s11;
	v59 =	vmov s30;
	v6 =	vmul.u32 $0x41, v6  }
0x51e: {  	vm2 =	vgt.s32 v59, v51;
	vm1 =	vlt.s32 v58, v49  }
0x51f: {  	vm1 =	vmand vm1, vm2;
	v6 =	vadd.s32 v7, v6  }
0x520: {  	(xrf1) =	vunique.msk.u32 vm1, v6;
	_ =	sdelay $0xd  }
0x521: {  	_, v60, vm2 =	vpop (xrf1)  }
0x522: {  	vm1 =	vmand vm1, vm2;
	_ =	sdelay $0x1  }
0x523: {  	v7 =	vcvt.s32.f32 v60;
	_ =	sdelay $0x1  }
0x524: {  	v5 =	vmul.f32 v7, v5;
	_ =	sdelay $0x1  }
0x525: {  	[tilespmem:v6+s9+$0x0] =	vst.idx.add.f32.msk vm1, v5  }
0x526: {  	v5 =	vld [tilespmem:$0x1E470];
	_ =	sdelay $0x1  }
0x527: {  	v6 =	vld [tilespmem:$0x1E471];
	_ =	sdelay $0x1  }
0x528: {  	s31 =	sadd.s32 $0xFFFFFFFF, s10  }
0x529: {  	v61 =	vmov s26;
	v62 =	vmov s31;
	v5 =	vmul.u32 $0x41, v5  }
0x52a: {  	vm2 =	vgt.s32 v62, v51;
	vm1 =	vlt.s32 v61, v49  }
0x52b: {  	vm1 =	vmand vm1, vm2;
	v5 =	vadd.s32 v6, v5  }
0x52c: {  	(xrf1) =	vunique.msk.u32 vm1, v5;
	_ =	sdelay $0xd  }
0x52d: {  	_, v63, vm2 =	vpop (xrf1)  }
0x52e: {  	vm1 =	vmand vm1, vm2;
	_ =	sdelay $0x1  }
.Ltmp31:
0x52f: {  	v6 =	vcvt.s32.f32 v63;
	(pc) =	sbr.rel .LBB2_54-.Ltmp31, $3  }
0x530: {  	_ = 	snop  }
0x531: {  	v4 =	vmul.f32 v6, v4;
	_ =	sdelay $0x1  }
0x532: {  	[tilespmem:v5+s24+$0x0] =	vst.idx.add.f32.msk vm1, v4  }
.LBB2_52:
0x533: {  	s1 =	rddreg [dreg:$0xc]  }
0x534: {  	s2 =	rddreg [dreg:$0x15]  }
0x535: {  	s30 =	rddreg [dreg:$0x13]  }
0x536: {  	s31 =	rddreg [dreg:$0x14]  }
0x537: {  	v10 =	vmov s0;
	s0 =	simm.s32 $0xFFFFFFFE;
	s5 =	simm.s32 $0x1D491;
	s7 =	simm.s32 $0x6C80  }
0x538: {  	s8 =	simm.s32 $0xEA00;
	s9 =	simm.s32 $0x16780;
	s13 =	rddreg [dreg:$0x16]  }
0x539: {  	s15 =	rddreg [dreg:$0x17];
	s24 =	simm.s32 $0x1E500;
	s1 =	sadd.s32 $0xFFFFFFFF, s1  }
0x53a: {  	v14 =	vmov s26;
	s3 =	sadd.s32 $0xFFFFFFFF, s2;
	s4 =	sadd.s32 $0xFFFFFFFF, s30;
	v12 =	vmov s31;
	s2 =	simm.s32 $0x5C11  }
0x53b: {  	v11 =	vmov s1;
	s1 =	simm.s32 $0x0;
	v13 =	vmov s3;
	v15 =	vmov s4;
	s3 =	simm.s32 $0xD991;
	s4 =	simm.s32 $0x15711  }
.LBB2_53:
0x53c: {  	v16 =	vld [tilespmem:s2+$0xFFFFFFEF];
	_ =	sdelay $0x1  }
0x53d: {  	v17 =	vld [tilespmem:s2+$0xFFFFFFF0];
	_ =	sdelay $0x2  }
0x53e: {  	v18 =	vor.u32 s1, v1;
	v16 =	vmul.u32 $0x41, v16  }
0x53f: {  	vm1 =	vge.s32 v18, v9;
	vm2 =	vle.s32 v18, v10  }
0x540: {  	vm1 =	vmand vm1, vm2;
	v16 =	vadd.s32 v17, v16  }
0x541: {  	(xrf1) =	vunique.msk.u32 vm1, v16;
	_ =	sdelay $0xd  }
0x542: {  	_, v17, vm2 =	vpop (xrf1)  }
0x543: {  	vm1 =	vmand vm1, vm2;
	_ =	sdelay $0x1  }
0x544: {  	v17 =	vcvt.s32.f32 v17;
	_ =	sdelay $0x1  }
0x545: {  	v17 =	vmul.f32 v17, v7;
	_ =	sdelay $0x1  }
0x546: {  	[tilespmem:v16+s7+$0x0] =	vst.idx.add.f32.msk vm1, v17  }
0x547: {  	v16 =	vld [tilespmem:s3+$0xFFFFFFEF];
	_ =	sdelay $0x1  }
0x548: {  	v17 =	vld [tilespmem:s3+$0xFFFFFFF0];
	_ =	sdelay $0x2  }
0x549: {  	v16 =	vmul.u32 $0x41, v16  }
0x54a: {  	vm2 =	vle.s32 v18, v11;
	vm1 =	vge.s32 v18, v8  }
0x54b: {  	vm1 =	vmand vm1, vm2;
	v16 =	vadd.s32 v17, v16  }
0x54c: {  	(xrf1) =	vunique.msk.u32 vm1, v16;
	_ =	sdelay $0xd  }
0x54d: {  	_, v17, vm2 =	vpop (xrf1)  }
0x54e: {  	vm1 =	vmand vm1, vm2;
	_ =	sdelay $0x1  }
0x54f: {  	v17 =	vcvt.s32.f32 v17;
	_ =	sdelay $0x1  }
0x550: {  	v17 =	vmul.f32 v17, v6;
	_ =	sdelay $0x1  }
0x551: {  	[tilespmem:v16+s8+$0x0] =	vst.idx.add.f32.msk vm1, v17  }
0x552: {  	v16 =	vld [tilespmem:s4+$0xFFFFFFEF];
	_ =	sdelay $0x1  }
0x553: {  	v17 =	vld [tilespmem:s4+$0xFFFFFFF0];
	_ =	sdelay $0x2  }
0x554: {  	v16 =	vmul.u32 $0x41, v16  }
0x555: {  	vm2 =	vle.s32 v18, v13;
	vm1 =	vge.s32 v18, v12  }
0x556: {  	vm1 =	vmand vm1, vm2;
	v16 =	vadd.s32 v17, v16  }
0x557: {  	(xrf1) =	vunique.msk.u32 vm1, v16;
	_ =	sdelay $0xd  }
0x558: {  	_, v17, vm2 =	vpop (xrf1)  }
0x559: {  	vm1 =	vmand vm1, vm2;
	_ =	sdelay $0x1  }
0x55a: {  	v17 =	vcvt.s32.f32 v17;
	_ =	sdelay $0x1  }
0x55b: {  	v17 =	vmul.f32 v17, v5;
	_ =	sdelay $0x1  }
0x55c: {  	[tilespmem:v16+s9+$0x0] =	vst.idx.add.f32.msk vm1, v17  }
0x55d: {  	v16 =	vld [tilespmem:s5+$0xFFFFFFEF];
	_ =	sdelay $0x1  }
0x55e: {  	v17 =	vld [tilespmem:s5+$0xFFFFFFF0];
	_ =	sdelay $0x2  }
0x55f: {  	v16 =	vmul.u32 $0x41, v16  }
0x560: {  	vm2 =	vle.s32 v18, v15;
	vm1 =	vge.s32 v18, v14  }
0x561: {  	vm1 =	vmand vm1, vm2;
	v16 =	vadd.s32 v17, v16  }
0x562: {  	(xrf1) =	vunique.msk.u32 vm1, v16;
	_ =	sdelay $0xd  }
0x563: {  	_, v17, vm2 =	vpop (xrf1)  }
0x564: {  	vm1 =	vmand vm1, vm2;
	_ =	sdelay $0x1  }
0x565: {  	v17 =	vcvt.s32.f32 v17;
	_ =	sdelay $0x1  }
0x566: {  	v17 =	vmul.f32 v17, v4;
	_ =	sdelay $0x1  }
0x567: {  	[tilespmem:v16+s24+$0x0] =	vst.idx.add.f32.msk vm1, v17  }
0x568: {  	v16 =	vld [tilespmem:s2+$0xFFFFFFFF];
	_ =	sdelay $0x1  }
0x569: {  	v17 =	vld [tilespmem:s2+$0x0];
	_ =	sdelay $0x1  }
0x56a: {  	s6 =	sadd.s32 $0x10, s1  }
0x56b: {  	v63 =	vor.u32 s6, v1;
	v16 =	vmul.u32 $0x41, v16  }
0x56c: {  	vm2 =	vle.s32 v63, v10;
	vm1 =	vge.s32 v63, v9  }
0x56d: {  	vm1 =	vmand vm1, vm2;
	v16 =	vadd.s32 v17, v16  }
0x56e: {  	(xrf1) =	vunique.msk.u32 vm1, v16;
	_ =	sdelay $0xd  }
0x56f: {  	_, v17, vm2 =	vpop (xrf1)  }
0x570: {  	vm1 =	vmand vm1, vm2;
	_ =	sdelay $0x1  }
0x571: {  	v17 =	vcvt.s32.f32 v17;
	_ =	sdelay $0x1  }
0x572: {  	v17 =	vmul.f32 v17, v7;
	_ =	sdelay $0x1  }
0x573: {  	[tilespmem:v16+s7+$0x0] =	vst.idx.add.f32.msk vm1, v17  }
0x574: {  	v16 =	vld [tilespmem:s3+$0xFFFFFFFF];
	_ =	sdelay $0x1  }
0x575: {  	v17 =	vld [tilespmem:s3+$0x0];
	_ =	sdelay $0x2  }
0x576: {  	v16 =	vmul.u32 $0x41, v16  }
0x577: {  	vm2 =	vle.s32 v63, v11;
	vm1 =	vge.s32 v63, v8  }
0x578: {  	vm1 =	vmand vm1, vm2;
	v16 =	vadd.s32 v17, v16  }
0x579: {  	(xrf1) =	vunique.msk.u32 vm1, v16;
	_ =	sdelay $0xd  }
0x57a: {  	_, v17, vm2 =	vpop (xrf1)  }
0x57b: {  	vm1 =	vmand vm1, vm2;
	_ =	sdelay $0x1  }
0x57c: {  	v17 =	vcvt.s32.f32 v17;
	_ =	sdelay $0x1  }
0x57d: {  	v17 =	vmul.f32 v17, v6;
	_ =	sdelay $0x1  }
0x57e: {  	[tilespmem:v16+s8+$0x0] =	vst.idx.add.f32.msk vm1, v17  }
0x57f: {  	v16 =	vld [tilespmem:s4+$0xFFFFFFFF];
	_ =	sdelay $0x1  }
0x580: {  	v17 =	vld [tilespmem:s4+$0x0];
	_ =	sdelay $0x2  }
0x581: {  	v16 =	vmul.u32 $0x41, v16  }
0x582: {  	vm2 =	vle.s32 v63, v13;
	vm1 =	vge.s32 v63, v12  }
0x583: {  	vm1 =	vmand vm1, vm2;
	v16 =	vadd.s32 v17, v16  }
0x584: {  	(xrf1) =	vunique.msk.u32 vm1, v16;
	_ =	sdelay $0xd  }
0x585: {  	_, v17, vm2 =	vpop (xrf1)  }
0x586: {  	vm1 =	vmand vm1, vm2;
	_ =	sdelay $0x1  }
0x587: {  	v17 =	vcvt.s32.f32 v17;
	_ =	sdelay $0x1  }
0x588: {  	v17 =	vmul.f32 v17, v5;
	_ =	sdelay $0x1  }
0x589: {  	[tilespmem:v16+s9+$0x0] =	vst.idx.add.f32.msk vm1, v17  }
0x58a: {  	v16 =	vld [tilespmem:s5+$0xFFFFFFFF];
	_ =	sdelay $0x1  }
0x58b: {  	v17 =	vld [tilespmem:s5+$0x0];
	_ =	sdelay $0x2  }
0x58c: {  	v16 =	vmul.u32 $0x41, v16  }
0x58d: {  	vm2 =	vle.s32 v63, v15;
	vm1 =	vge.s32 v63, v14  }
0x58e: {  	vm1 =	vmand vm1, vm2;
	v16 =	vadd.s32 v17, v16  }
0x58f: {  	(xrf1) =	vunique.msk.u32 vm1, v16;
	_ =	sdelay $0xd  }
0x590: {  	_, v17, vm2 =	vpop (xrf1)  }
0x591: {  	s0 =	sadd.s32 $0x2, s0;
	vm1 =	vmand vm1, vm2  }
0x592: {  	p0 =	slt.u32 s0, $0xFE  }
.Ltmp32:
0x593: {  	v17 =	vcvt.s32.f32 v17;
	(pc) =	sbr.rel @p0 .LBB2_53-.Ltmp32, $4  }
0x594: {  	_ = 	snop  }
0x595: {  	v17 =	vmul.f32 v17, v4  }
0x596: {  	s1 =	sadd.s32 $0x20, s1;
	s2 =	sadd.s32 $0x20, s2  }
0x597: {  	s3 =	sadd.s32 $0x20, s3;
	s4 =	sadd.s32 $0x20, s4;
	s5 =	sadd.s32 $0x20, s5;
	[tilespmem:v16+s24+$0x0] =	vst.idx.add.f32.msk vm1, v17  }
.Ltmp33:
0x598: {  	_ = 	snop;
	(pc) =	sbr.rel .LBB2_54-.Ltmp33, $1  }
0x599: {  	_ =	sdelay $0x3  }
.LBB2_56:
0x59a: {  	_ =	sfence.sel $0x180000  }
0x59b: {  	[bflag:$0x0] =	sbarrier.arrive $0xFFFF  }
0x59c: {  	_ =	strace $0x90000047  }
0x59d: {  	s0 =	stileid.u32;
	[bflag:$0x2] =	sbarrier.arrive $0xFFFF  }
0x59e: {  	p0 =	sne.s32 s0, $0x0;
	s0 =	rddreg [dreg:$0x2]  }
0x59f: {  	s0 =	sadd.s32 @!p0 $0x100000, s0  }
0x5a0: {  	[sflag:s0] =	ssyncadd.tile.s32 @!p0 $0x1;
	_ =	shalt  }
.Lfunc_end2:
_tile_overlayer_lowered:
.L_overlay_start_2:
0x5a1: {  	(tag) =	ssettag $0x2  }
0x5a2: {  	s0 =	rddreg [dreg:$0x0];
	s2 =	stileid.u32  }
0x5a3: {  	s1 =	rddreg [dreg:$0x1];
	p0 =	sne.s32 s2, $0x0  }
0x5a4: {  	s3 =	rddreg [dreg:$0x2];
	[bflag:$0x3] =	sbarrier.arrive $0xFFFF;
	s2 =	simm.s32 @!p0 $0x1C09  }
0x5a5: {  	[timem:s3], [sflag:s2] =	dma.local @!p0 [hbm:s0], s1  }
0x5a6: {  	s0 =	simm.s32 @!p0 $0x9  }
0x5a7: {  	_ =	swait.ge @!p0 [sflag:s0], s1  }
0x5a8: {  	s1 =	ssub.s32 @!p0 $0x0, s1;
	[sflag:s0] =	ssyncset.done @!p0 $0x0  }
0x5a9: {  	[sflag:s0] =	ssyncadd.s32 @!p0 s1  }
0x5aa: {  	[bflag:$0x3] =	sbarrier.arrive $0xFFFF  }
0x5ab: {  	_ =	shalt  }

// kernel: sparse-core-data-format-call.cloned.1.call-start
scs
called_computation_lowered:
.L_overlay_start_0:
0x0: {  	s2 =	sld [smem:$0x3FD9]  }
0x1: {  	s3 =	sld [smem:$0x3FFE];
	_ =	sdelay $0x1  }
0x2: {  	s1 =	srdreg.scid  }
0x3: {  	s0 =	sand.u32 $0x1, s1  }
0x4: {  	s18 =	sshll.u32 s0, $0xA;
	s2 =	sadd.s32 s3, s2  }
0x5: {  	s2 =	sadd.s32 s2, s18  }
0x6: {  	[smem:$0x3FC7] =	sst s2  }
0x7: {  	_ = 	snop  }
0x8: {  	s2 =	sld [smem:$0x3FD0];
	(tm) =	ssettm $0x1  }
0x9: {  	s19 =	sld [smem:$0x3FFB];
	_ =	sdelay $0x3  }
0xa: {  	_ =	strace s19  }
0xb: {  	s3 =	sld [smem:$0x3FFC];
	_ =	sdelay $0x3  }
0xc: {  	_ =	strace s3  }
0xd: {  	s3 =	sld [smem:$0x3FFD];
	_ =	sdelay $0x3  }
0xe: {  	_ =	strace s3  }
0xf: {  	_ =	strace $0x8FFFFFFF  }
0x10: {  	s20 =	sld [smem:$0x3FDB];
	_ =	sdelay $0x1  }
0x11: {  	s4 =	simm.s32 $_scs_section_size  }
0x12: {  	s5 =	simm.s32 $_size__tile_overlayer_lowered;
	s6 =	simm.s32 $_tile_overlayer_lowered  }
0x13: {  	s23 =	simm.s32 $0x1BFF;
	s22 =	sshll.u32 s6, $0x1;
	s3 =	sadd.s32 s4, s20  }
0x14: {  	s7 =	simm.s32 $0x0;
	s21 =	sshll.u32 s5, $0x1;
	s5 =	sadd.s32 s22, s3  }
0x15: {  	[timem:s7], [sflag:s23] =	dma.local [hbm:s5], s21  }
0x16: {  	_ =	swait.ge [sflag:s23], s21  }
0x17: {  	s4 =	ssub.s32 $0x0, s21;
	[sflag:s23] =	ssyncset.done $0x0  }
0x18: {  	[sflag:s23] =	ssyncadd.s32 s4;
	_ =	sdelay $0x1  }
0x19: {  	s24 =	simm.s32 $0x1B8B  }
0x1a: {  	_ =	swait.ge [sflag:s24], $0x1  }
0x1b: {  	[sflag:s24] =	ssyncset.done $0x0  }
0x1c: {  	s26 =	simm.s32 $0x1B8E;
	s25 =	sld [smem:$0x3FFE];
	[sflag:s24] =	ssyncadd.s32 $0xFFFFFFFF  }
0x1d: {  	s27 =	simm.s32 $execute0_lowered;
	[smem:$0x3FD2] =	sst s26  }
0x1e: {  	s5 =	sshll.u32 s27, $0x1;
	_ =	strace $0x80000049;
	[dreg:$0x1] =	wrdreg $0xFFFFFFFF  }
0x1f: {  	s28 =	simm.s32 $_size_execute0_lowered;
	s3 =	sadd.s32 s3, s5;
	[dreg:$0x0] =	wrdreg $0x0  }
0x20: {  	s5 =	sshll.u32 s28, $0x1;
	[dreg:$0x2] =	wrdreg s3  }
0x21: {  	[dreg:$0x3] =	wrdreg s5  }
0x22: {  	[dreg:$0x4] =	wrdreg $0xC0  }
0x23: {  	_ =	task [dreg:s7], $0x5FFFF  }
0x24: {  	[dreg:$0x1] =	wrdreg $0xFFFFFFFF  }
0x25: {  	[dreg:$0x0] =	wrdreg $0x60  }
0x26: {  	[dreg:$0x2] =	wrdreg s25  }
0x27: {  	[dreg:$0x3] =	wrdreg s2  }
0x28: {  	[dreg:$0x4] =	wrdreg $0x9  }
0x29: {  	_ =	task.clear_ibuf [dreg:s7], $0x5FFFF;
	_ =	strace $0x90000049  }
0x2a: {  	s29 =	simm.s32 $0x9;
	_ =	strace $0x8000004B  }
0x2b: {  	_ =	swait.ge [sflag:s29], $0x1  }
0x2c: {  	[sflag:s29] =	ssyncadd.s32 $0xFFFFFFFF  }
0x2d: {  	_ =	strace $0x9000004B  }
0x2e: {  	_ =	sfence  }
0x2f: {  	s30 =	sld [smem:$0x0];
	_ =	sdelay $0x2  }
0x30: {  	s31 =	sshll.u32 s1, $0xD;
	s1 =	sshrl.u32 s1, $0x2  }
0x31: {  	s3 =	sand.u32 $0x4000, s31;
	s1 =	sadd.s32 s1, s30  }
0x32: {  	s0 =	sor.u32 s3, s0;
	s1 =	sshll.u32 s1, $0x11  }
0x33: {  	s0 =	sor.u32 s1, s0  }
0x34: {  	s0 =	sadd.s32 $0x8F2B, s0  }
0x35: {  	[sflag:s0] =	ssyncadd.remote.s32 $0x1  }
0x36: {  	_ =	sfence.sel $0xFFFF  }
0x37: {  	[dreg:$0x0] =	wrdreg $0xFFFFFFFF;
	(pc) =	sbr.abs _section_cstart, $3  }
0x38: {  	[dreg:$0x1] =	wrdreg $0xFFFFFFFF  }
0x39: {  	_ =	task.clear_ibuf [dreg:s7], $0x2FFFF;
	_ =	strace $0x9FFFFFFF  }
0x3a: {  	(tm) =	ssettm $0x7FFFFFFF  }
0x3b: {  	_ =	shalt  }
tec
execute0_lowered:
.L_overlay_start_1:
0x0: {  	(tag) =	ssettag $0x1  }
0x1: {  	s0 =	stileid.u32;
	s4 =	rddreg [dreg:$0x0]  }
0x2: {  	s2 =	rddreg [dreg:$0x1];
	s6 =	srdreg.scid  }
0x3: {  	s31 =	simm.s32 $0x2;
	s19 =	simm.s32 $0x0;
	p0 =	por $0x0, $0x0  }
0x4: {  	s9 =	simm.s32 $0x1000;
	s18 =	simm.s32 $0x0;
	s17 =	simm.s32 $0x0  }
0x5: {  	s10 =	simm.s32 $0x0;
	s11 =	simm.s32 $0x0;
	s1 =	sshll.u32 s0, $0x7  }
0x6: {  	s12 =	simm.s32 $0x0;
	s13 =	simm.s32 $0x0;
	s3 =	sand.u32 $0x80, s1  }
0x7: {  	s16 =	simm.s32 $0x0;
	s6 =	sshll.u32 s6, $0x4;
	s5 =	ssub.s32 $0x100, s3  }
0x8: {  	s4 =	sadd.s32 $0x220800, s4;
	s1 =	rddreg [dreg:$0x2];
	s7 =	sshrl.u32 s5, $0x7  }
.Ltmp0:
0x9: {  	s5 =	sshrl.u32 s5, $0x8;
	s7 =	sand.u32 $0x1, s7;
	(pc) =	sbr.rel .LBB1_1-.Ltmp0, $4  }
0xa: {  	_ =	strace $0x8000004A;
	s6 =	sand.u32 $0x10, s6;
	s7 =	sadd.s32 s5, s7  }
0xb: {  	s8 =	sor.u32 s0, s6;
	s5 =	simm.s32 $0x1;
	s6 =	smul.u32 $0x41, s7  }
0xc: {  	s15 =	smov.u32 s3;
	s7 =	sshrl.u32 s8, $0x1;
	[sflag:s5] =	ssyncpa.u1 $0x0  }
0xd: {  	[sflag:s31] =	ssyncpa.u1 $0x0;
	s14 =	smov.u32 s7;
	s8 =	sadd.s32 $0x1, s6  }
.LBB1_4:
0xe: {  	s24 =	sshra.s32 s24, $0x2;
	s25 =	sshll.u32 s11, $0x8;
	s26 =	sshll.u32 s12, $0x3  }
0xf: {  	s27 =	sshll.u32 s11, $0x7;
	p2 =	sgt.s32 s11, $0xF;
	s30 =	sshra.s32 s11, $0x1F  }
0x10: {  	p1 =	sgt.s32 s10, $0x40;
	s31 =	sshra.s32 s10, $0x1F;
	s25 =	sand.u32 $0x800, s25  }
0x11: {  	s26 =	sand.u32 $0xC00, s26;
	s23 =	sadd.s32 s24, s23;
	s29 =	sand.u32 $0x300, s27  }
0x12: {  	s28 =	sadd.s32 s26, s25;
	s25 =	smov.u32 s11;
	s26 =	sand.u32 s30, s11  }
0x13: {  	s24 =	sor.u32 s29, s28;
	s25 =	simm.s32 @!p2 $0xF;
	p2 =	sgt.s32 s12, $0x80  }
0x14: {  	s28 =	sshra.s32 s12, $0x1F;
	s25 =	ssub.s32 s25, s26;
	s26 =	smov.u32 s12  }
0x15: {  	v5 =	vld [tilespmem:s21+$0xFFFFFFD0];
	[tilespmem:s22+$0x2040 ss:$0x81] =	vst.msk $0xffff, v4;
	s28 =	sand.u32 s28, s12;
	s24 =	sshrl.u32 s24, $0x3;
	s29 =	sadd.s32 $0xFFFFFFF1, s25  }
0x16: {  	v58 =	vld [tilespmem:s21+$0xFFFFFFE0];
	[tilespmem:s22+$0x2850 ss:$0x81] =	vst.msk $0xffff, v3;
	s26 =	simm.s32 @!p2 $0x80;
	p2 =	sgt.s32 s29, $0x0;
	s29 =	smov.u32 s10  }
0x17: {  	v59 =	vld [tilespmem:s21+$0xFFFFFFF0];
	[tilespmem:s22+$0x3060 ss:$0x81] =	vst.msk $0xffff, v2;
	s26 =	ssub.s32 s26, s28;
	s28 =	sand.u32 s31, s10;
	s29 =	simm.s32 @!p1 $0x40  }
0x18: {  	[tilespmem:s22+$0x0 ss:$0x81] =	vst.msk $0xffff, v1;
	v60 =	vld [tilespmem:s21+$0x0];
	s25 =	ssub.s32 $0x10, s25;
	s31 =	sadd.s32 $0xFFFFFF80, s26;
	s30 =	ssub.s32 s29, s28  }
0x19: {  	v61 =	vld [tilespmem:s21+$0x10];
	[tilespmem:s23+$0x3870 ss:$0x81] =	vst.msk $0xffff, v0;
	s26 =	ssub.s32 $0x100, s26;
	p1 =	sgt.s32 s31, $0x7F;
	s29 =	ssub.s32 $0x41, s30  }
0x1a: {  	v62 =	vld [tilespmem:s21+$0x20];
	[tilespmem:s23+$0x810 ss:$0x81] =	vst.msk $0xffff, v5;
	s25 =	simm.s32 @p2 $0x0;
	s26 =	simm.s32 @p1 $0x0;
	s28 =	smul.u32 $0x41, s29  }
0x1b: {  	v63 =	vld [tilespmem:s21+$0xFFFFFFC0];
	[tilespmem:s23+$0x1020 ss:$0x81] =	vst.msk $0xffff, v58;
	s22 =	sadd.s32 $0xFFFFFFC0, s30;
	s30 =	sand.u32 $0x78, s12;
	s31 =	smul.u32 s26, s25  }
0x1c: {  	[tilespmem:s23+$0x1830 ss:$0x81] =	vst.msk $0xffff, v59;
	p1 =	sgt.s32 s22, $0x0;
	s26 =	sand.u32 $0x80, s27;
	s27 =	smul.u32 $0x8200, s10  }
0x1d: {  	[tilespmem:s23+$0x2040 ss:$0x81] =	vst.msk $0xffff, v60;
	s29 =	sand.u32 $0x7, s12;
	s21 =	sor.u32 s30, s26;
	s28 =	simm.s32 @p1 $0x0  }
0x1e: {  	[tilespmem:s23+$0x2850 ss:$0x81] =	vst.msk $0xffff, v61;
	s21 =	sshrl.u32 s21, $0x3;
	s22 =	smul.u32 s28, s31;
	s28 =	sadd.s32 s2, s27  }
0x1f: {  	[tilespmem:s23+$0x3060 ss:$0x81] =	vst.msk $0xffff, v62;
	s24 =	sand.u32 $0x1E0, s24;
	s30 =	sshll.u32 s29, $0x12;
	s21 =	sadd.s32 s21, s28  }
0x20: {  	[tilespmem:s23+$0x0 ss:$0x81] =	vst.msk $0xffff, v63;
	s31 =	sor.u32 $0x80, s30;
	s22 =	sand.u32 $0x3FFFFFFF, s22;
	s21 =	sadd.s32 s24, s21  }
0x21: {  	[hbm4b:s21+s31] =	stream.strided.scatter [tilespmem:s20], [sflag:$0x2], s22, s9, s31, $0x20;
	[tilespmem:$0x10100] =	vst v63  }
.LBB1_5:
0x22: {  	p1 =	slt.u32 s16, $0x2  }
0x23: {  	s20 =	smov.u32 s19;
	p2 =	sgt.s32 @!p1 s19, $0x40;
	s21 =	sshra.s32 @!p1 s19, $0x1F  }
0x24: {  	s22 =	sshra.s32 @!p1 s17, $0x1F;
	p2 =	por !p2, p1;
	s19 =	sand.u32 @!p1 s21, s19  }
0x25: {  	s21 =	sshra.s32 @!p1 s18, $0x1F;
	s20 =	simm.s32 @p2 $0x40;
	p2 =	sgt.s32 @!p1 s18, $0xF  }
0x26: {  	s19 =	ssub.s32 @!p1 s20, s19;
	p2 =	por !p2, p1;
	s20 =	smov.u32 s18  }
0x27: {  	s18 =	sand.u32 @!p1 s21, s18;
	s20 =	simm.s32 @p2 $0xF;
	p2 =	sgt.s32 @!p1 s17, $0x80  }
0x28: {  	s21 =	smov.u32 s17;
	s17 =	sand.u32 @!p1 s22, s17;
	p2 =	por !p2, p1  }
0x29: {  	s18 =	ssub.s32 @!p1 s20, s18;
	s20 =	sadd.s32 @!p1 $0xFFFFFFC0, s19;
	s21 =	simm.s32 @p2 $0x80  }
0x2a: {  	s19 =	ssub.s32 @!p1 $0x41, s19;
	s17 =	ssub.s32 @!p1 s21, s17;
	s21 =	sadd.s32 @!p1 $0xFFFFFFF1, s18  }
0x2b: {  	s19 =	smul.u32 @!p1 $0x41, s19;
	p2 =	sgt.s32 @!p1 s21, $0x0;
	s21 =	sadd.s32 @!p1 $0xFFFFFF80, s17  }
0x2c: {  	s18 =	ssub.s32 @!p1 $0x10, s18;
	p2 =	por !p2, p1;
	p3 =	sgt.s32 @!p1 s21, $0x7F  }
0x2d: {  	s17 =	ssub.s32 @!p1 $0x100, s17;
	s18 =	simm.s32 @!p2 $0x0;
	p2 =	por !p3, p1  }
0x2e: {  	s21 =	smov.u32 s14;
	p3 =	sgt.s32 @!p1 s20, $0x0;
	s17 =	simm.s32 @!p2 $0x0  }
0x2f: {  	s20 =	sadd.s32 $0x1, s13;
	p2 =	por !p3, p1;
	s17 =	smul.u32 @!p1 s17, s18  }
0x30: {  	s19 =	simm.s32 @!p2 $0x0;
	p2 =	sgt.s32 s20, $0x40;
	s18 =	sadd.s32 $0x10, s14  }
0x31: {  	p0 =	por !p0, !p0;
	s21 =	smov.u32 @p2 s18  }
0x32: {  	s22 =	smov.u32 s15;
	s18 =	sadd.s32 $0x100, s15;
	p3 =	sgt.s32 s21, $0xF  }
0x33: {  	s23 =	simm.s32 @!p1 $0x2;
	s20 =	simm.s32 @p2 $0x0;
	s22 =	smov.u32 @p3 s18  }
0x34: {  	s17 =	smul.u32 @!p1 s19, s17;
	s19 =	smov.u32 s10;
	p2 =	sgt.s32 s22, $0xFF  }
0x35: {  	s10 =	smov.u32 s13;
	s22 =	smov.u32 @p2 s3;
	p2 =	sne.s32 s16, s8  }
.Ltmp1:
0x36: {  	s13 =	smov.u32 s20;
	s21 =	smov.u32 @p3 s7;
	(pc) =	sbr.rel @!p2 .LBB1_6-.Ltmp1, $4  }
0x37: {  	s18 =	smov.u32 s11;
	s11 =	smov.u32 s14;
	s17 =	sand.u32 @!p1 $0x3FFFFFFF, s17  }
0x38: {  	s14 =	smov.u32 s21;
	_ =	swait.ge @!p1 [sflag:s23], s17;
	s24 =	ssub.s32 @!p1 $0x0, s17  }
0x39: {  	s17 =	smov.u32 s12;
	s16 =	sadd.s32 $0x1, s16;
	[sflag:s23] =	ssyncset.done @!p1 $0x0  }
0x3a: {  	s12 =	smov.u32 s15;
	s15 =	smov.u32 s22;
	[sflag:s23] =	ssyncadd.s32 @!p1 s24  }
.LBB1_1:
0x3b: {  	p1 =	sge.u32 s16, s6  }
0x3c: {  	s20 =	sand.u32 @!p1 $0x1FFFFFF, s13;
	s22 =	smul.u32 @!p1 $0x4800, s15  }
0x3d: {  	s21 =	smulhi.u32 @!p1 $0x38E38E4, s20  }
0x3e: {  	s24 =	smul.u32 @!p1 $0x480, s14  }
0x3f: {  	s21 =	smul.u32 @!p1 $0x48, s21  }
0x40: {  	s31 =	sadd.s32 $0xFFFFFFFF, s16;
	s22 =	sadd.s32 @!p1 s4, s22  }
0x41: {  	s23 =	sxor.u32 @!p1 $0xFFFFFFFF, s16;
	s22 =	sadd.s32 @!p1 s24, s22;
	s20 =	ssub.s32 @!p1 s20, s21  }
0x42: {  	s21 =	sshll.u32 @!p1 s23, $0xE;
	s23 =	simm.s32 @!p1 $0x24000;
	s20 =	sshll.u32 @!p1 s20, $0x4  }
0x43: {  	s21 =	sand.u32 @!p1 $0x4000, s21;
	s20 =	sadd.s32 @!p1 s20, s22;
	s22 =	simm.s32 @!p1 $0x80  }
0x44: {  	[tilespmem:s21], [sflag:$0x1] =	stream.strided.gather @!p1 [hbm4b:s20+s22], $0x4000, s23, s22, $0x38;
	[tilespmem:$0x10100] =	vst v63  }
0x45: {  	p1 =	sge.u32 s31, s6  }
.Ltmp2:
0x46: {  	_ = 	snop;
	(pc) =	sbr.rel @p1 .LBB1_5-.Ltmp2, $1  }
0x47: {  	_ =	sdelay $0x3  }
0x48: {  	s20 =	simm.s32 $0x1  }
0x49: {  	_ =	swait.ge [sflag:s5], $0x4000;
	s20 =	simm.s32 @!p0 $0x0  }
0x4a: {  	[sflag:s5] =	ssyncset.done $0x0;
	s21 =	sshll.u32 s20, $0xE  }
0x4b: {  	[sflag:s5] =	ssyncadd.s32 $0xFFFFC000;
	s21 =	sor.u32 $0x40, s21  }
0x4c: {  	s20 =	smul.u32 $0x10200, s20;
	v0 =	vld [tilespmem:s21+$0x30]  }
0x4d: {  	v1 =	vld [tilespmem:s21+$0xFFFFFFD0]  }
0x4e: {  	s20 =	sshrl.u32 s20, $0x2;
	v5 =	vld [tilespmem:s21+$0xFFFFFFE0]  }
0x4f: {  	v6 =	vld [tilespmem:s21+$0xFFFFFFF0];
	s23 =	sor.u32 $0x8000, s20  }
0x50: {  	s31 =	sand.u32 $0x1, s16;
	v4 =	vld [tilespmem:s21+$0x0];
	s22 =	sadd.s32 $0x0, s23  }
0x51: {  	v3 =	vld [tilespmem:s21+$0x10];
	s20 =	smul.u32 $0x10200, s31;
	[tilespmem:s22+$0x3870 ss:$0x81] =	vst.msk $0xffff, v0  }
0x52: {  	v2 =	vld [tilespmem:s21+$0x20];
	[tilespmem:s22+$0x810 ss:$0x81] =	vst.msk $0xffff, v1  }
0x53: {  	s20 =	sshrl.u32 s20, $0x2;
	v1 =	vld [tilespmem:s21+$0xFFFFFFC0];
	[tilespmem:s22+$0x1020 ss:$0x81] =	vst.msk $0xffff, v5;
	s21 =	sadd.s32 $0x80, s21  }
0x54: {  	s24 =	simm.s32 $0x4;
	s25 =	simm.s32 $0x8;
	s20 =	sor.u32 $0x8000, s20;
	[tilespmem:s22+$0x1830 ss:$0x81] =	vst.msk $0xffff, v6;
	v0 =	vld [tilespmem:s21+$0x30]  }
.LBB1_3:
0x55: {  	p1 =	sne.s32 s25, $0x1FC;
	v5 =	vld [tilespmem:s21+$0xFFFFFFD0];
	[tilespmem:s22+$0x2040 ss:$0x81] =	vst.msk $0xffff, v4  }
0x56: {  	v6 =	vld [tilespmem:s21+$0xFFFFFFE0];
	[tilespmem:s22+$0x2850 ss:$0x81] =	vst.msk $0xffff, v3  }
0x57: {  	s26 =	sshra.s32 s24, $0x2;
	s24 =	smov.u32 s25;
	v7 =	vld [tilespmem:s21+$0xFFFFFFF0];
	[tilespmem:s22+$0x3060 ss:$0x81] =	vst.msk $0xffff, v2  }
.Ltmp3:
0x58: {  	v4 =	vld [tilespmem:s21+$0x0];
	[tilespmem:s22+$0x0 ss:$0x81] =	vst.msk $0xffff, v1;
	s22 =	sadd.s32 s26, s23;
	(pc) =	sbr.rel @p1 .LBB1_3-.Ltmp3, $4  }
0x59: {  	v3 =	vld [tilespmem:s21+$0x10];
	[tilespmem:s22+$0x3870 ss:$0x81] =	vst.msk $0xffff, v0  }
0x5a: {  	[tilespmem:s22+$0x810 ss:$0x81] =	vst.msk $0xffff, v5;
	v2 =	vld [tilespmem:s21+$0x20]  }
0x5b: {  	v1 =	vld [tilespmem:s21+$0xFFFFFFC0];
	[tilespmem:s22+$0x1020 ss:$0x81] =	vst.msk $0xffff, v6;
	s21 =	sadd.s32 $0x80, s21  }
0x5c: {  	s25 =	sadd.s32 $0x4, s25;
	v0 =	vld [tilespmem:s21+$0x30];
	[tilespmem:s22+$0x1830 ss:$0x81] =	vst.msk $0xffff, v7  }
.Ltmp4:
0x5d: {  	_ = 	snop;
	(pc) =	sbr.rel .LBB1_4-.Ltmp4, $1  }
0x5e: {  	_ =	sdelay $0x3  }
.LBB1_6:
0x5f: {  	_ =	sfence.sel $0x180000  }
0x60: {  	s2 =	simm.s32 $0x1;
	[bflag:$0x0] =	sbarrier.arrive $0xFFFF  }
0x61: {  	s31 =	simm.s32 $0x2;
	[sflag:s2] =	ssyncpa.u1 $0x1  }
0x62: {  	[sflag:s31] =	ssyncpa.u1 $0x1  }
0x63: {  	p0 =	sne.s32 s0, $0x0;
	_ =	strace $0x9000004A  }
0x64: {  	s0 =	sadd.s32 @!p0 $0x100000, s1;
	[bflag:$0x2] =	sbarrier.arrive $0xFFFF  }
0x65: {  	[sflag:s0] =	ssyncadd.tile.s32 @!p0 $0x1;
	_ =	shalt  }
.Lfunc_end1:
_tile_overlayer_lowered:
.L_overlay_start_2:
0x66: {  	(tag) =	ssettag $0x2  }
0x67: {  	s0 =	rddreg [dreg:$0x0];
	s2 =	stileid.u32  }
0x68: {  	s1 =	rddreg [dreg:$0x1];
	p0 =	sne.s32 s2, $0x0  }
0x69: {  	s3 =	rddreg [dreg:$0x2];
	[bflag:$0x3] =	sbarrier.arrive $0xFFFF;
	s2 =	simm.s32 @!p0 $0x1C01  }
0x6a: {  	[timem:s3], [sflag:s2] =	dma.local @!p0 [hbm:s0], s1  }
0x6b: {  	s0 =	simm.s32 @!p0 $0x1  }
0x6c: {  	_ =	swait.ge @!p0 [sflag:s0], s1  }
0x6d: {  	s1 =	ssub.s32 @!p0 $0x0, s1;
	[sflag:s0] =	ssyncset.done @!p0 $0x0  }
0x6e: {  	[sflag:s0] =	ssyncadd.s32 @!p0 s1  }
0x6f: {  	[bflag:$0x3] =	sbarrier.arrive $0xFFFF  }
0x70: {  	_ =	shalt  }

</sc_bundles>
